<compile_context>
chip_gen: v7x
topology: tpu7x:2x2x1
jax: 0.10.2.dev20260603
libtpu: 0.0.44.dev20260713+nightly
codegen_flags: <defaults>
</compile_context>

<pallas_src>
import functools

import jax
import jax.numpy as jnp
from jax import lax
from jax.experimental import pallas as pl
from jax.experimental.pallas import tpu as pltpu
from jax.experimental.pallas import tpu_sc as plsc

N, C, H, W = 8, 19, 512, 512
NPIX = N * H * W
TOTAL = C * NPIX
NBINS = 16384
CODES = 4 * NBINS
NTILES = 32
W_SPAN = TOTAL // NTILES
TOTALW = TOTAL // 2
W_SPANW = TOTALW // NTILES
CHUNK = 16384
NCHUNKS = W_SPANW // CHUNK
HB = 64

assert W_SPAN * NTILES == TOTAL and NCHUNKS * CHUNK == W_SPANW


def _code_body(x_ref, t_ref, o_ref):
    x = x_ref[0]
    t = t_ref[0]
    m = jnp.max(x, axis=0, keepdims=True)
    e = jnp.exp(x - m)
    p = e / jnp.sum(e, axis=0, keepdims=True)
    ci = lax.broadcasted_iota(jnp.int32, (C, HB, W), 0)
    fg = t[None, :, :] == ci
    err = jnp.where(fg, 1.0 - p, p)
    b = jnp.clip(jnp.floor(err * float(NBINS)).astype(jnp.int32), 0, NBINS - 1)
    code = b + jnp.where(fg, NBINS, 0) + (ci & 1) * (2 * NBINS)
    o_ref[:, 0] = code[:, :HB // 2, :] | (code[:, HB // 2:, :] << 16)


def _compute_codes(inp, tgt):
    return pl.pallas_call(
        _code_body,
        grid=(N, H // HB),
        in_specs=[
            pl.BlockSpec((1, C, HB, W), lambda n, h: (n, 0, h, 0)),
            pl.BlockSpec((1, HB, W), lambda n, h: (n, h, 0)),
        ],
        out_specs=pl.BlockSpec((C, 1, HB // 2, W), lambda n, h: (0, n, h, 0)),
        out_shape=jax.ShapeDtypeStruct((C, N, H // 2, W), jnp.int32),
        compiler_params=pltpu.CompilerParams(
            dimension_semantics=("parallel", "parallel")),
    )(inp, tgt)


def _hist_body(codes_hbm, zeros_hbm, out_hbm, buf0, buf1, hist, sem0, sem1):
    cid = lax.axis_index("c")
    sid = lax.axis_index("s")
    wid = sid * 2 + cid
    base = wid * W_SPANW
    pltpu.sync_copy(zeros_hbm, hist)
    ones = jnp.full((16,), 1, jnp.int32)
    bufs = (buf0, buf1)
    sems = (sem0, sem1)

    pltpu.async_copy(codes_hbm.at[pl.ds(base, CHUNK)], buf0, sem0)
    pltpu.async_copy(
        codes_hbm.at[pl.ds(pl.multiple_of(base + CHUNK, CHUNK), CHUNK)], buf1, sem1)

    def outer(k2, carry):
        for b in range(2):
            k = k2 * 2 + b
            buf, sem = bufs[b], sems[b]
            pltpu.make_async_copy(codes_hbm.at[pl.ds(0, CHUNK)], buf, sem).wait()

            def inner(i, c2, buf=buf):
                w = buf[pl.ds(i * 16, 16)]
                plsc.addupdate_scatter(hist, [w & 0xFFFF], ones)
                plsc.addupdate_scatter(hist, [lax.shift_right_logical(w, 16)], ones)
                return c2

            carry = lax.fori_loop(0, CHUNK // 16, inner, carry, unroll=16)

            @pl.when(k + 2 < NCHUNKS)
            def _(buf=buf, sem=sem, k=k):
                off = pl.multiple_of(base + (k + 2) * CHUNK, CHUNK)
                pltpu.async_copy(codes_hbm.at[pl.ds(off, CHUNK)], buf, sem)

        return carry

    lax.fori_loop(0, NCHUNKS // 2, outer, jnp.int32(0))
    pltpu.sync_copy(hist, out_hbm.at[wid])


def _histograms(codes_flat, zeros):
    mesh = plsc.VectorSubcoreMesh(core_axis_name="c", subcore_axis_name="s")
    k = functools.partial(
        pl.kernel,
        mesh=mesh,
        out_type=jax.ShapeDtypeStruct((NTILES, CODES), jnp.int32),
        scratch_types=[
            pltpu.VMEM((CHUNK,), jnp.int32),
            pltpu.VMEM((CHUNK,), jnp.int32),
            pltpu.VMEM((CODES,), jnp.int32),
            pltpu.SemaphoreType.DMA,
            pltpu.SemaphoreType.DMA,
        ],
        compiler_params=pltpu.CompilerParams(needs_layout_passes=False),
    )(_hist_body)
    return k(codes_flat, zeros)


def _loss_body(h_ref, o_ref):
    r = lax.broadcasted_iota(jnp.int32, (128, 128), 0)
    col = lax.broadcasted_iota(jnp.int32, (128, 128), 1)
    upper = (r <= col).astype(jnp.float32)
    strict_lower = (col < r).astype(jnp.float32)
    center = ((r * 128 + col).astype(jnp.float32) + 0.5) * (1.0 / NBINS)

    def dot(a, b):
        return lax.dot_general(a, b, (((1,), (0,)), ((), ())),
                               preferred_element_type=jnp.float32)

    def dot_int_l(a_i32, b01):
        acc = dot(jnp.float32(0x10000) * ((a_i32 >> 16) & 0xFF).astype(jnp.float32), b01)
        acc += dot(jnp.float32(0x100) * ((a_i32 >> 8) & 0xFF).astype(jnp.float32), b01)
        return acc + dot((a_i32 & 0xFF).astype(jnp.float32), b01)

    def dot_int_r(a01, b_i32):
        acc = dot(a01, jnp.float32(0x10000) * ((b_i32 >> 16) & 0xFF).astype(jnp.float32))
        acc += dot(a01, jnp.float32(0x100) * ((b_i32 >> 8) & 0xFF).astype(jnp.float32))
        return acc + dot(a01, (b_i32 & 0xFF).astype(jnp.float32))

    def prefix(a_i32):
        rowp = dot_int_l(a_i32, upper)
        rowtot = rowp[:, 127:128].astype(jnp.int32)
        rowoff = dot_int_r(strict_lower, rowtot)
        return rowp + rowoff

    num = jnp.float32(0.0)
    den = jnp.float32(0.0)
    for c in range(C):
        lo, hi = c * NPIX, (c + 1) * NPIX
        tiles = [t for t in range(NTILES)
                 if t * W_SPAN < hi and (t + 1) * W_SPAN > lo]
        q0 = (c % 2) * 2
        f_i = h_ref[tiles[0], q0 + 1]
        m_i = h_ref[tiles[0], q0]
        for t in tiles[1:]:
            f_i = f_i + h_ref[t, q0 + 1]
            m_i = m_i + h_ref[t, q0]
        mt_i = m_i + f_i
        f = f_i.astype(jnp.float32)
        m = mt_i.astype(jnp.float32)
        g = jnp.sum(f)
        tot_m = jnp.sum(m)
        m_incl = prefix(mt_i)
        f_incl = prefix(f_i)
        k_in = tot_m - m_incl + m
        f_in = g - f_incl + f
        k_out = k_in - m
        f_out = f_in - f

        def jac(k, fgc):
            d = jnp.maximum(g + k - fgc, 1.0)
            return jnp.where(k > 0, 1.0 - (g - fgc) / d, 0.0)

        loss_c = jnp.sum(center * (jac(k_in, f_in) - jac(k_out, f_out)))
        pres = (g > 0).astype(jnp.float32)
        num = num + loss_c * pres
        den = den + pres
    o_ref[...] = jnp.full((1, 1), num / jnp.maximum(den, 1.0), jnp.float32)


def _combine(hists):
    return pl.pallas_call(
        _loss_body,
        out_shape=jax.ShapeDtypeStruct((1, 1), jnp.float32),
    )(hists)


def kernel(input, target):
    packed = _compute_codes(input, target.astype(jnp.int32))
    zeros = jnp.zeros((CODES,), jnp.int32)
    hists = _histograms(packed.reshape(-1), zeros)
    loss = _combine(hists.reshape(NTILES, 4, 128, 128))
    return loss[0, 0]

# --- scband reference (transcript-rebuilt; emitter-appended) ---
"""Pipeline reference for scband-lovasz-loss-16406775071095 (READ-ONLY COPY).

The authoritative reference and input builder live on the scoring server;
editing this copy changes nothing except your own understanding.
"""

import jax, jax.numpy as jnp
import numpy as np


def setup_inputs(seed: int = 0) -> dict:
    key = jax.random.key(seed)
    k1, k2 = jax.random.split(key)
    inp = jax.random.normal(k1, (8, 19, 512, 512), dtype=jnp.float32)
    tgt = jax.random.randint(k2, (8, 512, 512), 0, 19, dtype=jnp.int64)
    return {"input": inp, "target": tgt}


def _lovasz_grad(fg_sorted):
    gts = fg_sorted.sum()
    intersection = gts - jnp.cumsum(fg_sorted)
    union = gts + jnp.cumsum(1.0 - fg_sorted)
    jaccard = 1.0 - intersection / union
    jaccard = jnp.concatenate([jaccard[:1], jaccard[1:] - jaccard[:-1]])
    return jaccard


def reference(input, target):
    # softmax over class dim
    probas = jax.nn.softmax(input, axis=1)
    C = probas.shape[1]
    # flatten (N, C, H, W) -> (N*H*W, C); ignore_index = -100 < 0 so no masking
    probas_flat = jnp.transpose(probas, (0, 2, 3, 1)).reshape(-1, C)
    target_flat = target.reshape(-1)
    losses = []
    present = []
    for c in range(C):
        fg = (target_flat == c).astype(jnp.float32)
        class_pred = probas_flat[:, c]
        errors = jnp.abs(fg - class_pred)
        order = jnp.argsort(-errors)  # descending sort
        errors_sorted = errors[order]
        fg_sorted = fg[order]
        grad = _lovasz_grad(fg_sorted)
        losses.append(jnp.dot(errors_sorted, grad))
        present.append(fg.sum() > 0)
    losses = jnp.stack(losses)
    present_f = jnp.stack(present).astype(jnp.float32)
    # torch code averages only over classes present in the batch
    loss = jnp.sum(losses * present_f) / jnp.maximum(jnp.sum(present_f), 1.0)
    return loss

if __name__ == "__main__":
    import jax
    _d = setup_inputs()
    print(jax.jit(kernel)(*tuple(_d.values())))

</pallas_src>

<mosaic_0001>
#map = affine_map<(d0, d1) -> (0)>
#map1 = affine_map<(d0, d1) -> (0, 0)>
module attributes {stable_mosaic.version = 14 : i64} {
  func.func @_hist_body(%arg0: i32, %arg1: i32, %arg2: memref<19922944xi32, #tpu.memory_space<hbm>>, %arg3: memref<65536xi32, #tpu.memory_space<hbm>>, %arg4: memref<32x65536xi32, #tpu.memory_space<hbm>>, %arg5: memref<16384xi32, #tpu.memory_space<vmem>>, %arg6: memref<16384xi32, #tpu.memory_space<vmem>>, %arg7: memref<65536xi32, #tpu.memory_space<vmem>>, %arg8: memref<!tpu.dma_semaphore, #tpu.memory_space<semaphore_mem>>, %arg9: memref<!tpu.dma_semaphore, #tpu.memory_space<semaphore_mem>>) attributes {dimension_semantics = [#tpu.dimension_semantics<core_parallel>, #tpu.dimension_semantics<subcore_parallel>], iteration_bounds = array<i64: 2, 16>, scalar_prefetch = 0 : i64, scratch_operands = 5 : i64, tpu.core_type = #tpu.core_type<sc_vector_subcore>, window_params = [{transform_indices = #map}, {transform_indices = #map}, {transform_indices = #map1}]} {
    %mul3A = arith.constant 2 : i32
    %mul3A_0 = arith.muli %arg1, %mul3A : i32
    %add3A = arith.addi %mul3A_0, %arg0 : i32
    %mul3A_1 = arith.constant 622592 : i32
    %mul3A_2 = arith.muli %add3A, %mul3A_1 : i32
    "tpu.region"() ({
      %run_scoped3A = tpu.sem_alloc : memref<!tpu.dma_semaphore, #tpu.memory_space<semaphore_mem>>
      tpu.enqueue_dma source(%arg3 : memref<65536xi32, #tpu.memory_space<hbm>>) target(%arg7 : memref<65536xi32, #tpu.memory_space<vmem>>) target_semaphore(%run_scoped3A : memref<!tpu.dma_semaphore, #tpu.memory_space<semaphore_mem>>)
      tpu.wait_dma2 semaphore(%run_scoped3A : memref<!tpu.dma_semaphore, #tpu.memory_space<semaphore_mem>>) src(%arg3 : memref<65536xi32, #tpu.memory_space<hbm>>) dst(%arg7 : memref<65536xi32, #tpu.memory_space<vmem>>)
      tpu.yield
    }) : () -> ()
    %broadcast_in_dim3A = arith.constant 1 : i32
    %broadcast_in_dim3A_3 = vector.broadcast %broadcast_in_dim3A : i32 to vector<16xi32>
    %dma_start3A = tpu.memref_slice %arg2[%mul3A_2] : memref<19922944xi32, #tpu.memory_space<hbm>> -> memref<16384xi32, #tpu.memory_space<hbm>>
    %dma_start3A_4 = tpu.memref_slice %arg2[%mul3A_2] : memref<19922944xi32, #tpu.memory_space<hbm>> -> memref<16384xi32, #tpu.memory_space<hbm>>
    tpu.enqueue_dma source(%dma_start3A_4 : memref<16384xi32, #tpu.memory_space<hbm>>) target(%arg5 : memref<16384xi32, #tpu.memory_space<vmem>>) target_semaphore(%arg8 : memref<!tpu.dma_semaphore, #tpu.memory_space<semaphore_mem>>)
    %add3A_5 = arith.constant 16384 : i32
    %add3A_6 = arith.addi %mul3A_2, %add3A_5 : i32
    %multiple_of3A = tpu.assume_multiple %add3A_6, 16384 : i32
    %dma_start3A_7 = tpu.memref_slice %arg2[%multiple_of3A] : memref<19922944xi32, #tpu.memory_space<hbm>> -> memref<16384xi32, #tpu.memory_space<hbm>>
    %dma_start3A_8 = tpu.memref_slice %arg2[%multiple_of3A] : memref<19922944xi32, #tpu.memory_space<hbm>> -> memref<16384xi32, #tpu.memory_space<hbm>>
    tpu.enqueue_dma source(%dma_start3A_8 : memref<16384xi32, #tpu.memory_space<hbm>>) target(%arg6 : memref<16384xi32, #tpu.memory_space<vmem>>) target_semaphore(%arg9 : memref<!tpu.dma_semaphore, #tpu.memory_space<semaphore_mem>>)
    %scan3A = arith.constant 0 : i32
    %scan3A_9 = arith.constant 0 : i32
    %scan3A_10 = arith.constant 19 : i32
    %scan3A_11 = arith.addi %scan3A_9, %scan3A_10 : i32
    %scan3A_12 = arith.constant 1 : i32
    scf.for %scan3A_14 = %scan3A_9 to %scan3A_11 step %scan3A_12  : i32 {
      %mul3A_15 = arith.constant 2 : i32
      %mul3A_16 = arith.muli %scan3A_14, %mul3A_15 : i32
      %add3A_17 = arith.constant 0 : i32
      %add3A_18 = arith.addi %mul3A_16, %add3A_17 : i32
      %dma_wait3A = arith.constant 0 : i32
      %dma_wait3A_19 = tpu.memref_slice %arg2[%dma_wait3A] : memref<19922944xi32, #tpu.memory_space<hbm>> -> memref<16384xi32, #tpu.memory_space<hbm>>
      %dma_wait3A_20 = arith.constant 0 : i32
      %dma_wait3A_21 = tpu.memref_slice %arg2[%dma_wait3A_20] : memref<19922944xi32, #tpu.memory_space<hbm>> -> memref<16384xi32, #tpu.memory_space<hbm>>
      tpu.wait_dma2 semaphore(%arg8 : memref<!tpu.dma_semaphore, #tpu.memory_space<semaphore_mem>>) src(%dma_wait3A_21 : memref<16384xi32, #tpu.memory_space<hbm>>) dst(%arg5 : memref<16384xi32, #tpu.memory_space<vmem>>)
      %scan3A_22 = arith.constant 0 : i32
      %scan3A_23 = arith.constant 1024 : i32
      %scan3A_24 = arith.addi %scan3A_22, %scan3A_23 : i32
      %scan3A_25 = arith.constant 16 : i32
      scf.for %scan3A_51 = %scan3A_22 to %scan3A_24 step %scan3A_25  : i32 {
        %mul3A_52 = arith.constant 16 : i32
        %mul3A_53 = arith.muli %scan3A_51, %mul3A_52 : i32
        %get3A = arith.index_cast %mul3A_53 : i32 to index
        %get3A_54 = tpu.vector_load %arg5[%get3A] {strides = array<i32>} : memref<16384xi32, #tpu.memory_space<vmem>>, vector<16xi32>,
        %and3A = arith.constant 65535 : i32
        %and3A_55 = vector.broadcast %and3A : i32 to vector<16xi32>
        %and3A_56 = arith.andi %get3A_54, %and3A_55 : vector<16xi32>
        tpu.vector_store_idx %arg7[%and3A_56], %broadcast_in_dim3A_3 {add = true} : memref<65536xi32, #tpu.memory_space<vmem>>[vector<16xi32>], vector<16xi32>,
        %shift_right_logical3A = arith.constant 16 : i32
        %shift_right_logical3A_57 = vector.broadcast %shift_right_logical3A : i32 to vector<16xi32>
        %shift_right_logical3A_58 = arith.shrui %get3A_54, %shift_right_logical3A_57 : vector<16xi32>
        tpu.vector_store_idx %arg7[%shift_right_logical3A_58], %broadcast_in_dim3A_3 {add = true} : memref<65536xi32, #tpu.memory_space<vmem>>[vector<16xi32>], vector<16xi32>,
        %scan3A_59 = arith.constant 1 : i32
        %scan3A_60 = arith.addi %scan3A_51, %scan3A_59 : i32
        %mul3A_61 = arith.constant 16 : i32
        %mul3A_62 = arith.muli %scan3A_60, %mul3A_61 : i32
        %get3A_63 = arith.index_cast %mul3A_62 : i32 to index
        %get3A_64 = tpu.vector_load %arg5[%get3A_63] {strides = array<i32>} : memref<16384xi32, #tpu.memory_space<vmem>>, vector<16xi32>,
        %and3A_65 = arith.constant 65535 : i32
        %and3A_66 = vector.broadcast %and3A_65 : i32 to vector<16xi32>
        %and3A_67 = arith.andi %get3A_64, %and3A_66 : vector<16xi32>
        tpu.vector_store_idx %arg7[%and3A_67], %broadcast_in_dim3A_3 {add = true} : memref<65536xi32, #tpu.memory_space<vmem>>[vector<16xi32>], vector<16xi32>,
        %shift_right_logical3A_68 = arith.constant 16 : i32
        %shift_right_logical3A_69 = vector.broadcast %shift_right_logical3A_68 : i32 to vector<16xi32>
        %shift_right_logical3A_70 = arith.shrui %get3A_64, %shift_right_logical3A_69 : vector<16xi32>
        tpu.vector_store_idx %arg7[%shift_right_logical3A_70], %broadcast_in_dim3A_3 {add = true} : memref<65536xi32, #tpu.memory_space<vmem>>[vector<16xi32>], vector<16xi32>,
        %scan3A_71 = arith.constant 2 : i32
        %scan3A_72 = arith.addi %scan3A_51, %scan3A_71 : i32
        %mul3A_73 = arith.constant 16 : i32
        %mul3A_74 = arith.muli %scan3A_72, %mul3A_73 : i32
        %get3A_75 = arith.index_cast %mul3A_74 : i32 to index
        %get3A_76 = tpu.vector_load %arg5[%get3A_75] {strides = array<i32>} : memref<16384xi32, #tpu.memory_space<vmem>>, vector<16xi32>,
        %and3A_77 = arith.constant 65535 : i32
        %and3A_78 = vector.broadcast %and3A_77 : i32 to vector<16xi32>
        %and3A_79 = arith.andi %get3A_76, %and3A_78 : vector<16xi32>
        tpu.vector_store_idx %arg7[%and3A_79], %broadcast_in_dim3A_3 {add = true} : memref<65536xi32, #tpu.memory_space<vmem>>[vector<16xi32>], vector<16xi32>,
        %shift_right_logical3A_80 = arith.constant 16 : i32
        %shift_right_logical3A_81 = vector.broadcast %shift_right_logical3A_80 : i32 to vector<16xi32>
        %shift_right_logical3A_82 = arith.shrui %get3A_76, %shift_right_logical3A_81 : vector<16xi32>
        tpu.vector_store_idx %arg7[%shift_right_logical3A_82], %broadcast_in_dim3A_3 {add = true} : memref<65536xi32, #tpu.memory_space<vmem>>[vector<16xi32>], vector<16xi32>,
        %scan3A_83 = arith.constant 3 : i32
        %scan3A_84 = arith.addi %scan3A_51, %scan3A_83 : i32
        %mul3A_85 = arith.constant 16 : i32
        %mul3A_86 = arith.muli %scan3A_84, %mul3A_85 : i32
        %get3A_87 = arith.index_cast %mul3A_86 : i32 to index
        %get3A_88 = tpu.vector_load %arg5[%get3A_87] {strides = array<i32>} : memref<16384xi32, #tpu.memory_space<vmem>>, vector<16xi32>,
        %and3A_89 = arith.constant 65535 : i32
        %and3A_90 = vector.broadcast %and3A_89 : i32 to vector<16xi32>
        %and3A_91 = arith.andi %get3A_88, %and3A_90 : vector<16xi32>
        tpu.vector_store_idx %arg7[%and3A_91], %broadcast_in_dim3A_3 {add = true} : memref<65536xi32, #tpu.memory_space<vmem>>[vector<16xi32>], vector<16xi32>,
        %shift_right_logical3A_92 = arith.constant 16 : i32
        %shift_right_logical3A_93 = vector.broadcast %shift_right_logical3A_92 : i32 to vector<16xi32>
        %shift_right_logical3A_94 = arith.shrui %get3A_88, %shift_right_logical3A_93 : vector<16xi32>
        tpu.vector_store_idx %arg7[%shift_right_logical3A_94], %broadcast_in_dim3A_3 {add = true} : memref<65536xi32, #tpu.memory_space<vmem>>[vector<16xi32>], vector<16xi32>,
        %scan3A_95 = arith.constant 4 : i32
        %scan3A_96 = arith.addi %scan3A_51, %scan3A_95 : i32
        %mul3A_97 = arith.constant 16 : i32
        %mul3A_98 = arith.muli %scan3A_96, %mul3A_97 : i32
        %get3A_99 = arith.index_cast %mul3A_98 : i32 to index
        %get3A_100 = tpu.vector_load %arg5[%get3A_99] {strides = array<i32>} : memref<16384xi32, #tpu.memory_space<vmem>>, vector<16xi32>,
        %and3A_101 = arith.constant 65535 : i32
        %and3A_102 = vector.broadcast %and3A_101 : i32 to vector<16xi32>
        %and3A_103 = arith.andi %get3A_100, %and3A_102 : vector<16xi32>
        tpu.vector_store_idx %arg7[%and3A_103], %broadcast_in_dim3A_3 {add = true} : memref<65536xi32, #tpu.memory_space<vmem>>[vector<16xi32>], vector<16xi32>,
        %shift_right_logical3A_104 = arith.constant 16 : i32
        %shift_right_logical3A_105 = vector.broadcast %shift_right_logical3A_104 : i32 to vector<16xi32>
        %shift_right_logical3A_106 = arith.shrui %get3A_100, %shift_right_logical3A_105 : vector<16xi32>
        tpu.vector_store_idx %arg7[%shift_right_logical3A_106], %broadcast_in_dim3A_3 {add = true} : memref<65536xi32, #tpu.memory_space<vmem>>[vector<16xi32>], vector<16xi32>,
        %scan3A_107 = arith.constant 5 : i32
        %scan3A_108 = arith.addi %scan3A_51, %scan3A_107 : i32
        %mul3A_109 = arith.constant 16 : i32
        %mul3A_110 = arith.muli %scan3A_108, %mul3A_109 : i32
        %get3A_111 = arith.index_cast %mul3A_110 : i32 to index
        %get3A_112 = tpu.vector_load %arg5[%get3A_111] {strides = array<i32>} : memref<16384xi32, #tpu.memory_space<vmem>>, vector<16xi32>,
        %and3A_113 = arith.constant 65535 : i32
        %and3A_114 = vector.broadcast %and3A_113 : i32 to vector<16xi32>
        %and3A_115 = arith.andi %get3A_112, %and3A_114 : vector<16xi32>
        tpu.vector_store_idx %arg7[%and3A_115], %broadcast_in_dim3A_3 {add = true} : memref<65536xi32, #tpu.memory_space<vmem>>[vector<16xi32>], vector<16xi32>,
        %shift_right_logical3A_116 = arith.constant 16 : i32
        %shift_right_logical3A_117 = vector.broadcast %shift_right_logical3A_116 : i32 to vector<16xi32>
        %shift_right_logical3A_118 = arith.shrui %get3A_112, %shift_right_logical3A_117 : vector<16xi32>
        tpu.vector_store_idx %arg7[%shift_right_logical3A_118], %broadcast_in_dim3A_3 {add = true} : memref<65536xi32, #tpu.memory_space<vmem>>[vector<16xi32>], vector<16xi32>,
        %scan3A_119 = arith.constant 6 : i32
        %scan3A_120 = arith.addi %scan3A_51, %scan3A_119 : i32
        %mul3A_121 = arith.constant 16 : i32
        %mul3A_122 = arith.muli %scan3A_120, %mul3A_121 : i32
        %get3A_123 = arith.index_cast %mul3A_122 : i32 to index
        %get3A_124 = tpu.vector_load %arg5[%get3A_123] {strides = array<i32>} : memref<16384xi32, #tpu.memory_space<vmem>>, vector<16xi32>,
        %and3A_125 = arith.constant 65535 : i32
        %and3A_126 = vector.broadcast %and3A_125 : i32 to vector<16xi32>
        %and3A_127 = arith.andi %get3A_124, %and3A_126 : vector<16xi32>
        tpu.vector_store_idx %arg7[%and3A_127], %broadcast_in_dim3A_3 {add = true} : memref<65536xi32, #tpu.memory_space<vmem>>[vector<16xi32>], vector<16xi32>,
        %shift_right_logical3A_128 = arith.constant 16 : i32
        %shift_right_logical3A_129 = vector.broadcast %shift_right_logical3A_128 : i32 to vector<16xi32>
        %shift_right_logical3A_130 = arith.shrui %get3A_124, %shift_right_logical3A_129 : vector<16xi32>
        tpu.vector_store_idx %arg7[%shift_right_logical3A_130], %broadcast_in_dim3A_3 {add = true} : memref<65536xi32, #tpu.memory_space<vmem>>[vector<16xi32>], vector<16xi32>,
        %scan3A_131 = arith.constant 7 : i32
        %scan3A_132 = arith.addi %scan3A_51, %scan3A_131 : i32
        %mul3A_133 = arith.constant 16 : i32
        %mul3A_134 = arith.muli %scan3A_132, %mul3A_133 : i32
        %get3A_135 = arith.index_cast %mul3A_134 : i32 to index
        %get3A_136 = tpu.vector_load %arg5[%get3A_135] {strides = array<i32>} : memref<16384xi32, #tpu.memory_space<vmem>>, vector<16xi32>,
        %and3A_137 = arith.constant 65535 : i32
        %and3A_138 = vector.broadcast %and3A_137 : i32 to vector<16xi32>
        %and3A_139 = arith.andi %get3A_136, %and3A_138 : vector<16xi32>
        tpu.vector_store_idx %arg7[%and3A_139], %broadcast_in_dim3A_3 {add = true} : memref<65536xi32, #tpu.memory_space<vmem>>[vector<16xi32>], vector<16xi32>,
        %shift_right_logical3A_140 = arith.constant 16 : i32
        %shift_right_logical3A_141 = vector.broadcast %shift_right_logical3A_140 : i32 to vector<16xi32>
        %shift_right_logical3A_142 = arith.shrui %get3A_136, %shift_right_logical3A_141 : vector<16xi32>
        tpu.vector_store_idx %arg7[%shift_right_logical3A_142], %broadcast_in_dim3A_3 {add = true} : memref<65536xi32, #tpu.memory_space<vmem>>[vector<16xi32>], vector<16xi32>,
        %scan3A_143 = arith.constant 8 : i32
        %scan3A_144 = arith.addi %scan3A_51, %scan3A_143 : i32
        %mul3A_145 = arith.constant 16 : i32
        %mul3A_146 = arith.muli %scan3A_144, %mul3A_145 : i32
        %get3A_147 = arith.index_cast %mul3A_146 : i32 to index
        %get3A_148 = tpu.vector_load %arg5[%get3A_147] {strides = array<i32>} : memref<16384xi32, #tpu.memory_space<vmem>>, vector<16xi32>,
        %and3A_149 = arith.constant 65535 : i32
        %and3A_150 = vector.broadcast %and3A_149 : i32 to vector<16xi32>
        %and3A_151 = arith.andi %get3A_148, %and3A_150 : vector<16xi32>
        tpu.vector_store_idx %arg7[%and3A_151], %broadcast_in_dim3A_3 {add = true} : memref<65536xi32, #tpu.memory_space<vmem>>[vector<16xi32>], vector<16xi32>,
        %shift_right_logical3A_152 = arith.constant 16 : i32
        %shift_right_logical3A_153 = vector.broadcast %shift_right_logical3A_152 : i32 to vector<16xi32>
        %shift_right_logical3A_154 = arith.shrui %get3A_148, %shift_right_logical3A_153 : vector<16xi32>
        tpu.vector_store_idx %arg7[%shift_right_logical3A_154], %broadcast_in_dim3A_3 {add = true} : memref<65536xi32, #tpu.memory_space<vmem>>[vector<16xi32>], vector<16xi32>,
        %scan3A_155 = arith.constant 9 : i32
        %scan3A_156 = arith.addi %scan3A_51, %scan3A_155 : i32
        %mul3A_157 = arith.constant 16 : i32
        %mul3A_158 = arith.muli %scan3A_156, %mul3A_157 : i32
        %get3A_159 = arith.index_cast %mul3A_158 : i32 to index
        %get3A_160 = tpu.vector_load %arg5[%get3A_159] {strides = array<i32>} : memref<16384xi32, #tpu.memory_space<vmem>>, vector<16xi32>,
        %and3A_161 = arith.constant 65535 : i32
        %and3A_162 = vector.broadcast %and3A_161 : i32 to vector<16xi32>
        %and3A_163 = arith.andi %get3A_160, %and3A_162 : vector<16xi32>
        tpu.vector_store_idx %arg7[%and3A_163], %broadcast_in_dim3A_3 {add = true} : memref<65536xi32, #tpu.memory_space<vmem>>[vector<16xi32>], vector<16xi32>,
        %shift_right_logical3A_164 = arith.constant 16 : i32
        %shift_right_logical3A_165 = vector.broadcast %shift_right_logical3A_164 : i32 to vector<16xi32>
        %shift_right_logical3A_166 = arith.shrui %get3A_160, %shift_right_logical3A_165 : vector<16xi32>
        tpu.vector_store_idx %arg7[%shift_right_logical3A_166], %broadcast_in_dim3A_3 {add = true} : memref<65536xi32, #tpu.memory_space<vmem>>[vector<16xi32>], vector<16xi32>,
        %scan3A_167 = arith.constant 10 : i32
        %scan3A_168 = arith.addi %scan3A_51, %scan3A_167 : i32
        %mul3A_169 = arith.constant 16 : i32
        %mul3A_170 = arith.muli %scan3A_168, %mul3A_169 : i32
        %get3A_171 = arith.index_cast %mul3A_170 : i32 to index
        %get3A_172 = tpu.vector_load %arg5[%get3A_171] {strides = array<i32>} : memref<16384xi32, #tpu.memory_space<vmem>>, vector<16xi32>,
        %and3A_173 = arith.constant 65535 : i32
        %and3A_174 = vector.broadcast %and3A_173 : i32 to vector<16xi32>
        %and3A_175 = arith.andi %get3A_172, %and3A_174 : vector<16xi32>
        tpu.vector_store_idx %arg7[%and3A_175], %broadcast_in_dim3A_3 {add = true} : memref<65536xi32, #tpu.memory_space<vmem>>[vector<16xi32>], vector<16xi32>,
        %shift_right_logical3A_176 = arith.constant 16 : i32
        %shift_right_logical3A_177 = vector.broadcast %shift_right_logical3A_176 : i32 to vector<16xi32>
        %shift_right_logical3A_178 = arith.shrui %get3A_172, %shift_right_logical3A_177 : vector<16xi32>
        tpu.vector_store_idx %arg7[%shift_right_logical3A_178], %broadcast_in_dim3A_3 {add = true} : memref<65536xi32, #tpu.memory_space<vmem>>[vector<16xi32>], vector<16xi32>,
        %scan3A_179 = arith.constant 11 : i32
        %scan3A_180 = arith.addi %scan3A_51, %scan3A_179 : i32
        %mul3A_181 = arith.constant 16 : i32
        %mul3A_182 = arith.muli %scan3A_180, %mul3A_181 : i32
        %get3A_183 = arith.index_cast %mul3A_182 : i32 to index
        %get3A_184 = tpu.vector_load %arg5[%get3A_183] {strides = array<i32>} : memref<16384xi32, #tpu.memory_space<vmem>>, vector<16xi32>,
        %and3A_185 = arith.constant 65535 : i32
        %and3A_186 = vector.broadcast %and3A_185 : i32 to vector<16xi32>
        %and3A_187 = arith.andi %get3A_184, %and3A_186 : vector<16xi32>
        tpu.vector_store_idx %arg7[%and3A_187], %broadcast_in_dim3A_3 {add = true} : memref<65536xi32, #tpu.memory_space<vmem>>[vector<16xi32>], vector<16xi32>,
        %shift_right_logical3A_188 = arith.constant 16 : i32
        %shift_right_logical3A_189 = vector.broadcast %shift_right_logical3A_188 : i32 to vector<16xi32>
        %shift_right_logical3A_190 = arith.shrui %get3A_184, %shift_right_logical3A_189 : vector<16xi32>
        tpu.vector_store_idx %arg7[%shift_right_logical3A_190], %broadcast_in_dim3A_3 {add = true} : memref<65536xi32, #tpu.memory_space<vmem>>[vector<16xi32>], vector<16xi32>,
        %scan3A_191 = arith.constant 12 : i32
        %scan3A_192 = arith.addi %scan3A_51, %scan3A_191 : i32
        %mul3A_193 = arith.constant 16 : i32
        %mul3A_194 = arith.muli %scan3A_192, %mul3A_193 : i32
        %get3A_195 = arith.index_cast %mul3A_194 : i32 to index
        %get3A_196 = tpu.vector_load %arg5[%get3A_195] {strides = array<i32>} : memref<16384xi32, #tpu.memory_space<vmem>>, vector<16xi32>,
        %and3A_197 = arith.constant 65535 : i32
        %and3A_198 = vector.broadcast %and3A_197 : i32 to vector<16xi32>
        %and3A_199 = arith.andi %get3A_196, %and3A_198 : vector<16xi32>
        tpu.vector_store_idx %arg7[%and3A_199], %broadcast_in_dim3A_3 {add = true} : memref<65536xi32, #tpu.memory_space<vmem>>[vector<16xi32>], vector<16xi32>,
        %shift_right_logical3A_200 = arith.constant 16 : i32
        %shift_right_logical3A_201 = vector.broadcast %shift_right_logical3A_200 : i32 to vector<16xi32>
        %shift_right_logical3A_202 = arith.shrui %get3A_196, %shift_right_logical3A_201 : vector<16xi32>
        tpu.vector_store_idx %arg7[%shift_right_logical3A_202], %broadcast_in_dim3A_3 {add = true} : memref<65536xi32, #tpu.memory_space<vmem>>[vector<16xi32>], vector<16xi32>,
        %scan3A_203 = arith.constant 13 : i32
        %scan3A_204 = arith.addi %scan3A_51, %scan3A_203 : i32
        %mul3A_205 = arith.constant 16 : i32
        %mul3A_206 = arith.muli %scan3A_204, %mul3A_205 : i32
        %get3A_207 = arith.index_cast %mul3A_206 : i32 to index
        %get3A_208 = tpu.vector_load %arg5[%get3A_207] {strides = array<i32>} : memref<16384xi32, #tpu.memory_space<vmem>>, vector<16xi32>,
        %and3A_209 = arith.constant 65535 : i32
        %and3A_210 = vector.broadcast %and3A_209 : i32 to vector<16xi32>
        %and3A_211 = arith.andi %get3A_208, %and3A_210 : vector<16xi32>
        tpu.vector_store_idx %arg7[%and3A_211], %broadcast_in_dim3A_3 {add = true} : memref<65536xi32, #tpu.memory_space<vmem>>[vector<16xi32>], vector<16xi32>,
        %shift_right_logical3A_212 = arith.constant 16 : i32
        %shift_right_logical3A_213 = vector.broadcast %shift_right_logical3A_212 : i32 to vector<16xi32>
        %shift_right_logical3A_214 = arith.shrui %get3A_208, %shift_right_logical3A_213 : vector<16xi32>
        tpu.vector_store_idx %arg7[%shift_right_logical3A_214], %broadcast_in_dim3A_3 {add = true} : memref<65536xi32, #tpu.memory_space<vmem>>[vector<16xi32>], vector<16xi32>,
        %scan3A_215 = arith.constant 14 : i32
        %scan3A_216 = arith.addi %scan3A_51, %scan3A_215 : i32
        %mul3A_217 = arith.constant 16 : i32
        %mul3A_218 = arith.muli %scan3A_216, %mul3A_217 : i32
        %get3A_219 = arith.index_cast %mul3A_218 : i32 to index
        %get3A_220 = tpu.vector_load %arg5[%get3A_219] {strides = array<i32>} : memref<16384xi32, #tpu.memory_space<vmem>>, vector<16xi32>,
        %and3A_221 = arith.constant 65535 : i32
        %and3A_222 = vector.broadcast %and3A_221 : i32 to vector<16xi32>
        %and3A_223 = arith.andi %get3A_220, %and3A_222 : vector<16xi32>
        tpu.vector_store_idx %arg7[%and3A_223], %broadcast_in_dim3A_3 {add = true} : memref<65536xi32, #tpu.memory_space<vmem>>[vector<16xi32>], vector<16xi32>,
        %shift_right_logical3A_224 = arith.constant 16 : i32
        %shift_right_logical3A_225 = vector.broadcast %shift_right_logical3A_224 : i32 to vector<16xi32>
        %shift_right_logical3A_226 = arith.shrui %get3A_220, %shift_right_logical3A_225 : vector<16xi32>
        tpu.vector_store_idx %arg7[%shift_right_logical3A_226], %broadcast_in_dim3A_3 {add = true} : memref<65536xi32, #tpu.memory_space<vmem>>[vector<16xi32>], vector<16xi32>,
        %scan3A_227 = arith.constant 15 : i32
        %scan3A_228 = arith.addi %scan3A_51, %scan3A_227 : i32
        %mul3A_229 = arith.constant 16 : i32
        %mul3A_230 = arith.muli %scan3A_228, %mul3A_229 : i32
        %get3A_231 = arith.index_cast %mul3A_230 : i32 to index
        %get3A_232 = tpu.vector_load %arg5[%get3A_231] {strides = array<i32>} : memref<16384xi32, #tpu.memory_space<vmem>>, vector<16xi32>,
        %and3A_233 = arith.constant 65535 : i32
        %and3A_234 = vector.broadcast %and3A_233 : i32 to vector<16xi32>
        %and3A_235 = arith.andi %get3A_232, %and3A_234 : vector<16xi32>
        tpu.vector_store_idx %arg7[%and3A_235], %broadcast_in_dim3A_3 {add = true} : memref<65536xi32, #tpu.memory_space<vmem>>[vector<16xi32>], vector<16xi32>,
        %shift_right_logical3A_236 = arith.constant 16 : i32
        %shift_right_logical3A_237 = vector.broadcast %shift_right_logical3A_236 : i32 to vector<16xi32>
        %shift_right_logical3A_238 = arith.shrui %get3A_232, %shift_right_logical3A_237 : vector<16xi32>
        tpu.vector_store_idx %arg7[%shift_right_logical3A_238], %broadcast_in_dim3A_3 {add = true} : memref<65536xi32, #tpu.memory_space<vmem>>[vector<16xi32>], vector<16xi32>,
      }
      %scan3A_26 = arith.constant 1024 : i32
      %add3A_27 = arith.constant 2 : i32
      %add3A_28 = arith.addi %add3A_18, %add3A_27 : i32
      %lt3A = arith.constant 38 : i32
      %lt3A_29 = arith.cmpi slt, %add3A_28, %lt3A : i32
      %convert_element_type3A = arith.extui %lt3A_29 : i1 to i32
      %cond3A = arith.constant 0 : i32
      %cond3A_30 = arith.cmpi ne, %convert_element_type3A, %cond3A : i32
      scf.if %cond3A_30 {
        %add3A_51 = arith.constant 2 : i32
        %add3A_52 = arith.addi %add3A_18, %add3A_51 : i32
        %mul3A_53 = arith.constant 16384 : i32
        %mul3A_54 = arith.muli %add3A_52, %mul3A_53 : i32
        %add3A_55 = arith.addi %mul3A_2, %mul3A_54 : i32
        %multiple_of3A_56 = tpu.assume_multiple %add3A_55, 16384 : i32
        %dma_start3A_57 = tpu.memref_slice %arg2[%multiple_of3A_56] : memref<19922944xi32, #tpu.memory_space<hbm>> -> memref<16384xi32, #tpu.memory_space<hbm>>
        %dma_start3A_58 = tpu.memref_slice %arg2[%multiple_of3A_56] : memref<19922944xi32, #tpu.memory_space<hbm>> -> memref<16384xi32, #tpu.memory_space<hbm>>
        tpu.enqueue_dma source(%dma_start3A_58 : memref<16384xi32, #tpu.memory_space<hbm>>) target(%arg5 : memref<16384xi32, #tpu.memory_space<vmem>>) target_semaphore(%arg8 : memref<!tpu.dma_semaphore, #tpu.memory_space<semaphore_mem>>)
      } else {
      }
      %mul3A_31 = arith.constant 2 : i32
      %mul3A_32 = arith.muli %scan3A_14, %mul3A_31 : i32
      %add3A_33 = arith.constant 1 : i32
      %add3A_34 = arith.addi %mul3A_32, %add3A_33 : i32
      %dma_wait3A_35 = arith.constant 0 : i32
      %dma_wait3A_36 = tpu.memref_slice %arg2[%dma_wait3A_35] : memref<19922944xi32, #tpu.memory_space<hbm>> -> memref<16384xi32, #tpu.memory_space<hbm>>
      %dma_wait3A_37 = arith.constant 0 : i32
      %dma_wait3A_38 = tpu.memref_slice %arg2[%dma_wait3A_37] : memref<19922944xi32, #tpu.memory_space<hbm>> -> memref<16384xi32, #tpu.memory_space<hbm>>
      tpu.wait_dma2 semaphore(%arg9 : memref<!tpu.dma_semaphore, #tpu.memory_space<semaphore_mem>>) src(%dma_wait3A_38 : memref<16384xi32, #tpu.memory_space<hbm>>) dst(%arg6 : memref<16384xi32, #tpu.memory_space<vmem>>)
      %scan3A_39 = arith.constant 0 : i32
      %scan3A_40 = arith.constant 1024 : i32
      %scan3A_41 = arith.addi %scan3A_39, %scan3A_40 : i32
      %scan3A_42 = arith.constant 16 : i32
      scf.for %scan3A_51 = %scan3A_39 to %scan3A_41 step %scan3A_42  : i32 {
        %mul3A_52 = arith.constant 16 : i32
        %mul3A_53 = arith.muli %scan3A_51, %mul3A_52 : i32
        %get3A = arith.index_cast %mul3A_53 : i32 to index
        %get3A_54 = tpu.vector_load %arg6[%get3A] {strides = array<i32>} : memref<16384xi32, #tpu.memory_space<vmem>>, vector<16xi32>,
        %and3A = arith.constant 65535 : i32
        %and3A_55 = vector.broadcast %and3A : i32 to vector<16xi32>
        %and3A_56 = arith.andi %get3A_54, %and3A_55 : vector<16xi32>
        tpu.vector_store_idx %arg7[%and3A_56], %broadcast_in_dim3A_3 {add = true} : memref<65536xi32, #tpu.memory_space<vmem>>[vector<16xi32>], vector<16xi32>,
        %shift_right_logical3A = arith.constant 16 : i32
        %shift_right_logical3A_57 = vector.broadcast %shift_right_logical3A : i32 to vector<16xi32>
        %shift_right_logical3A_58 = arith.shrui %get3A_54, %shift_right_logical3A_57 : vector<16xi32>
        tpu.vector_store_idx %arg7[%shift_right_logical3A_58], %broadcast_in_dim3A_3 {add = true} : memref<65536xi32, #tpu.memory_space<vmem>>[vector<16xi32>], vector<16xi32>,
        %scan3A_59 = arith.constant 1 : i32
        %scan3A_60 = arith.addi %scan3A_51, %scan3A_59 : i32
        %mul3A_61 = arith.constant 16 : i32
        %mul3A_62 = arith.muli %scan3A_60, %mul3A_61 : i32
        %get3A_63 = arith.index_cast %mul3A_62 : i32 to index
        %get3A_64 = tpu.vector_load %arg6[%get3A_63] {strides = array<i32>} : memref<16384xi32, #tpu.memory_space<vmem>>, vector<16xi32>,
        %and3A_65 = arith.constant 65535 : i32
        %and3A_66 = vector.broadcast %and3A_65 : i32 to vector<16xi32>
        %and3A_67 = arith.andi %get3A_64, %and3A_66 : vector<16xi32>
        tpu.vector_store_idx %arg7[%and3A_67], %broadcast_in_dim3A_3 {add = true} : memref<65536xi32, #tpu.memory_space<vmem>>[vector<16xi32>], vector<16xi32>,
        %shift_right_logical3A_68 = arith.constant 16 : i32
        %shift_right_logical3A_69 = vector.broadcast %shift_right_logical3A_68 : i32 to vector<16xi32>
        %shift_right_logical3A_70 = arith.shrui %get3A_64, %shift_right_logical3A_69 : vector<16xi32>
        tpu.vector_store_idx %arg7[%shift_right_logical3A_70], %broadcast_in_dim3A_3 {add = true} : memref<65536xi32, #tpu.memory_space<vmem>>[vector<16xi32>], vector<16xi32>,
        %scan3A_71 = arith.constant 2 : i32
        %scan3A_72 = arith.addi %scan3A_51, %scan3A_71 : i32
        %mul3A_73 = arith.constant 16 : i32
        %mul3A_74 = arith.muli %scan3A_72, %mul3A_73 : i32
        %get3A_75 = arith.index_cast %mul3A_74 : i32 to index
        %get3A_76 = tpu.vector_load %arg6[%get3A_75] {strides = array<i32>} : memref<16384xi32, #tpu.memory_space<vmem>>, vector<16xi32>,
        %and3A_77 = arith.constant 65535 : i32
        %and3A_78 = vector.broadcast %and3A_77 : i32 to vector<16xi32>
        %and3A_79 = arith.andi %get3A_76, %and3A_78 : vector<16xi32>
        tpu.vector_store_idx %arg7[%and3A_79], %broadcast_in_dim3A_3 {add = true} : memref<65536xi32, #tpu.memory_space<vmem>>[vector<16xi32>], vector<16xi32>,
        %shift_right_logical3A_80 = arith.constant 16 : i32
        %shift_right_logical3A_81 = vector.broadcast %shift_right_logical3A_80 : i32 to vector<16xi32>
        %shift_right_logical3A_82 = arith.shrui %get3A_76, %shift_right_logical3A_81 : vector<16xi32>
        tpu.vector_store_idx %arg7[%shift_right_logical3A_82], %broadcast_in_dim3A_3 {add = true} : memref<65536xi32, #tpu.memory_space<vmem>>[vector<16xi32>], vector<16xi32>,
        %scan3A_83 = arith.constant 3 : i32
        %scan3A_84 = arith.addi %scan3A_51, %scan3A_83 : i32
        %mul3A_85 = arith.constant 16 : i32
        %mul3A_86 = arith.muli %scan3A_84, %mul3A_85 : i32
        %get3A_87 = arith.index_cast %mul3A_86 : i32 to index
        %get3A_88 = tpu.vector_load %arg6[%get3A_87] {strides = array<i32>} : memref<16384xi32, #tpu.memory_space<vmem>>, vector<16xi32>,
        %and3A_89 = arith.constant 65535 : i32
        %and3A_90 = vector.broadcast %and3A_89 : i32 to vector<16xi32>
        %and3A_91 = arith.andi %get3A_88, %and3A_90 : vector<16xi32>
        tpu.vector_store_idx %arg7[%and3A_91], %broadcast_in_dim3A_3 {add = true} : memref<65536xi32, #tpu.memory_space<vmem>>[vector<16xi32>], vector<16xi32>,
        %shift_right_logical3A_92 = arith.constant 16 : i32
        %shift_right_logical3A_93 = vector.broadcast %shift_right_logical3A_92 : i32 to vector<16xi32>
        %shift_right_logical3A_94 = arith.shrui %get3A_88, %shift_right_logical3A_93 : vector<16xi32>
        tpu.vector_store_idx %arg7[%shift_right_logical3A_94], %broadcast_in_dim3A_3 {add = true} : memref<65536xi32, #tpu.memory_space<vmem>>[vector<16xi32>], vector<16xi32>,
        %scan3A_95 = arith.constant 4 : i32
        %scan3A_96 = arith.addi %scan3A_51, %scan3A_95 : i32
        %mul3A_97 = arith.constant 16 : i32
        %mul3A_98 = arith.muli %scan3A_96, %mul3A_97 : i32
        %get3A_99 = arith.index_cast %mul3A_98 : i32 to index
        %get3A_100 = tpu.vector_load %arg6[%get3A_99] {strides = array<i32>} : memref<16384xi32, #tpu.memory_space<vmem>>, vector<16xi32>,
        %and3A_101 = arith.constant 65535 : i32
        %and3A_102 = vector.broadcast %and3A_101 : i32 to vector<16xi32>
        %and3A_103 = arith.andi %get3A_100, %and3A_102 : vector<16xi32>
        tpu.vector_store_idx %arg7[%and3A_103], %broadcast_in_dim3A_3 {add = true} : memref<65536xi32, #tpu.memory_space<vmem>>[vector<16xi32>], vector<16xi32>,
        %shift_right_logical3A_104 = arith.constant 16 : i32
        %shift_right_logical3A_105 = vector.broadcast %shift_right_logical3A_104 : i32 to vector<16xi32>
        %shift_right_logical3A_106 = arith.shrui %get3A_100, %shift_right_logical3A_105 : vector<16xi32>
        tpu.vector_store_idx %arg7[%shift_right_logical3A_106], %broadcast_in_dim3A_3 {add = true} : memref<65536xi32, #tpu.memory_space<vmem>>[vector<16xi32>], vector<16xi32>,
        %scan3A_107 = arith.constant 5 : i32
        %scan3A_108 = arith.addi %scan3A_51, %scan3A_107 : i32
        %mul3A_109 = arith.constant 16 : i32
        %mul3A_110 = arith.muli %scan3A_108, %mul3A_109 : i32
        %get3A_111 = arith.index_cast %mul3A_110 : i32 to index
        %get3A_112 = tpu.vector_load %arg6[%get3A_111] {strides = array<i32>} : memref<16384xi32, #tpu.memory_space<vmem>>, vector<16xi32>,
        %and3A_113 = arith.constant 65535 : i32
        %and3A_114 = vector.broadcast %and3A_113 : i32 to vector<16xi32>
        %and3A_115 = arith.andi %get3A_112, %and3A_114 : vector<16xi32>
        tpu.vector_store_idx %arg7[%and3A_115], %broadcast_in_dim3A_3 {add = true} : memref<65536xi32, #tpu.memory_space<vmem>>[vector<16xi32>], vector<16xi32>,
        %shift_right_logical3A_116 = arith.constant 16 : i32
        %shift_right_logical3A_117 = vector.broadcast %shift_right_logical3A_116 : i32 to vector<16xi32>
        %shift_right_logical3A_118 = arith.shrui %get3A_112, %shift_right_logical3A_117 : vector<16xi32>
        tpu.vector_store_idx %arg7[%shift_right_logical3A_118], %broadcast_in_dim3A_3 {add = true} : memref<65536xi32, #tpu.memory_space<vmem>>[vector<16xi32>], vector<16xi32>,
        %scan3A_119 = arith.constant 6 : i32
        %scan3A_120 = arith.addi %scan3A_51, %scan3A_119 : i32
        %mul3A_121 = arith.constant 16 : i32
        %mul3A_122 = arith.muli %scan3A_120, %mul3A_121 : i32
        %get3A_123 = arith.index_cast %mul3A_122 : i32 to index
        %get3A_124 = tpu.vector_load %arg6[%get3A_123] {strides = array<i32>} : memref<16384xi32, #tpu.memory_space<vmem>>, vector<16xi32>,
        %and3A_125 = arith.constant 65535 : i32
        %and3A_126 = vector.broadcast %and3A_125 : i32 to vector<16xi32>
        %and3A_127 = arith.andi %get3A_124, %and3A_126 : vector<16xi32>
        tpu.vector_store_idx %arg7[%and3A_127], %broadcast_in_dim3A_3 {add = true} : memref<65536xi32, #tpu.memory_space<vmem>>[vector<16xi32>], vector<16xi32>,
        %shift_right_logical3A_128 = arith.constant 16 : i32
        %shift_right_logical3A_129 = vector.broadcast %shift_right_logical3A_128 : i32 to vector<16xi32>
        %shift_right_logical3A_130 = arith.shrui %get3A_124, %shift_right_logical3A_129 : vector<16xi32>
        tpu.vector_store_idx %arg7[%shift_right_logical3A_130], %broadcast_in_dim3A_3 {add = true} : memref<65536xi32, #tpu.memory_space<vmem>>[vector<16xi32>], vector<16xi32>,
        %scan3A_131 = arith.constant 7 : i32
        %scan3A_132 = arith.addi %scan3A_51, %scan3A_131 : i32
        %mul3A_133 = arith.constant 16 : i32
        %mul3A_134 = arith.muli %scan3A_132, %mul3A_133 : i32
        %get3A_135 = arith.index_cast %mul3A_134 : i32 to index
        %get3A_136 = tpu.vector_load %arg6[%get3A_135] {strides = array<i32>} : memref<16384xi32, #tpu.memory_space<vmem>>, vector<16xi32>,
        %and3A_137 = arith.constant 65535 : i32
        %and3A_138 = vector.broadcast %and3A_137 : i32 to vector<16xi32>
        %and3A_139 = arith.andi %get3A_136, %and3A_138 : vector<16xi32>
        tpu.vector_store_idx %arg7[%and3A_139], %broadcast_in_dim3A_3 {add = true} : memref<65536xi32, #tpu.memory_space<vmem>>[vector<16xi32>], vector<16xi32>,
        %shift_right_logical3A_140 = arith.constant 16 : i32
        %shift_right_logical3A_141 = vector.broadcast %shift_right_logical3A_140 : i32 to vector<16xi32>
        %shift_right_logical3A_142 = arith.shrui %get3A_136, %shift_right_logical3A_141 : vector<16xi32>
        tpu.vector_store_idx %arg7[%shift_right_logical3A_142], %broadcast_in_dim3A_3 {add = true} : memref<65536xi32, #tpu.memory_space<vmem>>[vector<16xi32>], vector<16xi32>,
        %scan3A_143 = arith.constant 8 : i32
        %scan3A_144 = arith.addi %scan3A_51, %scan3A_143 : i32
        %mul3A_145 = arith.constant 16 : i32
        %mul3A_146 = arith.muli %scan3A_144, %mul3A_145 : i32
        %get3A_147 = arith.index_cast %mul3A_146 : i32 to index
        %get3A_148 = tpu.vector_load %arg6[%get3A_147] {strides = array<i32>} : memref<16384xi32, #tpu.memory_space<vmem>>, vector<16xi32>,
        %and3A_149 = arith.constant 65535 : i32
        %and3A_150 = vector.broadcast %and3A_149 : i32 to vector<16xi32>
        %and3A_151 = arith.andi %get3A_148, %and3A_150 : vector<16xi32>
        tpu.vector_store_idx %arg7[%and3A_151], %broadcast_in_dim3A_3 {add = true} : memref<65536xi32, #tpu.memory_space<vmem>>[vector<16xi32>], vector<16xi32>,
        %shift_right_logical3A_152 = arith.constant 16 : i32
        %shift_right_logical3A_153 = vector.broadcast %shift_right_logical3A_152 : i32 to vector<16xi32>
        %shift_right_logical3A_154 = arith.shrui %get3A_148, %shift_right_logical3A_153 : vector<16xi32>
        tpu.vector_store_idx %arg7[%shift_right_logical3A_154], %broadcast_in_dim3A_3 {add = true} : memref<65536xi32, #tpu.memory_space<vmem>>[vector<16xi32>], vector<16xi32>,
        %scan3A_155 = arith.constant 9 : i32
        %scan3A_156 = arith.addi %scan3A_51, %scan3A_155 : i32
        %mul3A_157 = arith.constant 16 : i32
        %mul3A_158 = arith.muli %scan3A_156, %mul3A_157 : i32
        %get3A_159 = arith.index_cast %mul3A_158 : i32 to index
        %get3A_160 = tpu.vector_load %arg6[%get3A_159] {strides = array<i32>} : memref<16384xi32, #tpu.memory_space<vmem>>, vector<16xi32>,
        %and3A_161 = arith.constant 65535 : i32
        %and3A_162 = vector.broadcast %and3A_161 : i32 to vector<16xi32>
        %and3A_163 = arith.andi %get3A_160, %and3A_162 : vector<16xi32>
        tpu.vector_store_idx %arg7[%and3A_163], %broadcast_in_dim3A_3 {add = true} : memref<65536xi32, #tpu.memory_space<vmem>>[vector<16xi32>], vector<16xi32>,
        %shift_right_logical3A_164 = arith.constant 16 : i32
        %shift_right_logical3A_165 = vector.broadcast %shift_right_logical3A_164 : i32 to vector<16xi32>
        %shift_right_logical3A_166 = arith.shrui %get3A_160, %shift_right_logical3A_165 : vector<16xi32>
        tpu.vector_store_idx %arg7[%shift_right_logical3A_166], %broadcast_in_dim3A_3 {add = true} : memref<65536xi32, #tpu.memory_space<vmem>>[vector<16xi32>], vector<16xi32>,
        %scan3A_167 = arith.constant 10 : i32
        %scan3A_168 = arith.addi %scan3A_51, %scan3A_167 : i32
        %mul3A_169 = arith.constant 16 : i32
        %mul3A_170 = arith.muli %scan3A_168, %mul3A_169 : i32
        %get3A_171 = arith.index_cast %mul3A_170 : i32 to index
        %get3A_172 = tpu.vector_load %arg6[%get3A_171] {strides = array<i32>} : memref<16384xi32, #tpu.memory_space<vmem>>, vector<16xi32>,
        %and3A_173 = arith.constant 65535 : i32
        %and3A_174 = vector.broadcast %and3A_173 : i32 to vector<16xi32>
        %and3A_175 = arith.andi %get3A_172, %and3A_174 : vector<16xi32>
        tpu.vector_store_idx %arg7[%and3A_175], %broadcast_in_dim3A_3 {add = true} : memref<65536xi32, #tpu.memory_space<vmem>>[vector<16xi32>], vector<16xi32>,
        %shift_right_logical3A_176 = arith.constant 16 : i32
        %shift_right_logical3A_177 = vector.broadcast %shift_right_logical3A_176 : i32 to vector<16xi32>
        %shift_right_logical3A_178 = arith.shrui %get3A_172, %shift_right_logical3A_177 : vector<16xi32>
        tpu.vector_store_idx %arg7[%shift_right_logical3A_178], %broadcast_in_dim3A_3 {add = true} : memref<65536xi32, #tpu.memory_space<vmem>>[vector<16xi32>], vector<16xi32>,
        %scan3A_179 = arith.constant 11 : i32
        %scan3A_180 = arith.addi %scan3A_51, %scan3A_179 : i32
        %mul3A_181 = arith.constant 16 : i32
        %mul3A_182 = arith.muli %scan3A_180, %mul3A_181 : i32
        %get3A_183 = arith.index_cast %mul3A_182 : i32 to index
        %get3A_184 = tpu.vector_load %arg6[%get3A_183] {strides = array<i32>} : memref<16384xi32, #tpu.memory_space<vmem>>, vector<16xi32>,
        %and3A_185 = arith.constant 65535 : i32
        %and3A_186 = vector.broadcast %and3A_185 : i32 to vector<16xi32>
        %and3A_187 = arith.andi %get3A_184, %and3A_186 : vector<16xi32>
        tpu.vector_store_idx %arg7[%and3A_187], %broadcast_in_dim3A_3 {add = true} : memref<65536xi32, #tpu.memory_space<vmem>>[vector<16xi32>], vector<16xi32>,
        %shift_right_logical3A_188 = arith.constant 16 : i32
        %shift_right_logical3A_189 = vector.broadcast %shift_right_logical3A_188 : i32 to vector<16xi32>
        %shift_right_logical3A_190 = arith.shrui %get3A_184, %shift_right_logical3A_189 : vector<16xi32>
        tpu.vector_store_idx %arg7[%shift_right_logical3A_190], %broadcast_in_dim3A_3 {add = true} : memref<65536xi32, #tpu.memory_space<vmem>>[vector<16xi32>], vector<16xi32>,
        %scan3A_191 = arith.constant 12 : i32
        %scan3A_192 = arith.addi %scan3A_51, %scan3A_191 : i32
        %mul3A_193 = arith.constant 16 : i32
        %mul3A_194 = arith.muli %scan3A_192, %mul3A_193 : i32
        %get3A_195 = arith.index_cast %mul3A_194 : i32 to index
        %get3A_196 = tpu.vector_load %arg6[%get3A_195] {strides = array<i32>} : memref<16384xi32, #tpu.memory_space<vmem>>, vector<16xi32>,
        %and3A_197 = arith.constant 65535 : i32
        %and3A_198 = vector.broadcast %and3A_197 : i32 to vector<16xi32>
        %and3A_199 = arith.andi %get3A_196, %and3A_198 : vector<16xi32>
        tpu.vector_store_idx %arg7[%and3A_199], %broadcast_in_dim3A_3 {add = true} : memref<65536xi32, #tpu.memory_space<vmem>>[vector<16xi32>], vector<16xi32>,
        %shift_right_logical3A_200 = arith.constant 16 : i32
        %shift_right_logical3A_201 = vector.broadcast %shift_right_logical3A_200 : i32 to vector<16xi32>
        %shift_right_logical3A_202 = arith.shrui %get3A_196, %shift_right_logical3A_201 : vector<16xi32>
        tpu.vector_store_idx %arg7[%shift_right_logical3A_202], %broadcast_in_dim3A_3 {add = true} : memref<65536xi32, #tpu.memory_space<vmem>>[vector<16xi32>], vector<16xi32>,
        %scan3A_203 = arith.constant 13 : i32
        %scan3A_204 = arith.addi %scan3A_51, %scan3A_203 : i32
        %mul3A_205 = arith.constant 16 : i32
        %mul3A_206 = arith.muli %scan3A_204, %mul3A_205 : i32
        %get3A_207 = arith.index_cast %mul3A_206 : i32 to index
        %get3A_208 = tpu.vector_load %arg6[%get3A_207] {strides = array<i32>} : memref<16384xi32, #tpu.memory_space<vmem>>, vector<16xi32>,
        %and3A_209 = arith.constant 65535 : i32
        %and3A_210 = vector.broadcast %and3A_209 : i32 to vector<16xi32>
        %and3A_211 = arith.andi %get3A_208, %and3A_210 : vector<16xi32>
        tpu.vector_store_idx %arg7[%and3A_211], %broadcast_in_dim3A_3 {add = true} : memref<65536xi32, #tpu.memory_space<vmem>>[vector<16xi32>], vector<16xi32>,
        %shift_right_logical3A_212 = arith.constant 16 : i32
        %shift_right_logical3A_213 = vector.broadcast %shift_right_logical3A_212 : i32 to vector<16xi32>
        %shift_right_logical3A_214 = arith.shrui %get3A_208, %shift_right_logical3A_213 : vector<16xi32>
        tpu.vector_store_idx %arg7[%shift_right_logical3A_214], %broadcast_in_dim3A_3 {add = true} : memref<65536xi32, #tpu.memory_space<vmem>>[vector<16xi32>], vector<16xi32>,
        %scan3A_215 = arith.constant 14 : i32
        %scan3A_216 = arith.addi %scan3A_51, %scan3A_215 : i32
        %mul3A_217 = arith.constant 16 : i32
        %mul3A_218 = arith.muli %scan3A_216, %mul3A_217 : i32
        %get3A_219 = arith.index_cast %mul3A_218 : i32 to index
        %get3A_220 = tpu.vector_load %arg6[%get3A_219] {strides = array<i32>} : memref<16384xi32, #tpu.memory_space<vmem>>, vector<16xi32>,
        %and3A_221 = arith.constant 65535 : i32
        %and3A_222 = vector.broadcast %and3A_221 : i32 to vector<16xi32>
        %and3A_223 = arith.andi %get3A_220, %and3A_222 : vector<16xi32>
        tpu.vector_store_idx %arg7[%and3A_223], %broadcast_in_dim3A_3 {add = true} : memref<65536xi32, #tpu.memory_space<vmem>>[vector<16xi32>], vector<16xi32>,
        %shift_right_logical3A_224 = arith.constant 16 : i32
        %shift_right_logical3A_225 = vector.broadcast %shift_right_logical3A_224 : i32 to vector<16xi32>
        %shift_right_logical3A_226 = arith.shrui %get3A_220, %shift_right_logical3A_225 : vector<16xi32>
        tpu.vector_store_idx %arg7[%shift_right_logical3A_226], %broadcast_in_dim3A_3 {add = true} : memref<65536xi32, #tpu.memory_space<vmem>>[vector<16xi32>], vector<16xi32>,
        %scan3A_227 = arith.constant 15 : i32
        %scan3A_228 = arith.addi %scan3A_51, %scan3A_227 : i32
        %mul3A_229 = arith.constant 16 : i32
        %mul3A_230 = arith.muli %scan3A_228, %mul3A_229 : i32
        %get3A_231 = arith.index_cast %mul3A_230 : i32 to index
        %get3A_232 = tpu.vector_load %arg6[%get3A_231] {strides = array<i32>} : memref<16384xi32, #tpu.memory_space<vmem>>, vector<16xi32>,
        %and3A_233 = arith.constant 65535 : i32
        %and3A_234 = vector.broadcast %and3A_233 : i32 to vector<16xi32>
        %and3A_235 = arith.andi %get3A_232, %and3A_234 : vector<16xi32>
        tpu.vector_store_idx %arg7[%and3A_235], %broadcast_in_dim3A_3 {add = true} : memref<65536xi32, #tpu.memory_space<vmem>>[vector<16xi32>], vector<16xi32>,
        %shift_right_logical3A_236 = arith.constant 16 : i32
        %shift_right_logical3A_237 = vector.broadcast %shift_right_logical3A_236 : i32 to vector<16xi32>
        %shift_right_logical3A_238 = arith.shrui %get3A_232, %shift_right_logical3A_237 : vector<16xi32>
        tpu.vector_store_idx %arg7[%shift_right_logical3A_238], %broadcast_in_dim3A_3 {add = true} : memref<65536xi32, #tpu.memory_space<vmem>>[vector<16xi32>], vector<16xi32>,
      }
      %scan3A_43 = arith.constant 1024 : i32
      %add3A_44 = arith.constant 2 : i32
      %add3A_45 = arith.addi %add3A_34, %add3A_44 : i32
      %lt3A_46 = arith.constant 38 : i32
      %lt3A_47 = arith.cmpi slt, %add3A_45, %lt3A_46 : i32
      %convert_element_type3A_48 = arith.extui %lt3A_47 : i1 to i32
      %cond3A_49 = arith.constant 0 : i32
      %cond3A_50 = arith.cmpi ne, %convert_element_type3A_48, %cond3A_49 : i32
      scf.if %cond3A_50 {
        %add3A_51 = arith.constant 2 : i32
        %add3A_52 = arith.addi %add3A_34, %add3A_51 : i32
        %mul3A_53 = arith.constant 16384 : i32
        %mul3A_54 = arith.muli %add3A_52, %mul3A_53 : i32
        %add3A_55 = arith.addi %mul3A_2, %mul3A_54 : i32
        %multiple_of3A_56 = tpu.assume_multiple %add3A_55, 16384 : i32
        %dma_start3A_57 = tpu.memref_slice %arg2[%multiple_of3A_56] : memref<19922944xi32, #tpu.memory_space<hbm>> -> memref<16384xi32, #tpu.memory_space<hbm>>
        %dma_start3A_58 = tpu.memref_slice %arg2[%multiple_of3A_56] : memref<19922944xi32, #tpu.memory_space<hbm>> -> memref<16384xi32, #tpu.memory_space<hbm>>
        tpu.enqueue_dma source(%dma_start3A_58 : memref<16384xi32, #tpu.memory_space<hbm>>) target(%arg6 : memref<16384xi32, #tpu.memory_space<vmem>>) target_semaphore(%arg9 : memref<!tpu.dma_semaphore, #tpu.memory_space<semaphore_mem>>)
      } else {
      }
    }
    %scan3A_13 = arith.constant 19 : i32
    "tpu.region"() ({
      %run_scoped3A = tpu.sem_alloc : memref<!tpu.dma_semaphore, #tpu.memory_space<semaphore_mem>>
      %dma_start3A_14 = arith.constant 0 : i32
      %dma_start3A_15 = tpu.memref_slice %arg4[%add3A, %dma_start3A_14] : memref<32x65536xi32, #tpu.memory_space<hbm>> -> memref<1x65536xi32, #tpu.memory_space<hbm>>
      %dma_start3A_16 = tpu.memref_squeeze %dma_start3A_15 : memref<1x65536xi32, #tpu.memory_space<hbm>> -> memref<65536xi32, #tpu.memory_space<hbm>>
      %dma_start3A_17 = arith.constant 0 : i32
      %dma_start3A_18 = tpu.memref_slice %arg4[%add3A, %dma_start3A_17] : memref<32x65536xi32, #tpu.memory_space<hbm>> -> memref<1x65536xi32, #tpu.memory_space<hbm>>
      %dma_start3A_19 = tpu.memref_squeeze %dma_start3A_18 : memref<1x65536xi32, #tpu.memory_space<hbm>> -> memref<65536xi32, #tpu.memory_space<hbm>>
      tpu.enqueue_dma source(%arg7 : memref<65536xi32, #tpu.memory_space<vmem>>) target(%dma_start3A_19 : memref<65536xi32, #tpu.memory_space<hbm>>) target_semaphore(%run_scoped3A : memref<!tpu.dma_semaphore, #tpu.memory_space<semaphore_mem>>)
      %dma_wait3A = arith.constant 0 : i32
      %dma_wait3A_20 = tpu.memref_slice %arg4[%add3A, %dma_wait3A] : memref<32x65536xi32, #tpu.memory_space<hbm>> -> memref<1x65536xi32, #tpu.memory_space<hbm>>
      %dma_wait3A_21 = tpu.memref_squeeze %dma_wait3A_20 : memref<1x65536xi32, #tpu.memory_space<hbm>> -> memref<65536xi32, #tpu.memory_space<hbm>>
      %dma_wait3A_22 = arith.constant 0 : i32
      %dma_wait3A_23 = tpu.memref_slice %arg4[%add3A, %dma_wait3A_22] : memref<32x65536xi32, #tpu.memory_space<hbm>> -> memref<1x65536xi32, #tpu.memory_space<hbm>>
      %dma_wait3A_24 = tpu.memref_squeeze %dma_wait3A_23 : memref<1x65536xi32, #tpu.memory_space<hbm>> -> memref<65536xi32, #tpu.memory_space<hbm>>
      tpu.wait_dma2 semaphore(%run_scoped3A : memref<!tpu.dma_semaphore, #tpu.memory_space<semaphore_mem>>) src(%arg7 : memref<65536xi32, #tpu.memory_space<vmem>>) dst(%dma_wait3A_24 : memref<65536xi32, #tpu.memory_space<hbm>>)
      tpu.yield
    }) : () -> ()
    return
  }
}

module attributes {stable_mosaic.version = 14 : i64} {
  func.func @_code_body(%arg0: i32, %arg1: i32, %arg2: memref<1x19x64x512xf32, #tpu.memory_space<vmem>>, %arg3: memref<1x64x512xi32, #tpu.memory_space<vmem>>, %arg4: memref<19x1x32x512xi32, #tpu.memory_space<vmem>>) attributes {dimension_semantics = [#tpu.dimension_semantics<parallel>, #tpu.dimension_semantics<parallel>], iteration_bounds = array<i64: 8, 8>, scalar_prefetch = 0 : i64, scratch_operands = 0 : i64, tpu.core_type = #tpu.core_type<tc>, window_params = [{transform_indices = @transform_0, window_bounds = array<i64: 1, 19, 64, 512>}, {transform_indices = @transform_1, window_bounds = array<i64: 1, 64, 512>}, {transform_indices = @transform_2, window_bounds = array<i64: 19, 1, 32, 512>}]} {
    %get3A = arith.constant 0 : index
    %get3A_0 = arith.constant 0 : index
    %get3A_1 = arith.constant 0 : index
    %get3A_2 = arith.constant 0 : index
    %get3A_3 = vector.load %arg2[%get3A, %get3A_0, %get3A_1, %get3A_2] : memref<1x19x64x512xf32, #tpu.memory_space<vmem>>, vector<1x19x64x512xf32>
    %get3A_4 = vector.shape_cast %get3A_3 : vector<1x19x64x512xf32> to vector<19x64x512xf32>
    %get3A_5 = arith.constant 0 : index
    %get3A_6 = arith.constant 0 : index
    %get3A_7 = arith.constant 0 : index
    %get3A_8 = vector.load %arg3[%get3A_5, %get3A_6, %get3A_7] : memref<1x64x512xi32, #tpu.memory_space<vmem>>, vector<1x64x512xi32>
    %get3A_9 = vector.shape_cast %get3A_8 : vector<1x64x512xi32> to vector<64x512xi32>
    %reduce_max3A = arith.constant dense<0xFF800000> : vector<64x512xf32>
    %reduce_max3A_10 = vector.multi_reduction <maximumf>, %get3A_4, %reduce_max3A [0] : vector<19x64x512xf32> to vector<64x512xf32>
    %broadcast_in_dim3A = vector.shape_cast %reduce_max3A_10 : vector<64x512xf32> to vector<1x64x512xf32>
    %sub3A = vector.broadcast %broadcast_in_dim3A : vector<1x64x512xf32> to vector<19x64x512xf32>
    %sub3A_11 = arith.subf %get3A_4, %sub3A : vector<19x64x512xf32>
    %exp3A = math.exp %sub3A_11 : vector<19x64x512xf32>
    %reduce_sum3A = arith.constant dense<0.000000e+00> : vector<64x512xf32>
    %reduce_sum3A_12 = vector.multi_reduction <add>, %exp3A, %reduce_sum3A [0] : vector<19x64x512xf32> to vector<64x512xf32>
    %broadcast_in_dim3A_13 = vector.shape_cast %reduce_sum3A_12 : vector<64x512xf32> to vector<1x64x512xf32>
    %div3A = vector.broadcast %broadcast_in_dim3A_13 : vector<1x64x512xf32> to vector<19x64x512xf32>
    %div3A_14 = arith.divf %exp3A, %div3A : vector<19x64x512xf32>
    %iota3A = tpu.iota {dimensions = array<i32: 0>} : vector<19x64x512xi32>
    %broadcast_in_dim3A_15 = vector.shape_cast %get3A_9 : vector<64x512xi32> to vector<1x64x512xi32>
    %eq3A = vector.broadcast %broadcast_in_dim3A_15 : vector<1x64x512xi32> to vector<19x64x512xi32>
    %eq3A_16 = arith.cmpi eq, %eq3A, %iota3A : vector<19x64x512xi32>
    %sub3A_17 = arith.constant 1.000000e+00 : f32
    %sub3A_18 = vector.broadcast %sub3A_17 : f32 to vector<19x64x512xf32>
    %sub3A_19 = arith.subf %sub3A_18, %div3A_14 : vector<19x64x512xf32>
    %select_n3A = arith.select %eq3A_16, %sub3A_19, %div3A_14 : vector<19x64x512xi1>, vector<19x64x512xf32>
    %mul3A = arith.constant 1.638400e+04 : f32
    %mul3A_20 = vector.broadcast %mul3A : f32 to vector<19x64x512xf32>
    %mul3A_21 = arith.mulf %select_n3A, %mul3A_20 : vector<19x64x512xf32>
    %floor3A = math.floor %mul3A_21 : vector<19x64x512xf32>
    %convert_element_type3A = arith.fptosi %floor3A : vector<19x64x512xf32> to vector<19x64x512xi32>
    %jit3A = arith.constant 0 : i32
    %jit3A_22 = arith.constant 16383 : i32
    %max3A = vector.broadcast %jit3A : i32 to vector<19x64x512xi32>
    %max3A_23 = arith.maxsi %max3A, %convert_element_type3A : vector<19x64x512xi32>
    %min3A = vector.broadcast %jit3A_22 : i32 to vector<19x64x512xi32>
    %min3A_24 = arith.minsi %min3A, %max3A_23 : vector<19x64x512xi32>
    %jit3A_25 = arith.constant 16384 : i32
    %jit3A_26 = arith.constant 0 : i32
    %broadcast_in_dim3A_27 = vector.broadcast %jit3A_25 : i32 to vector<19x64x512xi32>
    %broadcast_in_dim3A_28 = vector.broadcast %jit3A_26 : i32 to vector<19x64x512xi32>
    %select_n3A_29 = arith.select %eq3A_16, %broadcast_in_dim3A_27, %broadcast_in_dim3A_28 : vector<19x64x512xi1>, vector<19x64x512xi32>
    %add3A = arith.addi %min3A_24, %select_n3A_29 : vector<19x64x512xi32>
    %and3A = arith.constant 1 : i32
    %and3A_30 = vector.broadcast %and3A : i32 to vector<19x64x512xi32>
    %and3A_31 = arith.andi %iota3A, %and3A_30 : vector<19x64x512xi32>
    %mul3A_32 = arith.constant 32768 : i32
    %mul3A_33 = vector.broadcast %mul3A_32 : i32 to vector<19x64x512xi32>
    %mul3A_34 = arith.muli %and3A_31, %mul3A_33 : vector<19x64x512xi32>
    %add3A_35 = arith.addi %add3A, %mul3A_34 : vector<19x64x512xi32>
    %slice3A = vector.extract_strided_slice %add3A_35 {offsets = [0, 0, 0], sizes = [19, 32, 512], strides = [1, 1, 1]} : vector<19x64x512xi32> to vector<19x32x512xi32>
    %slice3A_36 = vector.extract_strided_slice %add3A_35 {offsets = [0, 32, 0], sizes = [19, 32, 512], strides = [1, 1, 1]} : vector<19x64x512xi32> to vector<19x32x512xi32>
    %shift_left3A = arith.constant 16 : i32
    %shift_left3A_37 = vector.broadcast %shift_left3A : i32 to vector<19x32x512xi32>
    %shift_left3A_38 = arith.shli %slice3A_36, %shift_left3A_37 : vector<19x32x512xi32>
    %or3A = arith.ori %slice3A, %shift_left3A_38 : vector<19x32x512xi32>
    %swap3A = arith.constant 0 : index
    %swap3A_39 = arith.constant 0 : index
    %swap3A_40 = arith.constant 0 : index
    %swap3A_41 = arith.constant 0 : index
    %swap3A_42 = vector.load %arg4[%swap3A, %swap3A_39, %swap3A_40, %swap3A_41] : memref<19x1x32x512xi32, #tpu.memory_space<vmem>>, vector<19x1x32x512xi32>
    %swap3A_43 = vector.shape_cast %swap3A_42 : vector<19x1x32x512xi32> to vector<19x32x512xi32>
    %swap3A_44 = vector.shape_cast %or3A : vector<19x32x512xi32> to vector<19x1x32x512xi32>
    tpu.vector_store %arg4[%swap3A, %swap3A_39, %swap3A_40, %swap3A_41], %swap3A_44 {strides = array<i32>} : memref<19x1x32x512xi32, #tpu.memory_space<vmem>>, vector<19x1x32x512xi32>,
    return
  }
  func.func @transform_0(%arg0: i32, %arg1: i32) -> (i32, i32, i32, i32) {
    %c0_i32 = arith.constant 0 : i32
    %c0_i32_0 = arith.constant 0 : i32
    %c0_i32_1 = arith.constant 0 : i32
    return %arg0, %c0_i32, %arg1, %c0_i32_0 : i32, i32, i32, i32
  }
  func.func @transform_1(%arg0: i32, %arg1: i32) -> (i32, i32, i32) {
    %c0_i32 = arith.constant 0 : i32
    %c0_i32_0 = arith.constant 0 : i32
    return %arg0, %arg1, %c0_i32 : i32, i32, i32
  }
  func.func @transform_2(%arg0: i32, %arg1: i32) -> (i32, i32, i32, i32) {
    %c0_i32 = arith.constant 0 : i32
    %c0_i32_0 = arith.constant 0 : i32
    %c0_i32_1 = arith.constant 0 : i32
    return %c0_i32, %arg0, %arg1, %c0_i32_0 : i32, i32, i32, i32
  }
}

module attributes {stable_mosaic.version = 14 : i64} {
  func.func @_loss_body(%arg0: memref<32x4x128x128xi32, #tpu.memory_space<vmem>>, %arg1: memref<1x1xf32, #tpu.memory_space<vmem>>) attributes {dimension_semantics = [], scalar_prefetch = 0 : i64, scratch_operands = 0 : i64, tpu.core_type = #tpu.core_type<tc>} {
    %iota3A = tpu.iota {dimensions = array<i32: 0>} : vector<128x128xi32>
    %iota3A_0 = tpu.iota {dimensions = array<i32: 1>} : vector<128x128xi32>
    %le3A = arith.cmpi sle, %iota3A, %iota3A_0 : vector<128x128xi32>
    %convert_element_type3A = arith.extui %le3A : vector<128x128xi1> to vector<128x128xi32>
    %convert_element_type3A_1 = arith.sitofp %convert_element_type3A : vector<128x128xi32> to vector<128x128xf32>
    %lt3A = arith.cmpi slt, %iota3A_0, %iota3A : vector<128x128xi32>
    %convert_element_type3A_2 = arith.extui %lt3A : vector<128x128xi1> to vector<128x128xi32>
    %convert_element_type3A_3 = arith.sitofp %convert_element_type3A_2 : vector<128x128xi32> to vector<128x128xf32>
    %mul3A = arith.constant 128 : i32
    %mul3A_4 = vector.broadcast %mul3A : i32 to vector<128x128xi32>
    %mul3A_5 = arith.muli %iota3A, %mul3A_4 : vector<128x128xi32>
    %add3A = arith.addi %mul3A_5, %iota3A_0 : vector<128x128xi32>
    %convert_element_type3A_6 = arith.sitofp %add3A : vector<128x128xi32> to vector<128x128xf32>
    %add3A_7 = arith.constant 5.000000e-01 : f32
    %add3A_8 = vector.broadcast %add3A_7 : f32 to vector<128x128xf32>
    %add3A_9 = arith.addf %convert_element_type3A_6, %add3A_8 : vector<128x128xf32>
    %mul3A_10 = arith.constant 6.10351563E-5 : f32
    %mul3A_11 = vector.broadcast %mul3A_10 : f32 to vector<128x128xf32>
    %mul3A_12 = arith.mulf %add3A_9, %mul3A_11 : vector<128x128xf32>
    %get3A = arith.constant 0 : index
    %get3A_13 = arith.constant 1 : index
    %get3A_14 = arith.constant 0 : index
    %get3A_15 = arith.constant 0 : index
    %get3A_16 = vector.load %arg0[%get3A, %get3A_13, %get3A_14, %get3A_15] : memref<32x4x128x128xi32, #tpu.memory_space<vmem>>, vector<1x1x128x128xi32>
    %get3A_17 = vector.shape_cast %get3A_16 : vector<1x1x128x128xi32> to vector<128x128xi32>
    %get3A_18 = arith.constant 0 : index
    %get3A_19 = arith.constant 0 : index
    %get3A_20 = arith.constant 0 : index
    %get3A_21 = arith.constant 0 : index
    %get3A_22 = vector.load %arg0[%get3A_18, %get3A_19, %get3A_20, %get3A_21] : memref<32x4x128x128xi32, #tpu.memory_space<vmem>>, vector<1x1x128x128xi32>
    %get3A_23 = vector.shape_cast %get3A_22 : vector<1x1x128x128xi32> to vector<128x128xi32>
    %get3A_24 = arith.constant 1 : index
    %get3A_25 = arith.constant 1 : index
    %get3A_26 = arith.constant 0 : index
    %get3A_27 = arith.constant 0 : index
    %get3A_28 = vector.load %arg0[%get3A_24, %get3A_25, %get3A_26, %get3A_27] : memref<32x4x128x128xi32, #tpu.memory_space<vmem>>, vector<1x1x128x128xi32>
    %get3A_29 = vector.shape_cast %get3A_28 : vector<1x1x128x128xi32> to vector<128x128xi32>
    %add3A_30 = arith.addi %get3A_17, %get3A_29 : vector<128x128xi32>
    %get3A_31 = arith.constant 1 : index
    %get3A_32 = arith.constant 0 : index
    %get3A_33 = arith.constant 0 : index
    %get3A_34 = arith.constant 0 : index
    %get3A_35 = vector.load %arg0[%get3A_31, %get3A_32, %get3A_33, %get3A_34] : memref<32x4x128x128xi32, #tpu.memory_space<vmem>>, vector<1x1x128x128xi32>
    %get3A_36 = vector.shape_cast %get3A_35 : vector<1x1x128x128xi32> to vector<128x128xi32>
    %add3A_37 = arith.addi %get3A_23, %get3A_36 : vector<128x128xi32>
    %add3A_38 = arith.addi %add3A_37, %add3A_30 : vector<128x128xi32>
    %convert_element_type3A_39 = arith.sitofp %add3A_30 : vector<128x128xi32> to vector<128x128xf32>
    %convert_element_type3A_40 = arith.sitofp %add3A_38 : vector<128x128xi32> to vector<128x128xf32>
    %reduce_sum3A = vector.shape_cast %convert_element_type3A_39 : vector<128x128xf32> to vector<1x128x128xf32>
    %reduce_sum3A_41 = arith.constant dense<0.000000e+00> : vector<1xf32>
    %reduce_sum3A_42 = vector.multi_reduction <add>, %reduce_sum3A, %reduce_sum3A_41 [1, 2] : vector<1x128x128xf32> to vector<1xf32>
    %reduce_sum3A_43 = vector.shape_cast %reduce_sum3A_42 : vector<1xf32> to vector<1x1x1xf32>
    %reduce_sum3A_44 = vector.extract %reduce_sum3A_43[0, 0, 0] : f32 from vector<1x1x1xf32>
    %reduce_sum3A_45 = vector.shape_cast %convert_element_type3A_40 : vector<128x128xf32> to vector<1x128x128xf32>
    %reduce_sum3A_46 = arith.constant dense<0.000000e+00> : vector<1xf32>
    %reduce_sum3A_47 = vector.multi_reduction <add>, %reduce_sum3A_45, %reduce_sum3A_46 [1, 2] : vector<1x128x128xf32> to vector<1xf32>
    %reduce_sum3A_48 = vector.shape_cast %reduce_sum3A_47 : vector<1xf32> to vector<1x1x1xf32>
    %reduce_sum3A_49 = vector.extract %reduce_sum3A_48[0, 0, 0] : f32 from vector<1x1x1xf32>
    %shift_right_arithmetic3A = arith.constant 16 : i32
    %shift_right_arithmetic3A_50 = vector.broadcast %shift_right_arithmetic3A : i32 to vector<128x128xi32>
    %shift_right_arithmetic3A_51 = arith.shrsi %add3A_38, %shift_right_arithmetic3A_50 : vector<128x128xi32>
    %and3A = arith.constant 255 : i32
    %and3A_52 = vector.broadcast %and3A : i32 to vector<128x128xi32>
    %and3A_53 = arith.andi %shift_right_arithmetic3A_51, %and3A_52 : vector<128x128xi32>
    %convert_element_type3A_54 = arith.sitofp %and3A_53 : vector<128x128xi32> to vector<128x128xf32>
    %mul3A_55 = arith.constant 6.553600e+04 : f32
    %mul3A_56 = vector.broadcast %mul3A_55 : f32 to vector<128x128xf32>
    %mul3A_57 = arith.mulf %mul3A_56, %convert_element_type3A_54 : vector<128x128xf32>
    %dot_general3A = arith.constant dense<0.000000e+00> : vector<128x128xf32>
    %dot_general3A_58 = tpu.matmul %mul3A_57, %convert_element_type3A_1, %dot_general3A {dimension_numbers = #tpu.dot_dimension_numbers<[1], [0], [0], [1], [0, 0, 1, 1], [], []>, transpose_lhs_hint = false} : vector<128x128xf32>, vector<128x128xf32>, vector<128x128xf32> -> vector<128x128xf32>
    %shift_right_arithmetic3A_59 = arith.constant 8 : i32
    %shift_right_arithmetic3A_60 = vector.broadcast %shift_right_arithmetic3A_59 : i32 to vector<128x128xi32>
    %shift_right_arithmetic3A_61 = arith.shrsi %add3A_38, %shift_right_arithmetic3A_60 : vector<128x128xi32>
    %and3A_62 = arith.constant 255 : i32
    %and3A_63 = vector.broadcast %and3A_62 : i32 to vector<128x128xi32>
    %and3A_64 = arith.andi %shift_right_arithmetic3A_61, %and3A_63 : vector<128x128xi32>
    %convert_element_type3A_65 = arith.sitofp %and3A_64 : vector<128x128xi32> to vector<128x128xf32>
    %mul3A_66 = arith.constant 2.560000e+02 : f32
    %mul3A_67 = vector.broadcast %mul3A_66 : f32 to vector<128x128xf32>
    %mul3A_68 = arith.mulf %mul3A_67, %convert_element_type3A_65 : vector<128x128xf32>
    %dot_general3A_69 = arith.constant dense<0.000000e+00> : vector<128x128xf32>
    %dot_general3A_70 = tpu.matmul %mul3A_68, %convert_element_type3A_1, %dot_general3A_69 {dimension_numbers = #tpu.dot_dimension_numbers<[1], [0], [0], [1], [0, 0, 1, 1], [], []>, transpose_lhs_hint = false} : vector<128x128xf32>, vector<128x128xf32>, vector<128x128xf32> -> vector<128x128xf32>
    %add3A_71 = arith.addf %dot_general3A_58, %dot_general3A_70 : vector<128x128xf32>
    %and3A_72 = arith.constant 255 : i32
    %and3A_73 = vector.broadcast %and3A_72 : i32 to vector<128x128xi32>
    %and3A_74 = arith.andi %add3A_38, %and3A_73 : vector<128x128xi32>
    %convert_element_type3A_75 = arith.sitofp %and3A_74 : vector<128x128xi32> to vector<128x128xf32>
    %dot_general3A_76 = arith.constant dense<0.000000e+00> : vector<128x128xf32>
    %dot_general3A_77 = tpu.matmul %convert_element_type3A_75, %convert_element_type3A_1, %dot_general3A_76 {dimension_numbers = #tpu.dot_dimension_numbers<[1], [0], [0], [1], [0, 0, 1, 1], [], []>, transpose_lhs_hint = false} : vector<128x128xf32>, vector<128x128xf32>, vector<128x128xf32> -> vector<128x128xf32>
    %add3A_78 = arith.addf %add3A_71, %dot_general3A_77 : vector<128x128xf32>
    %slice3A = vector.extract_strided_slice %add3A_78 {offsets = [0, 127], sizes = [128, 1], strides = [1, 1]} : vector<128x128xf32> to vector<128x1xf32>
    %convert_element_type3A_79 = arith.fptosi %slice3A : vector<128x1xf32> to vector<128x1xi32>
    %shift_right_arithmetic3A_80 = arith.constant 16 : i32
    %shift_right_arithmetic3A_81 = vector.broadcast %shift_right_arithmetic3A_80 : i32 to vector<128x1xi32>
    %shift_right_arithmetic3A_82 = arith.shrsi %convert_element_type3A_79, %shift_right_arithmetic3A_81 : vector<128x1xi32>
    %and3A_83 = arith.constant 255 : i32
    %and3A_84 = vector.broadcast %and3A_83 : i32 to vector<128x1xi32>
    %and3A_85 = arith.andi %shift_right_arithmetic3A_82, %and3A_84 : vector<128x1xi32>
    %convert_element_type3A_86 = arith.sitofp %and3A_85 : vector<128x1xi32> to vector<128x1xf32>
    %mul3A_87 = arith.constant 6.553600e+04 : f32
    %mul3A_88 = vector.broadcast %mul3A_87 : f32 to vector<128x1xf32>
    %mul3A_89 = arith.mulf %mul3A_88, %convert_element_type3A_86 : vector<128x1xf32>
    %dot_general3A_90 = arith.constant dense<0.000000e+00> : vector<128x1xf32>
    %dot_general3A_91 = tpu.matmul %convert_element_type3A_3, %mul3A_89, %dot_general3A_90 {dimension_numbers = #tpu.dot_dimension_numbers<[1], [0], [0], [1], [0, 0, 1, 1], [], []>, transpose_lhs_hint = false} : vector<128x128xf32>, vector<128x1xf32>, vector<128x1xf32> -> vector<128x1xf32>
    %shift_right_arithmetic3A_92 = arith.constant 8 : i32
    %shift_right_arithmetic3A_93 = vector.broadcast %shift_right_arithmetic3A_92 : i32 to vector<128x1xi32>
    %shift_right_arithmetic3A_94 = arith.shrsi %convert_element_type3A_79, %shift_right_arithmetic3A_93 : vector<128x1xi32>
    %and3A_95 = arith.constant 255 : i32
    %and3A_96 = vector.broadcast %and3A_95 : i32 to vector<128x1xi32>
    %and3A_97 = arith.andi %shift_right_arithmetic3A_94, %and3A_96 : vector<128x1xi32>
    %convert_element_type3A_98 = arith.sitofp %and3A_97 : vector<128x1xi32> to vector<128x1xf32>
    %mul3A_99 = arith.constant 2.560000e+02 : f32
    %mul3A_100 = vector.broadcast %mul3A_99 : f32 to vector<128x1xf32>
    %mul3A_101 = arith.mulf %mul3A_100, %convert_element_type3A_98 : vector<128x1xf32>
    %dot_general3A_102 = arith.constant dense<0.000000e+00> : vector<128x1xf32>
    %dot_general3A_103 = tpu.matmul %convert_element_type3A_3, %mul3A_101, %dot_general3A_102 {dimension_numbers = #tpu.dot_dimension_numbers<[1], [0], [0], [1], [0, 0, 1, 1], [], []>, transpose_lhs_hint = false} : vector<128x128xf32>, vector<128x1xf32>, vector<128x1xf32> -> vector<128x1xf32>
    %add3A_104 = arith.addf %dot_general3A_91, %dot_general3A_103 : vector<128x1xf32>
    %and3A_105 = arith.constant 255 : i32
    %and3A_106 = vector.broadcast %and3A_105 : i32 to vector<128x1xi32>
    %and3A_107 = arith.andi %convert_element_type3A_79, %and3A_106 : vector<128x1xi32>
    %convert_element_type3A_108 = arith.sitofp %and3A_107 : vector<128x1xi32> to vector<128x1xf32>
    %dot_general3A_109 = arith.constant dense<0.000000e+00> : vector<128x1xf32>
    %dot_general3A_110 = tpu.matmul %convert_element_type3A_3, %convert_element_type3A_108, %dot_general3A_109 {dimension_numbers = #tpu.dot_dimension_numbers<[1], [0], [0], [1], [0, 0, 1, 1], [], []>, transpose_lhs_hint = false} : vector<128x128xf32>, vector<128x1xf32>, vector<128x1xf32> -> vector<128x1xf32>
    %add3A_111 = arith.addf %add3A_104, %dot_general3A_110 : vector<128x1xf32>
    %add3A_112 = vector.broadcast %add3A_111 : vector<128x1xf32> to vector<128x128xf32>
    %add3A_113 = arith.addf %add3A_78, %add3A_112 : vector<128x128xf32>
    %shift_right_arithmetic3A_114 = arith.constant 16 : i32
    %shift_right_arithmetic3A_115 = vector.broadcast %shift_right_arithmetic3A_114 : i32 to vector<128x128xi32>
    %shift_right_arithmetic3A_116 = arith.shrsi %add3A_30, %shift_right_arithmetic3A_115 : vector<128x128xi32>
    %and3A_117 = arith.constant 255 : i32
    %and3A_118 = vector.broadcast %and3A_117 : i32 to vector<128x128xi32>
    %and3A_119 = arith.andi %shift_right_arithmetic3A_116, %and3A_118 : vector<128x128xi32>
    %convert_element_type3A_120 = arith.sitofp %and3A_119 : vector<128x128xi32> to vector<128x128xf32>
    %mul3A_121 = arith.constant 6.553600e+04 : f32
    %mul3A_122 = vector.broadcast %mul3A_121 : f32 to vector<128x128xf32>
    %mul3A_123 = arith.mulf %mul3A_122, %convert_element_type3A_120 : vector<128x128xf32>
    %dot_general3A_124 = arith.constant dense<0.000000e+00> : vector<128x128xf32>
    %dot_general3A_125 = tpu.matmul %mul3A_123, %convert_element_type3A_1, %dot_general3A_124 {dimension_numbers = #tpu.dot_dimension_numbers<[1], [0], [0], [1], [0, 0, 1, 1], [], []>, transpose_lhs_hint = false} : vector<128x128xf32>, vector<128x128xf32>, vector<128x128xf32> -> vector<128x128xf32>
    %shift_right_arithmetic3A_126 = arith.constant 8 : i32
    %shift_right_arithmetic3A_127 = vector.broadcast %shift_right_arithmetic3A_126 : i32 to vector<128x128xi32>
    %shift_right_arithmetic3A_128 = arith.shrsi %add3A_30, %shift_right_arithmetic3A_127 : vector<128x128xi32>
    %and3A_129 = arith.constant 255 : i32
    %and3A_130 = vector.broadcast %and3A_129 : i32 to vector<128x128xi32>
    %and3A_131 = arith.andi %shift_right_arithmetic3A_128, %and3A_130 : vector<128x128xi32>
    %convert_element_type3A_132 = arith.sitofp %and3A_131 : vector<128x128xi32> to vector<128x128xf32>
    %mul3A_133 = arith.constant 2.560000e+02 : f32
    %mul3A_134 = vector.broadcast %mul3A_133 : f32 to vector<128x128xf32>
    %mul3A_135 = arith.mulf %mul3A_134, %convert_element_type3A_132 : vector<128x128xf32>
    %dot_general3A_136 = arith.constant dense<0.000000e+00> : vector<128x128xf32>
    %dot_general3A_137 = tpu.matmul %mul3A_135, %convert_element_type3A_1, %dot_general3A_136 {dimension_numbers = #tpu.dot_dimension_numbers<[1], [0], [0], [1], [0, 0, 1, 1], [], []>, transpose_lhs_hint = false} : vector<128x128xf32>, vector<128x128xf32>, vector<128x128xf32> -> vector<128x128xf32>
    %add3A_138 = arith.addf %dot_general3A_125, %dot_general3A_137 : vector<128x128xf32>
    %and3A_139 = arith.constant 255 : i32
    %and3A_140 = vector.broadcast %and3A_139 : i32 to vector<128x128xi32>
    %and3A_141 = arith.andi %add3A_30, %and3A_140 : vector<128x128xi32>
    %convert_element_type3A_142 = arith.sitofp %and3A_141 : vector<128x128xi32> to vector<128x128xf32>
    %dot_general3A_143 = arith.constant dense<0.000000e+00> : vector<128x128xf32>
    %dot_general3A_144 = tpu.matmul %convert_element_type3A_142, %convert_element_type3A_1, %dot_general3A_143 {dimension_numbers = #tpu.dot_dimension_numbers<[1], [0], [0], [1], [0, 0, 1, 1], [], []>, transpose_lhs_hint = false} : vector<128x128xf32>, vector<128x128xf32>, vector<128x128xf32> -> vector<128x128xf32>
    %add3A_145 = arith.addf %add3A_138, %dot_general3A_144 : vector<128x128xf32>
    %slice3A_146 = vector.extract_strided_slice %add3A_145 {offsets = [0, 127], sizes = [128, 1], strides = [1, 1]} : vector<128x128xf32> to vector<128x1xf32>
    %convert_element_type3A_147 = arith.fptosi %slice3A_146 : vector<128x1xf32> to vector<128x1xi32>
    %shift_right_arithmetic3A_148 = arith.constant 16 : i32
    %shift_right_arithmetic3A_149 = vector.broadcast %shift_right_arithmetic3A_148 : i32 to vector<128x1xi32>
    %shift_right_arithmetic3A_150 = arith.shrsi %convert_element_type3A_147, %shift_right_arithmetic3A_149 : vector<128x1xi32>
    %and3A_151 = arith.constant 255 : i32
    %and3A_152 = vector.broadcast %and3A_151 : i32 to vector<128x1xi32>
    %and3A_153 = arith.andi %shift_right_arithmetic3A_150, %and3A_152 : vector<128x1xi32>
    %convert_element_type3A_154 = arith.sitofp %and3A_153 : vector<128x1xi32> to vector<128x1xf32>
    %mul3A_155 = arith.constant 6.553600e+04 : f32
    %mul3A_156 = vector.broadcast %mul3A_155 : f32 to vector<128x1xf32>
    %mul3A_157 = arith.mulf %mul3A_156, %convert_element_type3A_154 : vector<128x1xf32>
    %dot_general3A_158 = arith.constant dense<0.000000e+00> : vector<128x1xf32>
    %dot_general3A_159 = tpu.matmul %convert_element_type3A_3, %mul3A_157, %dot_general3A_158 {dimension_numbers = #tpu.dot_dimension_numbers<[1], [0], [0], [1], [0, 0, 1, 1], [], []>, transpose_lhs_hint = false} : vector<128x128xf32>, vector<128x1xf32>, vector<128x1xf32> -> vector<128x1xf32>
    %shift_right_arithmetic3A_160 = arith.constant 8 : i32
    %shift_right_arithmetic3A_161 = vector.broadcast %shift_right_arithmetic3A_160 : i32 to vector<128x1xi32>
    %shift_right_arithmetic3A_162 = arith.shrsi %convert_element_type3A_147, %shift_right_arithmetic3A_161 : vector<128x1xi32>
    %and3A_163 = arith.constant 255 : i32
    %and3A_164 = vector.broadcast %and3A_163 : i32 to vector<128x1xi32>
    %and3A_165 = arith.andi %shift_right_arithmetic3A_162, %and3A_164 : vector<128x1xi32>
    %convert_element_type3A_166 = arith.sitofp %and3A_165 : vector<128x1xi32> to vector<128x1xf32>
    %mul3A_167 = arith.constant 2.560000e+02 : f32
    %mul3A_168 = vector.broadcast %mul3A_167 : f32 to vector<128x1xf32>
    %mul3A_169 = arith.mulf %mul3A_168, %convert_element_type3A_166 : vector<128x1xf32>
    %dot_general3A_170 = arith.constant dense<0.000000e+00> : vector<128x1xf32>
    %dot_general3A_171 = tpu.matmul %convert_element_type3A_3, %mul3A_169, %dot_general3A_170 {dimension_numbers = #tpu.dot_dimension_numbers<[1], [0], [0], [1], [0, 0, 1, 1], [], []>, transpose_lhs_hint = false} : vector<128x128xf32>, vector<128x1xf32>, vector<128x1xf32> -> vector<128x1xf32>
    %add3A_172 = arith.addf %dot_general3A_159, %dot_general3A_171 : vector<128x1xf32>
    %and3A_173 = arith.constant 255 : i32
    %and3A_174 = vector.broadcast %and3A_173 : i32 to vector<128x1xi32>
    %and3A_175 = arith.andi %convert_element_type3A_147, %and3A_174 : vector<128x1xi32>
    %convert_element_type3A_176 = arith.sitofp %and3A_175 : vector<128x1xi32> to vector<128x1xf32>
    %dot_general3A_177 = arith.constant dense<0.000000e+00> : vector<128x1xf32>
    %dot_general3A_178 = tpu.matmul %convert_element_type3A_3, %convert_element_type3A_176, %dot_general3A_177 {dimension_numbers = #tpu.dot_dimension_numbers<[1], [0], [0], [1], [0, 0, 1, 1], [], []>, transpose_lhs_hint = false} : vector<128x128xf32>, vector<128x1xf32>, vector<128x1xf32> -> vector<128x1xf32>
    %add3A_179 = arith.addf %add3A_172, %dot_general3A_178 : vector<128x1xf32>
    %add3A_180 = vector.broadcast %add3A_179 : vector<128x1xf32> to vector<128x128xf32>
    %add3A_181 = arith.addf %add3A_145, %add3A_180 : vector<128x128xf32>
    %sub3A = vector.broadcast %reduce_sum3A_49 : f32 to vector<128x128xf32>
    %sub3A_182 = arith.subf %sub3A, %add3A_113 : vector<128x128xf32>
    %add3A_183 = arith.addf %sub3A_182, %convert_element_type3A_40 : vector<128x128xf32>
    %sub3A_184 = vector.broadcast %reduce_sum3A_44 : f32 to vector<128x128xf32>
    %sub3A_185 = arith.subf %sub3A_184, %add3A_181 : vector<128x128xf32>
    %add3A_186 = arith.addf %sub3A_185, %convert_element_type3A_39 : vector<128x128xf32>
    %sub3A_187 = arith.subf %add3A_183, %convert_element_type3A_40 : vector<128x128xf32>
    %sub3A_188 = arith.subf %add3A_186, %convert_element_type3A_39 : vector<128x128xf32>
    %add3A_189 = vector.broadcast %reduce_sum3A_44 : f32 to vector<128x128xf32>
    %add3A_190 = arith.addf %add3A_189, %add3A_183 : vector<128x128xf32>
    %sub3A_191 = arith.subf %add3A_190, %add3A_186 : vector<128x128xf32>
    %max3A = arith.constant 1.000000e+00 : f32
    %max3A_192 = vector.broadcast %max3A : f32 to vector<128x128xf32>
    %max3A_193 = arith.maximumf %sub3A_191, %max3A_192 : vector<128x128xf32>
    %gt3A = arith.constant 0.000000e+00 : f32
    %gt3A_194 = vector.broadcast %gt3A : f32 to vector<128x128xf32>
    %gt3A_195 = arith.cmpf ogt, %add3A_183, %gt3A_194 : vector<128x128xf32>
    %sub3A_196 = vector.broadcast %reduce_sum3A_44 : f32 to vector<128x128xf32>
    %sub3A_197 = arith.subf %sub3A_196, %add3A_186 : vector<128x128xf32>
    %div3A = arith.divf %sub3A_197, %max3A_193 : vector<128x128xf32>
    %sub3A_198 = arith.constant 1.000000e+00 : f32
    %sub3A_199 = vector.broadcast %sub3A_198 : f32 to vector<128x128xf32>
    %sub3A_200 = arith.subf %sub3A_199, %div3A : vector<128x128xf32>
    %jit3A = arith.constant 0.000000e+00 : f32
    %broadcast_in_dim3A = vector.broadcast %jit3A : f32 to vector<128x128xf32>
    %select_n3A = arith.select %gt3A_195, %sub3A_200, %broadcast_in_dim3A : vector<128x128xi1>, vector<128x128xf32>
    %add3A_201 = vector.broadcast %reduce_sum3A_44 : f32 to vector<128x128xf32>
    %add3A_202 = arith.addf %add3A_201, %sub3A_187 : vector<128x128xf32>
    %sub3A_203 = arith.subf %add3A_202, %sub3A_188 : vector<128x128xf32>
    %max3A_204 = arith.constant 1.000000e+00 : f32
    %max3A_205 = vector.broadcast %max3A_204 : f32 to vector<128x128xf32>
    %max3A_206 = arith.maximumf %sub3A_203, %max3A_205 : vector<128x128xf32>
    %gt3A_207 = arith.constant 0.000000e+00 : f32
    %gt3A_208 = vector.broadcast %gt3A_207 : f32 to vector<128x128xf32>
    %gt3A_209 = arith.cmpf ogt, %sub3A_187, %gt3A_208 : vector<128x128xf32>
    %sub3A_210 = vector.broadcast %reduce_sum3A_44 : f32 to vector<128x128xf32>
    %sub3A_211 = arith.subf %sub3A_210, %sub3A_188 : vector<128x128xf32>
    %div3A_212 = arith.divf %sub3A_211, %max3A_206 : vector<128x128xf32>
    %sub3A_213 = arith.constant 1.000000e+00 : f32
    %sub3A_214 = vector.broadcast %sub3A_213 : f32 to vector<128x128xf32>
    %sub3A_215 = arith.subf %sub3A_214, %div3A_212 : vector<128x128xf32>
    %jit3A_216 = arith.constant 0.000000e+00 : f32
    %broadcast_in_dim3A_217 = vector.broadcast %jit3A_216 : f32 to vector<128x128xf32>
    %select_n3A_218 = arith.select %gt3A_209, %sub3A_215, %broadcast_in_dim3A_217 : vector<128x128xi1>, vector<128x128xf32>
    %sub3A_219 = arith.subf %select_n3A, %select_n3A_218 : vector<128x128xf32>
    %mul3A_220 = arith.mulf %mul3A_12, %sub3A_219 : vector<128x128xf32>
    %reduce_sum3A_221 = vector.shape_cast %mul3A_220 : vector<128x128xf32> to vector<1x128x128xf32>
    %reduce_sum3A_222 = arith.constant dense<0.000000e+00> : vector<1xf32>
    %reduce_sum3A_223 = vector.multi_reduction <add>, %reduce_sum3A_221, %reduce_sum3A_222 [1, 2] : vector<1x128x128xf32> to vector<1xf32>
    %reduce_sum3A_224 = vector.shape_cast %reduce_sum3A_223 : vector<1xf32> to vector<1x1x1xf32>
    %reduce_sum3A_225 = vector.extract %reduce_sum3A_224[0, 0, 0] : f32 from vector<1x1x1xf32>
    %gt3A_226 = arith.constant 0.000000e+00 : f32
    %gt3A_227 = arith.cmpf ogt, %reduce_sum3A_44, %gt3A_226 : f32
    %convert_element_type3A_228 = arith.extui %gt3A_227 : i1 to i32
    %convert_element_type3A_229 = arith.sitofp %convert_element_type3A_228 : i32 to f32
    %mul3A_230 = arith.mulf %reduce_sum3A_225, %convert_element_type3A_229 : f32
    %add3A_231 = arith.constant 0.000000e+00 : f32
    %add3A_232 = arith.addf %add3A_231, %mul3A_230 : f32
    %add3A_233 = arith.constant 0.000000e+00 : f32
    %add3A_234 = arith.addf %add3A_233, %convert_element_type3A_229 : f32
    %get3A_235 = arith.constant 1 : index
    %get3A_236 = arith.constant 3 : index
    %get3A_237 = arith.constant 0 : index
    %get3A_238 = arith.constant 0 : index
    %get3A_239 = vector.load %arg0[%get3A_235, %get3A_236, %get3A_237, %get3A_238] : memref<32x4x128x128xi32, #tpu.memory_space<vmem>>, vector<1x1x128x128xi32>
    %get3A_240 = vector.shape_cast %get3A_239 : vector<1x1x128x128xi32> to vector<128x128xi32>
    %get3A_241 = arith.constant 1 : index
    %get3A_242 = arith.constant 2 : index
    %get3A_243 = arith.constant 0 : index
    %get3A_244 = arith.constant 0 : index
    %get3A_245 = vector.load %arg0[%get3A_241, %get3A_242, %get3A_243, %get3A_244] : memref<32x4x128x128xi32, #tpu.memory_space<vmem>>, vector<1x1x128x128xi32>
    %get3A_246 = vector.shape_cast %get3A_245 : vector<1x1x128x128xi32> to vector<128x128xi32>
    %get3A_247 = arith.constant 2 : index
    %get3A_248 = arith.constant 3 : index
    %get3A_249 = arith.constant 0 : index
    %get3A_250 = arith.constant 0 : index
    %get3A_251 = vector.load %arg0[%get3A_247, %get3A_248, %get3A_249, %get3A_250] : memref<32x4x128x128xi32, #tpu.memory_space<vmem>>, vector<1x1x128x128xi32>
    %get3A_252 = vector.shape_cast %get3A_251 : vector<1x1x128x128xi32> to vector<128x128xi32>
    %add3A_253 = arith.addi %get3A_240, %get3A_252 : vector<128x128xi32>
    %get3A_254 = arith.constant 2 : index
    %get3A_255 = arith.constant 2 : index
    %get3A_256 = arith.constant 0 : index
    %get3A_257 = arith.constant 0 : index
    %get3A_258 = vector.load %arg0[%get3A_254, %get3A_255, %get3A_256, %get3A_257] : memref<32x4x128x128xi32, #tpu.memory_space<vmem>>, vector<1x1x128x128xi32>
    %get3A_259 = vector.shape_cast %get3A_258 : vector<1x1x128x128xi32> to vector<128x128xi32>
    %add3A_260 = arith.addi %get3A_246, %get3A_259 : vector<128x128xi32>
    %get3A_261 = arith.constant 3 : index
    %get3A_262 = arith.constant 3 : index
    %get3A_263 = arith.constant 0 : index
    %get3A_264 = arith.constant 0 : index
    %get3A_265 = vector.load %arg0[%get3A_261, %get3A_262, %get3A_263, %get3A_264] : memref<32x4x128x128xi32, #tpu.memory_space<vmem>>, vector<1x1x128x128xi32>
    %get3A_266 = vector.shape_cast %get3A_265 : vector<1x1x128x128xi32> to vector<128x128xi32>
    %add3A_267 = arith.addi %add3A_253, %get3A_266 : vector<128x128xi32>
    %get3A_268 = arith.constant 3 : index
    %get3A_269 = arith.constant 2 : index
    %get3A_270 = arith.constant 0 : index
    %get3A_271 = arith.constant 0 : index
    %get3A_272 = vector.load %arg0[%get3A_268, %get3A_269, %get3A_270, %get3A_271] : memref<32x4x128x128xi32, #tpu.memory_space<vmem>>, vector<1x1x128x128xi32>
    %get3A_273 = vector.shape_cast %get3A_272 : vector<1x1x128x128xi32> to vector<128x128xi32>
    %add3A_274 = arith.addi %add3A_260, %get3A_273 : vector<128x128xi32>
    %add3A_275 = arith.addi %add3A_274, %add3A_267 : vector<128x128xi32>
    %convert_element_type3A_276 = arith.sitofp %add3A_267 : vector<128x128xi32> to vector<128x128xf32>
    %convert_element_type3A_277 = arith.sitofp %add3A_275 : vector<128x128xi32> to vector<128x128xf32>
    %reduce_sum3A_278 = vector.shape_cast %convert_element_type3A_276 : vector<128x128xf32> to vector<1x128x128xf32>
    %reduce_sum3A_279 = arith.constant dense<0.000000e+00> : vector<1xf32>
    %reduce_sum3A_280 = vector.multi_reduction <add>, %reduce_sum3A_278, %reduce_sum3A_279 [1, 2] : vector<1x128x128xf32> to vector<1xf32>
    %reduce_sum3A_281 = vector.shape_cast %reduce_sum3A_280 : vector<1xf32> to vector<1x1x1xf32>
    %reduce_sum3A_282 = vector.extract %reduce_sum3A_281[0, 0, 0] : f32 from vector<1x1x1xf32>
    %reduce_sum3A_283 = vector.shape_cast %convert_element_type3A_277 : vector<128x128xf32> to vector<1x128x128xf32>
    %reduce_sum3A_284 = arith.constant dense<0.000000e+00> : vector<1xf32>
    %reduce_sum3A_285 = vector.multi_reduction <add>, %reduce_sum3A_283, %reduce_sum3A_284 [1, 2] : vector<1x128x128xf32> to vector<1xf32>
    %reduce_sum3A_286 = vector.shape_cast %reduce_sum3A_285 : vector<1xf32> to vector<1x1x1xf32>
    %reduce_sum3A_287 = vector.extract %reduce_sum3A_286[0, 0, 0] : f32 from vector<1x1x1xf32>
    %shift_right_arithmetic3A_288 = arith.constant 16 : i32
    %shift_right_arithmetic3A_289 = vector.broadcast %shift_right_arithmetic3A_288 : i32 to vector<128x128xi32>
    %shift_right_arithmetic3A_290 = arith.shrsi %add3A_275, %shift_right_arithmetic3A_289 : vector<128x128xi32>
    %and3A_291 = arith.constant 255 : i32
    %and3A_292 = vector.broadcast %and3A_291 : i32 to vector<128x128xi32>
    %and3A_293 = arith.andi %shift_right_arithmetic3A_290, %and3A_292 : vector<128x128xi32>
    %convert_element_type3A_294 = arith.sitofp %and3A_293 : vector<128x128xi32> to vector<128x128xf32>
    %mul3A_295 = arith.constant 6.553600e+04 : f32
    %mul3A_296 = vector.broadcast %mul3A_295 : f32 to vector<128x128xf32>
    %mul3A_297 = arith.mulf %mul3A_296, %convert_element_type3A_294 : vector<128x128xf32>
    %dot_general3A_298 = arith.constant dense<0.000000e+00> : vector<128x128xf32>
    %dot_general3A_299 = tpu.matmul %mul3A_297, %convert_element_type3A_1, %dot_general3A_298 {dimension_numbers = #tpu.dot_dimension_numbers<[1], [0], [0], [1], [0, 0, 1, 1], [], []>, transpose_lhs_hint = false} : vector<128x128xf32>, vector<128x128xf32>, vector<128x128xf32> -> vector<128x128xf32>
    %shift_right_arithmetic3A_300 = arith.constant 8 : i32
    %shift_right_arithmetic3A_301 = vector.broadcast %shift_right_arithmetic3A_300 : i32 to vector<128x128xi32>
    %shift_right_arithmetic3A_302 = arith.shrsi %add3A_275, %shift_right_arithmetic3A_301 : vector<128x128xi32>
    %and3A_303 = arith.constant 255 : i32
    %and3A_304 = vector.broadcast %and3A_303 : i32 to vector<128x128xi32>
    %and3A_305 = arith.andi %shift_right_arithmetic3A_302, %and3A_304 : vector<128x128xi32>
    %convert_element_type3A_306 = arith.sitofp %and3A_305 : vector<128x128xi32> to vector<128x128xf32>
    %mul3A_307 = arith.constant 2.560000e+02 : f32
    %mul3A_308 = vector.broadcast %mul3A_307 : f32 to vector<128x128xf32>
    %mul3A_309 = arith.mulf %mul3A_308, %convert_element_type3A_306 : vector<128x128xf32>
    %dot_general3A_310 = arith.constant dense<0.000000e+00> : vector<128x128xf32>
    %dot_general3A_311 = tpu.matmul %mul3A_309, %convert_element_type3A_1, %dot_general3A_310 {dimension_numbers = #tpu.dot_dimension_numbers<[1], [0], [0], [1], [0, 0, 1, 1], [], []>, transpose_lhs_hint = false} : vector<128x128xf32>, vector<128x128xf32>, vector<128x128xf32> -> vector<128x128xf32>
    %add3A_312 = arith.addf %dot_general3A_299, %dot_general3A_311 : vector<128x128xf32>
    %and3A_313 = arith.constant 255 : i32
    %and3A_314 = vector.broadcast %and3A_313 : i32 to vector<128x128xi32>
    %and3A_315 = arith.andi %add3A_275, %and3A_314 : vector<128x128xi32>
    %convert_element_type3A_316 = arith.sitofp %and3A_315 : vector<128x128xi32> to vector<128x128xf32>
    %dot_general3A_317 = arith.constant dense<0.000000e+00> : vector<128x128xf32>
    %dot_general3A_318 = tpu.matmul %convert_element_type3A_316, %convert_element_type3A_1, %dot_general3A_317 {dimension_numbers = #tpu.dot_dimension_numbers<[1], [0], [0], [1], [0, 0, 1, 1], [], []>, transpose_lhs_hint = false} : vector<128x128xf32>, vector<128x128xf32>, vector<128x128xf32> -> vector<128x128xf32>
    %add3A_319 = arith.addf %add3A_312, %dot_general3A_318 : vector<128x128xf32>
    %slice3A_320 = vector.extract_strided_slice %add3A_319 {offsets = [0, 127], sizes = [128, 1], strides = [1, 1]} : vector<128x128xf32> to vector<128x1xf32>
    %convert_element_type3A_321 = arith.fptosi %slice3A_320 : vector<128x1xf32> to vector<128x1xi32>
    %shift_right_arithmetic3A_322 = arith.constant 16 : i32
    %shift_right_arithmetic3A_323 = vector.broadcast %shift_right_arithmetic3A_322 : i32 to vector<128x1xi32>
    %shift_right_arithmetic3A_324 = arith.shrsi %convert_element_type3A_321, %shift_right_arithmetic3A_323 : vector<128x1xi32>
    %and3A_325 = arith.constant 255 : i32
    %and3A_326 = vector.broadcast %and3A_325 : i32 to vector<128x1xi32>
    %and3A_327 = arith.andi %shift_right_arithmetic3A_324, %and3A_326 : vector<128x1xi32>
    %convert_element_type3A_328 = arith.sitofp %and3A_327 : vector<128x1xi32> to vector<128x1xf32>
    %mul3A_329 = arith.constant 6.553600e+04 : f32
    %mul3A_330 = vector.broadcast %mul3A_329 : f32 to vector<128x1xf32>
    %mul3A_331 = arith.mulf %mul3A_330, %convert_element_type3A_328 : vector<128x1xf32>
    %dot_general3A_332 = arith.constant dense<0.000000e+00> : vector<128x1xf32>
    %dot_general3A_333 = tpu.matmul %convert_element_type3A_3, %mul3A_331, %dot_general3A_332 {dimension_numbers = #tpu.dot_dimension_numbers<[1], [0], [0], [1], [0, 0, 1, 1], [], []>, transpose_lhs_hint = false} : vector<128x128xf32>, vector<128x1xf32>, vector<128x1xf32> -> vector<128x1xf32>
    %shift_right_arithmetic3A_334 = arith.constant 8 : i32
    %shift_right_arithmetic3A_335 = vector.broadcast %shift_right_arithmetic3A_334 : i32 to vector<128x1xi32>
    %shift_right_arithmetic3A_336 = arith.shrsi %convert_element_type3A_321, %shift_right_arithmetic3A_335 : vector<128x1xi32>
    %and3A_337 = arith.constant 255 : i32
    %and3A_338 = vector.broadcast %and3A_337 : i32 to vector<128x1xi32>
    %and3A_339 = arith.andi %shift_right_arithmetic3A_336, %and3A_338 : vector<128x1xi32>
    %convert_element_type3A_340 = arith.sitofp %and3A_339 : vector<128x1xi32> to vector<128x1xf32>
    %mul3A_341 = arith.constant 2.560000e+02 : f32
    %mul3A_342 = vector.broadcast %mul3A_341 : f32 to vector<128x1xf32>
    %mul3A_343 = arith.mulf %mul3A_342, %convert_element_type3A_340 : vector<128x1xf32>
    %dot_general3A_344 = arith.constant dense<0.000000e+00> : vector<128x1xf32>
    %dot_general3A_345 = tpu.matmul %convert_element_type3A_3, %mul3A_343, %dot_general3A_344 {dimension_numbers = #tpu.dot_dimension_numbers<[1], [0], [0], [1], [0, 0, 1, 1], [], []>, transpose_lhs_hint = false} : vector<128x128xf32>, vector<128x1xf32>, vector<128x1xf32> -> vector<128x1xf32>
    %add3A_346 = arith.addf %dot_general3A_333, %dot_general3A_345 : vector<128x1xf32>
    %and3A_347 = arith.constant 255 : i32
    %and3A_348 = vector.broadcast %and3A_347 : i32 to vector<128x1xi32>
    %and3A_349 = arith.andi %convert_element_type3A_321, %and3A_348 : vector<128x1xi32>
    %convert_element_type3A_350 = arith.sitofp %and3A_349 : vector<128x1xi32> to vector<128x1xf32>
    %dot_general3A_351 = arith.constant dense<0.000000e+00> : vector<128x1xf32>
    %dot_general3A_352 = tpu.matmul %convert_element_type3A_3, %convert_element_type3A_350, %dot_general3A_351 {dimension_numbers = #tpu.dot_dimension_numbers<[1], [0], [0], [1], [0, 0, 1, 1], [], []>, transpose_lhs_hint = false} : vector<128x128xf32>, vector<128x1xf32>, vector<128x1xf32> -> vector<128x1xf32>
    %add3A_353 = arith.addf %add3A_346, %dot_general3A_352 : vector<128x1xf32>
    %add3A_354 = vector.broadcast %add3A_353 : vector<128x1xf32> to vector<128x128xf32>
    %add3A_355 = arith.addf %add3A_319, %add3A_354 : vector<128x128xf32>
    %shift_right_arithmetic3A_356 = arith.constant 16 : i32
    %shift_right_arithmetic3A_357 = vector.broadcast %shift_right_arithmetic3A_356 : i32 to vector<128x128xi32>
    %shift_right_arithmetic3A_358 = arith.shrsi %add3A_267, %shift_right_arithmetic3A_357 : vector<128x128xi32>
    %and3A_359 = arith.constant 255 : i32
    %and3A_360 = vector.broadcast %and3A_359 : i32 to vector<128x128xi32>
    %and3A_361 = arith.andi %shift_right_arithmetic3A_358, %and3A_360 : vector<128x128xi32>
    %convert_element_type3A_362 = arith.sitofp %and3A_361 : vector<128x128xi32> to vector<128x128xf32>
    %mul3A_363 = arith.constant 6.553600e+04 : f32
    %mul3A_364 = vector.broadcast %mul3A_363 : f32 to vector<128x128xf32>
    %mul3A_365 = arith.mulf %mul3A_364, %convert_element_type3A_362 : vector<128x128xf32>
    %dot_general3A_366 = arith.constant dense<0.000000e+00> : vector<128x128xf32>
    %dot_general3A_367 = tpu.matmul %mul3A_365, %convert_element_type3A_1, %dot_general3A_366 {dimension_numbers = #tpu.dot_dimension_numbers<[1], [0], [0], [1], [0, 0, 1, 1], [], []>, transpose_lhs_hint = false} : vector<128x128xf32>, vector<128x128xf32>, vector<128x128xf32> -> vector<128x128xf32>
    %shift_right_arithmetic3A_368 = arith.constant 8 : i32
    %shift_right_arithmetic3A_369 = vector.broadcast %shift_right_arithmetic3A_368 : i32 to vector<128x128xi32>
    %shift_right_arithmetic3A_370 = arith.shrsi %add3A_267, %shift_right_arithmetic3A_369 : vector<128x128xi32>
    %and3A_371 = arith.constant 255 : i32
    %and3A_372 = vector.broadcast %and3A_371 : i32 to vector<128x128xi32>
    %and3A_373 = arith.andi %shift_right_arithmetic3A_370, %and3A_372 : vector<128x128xi32>
    %convert_element_type3A_374 = arith.sitofp %and3A_373 : vector<128x128xi32> to vector<128x128xf32>
    %mul3A_375 = arith.constant 2.560000e+02 : f32
    %mul3A_376 = vector.broadcast %mul3A_375 : f32 to vector<128x128xf32>
    %mul3A_377 = arith.mulf %mul3A_376, %convert_element_type3A_374 : vector<128x128xf32>
    %dot_general3A_378 = arith.constant dense<0.000000e+00> : vector<128x128xf32>
    %dot_general3A_379 = tpu.matmul %mul3A_377, %convert_element_type3A_1, %dot_general3A_378 {dimension_numbers = #tpu.dot_dimension_numbers<[1], [0], [0], [1], [0, 0, 1, 1], [], []>, transpose_lhs_hint = false} : vector<128x128xf32>, vector<128x128xf32>, vector<128x128xf32> -> vector<128x128xf32>
    %add3A_380 = arith.addf %dot_general3A_367, %dot_general3A_379 : vector<128x128xf32>
    %and3A_381 = arith.constant 255 : i32
    %and3A_382 = vector.broadcast %and3A_381 : i32 to vector<128x128xi32>
    %and3A_383 = arith.andi %add3A_267, %and3A_382 : vector<128x128xi32>
    %convert_element_type3A_384 = arith.sitofp %and3A_383 : vector<128x128xi32> to vector<128x128xf32>
    %dot_general3A_385 = arith.constant dense<0.000000e+00> : vector<128x128xf32>
    %dot_general3A_386 = tpu.matmul %convert_element_type3A_384, %convert_element_type3A_1, %dot_general3A_385 {dimension_numbers = #tpu.dot_dimension_numbers<[1], [0], [0], [1], [0, 0, 1, 1], [], []>, transpose_lhs_hint = false} : vector<128x128xf32>, vector<128x128xf32>, vector<128x128xf32> -> vector<128x128xf32>
    %add3A_387 = arith.addf %add3A_380, %dot_general3A_386 : vector<128x128xf32>
    %slice3A_388 = vector.extract_strided_slice %add3A_387 {offsets = [0, 127], sizes = [128, 1], strides = [1, 1]} : vector<128x128xf32> to vector<128x1xf32>
    %convert_element_type3A_389 = arith.fptosi %slice3A_388 : vector<128x1xf32> to vector<128x1xi32>
    %shift_right_arithmetic3A_390 = arith.constant 16 : i32
    %shift_right_arithmetic3A_391 = vector.broadcast %shift_right_arithmetic3A_390 : i32 to vector<128x1xi32>
    %shift_right_arithmetic3A_392 = arith.shrsi %convert_element_type3A_389, %shift_right_arithmetic3A_391 : vector<128x1xi32>
    %and3A_393 = arith.constant 255 : i32
    %and3A_394 = vector.broadcast %and3A_393 : i32 to vector<128x1xi32>
    %and3A_395 = arith.andi %shift_right_arithmetic3A_392, %and3A_394 : vector<128x1xi32>
    %convert_element_type3A_396 = arith.sitofp %and3A_395 : vector<128x1xi32> to vector<128x1xf32>
    %mul3A_397 = arith.constant 6.553600e+04 : f32
    %mul3A_398 = vector.broadcast %mul3A_397 : f32 to vector<128x1xf32>
    %mul3A_399 = arith.mulf %mul3A_398, %convert_element_type3A_396 : vector<128x1xf32>
    %dot_general3A_400 = arith.constant dense<0.000000e+00> : vector<128x1xf32>
    %dot_general3A_401 = tpu.matmul %convert_element_type3A_3, %mul3A_399, %dot_general3A_400 {dimension_numbers = #tpu.dot_dimension_numbers<[1], [0], [0], [1], [0, 0, 1, 1], [], []>, transpose_lhs_hint = false} : vector<128x128xf32>, vector<128x1xf32>, vector<128x1xf32> -> vector<128x1xf32>
    %shift_right_arithmetic3A_402 = arith.constant 8 : i32
    %shift_right_arithmetic3A_403 = vector.broadcast %shift_right_arithmetic3A_402 : i32 to vector<128x1xi32>
    %shift_right_arithmetic3A_404 = arith.shrsi %convert_element_type3A_389, %shift_right_arithmetic3A_403 : vector<128x1xi32>
    %and3A_405 = arith.constant 255 : i32
    %and3A_406 = vector.broadcast %and3A_405 : i32 to vector<128x1xi32>
    %and3A_407 = arith.andi %shift_right_arithmetic3A_404, %and3A_406 : vector<128x1xi32>
    %convert_element_type3A_408 = arith.sitofp %and3A_407 : vector<128x1xi32> to vector<128x1xf32>
    %mul3A_409 = arith.constant 2.560000e+02 : f32
    %mul3A_410 = vector.broadcast %mul3A_409 : f32 to vector<128x1xf32>
    %mul3A_411 = arith.mulf %mul3A_410, %convert_element_type3A_408 : vector<128x1xf32>
    %dot_general3A_412 = arith.constant dense<0.000000e+00> : vector<128x1xf32>
    %dot_general3A_413 = tpu.matmul %convert_element_type3A_3, %mul3A_411, %dot_general3A_412 {dimension_numbers = #tpu.dot_dimension_numbers<[1], [0], [0], [1], [0, 0, 1, 1], [], []>, transpose_lhs_hint = false} : vector<128x128xf32>, vector<128x1xf32>, vector<128x1xf32> -> vector<128x1xf32>
    %add3A_414 = arith.addf %dot_general3A_401, %dot_general3A_413 : vector<128x1xf32>
    %and3A_415 = arith.constant 255 : i32
    %and3A_416 = vector.broadcast %and3A_415 : i32 to vector<128x1xi32>
    %and3A_417 = arith.andi %convert_element_type3A_389, %and3A_416 : vector<128x1xi32>
    %convert_element_type3A_418 = arith.sitofp %and3A_417 : vector<128x1xi32> to vector<128x1xf32>
    %dot_general3A_419 = arith.constant dense<0.000000e+00> : vector<128x1xf32>
    %dot_general3A_420 = tpu.matmul %convert_element_type3A_3, %convert_element_type3A_418, %dot_general3A_419 {dimension_numbers = #tpu.dot_dimension_numbers<[1], [0], [0], [1], [0, 0, 1, 1], [], []>, transpose_lhs_hint = false} : vector<128x128xf32>, vector<128x1xf32>, vector<128x1xf32> -> vector<128x1xf32>
    %add3A_421 = arith.addf %add3A_414, %dot_general3A_420 : vector<128x1xf32>
    %add3A_422 = vector.broadcast %add3A_421 : vector<128x1xf32> to vector<128x128xf32>
    %add3A_423 = arith.addf %add3A_387, %add3A_422 : vector<128x128xf32>
    %sub3A_424 = vector.broadcast %reduce_sum3A_287 : f32 to vector<128x128xf32>
    %sub3A_425 = arith.subf %sub3A_424, %add3A_355 : vector<128x128xf32>
    %add3A_426 = arith.addf %sub3A_425, %convert_element_type3A_277 : vector<128x128xf32>
    %sub3A_427 = vector.broadcast %reduce_sum3A_282 : f32 to vector<128x128xf32>
    %sub3A_428 = arith.subf %sub3A_427, %add3A_423 : vector<128x128xf32>
    %add3A_429 = arith.addf %sub3A_428, %convert_element_type3A_276 : vector<128x128xf32>
    %sub3A_430 = arith.subf %add3A_426, %convert_element_type3A_277 : vector<128x128xf32>
    %sub3A_431 = arith.subf %add3A_429, %convert_element_type3A_276 : vector<128x128xf32>
    %add3A_432 = vector.broadcast %reduce_sum3A_282 : f32 to vector<128x128xf32>
    %add3A_433 = arith.addf %add3A_432, %add3A_426 : vector<128x128xf32>
    %sub3A_434 = arith.subf %add3A_433, %add3A_429 : vector<128x128xf32>
    %max3A_435 = arith.constant 1.000000e+00 : f32
    %max3A_436 = vector.broadcast %max3A_435 : f32 to vector<128x128xf32>
    %max3A_437 = arith.maximumf %sub3A_434, %max3A_436 : vector<128x128xf32>
    %gt3A_438 = arith.constant 0.000000e+00 : f32
    %gt3A_439 = vector.broadcast %gt3A_438 : f32 to vector<128x128xf32>
    %gt3A_440 = arith.cmpf ogt, %add3A_426, %gt3A_439 : vector<128x128xf32>
    %sub3A_441 = vector.broadcast %reduce_sum3A_282 : f32 to vector<128x128xf32>
    %sub3A_442 = arith.subf %sub3A_441, %add3A_429 : vector<128x128xf32>
    %div3A_443 = arith.divf %sub3A_442, %max3A_437 : vector<128x128xf32>
    %sub3A_444 = arith.constant 1.000000e+00 : f32
    %sub3A_445 = vector.broadcast %sub3A_444 : f32 to vector<128x128xf32>
    %sub3A_446 = arith.subf %sub3A_445, %div3A_443 : vector<128x128xf32>
    %jit3A_447 = arith.constant 0.000000e+00 : f32
    %broadcast_in_dim3A_448 = vector.broadcast %jit3A_447 : f32 to vector<128x128xf32>
    %select_n3A_449 = arith.select %gt3A_440, %sub3A_446, %broadcast_in_dim3A_448 : vector<128x128xi1>, vector<128x128xf32>
    %add3A_450 = vector.broadcast %reduce_sum3A_282 : f32 to vector<128x128xf32>
    %add3A_451 = arith.addf %add3A_450, %sub3A_430 : vector<128x128xf32>
    %sub3A_452 = arith.subf %add3A_451, %sub3A_431 : vector<128x128xf32>
    %max3A_453 = arith.constant 1.000000e+00 : f32
    %max3A_454 = vector.broadcast %max3A_453 : f32 to vector<128x128xf32>
    %max3A_455 = arith.maximumf %sub3A_452, %max3A_454 : vector<128x128xf32>
    %gt3A_456 = arith.constant 0.000000e+00 : f32
    %gt3A_457 = vector.broadcast %gt3A_456 : f32 to vector<128x128xf32>
    %gt3A_458 = arith.cmpf ogt, %sub3A_430, %gt3A_457 : vector<128x128xf32>
    %sub3A_459 = vector.broadcast %reduce_sum3A_282 : f32 to vector<128x128xf32>
    %sub3A_460 = arith.subf %sub3A_459, %sub3A_431 : vector<128x128xf32>
    %div3A_461 = arith.divf %sub3A_460, %max3A_455 : vector<128x128xf32>
    %sub3A_462 = arith.constant 1.000000e+00 : f32
    %sub3A_463 = vector.broadcast %sub3A_462 : f32 to vector<128x128xf32>
    %sub3A_464 = arith.subf %sub3A_463, %div3A_461 : vector<128x128xf32>
    %jit3A_465 = arith.constant 0.000000e+00 : f32
    %broadcast_in_dim3A_466 = vector.broadcast %jit3A_465 : f32 to vector<128x128xf32>
    %select_n3A_467 = arith.select %gt3A_458, %sub3A_464, %broadcast_in_dim3A_466 : vector<128x128xi1>, vector<128x128xf32>
    %sub3A_468 = arith.subf %select_n3A_449, %select_n3A_467 : vector<128x128xf32>
    %mul3A_469 = arith.mulf %mul3A_12, %sub3A_468 : vector<128x128xf32>
    %reduce_sum3A_470 = vector.shape_cast %mul3A_469 : vector<128x128xf32> to vector<1x128x128xf32>
    %reduce_sum3A_471 = arith.constant dense<0.000000e+00> : vector<1xf32>
    %reduce_sum3A_472 = vector.multi_reduction <add>, %reduce_sum3A_470, %reduce_sum3A_471 [1, 2] : vector<1x128x128xf32> to vector<1xf32>
    %reduce_sum3A_473 = vector.shape_cast %reduce_sum3A_472 : vector<1xf32> to vector<1x1x1xf32>
    %reduce_sum3A_474 = vector.extract %reduce_sum3A_473[0, 0, 0] : f32 from vector<1x1x1xf32>
    %gt3A_475 = arith.constant 0.000000e+00 : f32
    %gt3A_476 = arith.cmpf ogt, %reduce_sum3A_282, %gt3A_475 : f32
    %convert_element_type3A_477 = arith.extui %gt3A_476 : i1 to i32
    %convert_element_type3A_478 = arith.sitofp %convert_element_type3A_477 : i32 to f32
    %mul3A_479 = arith.mulf %reduce_sum3A_474, %convert_element_type3A_478 : f32
    %add3A_480 = arith.addf %add3A_232, %mul3A_479 : f32
    %add3A_481 = arith.addf %add3A_234, %convert_element_type3A_478 : f32
    %get3A_482 = arith.constant 3 : index
    %get3A_483 = arith.constant 1 : index
    %get3A_484 = arith.constant 0 : index
    %get3A_485 = arith.constant 0 : index
    %get3A_486 = vector.load %arg0[%get3A_482, %get3A_483, %get3A_484, %get3A_485] : memref<32x4x128x128xi32, #tpu.memory_space<vmem>>, vector<1x1x128x128xi32>
    %get3A_487 = vector.shape_cast %get3A_486 : vector<1x1x128x128xi32> to vector<128x128xi32>
    %get3A_488 = arith.constant 3 : index
    %get3A_489 = arith.constant 0 : index
    %get3A_490 = arith.constant 0 : index
    %get3A_491 = arith.constant 0 : index
    %get3A_492 = vector.load %arg0[%get3A_488, %get3A_489, %get3A_490, %get3A_491] : memref<32x4x128x128xi32, #tpu.memory_space<vmem>>, vector<1x1x128x128xi32>
    %get3A_493 = vector.shape_cast %get3A_492 : vector<1x1x128x128xi32> to vector<128x128xi32>
    %get3A_494 = arith.constant 4 : index
    %get3A_495 = arith.constant 1 : index
    %get3A_496 = arith.constant 0 : index
    %get3A_497 = arith.constant 0 : index
    %get3A_498 = vector.load %arg0[%get3A_494, %get3A_495, %get3A_496, %get3A_497] : memref<32x4x128x128xi32, #tpu.memory_space<vmem>>, vector<1x1x128x128xi32>
    %get3A_499 = vector.shape_cast %get3A_498 : vector<1x1x128x128xi32> to vector<128x128xi32>
    %add3A_500 = arith.addi %get3A_487, %get3A_499 : vector<128x128xi32>
    %get3A_501 = arith.constant 4 : index
    %get3A_502 = arith.constant 0 : index
    %get3A_503 = arith.constant 0 : index
    %get3A_504 = arith.constant 0 : index
    %get3A_505 = vector.load %arg0[%get3A_501, %get3A_502, %get3A_503, %get3A_504] : memref<32x4x128x128xi32, #tpu.memory_space<vmem>>, vector<1x1x128x128xi32>
    %get3A_506 = vector.shape_cast %get3A_505 : vector<1x1x128x128xi32> to vector<128x128xi32>
    %add3A_507 = arith.addi %get3A_493, %get3A_506 : vector<128x128xi32>
    %get3A_508 = arith.constant 5 : index
    %get3A_509 = arith.constant 1 : index
    %get3A_510 = arith.constant 0 : index
    %get3A_511 = arith.constant 0 : index
    %get3A_512 = vector.load %arg0[%get3A_508, %get3A_509, %get3A_510, %get3A_511] : memref<32x4x128x128xi32, #tpu.memory_space<vmem>>, vector<1x1x128x128xi32>
    %get3A_513 = vector.shape_cast %get3A_512 : vector<1x1x128x128xi32> to vector<128x128xi32>
    %add3A_514 = arith.addi %add3A_500, %get3A_513 : vector<128x128xi32>
    %get3A_515 = arith.constant 5 : index
    %get3A_516 = arith.constant 0 : index
    %get3A_517 = arith.constant 0 : index
    %get3A_518 = arith.constant 0 : index
    %get3A_519 = vector.load %arg0[%get3A_515, %get3A_516, %get3A_517, %get3A_518] : memref<32x4x128x128xi32, #tpu.memory_space<vmem>>, vector<1x1x128x128xi32>
    %get3A_520 = vector.shape_cast %get3A_519 : vector<1x1x128x128xi32> to vector<128x128xi32>
    %add3A_521 = arith.addi %add3A_507, %get3A_520 : vector<128x128xi32>
    %add3A_522 = arith.addi %add3A_521, %add3A_514 : vector<128x128xi32>
    %convert_element_type3A_523 = arith.sitofp %add3A_514 : vector<128x128xi32> to vector<128x128xf32>
    %convert_element_type3A_524 = arith.sitofp %add3A_522 : vector<128x128xi32> to vector<128x128xf32>
    %reduce_sum3A_525 = vector.shape_cast %convert_element_type3A_523 : vector<128x128xf32> to vector<1x128x128xf32>
    %reduce_sum3A_526 = arith.constant dense<0.000000e+00> : vector<1xf32>
    %reduce_sum3A_527 = vector.multi_reduction <add>, %reduce_sum3A_525, %reduce_sum3A_526 [1, 2] : vector<1x128x128xf32> to vector<1xf32>
    %reduce_sum3A_528 = vector.shape_cast %reduce_sum3A_527 : vector<1xf32> to vector<1x1x1xf32>
    %reduce_sum3A_529 = vector.extract %reduce_sum3A_528[0, 0, 0] : f32 from vector<1x1x1xf32>
    %reduce_sum3A_530 = vector.shape_cast %convert_element_type3A_524 : vector<128x128xf32> to vector<1x128x128xf32>
    %reduce_sum3A_531 = arith.constant dense<0.000000e+00> : vector<1xf32>
    %reduce_sum3A_532 = vector.multi_reduction <add>, %reduce_sum3A_530, %reduce_sum3A_531 [1, 2] : vector<1x128x128xf32> to vector<1xf32>
    %reduce_sum3A_533 = vector.shape_cast %reduce_sum3A_532 : vector<1xf32> to vector<1x1x1xf32>
    %reduce_sum3A_534 = vector.extract %reduce_sum3A_533[0, 0, 0] : f32 from vector<1x1x1xf32>
    %shift_right_arithmetic3A_535 = arith.constant 16 : i32
    %shift_right_arithmetic3A_536 = vector.broadcast %shift_right_arithmetic3A_535 : i32 to vector<128x128xi32>
    %shift_right_arithmetic3A_537 = arith.shrsi %add3A_522, %shift_right_arithmetic3A_536 : vector<128x128xi32>
    %and3A_538 = arith.constant 255 : i32
    %and3A_539 = vector.broadcast %and3A_538 : i32 to vector<128x128xi32>
    %and3A_540 = arith.andi %shift_right_arithmetic3A_537, %and3A_539 : vector<128x128xi32>
    %convert_element_type3A_541 = arith.sitofp %and3A_540 : vector<128x128xi32> to vector<128x128xf32>
    %mul3A_542 = arith.constant 6.553600e+04 : f32
    %mul3A_543 = vector.broadcast %mul3A_542 : f32 to vector<128x128xf32>
    %mul3A_544 = arith.mulf %mul3A_543, %convert_element_type3A_541 : vector<128x128xf32>
    %dot_general3A_545 = arith.constant dense<0.000000e+00> : vector<128x128xf32>
    %dot_general3A_546 = tpu.matmul %mul3A_544, %convert_element_type3A_1, %dot_general3A_545 {dimension_numbers = #tpu.dot_dimension_numbers<[1], [0], [0], [1], [0, 0, 1, 1], [], []>, transpose_lhs_hint = false} : vector<128x128xf32>, vector<128x128xf32>, vector<128x128xf32> -> vector<128x128xf32>
    %shift_right_arithmetic3A_547 = arith.constant 8 : i32
    %shift_right_arithmetic3A_548 = vector.broadcast %shift_right_arithmetic3A_547 : i32 to vector<128x128xi32>
    %shift_right_arithmetic3A_549 = arith.shrsi %add3A_522, %shift_right_arithmetic3A_548 : vector<128x128xi32>
    %and3A_550 = arith.constant 255 : i32
    %and3A_551 = vector.broadcast %and3A_550 : i32 to vector<128x128xi32>
    %and3A_552 = arith.andi %shift_right_arithmetic3A_549, %and3A_551 : vector<128x128xi32>
    %convert_element_type3A_553 = arith.sitofp %and3A_552 : vector<128x128xi32> to vector<128x128xf32>
    %mul3A_554 = arith.constant 2.560000e+02 : f32
    %mul3A_555 = vector.broadcast %mul3A_554 : f32 to vector<128x128xf32>
    %mul3A_556 = arith.mulf %mul3A_555, %convert_element_type3A_553 : vector<128x128xf32>
    %dot_general3A_557 = arith.constant dense<0.000000e+00> : vector<128x128xf32>
    %dot_general3A_558 = tpu.matmul %mul3A_556, %convert_element_type3A_1, %dot_general3A_557 {dimension_numbers = #tpu.dot_dimension_numbers<[1], [0], [0], [1], [0, 0, 1, 1], [], []>, transpose_lhs_hint = false} : vector<128x128xf32>, vector<128x128xf32>, vector<128x128xf32> -> vector<128x128xf32>
    %add3A_559 = arith.addf %dot_general3A_546, %dot_general3A_558 : vector<128x128xf32>
    %and3A_560 = arith.constant 255 : i32
    %and3A_561 = vector.broadcast %and3A_560 : i32 to vector<128x128xi32>
    %and3A_562 = arith.andi %add3A_522, %and3A_561 : vector<128x128xi32>
    %convert_element_type3A_563 = arith.sitofp %and3A_562 : vector<128x128xi32> to vector<128x128xf32>
    %dot_general3A_564 = arith.constant dense<0.000000e+00> : vector<128x128xf32>
    %dot_general3A_565 = tpu.matmul %convert_element_type3A_563, %convert_element_type3A_1, %dot_general3A_564 {dimension_numbers = #tpu.dot_dimension_numbers<[1], [0], [0], [1], [0, 0, 1, 1], [], []>, transpose_lhs_hint = false} : vector<128x128xf32>, vector<128x128xf32>, vector<128x128xf32> -> vector<128x128xf32>
    %add3A_566 = arith.addf %add3A_559, %dot_general3A_565 : vector<128x128xf32>
    %slice3A_567 = vector.extract_strided_slice %add3A_566 {offsets = [0, 127], sizes = [128, 1], strides = [1, 1]} : vector<128x128xf32> to vector<128x1xf32>
    %convert_element_type3A_568 = arith.fptosi %slice3A_567 : vector<128x1xf32> to vector<128x1xi32>
    %shift_right_arithmetic3A_569 = arith.constant 16 : i32
    %shift_right_arithmetic3A_570 = vector.broadcast %shift_right_arithmetic3A_569 : i32 to vector<128x1xi32>
    %shift_right_arithmetic3A_571 = arith.shrsi %convert_element_type3A_568, %shift_right_arithmetic3A_570 : vector<128x1xi32>
    %and3A_572 = arith.constant 255 : i32
    %and3A_573 = vector.broadcast %and3A_572 : i32 to vector<128x1xi32>
    %and3A_574 = arith.andi %shift_right_arithmetic3A_571, %and3A_573 : vector<128x1xi32>
    %convert_element_type3A_575 = arith.sitofp %and3A_574 : vector<128x1xi32> to vector<128x1xf32>
    %mul3A_576 = arith.constant 6.553600e+04 : f32
    %mul3A_577 = vector.broadcast %mul3A_576 : f32 to vector<128x1xf32>
    %mul3A_578 = arith.mulf %mul3A_577, %convert_element_type3A_575 : vector<128x1xf32>
    %dot_general3A_579 = arith.constant dense<0.000000e+00> : vector<128x1xf32>
    %dot_general3A_580 = tpu.matmul %convert_element_type3A_3, %mul3A_578, %dot_general3A_579 {dimension_numbers = #tpu.dot_dimension_numbers<[1], [0], [0], [1], [0, 0, 1, 1], [], []>, transpose_lhs_hint = false} : vector<128x128xf32>, vector<128x1xf32>, vector<128x1xf32> -> vector<128x1xf32>
    %shift_right_arithmetic3A_581 = arith.constant 8 : i32
    %shift_right_arithmetic3A_582 = vector.broadcast %shift_right_arithmetic3A_581 : i32 to vector<128x1xi32>
    %shift_right_arithmetic3A_583 = arith.shrsi %convert_element_type3A_568, %shift_right_arithmetic3A_582 : vector<128x1xi32>
    %and3A_584 = arith.constant 255 : i32
    %and3A_585 = vector.broadcast %and3A_584 : i32 to vector<128x1xi32>
    %and3A_586 = arith.andi %shift_right_arithmetic3A_583, %and3A_585 : vector<128x1xi32>
    %convert_element_type3A_587 = arith.sitofp %and3A_586 : vector<128x1xi32> to vector<128x1xf32>
    %mul3A_588 = arith.constant 2.560000e+02 : f32
    %mul3A_589 = vector.broadcast %mul3A_588 : f32 to vector<128x1xf32>
    %mul3A_590 = arith.mulf %mul3A_589, %convert_element_type3A_587 : vector<128x1xf32>
    %dot_general3A_591 = arith.constant dense<0.000000e+00> : vector<128x1xf32>
    %dot_general3A_592 = tpu.matmul %convert_element_type3A_3, %mul3A_590, %dot_general3A_591 {dimension_numbers = #tpu.dot_dimension_numbers<[1], [0], [0], [1], [0, 0, 1, 1], [], []>, transpose_lhs_hint = false} : vector<128x128xf32>, vector<128x1xf32>, vector<128x1xf32> -> vector<128x1xf32>
    %add3A_593 = arith.addf %dot_general3A_580, %dot_general3A_592 : vector<128x1xf32>
    %and3A_594 = arith.constant 255 : i32
    %and3A_595 = vector.broadcast %and3A_594 : i32 to vector<128x1xi32>
    %and3A_596 = arith.andi %convert_element_type3A_568, %and3A_595 : vector<128x1xi32>
    %convert_element_type3A_597 = arith.sitofp %and3A_596 : vector<128x1xi32> to vector<128x1xf32>
    %dot_general3A_598 = arith.constant dense<0.000000e+00> : vector<128x1xf32>
    %dot_general3A_599 = tpu.matmul %convert_element_type3A_3, %convert_element_type3A_597, %dot_general3A_598 {dimension_numbers = #tpu.dot_dimension_numbers<[1], [0], [0], [1], [0, 0, 1, 1], [], []>, transpose_lhs_hint = false} : vector<128x128xf32>, vector<128x1xf32>, vector<128x1xf32> -> vector<128x1xf32>
    %add3A_600 = arith.addf %add3A_593, %dot_general3A_599 : vector<128x1xf32>
    %add3A_601 = vector.broadcast %add3A_600 : vector<128x1xf32> to vector<128x128xf32>
    %add3A_602 = arith.addf %add3A_566, %add3A_601 : vector<128x128xf32>
    %shift_right_arithmetic3A_603 = arith.constant 16 : i32
    %shift_right_arithmetic3A_604 = vector.broadcast %shift_right_arithmetic3A_603 : i32 to vector<128x128xi32>
    %shift_right_arithmetic3A_605 = arith.shrsi %add3A_514, %shift_right_arithmetic3A_604 : vector<128x128xi32>
    %and3A_606 = arith.constant 255 : i32
    %and3A_607 = vector.broadcast %and3A_606 : i32 to vector<128x128xi32>
    %and3A_608 = arith.andi %shift_right_arithmetic3A_605, %and3A_607 : vector<128x128xi32>
    %convert_element_type3A_609 = arith.sitofp %and3A_608 : vector<128x128xi32> to vector<128x128xf32>
    %mul3A_610 = arith.constant 6.553600e+04 : f32
    %mul3A_611 = vector.broadcast %mul3A_610 : f32 to vector<128x128xf32>
    %mul3A_612 = arith.mulf %mul3A_611, %convert_element_type3A_609 : vector<128x128xf32>
    %dot_general3A_613 = arith.constant dense<0.000000e+00> : vector<128x128xf32>
    %dot_general3A_614 = tpu.matmul %mul3A_612, %convert_element_type3A_1, %dot_general3A_613 {dimension_numbers = #tpu.dot_dimension_numbers<[1], [0], [0], [1], [0, 0, 1, 1], [], []>, transpose_lhs_hint = false} : vector<128x128xf32>, vector<128x128xf32>, vector<128x128xf32> -> vector<128x128xf32>
    %shift_right_arithmetic3A_615 = arith.constant 8 : i32
    %shift_right_arithmetic3A_616 = vector.broadcast %shift_right_arithmetic3A_615 : i32 to vector<128x128xi32>
    %shift_right_arithmetic3A_617 = arith.shrsi %add3A_514, %shift_right_arithmetic3A_616 : vector<128x128xi32>
    %and3A_618 = arith.constant 255 : i32
    %and3A_619 = vector.broadcast %and3A_618 : i32 to vector<128x128xi32>
    %and3A_620 = arith.andi %shift_right_arithmetic3A_617, %and3A_619 : vector<128x128xi32>
    %convert_element_type3A_621 = arith.sitofp %and3A_620 : vector<128x128xi32> to vector<128x128xf32>
    %mul3A_622 = arith.constant 2.560000e+02 : f32
    %mul3A_623 = vector.broadcast %mul3A_622 : f32 to vector<128x128xf32>
    %mul3A_624 = arith.mulf %mul3A_623, %convert_element_type3A_621 : vector<128x128xf32>
    %dot_general3A_625 = arith.constant dense<0.000000e+00> : vector<128x128xf32>
    %dot_general3A_626 = tpu.matmul %mul3A_624, %convert_element_type3A_1, %dot_general3A_625 {dimension_numbers = #tpu.dot_dimension_numbers<[1], [0], [0], [1], [0, 0, 1, 1], [], []>, transpose_lhs_hint = false} : vector<128x128xf32>, vector<128x128xf32>, vector<128x128xf32> -> vector<128x128xf32>
    %add3A_627 = arith.addf %dot_general3A_614, %dot_general3A_626 : vector<128x128xf32>
    %and3A_628 = arith.constant 255 : i32
    %and3A_629 = vector.broadcast %and3A_628 : i32 to vector<128x128xi32>
    %and3A_630 = arith.andi %add3A_514, %and3A_629 : vector<128x128xi32>
    %convert_element_type3A_631 = arith.sitofp %and3A_630 : vector<128x128xi32> to vector<128x128xf32>
    %dot_general3A_632 = arith.constant dense<0.000000e+00> : vector<128x128xf32>
    %dot_general3A_633 = tpu.matmul %convert_element_type3A_631, %convert_element_type3A_1, %dot_general3A_632 {dimension_numbers = #tpu.dot_dimension_numbers<[1], [0], [0], [1], [0, 0, 1, 1], [], []>, transpose_lhs_hint = false} : vector<128x128xf32>, vector<128x128xf32>, vector<128x128xf32> -> vector<128x128xf32>
    %add3A_634 = arith.addf %add3A_627, %dot_general3A_633 : vector<128x128xf32>
    %slice3A_635 = vector.extract_strided_slice %add3A_634 {offsets = [0, 127], sizes = [128, 1], strides = [1, 1]} : vector<128x128xf32> to vector<128x1xf32>
    %convert_element_type3A_636 = arith.fptosi %slice3A_635 : vector<128x1xf32> to vector<128x1xi32>
    %shift_right_arithmetic3A_637 = arith.constant 16 : i32
    %shift_right_arithmetic3A_638 = vector.broadcast %shift_right_arithmetic3A_637 : i32 to vector<128x1xi32>
    %shift_right_arithmetic3A_639 = arith.shrsi %convert_element_type3A_636, %shift_right_arithmetic3A_638 : vector<128x1xi32>
    %and3A_640 = arith.constant 255 : i32
    %and3A_641 = vector.broadcast %and3A_640 : i32 to vector<128x1xi32>
    %and3A_642 = arith.andi %shift_right_arithmetic3A_639, %and3A_641 : vector<128x1xi32>
    %convert_element_type3A_643 = arith.sitofp %and3A_642 : vector<128x1xi32> to vector<128x1xf32>
    %mul3A_644 = arith.constant 6.553600e+04 : f32
    %mul3A_645 = vector.broadcast %mul3A_644 : f32 to vector<128x1xf32>
    %mul3A_646 = arith.mulf %mul3A_645, %convert_element_type3A_643 : vector<128x1xf32>
    %dot_general3A_647 = arith.constant dense<0.000000e+00> : vector<128x1xf32>
    %dot_general3A_648 = tpu.matmul %convert_element_type3A_3, %mul3A_646, %dot_general3A_647 {dimension_numbers = #tpu.dot_dimension_numbers<[1], [0], [0], [1], [0, 0, 1, 1], [], []>, transpose_lhs_hint = false} : vector<128x128xf32>, vector<128x1xf32>, vector<128x1xf32> -> vector<128x1xf32>
    %shift_right_arithmetic3A_649 = arith.constant 8 : i32
    %shift_right_arithmetic3A_650 = vector.broadcast %shift_right_arithmetic3A_649 : i32 to vector<128x1xi32>
    %shift_right_arithmetic3A_651 = arith.shrsi %convert_element_type3A_636, %shift_right_arithmetic3A_650 : vector<128x1xi32>
    %and3A_652 = arith.constant 255 : i32
    %and3A_653 = vector.broadcast %and3A_652 : i32 to vector<128x1xi32>
    %and3A_654 = arith.andi %shift_right_arithmetic3A_651, %and3A_653 : vector<128x1xi32>
    %convert_element_type3A_655 = arith.sitofp %and3A_654 : vector<128x1xi32> to vector<128x1xf32>
    %mul3A_656 = arith.constant 2.560000e+02 : f32
    %mul3A_657 = vector.broadcast %mul3A_656 : f32 to vector<128x1xf32>
    %mul3A_658 = arith.mulf %mul3A_657, %convert_element_type3A_655 : vector<128x1xf32>
    %dot_general3A_659 = arith.constant dense<0.000000e+00> : vector<128x1xf32>
    %dot_general3A_660 = tpu.matmul %convert_element_type3A_3, %mul3A_658, %dot_general3A_659 {dimension_numbers = #tpu.dot_dimension_numbers<[1], [0], [0], [1], [0, 0, 1, 1], [], []>, transpose_lhs_hint = false} : vector<128x128xf32>, vector<128x1xf32>, vector<128x1xf32> -> vector<128x1xf32>
    %add3A_661 = arith.addf %dot_general3A_648, %dot_general3A_660 : vector<128x1xf32>
    %and3A_662 = arith.constant 255 : i32
    %and3A_663 = vector.broadcast %and3A_662 : i32 to vector<128x1xi32>
    %and3A_664 = arith.andi %convert_element_type3A_636, %and3A_663 : vector<128x1xi32>
    %convert_element_type3A_665 = arith.sitofp %and3A_664 : vector<128x1xi32> to vector<128x1xf32>
    %dot_general3A_666 = arith.constant dense<0.000000e+00> : vector<128x1xf32>
    %dot_general3A_667 = tpu.matmul %convert_element_type3A_3, %convert_element_type3A_665, %dot_general3A_666 {dimension_numbers = #tpu.dot_dimension_numbers<[1], [0], [0], [1], [0, 0, 1, 1], [], []>, transpose_lhs_hint = false} : vector<128x128xf32>, vector<128x1xf32>, vector<128x1xf32> -> vector<128x1xf32>
    %add3A_668 = arith.addf %add3A_661, %dot_general3A_667 : vector<128x1xf32>
    %add3A_669 = vector.broadcast %add3A_668 : vector<128x1xf32> to vector<128x128xf32>
    %add3A_670 = arith.addf %add3A_634, %add3A_669 : vector<128x128xf32>
    %sub3A_671 = vector.broadcast %reduce_sum3A_534 : f32 to vector<128x128xf32>
    %sub3A_672 = arith.subf %sub3A_671, %add3A_602 : vector<128x128xf32>
    %add3A_673 = arith.addf %sub3A_672, %convert_element_type3A_524 : vector<128x128xf32>
    %sub3A_674 = vector.broadcast %reduce_sum3A_529 : f32 to vector<128x128xf32>
    %sub3A_675 = arith.subf %sub3A_674, %add3A_670 : vector<128x128xf32>
    %add3A_676 = arith.addf %sub3A_675, %convert_element_type3A_523 : vector<128x128xf32>
    %sub3A_677 = arith.subf %add3A_673, %convert_element_type3A_524 : vector<128x128xf32>
    %sub3A_678 = arith.subf %add3A_676, %convert_element_type3A_523 : vector<128x128xf32>
    %add3A_679 = vector.broadcast %reduce_sum3A_529 : f32 to vector<128x128xf32>
    %add3A_680 = arith.addf %add3A_679, %add3A_673 : vector<128x128xf32>
    %sub3A_681 = arith.subf %add3A_680, %add3A_676 : vector<128x128xf32>
    %max3A_682 = arith.constant 1.000000e+00 : f32
    %max3A_683 = vector.broadcast %max3A_682 : f32 to vector<128x128xf32>
    %max3A_684 = arith.maximumf %sub3A_681, %max3A_683 : vector<128x128xf32>
    %gt3A_685 = arith.constant 0.000000e+00 : f32
    %gt3A_686 = vector.broadcast %gt3A_685 : f32 to vector<128x128xf32>
    %gt3A_687 = arith.cmpf ogt, %add3A_673, %gt3A_686 : vector<128x128xf32>
    %sub3A_688 = vector.broadcast %reduce_sum3A_529 : f32 to vector<128x128xf32>
    %sub3A_689 = arith.subf %sub3A_688, %add3A_676 : vector<128x128xf32>
    %div3A_690 = arith.divf %sub3A_689, %max3A_684 : vector<128x128xf32>
    %sub3A_691 = arith.constant 1.000000e+00 : f32
    %sub3A_692 = vector.broadcast %sub3A_691 : f32 to vector<128x128xf32>
    %sub3A_693 = arith.subf %sub3A_692, %div3A_690 : vector<128x128xf32>
    %jit3A_694 = arith.constant 0.000000e+00 : f32
    %broadcast_in_dim3A_695 = vector.broadcast %jit3A_694 : f32 to vector<128x128xf32>
    %select_n3A_696 = arith.select %gt3A_687, %sub3A_693, %broadcast_in_dim3A_695 : vector<128x128xi1>, vector<128x128xf32>
    %add3A_697 = vector.broadcast %reduce_sum3A_529 : f32 to vector<128x128xf32>
    %add3A_698 = arith.addf %add3A_697, %sub3A_677 : vector<128x128xf32>
    %sub3A_699 = arith.subf %add3A_698, %sub3A_678 : vector<128x128xf32>
    %max3A_700 = arith.constant 1.000000e+00 : f32
    %max3A_701 = vector.broadcast %max3A_700 : f32 to vector<128x128xf32>
    %max3A_702 = arith.maximumf %sub3A_699, %max3A_701 : vector<128x128xf32>
    %gt3A_703 = arith.constant 0.000000e+00 : f32
    %gt3A_704 = vector.broadcast %gt3A_703 : f32 to vector<128x128xf32>
    %gt3A_705 = arith.cmpf ogt, %sub3A_677, %gt3A_704 : vector<128x128xf32>
    %sub3A_706 = vector.broadcast %reduce_sum3A_529 : f32 to vector<128x128xf32>
    %sub3A_707 = arith.subf %sub3A_706, %sub3A_678 : vector<128x128xf32>
    %div3A_708 = arith.divf %sub3A_707, %max3A_702 : vector<128x128xf32>
    %sub3A_709 = arith.constant 1.000000e+00 : f32
    %sub3A_710 = vector.broadcast %sub3A_709 : f32 to vector<128x128xf32>
    %sub3A_711 = arith.subf %sub3A_710, %div3A_708 : vector<128x128xf32>
    %jit3A_712 = arith.constant 0.000000e+00 : f32
    %broadcast_in_dim3A_713 = vector.broadcast %jit3A_712 : f32 to vector<128x128xf32>
    %select_n3A_714 = arith.select %gt3A_705, %sub3A_711, %broadcast_in_dim3A_713 : vector<128x128xi1>, vector<128x128xf32>
    %sub3A_715 = arith.subf %select_n3A_696, %select_n3A_714 : vector<128x128xf32>
    %mul3A_716 = arith.mulf %mul3A_12, %sub3A_715 : vector<128x128xf32>
    %reduce_sum3A_717 = vector.shape_cast %mul3A_716 : vector<128x128xf32> to vector<1x128x128xf32>
    %reduce_sum3A_718 = arith.constant dense<0.000000e+00> : vector<1xf32>
    %reduce_sum3A_719 = vector.multi_reduction <add>, %reduce_sum3A_717, %reduce_sum3A_718 [1, 2] : vector<1x128x128xf32> to vector<1xf32>
    %reduce_sum3A_720 = vector.shape_cast %reduce_sum3A_719 : vector<1xf32> to vector<1x1x1xf32>
    %reduce_sum3A_721 = vector.extract %reduce_sum3A_720[0, 0, 0] : f32 from vector<1x1x1xf32>
    %gt3A_722 = arith.constant 0.000000e+00 : f32
    %gt3A_723 = arith.cmpf ogt, %reduce_sum3A_529, %gt3A_722 : f32
    %convert_element_type3A_724 = arith.extui %gt3A_723 : i1 to i32
    %convert_element_type3A_725 = arith.sitofp %convert_element_type3A_724 : i32 to f32
    %mul3A_726 = arith.mulf %reduce_sum3A_721, %convert_element_type3A_725 : f32
    %add3A_727 = arith.addf %add3A_480, %mul3A_726 : f32
    %add3A_728 = arith.addf %add3A_481, %convert_element_type3A_725 : f32
    %get3A_729 = arith.constant 5 : index
    %get3A_730 = arith.constant 3 : index
    %get3A_731 = arith.constant 0 : index
    %get3A_732 = arith.constant 0 : index
    %get3A_733 = vector.load %arg0[%get3A_729, %get3A_730, %get3A_731, %get3A_732] : memref<32x4x128x128xi32, #tpu.memory_space<vmem>>, vector<1x1x128x128xi32>
    %get3A_734 = vector.shape_cast %get3A_733 : vector<1x1x128x128xi32> to vector<128x128xi32>
    %get3A_735 = arith.constant 5 : index
    %get3A_736 = arith.constant 2 : index
    %get3A_737 = arith.constant 0 : index
    %get3A_738 = arith.constant 0 : index
    %get3A_739 = vector.load %arg0[%get3A_735, %get3A_736, %get3A_737, %get3A_738] : memref<32x4x128x128xi32, #tpu.memory_space<vmem>>, vector<1x1x128x128xi32>
    %get3A_740 = vector.shape_cast %get3A_739 : vector<1x1x128x128xi32> to vector<128x128xi32>
    %get3A_741 = arith.constant 6 : index
    %get3A_742 = arith.constant 3 : index
    %get3A_743 = arith.constant 0 : index
    %get3A_744 = arith.constant 0 : index
    %get3A_745 = vector.load %arg0[%get3A_741, %get3A_742, %get3A_743, %get3A_744] : memref<32x4x128x128xi32, #tpu.memory_space<vmem>>, vector<1x1x128x128xi32>
    %get3A_746 = vector.shape_cast %get3A_745 : vector<1x1x128x128xi32> to vector<128x128xi32>
    %add3A_747 = arith.addi %get3A_734, %get3A_746 : vector<128x128xi32>
    %get3A_748 = arith.constant 6 : index
    %get3A_749 = arith.constant 2 : index
    %get3A_750 = arith.constant 0 : index
    %get3A_751 = arith.constant 0 : index
    %get3A_752 = vector.load %arg0[%get3A_748, %get3A_749, %get3A_750, %get3A_751] : memref<32x4x128x128xi32, #tpu.memory_space<vmem>>, vector<1x1x128x128xi32>
    %get3A_753 = vector.shape_cast %get3A_752 : vector<1x1x128x128xi32> to vector<128x128xi32>
    %add3A_754 = arith.addi %get3A_740, %get3A_753 : vector<128x128xi32>
    %add3A_755 = arith.addi %add3A_754, %add3A_747 : vector<128x128xi32>
    %convert_element_type3A_756 = arith.sitofp %add3A_747 : vector<128x128xi32> to vector<128x128xf32>
    %convert_element_type3A_757 = arith.sitofp %add3A_755 : vector<128x128xi32> to vector<128x128xf32>
    %reduce_sum3A_758 = vector.shape_cast %convert_element_type3A_756 : vector<128x128xf32> to vector<1x128x128xf32>
    %reduce_sum3A_759 = arith.constant dense<0.000000e+00> : vector<1xf32>
    %reduce_sum3A_760 = vector.multi_reduction <add>, %reduce_sum3A_758, %reduce_sum3A_759 [1, 2] : vector<1x128x128xf32> to vector<1xf32>
    %reduce_sum3A_761 = vector.shape_cast %reduce_sum3A_760 : vector<1xf32> to vector<1x1x1xf32>
    %reduce_sum3A_762 = vector.extract %reduce_sum3A_761[0, 0, 0] : f32 from vector<1x1x1xf32>
    %reduce_sum3A_763 = vector.shape_cast %convert_element_type3A_757 : vector<128x128xf32> to vector<1x128x128xf32>
    %reduce_sum3A_764 = arith.constant dense<0.000000e+00> : vector<1xf32>
    %reduce_sum3A_765 = vector.multi_reduction <add>, %reduce_sum3A_763, %reduce_sum3A_764 [1, 2] : vector<1x128x128xf32> to vector<1xf32>
    %reduce_sum3A_766 = vector.shape_cast %reduce_sum3A_765 : vector<1xf32> to vector<1x1x1xf32>
    %reduce_sum3A_767 = vector.extract %reduce_sum3A_766[0, 0, 0] : f32 from vector<1x1x1xf32>
    %shift_right_arithmetic3A_768 = arith.constant 16 : i32
    %shift_right_arithmetic3A_769 = vector.broadcast %shift_right_arithmetic3A_768 : i32 to vector<128x128xi32>
    %shift_right_arithmetic3A_770 = arith.shrsi %add3A_755, %shift_right_arithmetic3A_769 : vector<128x128xi32>
    %and3A_771 = arith.constant 255 : i32
    %and3A_772 = vector.broadcast %and3A_771 : i32 to vector<128x128xi32>
    %and3A_773 = arith.andi %shift_right_arithmetic3A_770, %and3A_772 : vector<128x128xi32>
    %convert_element_type3A_774 = arith.sitofp %and3A_773 : vector<128x128xi32> to vector<128x128xf32>
    %mul3A_775 = arith.constant 6.553600e+04 : f32
    %mul3A_776 = vector.broadcast %mul3A_775 : f32 to vector<128x128xf32>
    %mul3A_777 = arith.mulf %mul3A_776, %convert_element_type3A_774 : vector<128x128xf32>
    %dot_general3A_778 = arith.constant dense<0.000000e+00> : vector<128x128xf32>
    %dot_general3A_779 = tpu.matmul %mul3A_777, %convert_element_type3A_1, %dot_general3A_778 {dimension_numbers = #tpu.dot_dimension_numbers<[1], [0], [0], [1], [0, 0, 1, 1], [], []>, transpose_lhs_hint = false} : vector<128x128xf32>, vector<128x128xf32>, vector<128x128xf32> -> vector<128x128xf32>
    %shift_right_arithmetic3A_780 = arith.constant 8 : i32
    %shift_right_arithmetic3A_781 = vector.broadcast %shift_right_arithmetic3A_780 : i32 to vector<128x128xi32>
    %shift_right_arithmetic3A_782 = arith.shrsi %add3A_755, %shift_right_arithmetic3A_781 : vector<128x128xi32>
    %and3A_783 = arith.constant 255 : i32
    %and3A_784 = vector.broadcast %and3A_783 : i32 to vector<128x128xi32>
    %and3A_785 = arith.andi %shift_right_arithmetic3A_782, %and3A_784 : vector<128x128xi32>
    %convert_element_type3A_786 = arith.sitofp %and3A_785 : vector<128x128xi32> to vector<128x128xf32>
    %mul3A_787 = arith.constant 2.560000e+02 : f32
    %mul3A_788 = vector.broadcast %mul3A_787 : f32 to vector<128x128xf32>
    %mul3A_789 = arith.mulf %mul3A_788, %convert_element_type3A_786 : vector<128x128xf32>
    %dot_general3A_790 = arith.constant dense<0.000000e+00> : vector<128x128xf32>
    %dot_general3A_791 = tpu.matmul %mul3A_789, %convert_element_type3A_1, %dot_general3A_790 {dimension_numbers = #tpu.dot_dimension_numbers<[1], [0], [0], [1], [0, 0, 1, 1], [], []>, transpose_lhs_hint = false} : vector<128x128xf32>, vector<128x128xf32>, vector<128x128xf32> -> vector<128x128xf32>
    %add3A_792 = arith.addf %dot_general3A_779, %dot_general3A_791 : vector<128x128xf32>
    %and3A_793 = arith.constant 255 : i32
    %and3A_794 = vector.broadcast %and3A_793 : i32 to vector<128x128xi32>
    %and3A_795 = arith.andi %add3A_755, %and3A_794 : vector<128x128xi32>
    %convert_element_type3A_796 = arith.sitofp %and3A_795 : vector<128x128xi32> to vector<128x128xf32>
    %dot_general3A_797 = arith.constant dense<0.000000e+00> : vector<128x128xf32>
    %dot_general3A_798 = tpu.matmul %convert_element_type3A_796, %convert_element_type3A_1, %dot_general3A_797 {dimension_numbers = #tpu.dot_dimension_numbers<[1], [0], [0], [1], [0, 0, 1, 1], [], []>, transpose_lhs_hint = false} : vector<128x128xf32>, vector<128x128xf32>, vector<128x128xf32> -> vector<128x128xf32>
    %add3A_799 = arith.addf %add3A_792, %dot_general3A_798 : vector<128x128xf32>
    %slice3A_800 = vector.extract_strided_slice %add3A_799 {offsets = [0, 127], sizes = [128, 1], strides = [1, 1]} : vector<128x128xf32> to vector<128x1xf32>
    %convert_element_type3A_801 = arith.fptosi %slice3A_800 : vector<128x1xf32> to vector<128x1xi32>
    %shift_right_arithmetic3A_802 = arith.constant 16 : i32
    %shift_right_arithmetic3A_803 = vector.broadcast %shift_right_arithmetic3A_802 : i32 to vector<128x1xi32>
    %shift_right_arithmetic3A_804 = arith.shrsi %convert_element_type3A_801, %shift_right_arithmetic3A_803 : vector<128x1xi32>
    %and3A_805 = arith.constant 255 : i32
    %and3A_806 = vector.broadcast %and3A_805 : i32 to vector<128x1xi32>
    %and3A_807 = arith.andi %shift_right_arithmetic3A_804, %and3A_806 : vector<128x1xi32>
    %convert_element_type3A_808 = arith.sitofp %and3A_807 : vector<128x1xi32> to vector<128x1xf32>
    %mul3A_809 = arith.constant 6.553600e+04 : f32
    %mul3A_810 = vector.broadcast %mul3A_809 : f32 to vector<128x1xf32>
    %mul3A_811 = arith.mulf %mul3A_810, %convert_element_type3A_808 : vector<128x1xf32>
    %dot_general3A_812 = arith.constant dense<0.000000e+00> : vector<128x1xf32>
    %dot_general3A_813 = tpu.matmul %convert_element_type3A_3, %mul3A_811, %dot_general3A_812 {dimension_numbers = #tpu.dot_dimension_numbers<[1], [0], [0], [1], [0, 0, 1, 1], [], []>, transpose_lhs_hint = false} : vector<128x128xf32>, vector<128x1xf32>, vector<128x1xf32> -> vector<128x1xf32>
    %shift_right_arithmetic3A_814 = arith.constant 8 : i32
    %shift_right_arithmetic3A_815 = vector.broadcast %shift_right_arithmetic3A_814 : i32 to vector<128x1xi32>
    %shift_right_arithmetic3A_816 = arith.shrsi %convert_element_type3A_801, %shift_right_arithmetic3A_815 : vector<128x1xi32>
    %and3A_817 = arith.constant 255 : i32
    %and3A_818 = vector.broadcast %and3A_817 : i32 to vector<128x1xi32>
    %and3A_819 = arith.andi %shift_right_arithmetic3A_816, %and3A_818 : vector<128x1xi32>
    %convert_element_type3A_820 = arith.sitofp %and3A_819 : vector<128x1xi32> to vector<128x1xf32>
    %mul3A_821 = arith.constant 2.560000e+02 : f32
    %mul3A_822 = vector.broadcast %mul3A_821 : f32 to vector<128x1xf32>
    %mul3A_823 = arith.mulf %mul3A_822, %convert_element_type3A_820 : vector<128x1xf32>
    %dot_general3A_824 = arith.constant dense<0.000000e+00> : vector<128x1xf32>
    %dot_general3A_825 = tpu.matmul %convert_element_type3A_3, %mul3A_823, %dot_general3A_824 {dimension_numbers = #tpu.dot_dimension_numbers<[1], [0], [0], [1], [0, 0, 1, 1], [], []>, transpose_lhs_hint = false} : vector<128x128xf32>, vector<128x1xf32>, vector<128x1xf32> -> vector<128x1xf32>
    %add3A_826 = arith.addf %dot_general3A_813, %dot_general3A_825 : vector<128x1xf32>
    %and3A_827 = arith.constant 255 : i32
    %and3A_828 = vector.broadcast %and3A_827 : i32 to vector<128x1xi32>
    %and3A_829 = arith.andi %convert_element_type3A_801, %and3A_828 : vector<128x1xi32>
    %convert_element_type3A_830 = arith.sitofp %and3A_829 : vector<128x1xi32> to vector<128x1xf32>
    %dot_general3A_831 = arith.constant dense<0.000000e+00> : vector<128x1xf32>
    %dot_general3A_832 = tpu.matmul %convert_element_type3A_3, %convert_element_type3A_830, %dot_general3A_831 {dimension_numbers = #tpu.dot_dimension_numbers<[1], [0], [0], [1], [0, 0, 1, 1], [], []>, transpose_lhs_hint = false} : vector<128x128xf32>, vector<128x1xf32>, vector<128x1xf32> -> vector<128x1xf32>
    %add3A_833 = arith.addf %add3A_826, %dot_general3A_832 : vector<128x1xf32>
    %add3A_834 = vector.broadcast %add3A_833 : vector<128x1xf32> to vector<128x128xf32>
    %add3A_835 = arith.addf %add3A_799, %add3A_834 : vector<128x128xf32>
    %shift_right_arithmetic3A_836 = arith.constant 16 : i32
    %shift_right_arithmetic3A_837 = vector.broadcast %shift_right_arithmetic3A_836 : i32 to vector<128x128xi32>
    %shift_right_arithmetic3A_838 = arith.shrsi %add3A_747, %shift_right_arithmetic3A_837 : vector<128x128xi32>
    %and3A_839 = arith.constant 255 : i32
    %and3A_840 = vector.broadcast %and3A_839 : i32 to vector<128x128xi32>
    %and3A_841 = arith.andi %shift_right_arithmetic3A_838, %and3A_840 : vector<128x128xi32>
    %convert_element_type3A_842 = arith.sitofp %and3A_841 : vector<128x128xi32> to vector<128x128xf32>
    %mul3A_843 = arith.constant 6.553600e+04 : f32
    %mul3A_844 = vector.broadcast %mul3A_843 : f32 to vector<128x128xf32>
    %mul3A_845 = arith.mulf %mul3A_844, %convert_element_type3A_842 : vector<128x128xf32>
    %dot_general3A_846 = arith.constant dense<0.000000e+00> : vector<128x128xf32>
    %dot_general3A_847 = tpu.matmul %mul3A_845, %convert_element_type3A_1, %dot_general3A_846 {dimension_numbers = #tpu.dot_dimension_numbers<[1], [0], [0], [1], [0, 0, 1, 1], [], []>, transpose_lhs_hint = false} : vector<128x128xf32>, vector<128x128xf32>, vector<128x128xf32> -> vector<128x128xf32>
    %shift_right_arithmetic3A_848 = arith.constant 8 : i32
    %shift_right_arithmetic3A_849 = vector.broadcast %shift_right_arithmetic3A_848 : i32 to vector<128x128xi32>
    %shift_right_arithmetic3A_850 = arith.shrsi %add3A_747, %shift_right_arithmetic3A_849 : vector<128x128xi32>
    %and3A_851 = arith.constant 255 : i32
    %and3A_852 = vector.broadcast %and3A_851 : i32 to vector<128x128xi32>
    %and3A_853 = arith.andi %shift_right_arithmetic3A_850, %and3A_852 : vector<128x128xi32>
    %convert_element_type3A_854 = arith.sitofp %and3A_853 : vector<128x128xi32> to vector<128x128xf32>
    %mul3A_855 = arith.constant 2.560000e+02 : f32
    %mul3A_856 = vector.broadcast %mul3A_855 : f32 to vector<128x128xf32>
    %mul3A_857 = arith.mulf %mul3A_856, %convert_element_type3A_854 : vector<128x128xf32>
    %dot_general3A_858 = arith.constant dense<0.000000e+00> : vector<128x128xf32>
    %dot_general3A_859 = tpu.matmul %mul3A_857, %convert_element_type3A_1, %dot_general3A_858 {dimension_numbers = #tpu.dot_dimension_numbers<[1], [0], [0], [1], [0, 0, 1, 1], [], []>, transpose_lhs_hint = false} : vector<128x128xf32>, vector<128x128xf32>, vector<128x128xf32> -> vector<128x128xf32>
    %add3A_860 = arith.addf %dot_general3A_847, %dot_general3A_859 : vector<128x128xf32>
    %and3A_861 = arith.constant 255 : i32
    %and3A_862 = vector.broadcast %and3A_861 : i32 to vector<128x128xi32>
    %and3A_863 = arith.andi %add3A_747, %and3A_862 : vector<128x128xi32>
    %convert_element_type3A_864 = arith.sitofp %and3A_863 : vector<128x128xi32> to vector<128x128xf32>
    %dot_general3A_865 = arith.constant dense<0.000000e+00> : vector<128x128xf32>
    %dot_general3A_866 = tpu.matmul %convert_element_type3A_864, %convert_element_type3A_1, %dot_general3A_865 {dimension_numbers = #tpu.dot_dimension_numbers<[1], [0], [0], [1], [0, 0, 1, 1], [], []>, transpose_lhs_hint = false} : vector<128x128xf32>, vector<128x128xf32>, vector<128x128xf32> -> vector<128x128xf32>
    %add3A_867 = arith.addf %add3A_860, %dot_general3A_866 : vector<128x128xf32>
    %slice3A_868 = vector.extract_strided_slice %add3A_867 {offsets = [0, 127], sizes = [128, 1], strides = [1, 1]} : vector<128x128xf32> to vector<128x1xf32>
    %convert_element_type3A_869 = arith.fptosi %slice3A_868 : vector<128x1xf32> to vector<128x1xi32>
    %shift_right_arithmetic3A_870 = arith.constant 16 : i32
    %shift_right_arithmetic3A_871 = vector.broadcast %shift_right_arithmetic3A_870 : i32 to vector<128x1xi32>
    %shift_right_arithmetic3A_872 = arith.shrsi %convert_element_type3A_869, %shift_right_arithmetic3A_871 : vector<128x1xi32>
    %and3A_873 = arith.constant 255 : i32
    %and3A_874 = vector.broadcast %and3A_873 : i32 to vector<128x1xi32>
    %and3A_875 = arith.andi %shift_right_arithmetic3A_872, %and3A_874 : vector<128x1xi32>
    %convert_element_type3A_876 = arith.sitofp %and3A_875 : vector<128x1xi32> to vector<128x1xf32>
    %mul3A_877 = arith.constant 6.553600e+04 : f32
    %mul3A_878 = vector.broadcast %mul3A_877 : f32 to vector<128x1xf32>
    %mul3A_879 = arith.mulf %mul3A_878, %convert_element_type3A_876 : vector<128x1xf32>
    %dot_general3A_880 = arith.constant dense<0.000000e+00> : vector<128x1xf32>
    %dot_general3A_881 = tpu.matmul %convert_element_type3A_3, %mul3A_879, %dot_general3A_880 {dimension_numbers = #tpu.dot_dimension_numbers<[1], [0], [0], [1], [0, 0, 1, 1], [], []>, transpose_lhs_hint = false} : vector<128x128xf32>, vector<128x1xf32>, vector<128x1xf32> -> vector<128x1xf32>
    %shift_right_arithmetic3A_882 = arith.constant 8 : i32
    %shift_right_arithmetic3A_883 = vector.broadcast %shift_right_arithmetic3A_882 : i32 to vector<128x1xi32>
    %shift_right_arithmetic3A_884 = arith.shrsi %convert_element_type3A_869, %shift_right_arithmetic3A_883 : vector<128x1xi32>
    %and3A_885 = arith.constant 255 : i32
    %and3A_886 = vector.broadcast %and3A_885 : i32 to vector<128x1xi32>
    %and3A_887 = arith.andi %shift_right_arithmetic3A_884, %and3A_886 : vector<128x1xi32>
    %convert_element_type3A_888 = arith.sitofp %and3A_887 : vector<128x1xi32> to vector<128x1xf32>
    %mul3A_889 = arith.constant 2.560000e+02 : f32
    %mul3A_890 = vector.broadcast %mul3A_889 : f32 to vector<128x1xf32>
    %mul3A_891 = arith.mulf %mul3A_890, %convert_element_type3A_888 : vector<128x1xf32>
    %dot_general3A_892 = arith.constant dense<0.000000e+00> : vector<128x1xf32>
    %dot_general3A_893 = tpu.matmul %convert_element_type3A_3, %mul3A_891, %dot_general3A_892 {dimension_numbers = #tpu.dot_dimension_numbers<[1], [0], [0], [1], [0, 0, 1, 1], [], []>, transpose_lhs_hint = false} : vector<128x128xf32>, vector<128x1xf32>, vector<128x1xf32> -> vector<128x1xf32>
    %add3A_894 = arith.addf %dot_general3A_881, %dot_general3A_893 : vector<128x1xf32>
    %and3A_895 = arith.constant 255 : i32
    %and3A_896 = vector.broadcast %and3A_895 : i32 to vector<128x1xi32>
    %and3A_897 = arith.andi %convert_element_type3A_869, %and3A_896 : vector<128x1xi32>
    %convert_element_type3A_898 = arith.sitofp %and3A_897 : vector<128x1xi32> to vector<128x1xf32>
    %dot_general3A_899 = arith.constant dense<0.000000e+00> : vector<128x1xf32>
    %dot_general3A_900 = tpu.matmul %convert_element_type3A_3, %convert_element_type3A_898, %dot_general3A_899 {dimension_numbers = #tpu.dot_dimension_numbers<[1], [0], [0], [1], [0, 0, 1, 1], [], []>, transpose_lhs_hint = false} : vector<128x128xf32>, vector<128x1xf32>, vector<128x1xf32> -> vector<128x1xf32>
    %add3A_901 = arith.addf %add3A_894, %dot_general3A_900 : vector<128x1xf32>
    %add3A_902 = vector.broadcast %add3A_901 : vector<128x1xf32> to vector<128x128xf32>
    %add3A_903 = arith.addf %add3A_867, %add3A_902 : vector<128x128xf32>
    %sub3A_904 = vector.broadcast %reduce_sum3A_767 : f32 to vector<128x128xf32>
    %sub3A_905 = arith.subf %sub3A_904, %add3A_835 : vector<128x128xf32>
    %add3A_906 = arith.addf %sub3A_905, %convert_element_type3A_757 : vector<128x128xf32>
    %sub3A_907 = vector.broadcast %reduce_sum3A_762 : f32 to vector<128x128xf32>
    %sub3A_908 = arith.subf %sub3A_907, %add3A_903 : vector<128x128xf32>
    %add3A_909 = arith.addf %sub3A_908, %convert_element_type3A_756 : vector<128x128xf32>
    %sub3A_910 = arith.subf %add3A_906, %convert_element_type3A_757 : vector<128x128xf32>
    %sub3A_911 = arith.subf %add3A_909, %convert_element_type3A_756 : vector<128x128xf32>
    %add3A_912 = vector.broadcast %reduce_sum3A_762 : f32 to vector<128x128xf32>
    %add3A_913 = arith.addf %add3A_912, %add3A_906 : vector<128x128xf32>
    %sub3A_914 = arith.subf %add3A_913, %add3A_909 : vector<128x128xf32>
    %max3A_915 = arith.constant 1.000000e+00 : f32
    %max3A_916 = vector.broadcast %max3A_915 : f32 to vector<128x128xf32>
    %max3A_917 = arith.maximumf %sub3A_914, %max3A_916 : vector<128x128xf32>
    %gt3A_918 = arith.constant 0.000000e+00 : f32
    %gt3A_919 = vector.broadcast %gt3A_918 : f32 to vector<128x128xf32>
    %gt3A_920 = arith.cmpf ogt, %add3A_906, %gt3A_919 : vector<128x128xf32>
    %sub3A_921 = vector.broadcast %reduce_sum3A_762 : f32 to vector<128x128xf32>
    %sub3A_922 = arith.subf %sub3A_921, %add3A_909 : vector<128x128xf32>
    %div3A_923 = arith.divf %sub3A_922, %max3A_917 : vector<128x128xf32>
    %sub3A_924 = arith.constant 1.000000e+00 : f32
    %sub3A_925 = vector.broadcast %sub3A_924 : f32 to vector<128x128xf32>
    %sub3A_926 = arith.subf %sub3A_925, %div3A_923 : vector<128x128xf32>
    %jit3A_927 = arith.constant 0.000000e+00 : f32
    %broadcast_in_dim3A_928 = vector.broadcast %jit3A_927 : f32 to vector<128x128xf32>
    %select_n3A_929 = arith.select %gt3A_920, %sub3A_926, %broadcast_in_dim3A_928 : vector<128x128xi1>, vector<128x128xf32>
    %add3A_930 = vector.broadcast %reduce_sum3A_762 : f32 to vector<128x128xf32>
    %add3A_931 = arith.addf %add3A_930, %sub3A_910 : vector<128x128xf32>
    %sub3A_932 = arith.subf %add3A_931, %sub3A_911 : vector<128x128xf32>
    %max3A_933 = arith.constant 1.000000e+00 : f32
    %max3A_934 = vector.broadcast %max3A_933 : f32 to vector<128x128xf32>
    %max3A_935 = arith.maximumf %sub3A_932, %max3A_934 : vector<128x128xf32>
    %gt3A_936 = arith.constant 0.000000e+00 : f32
    %gt3A_937 = vector.broadcast %gt3A_936 : f32 to vector<128x128xf32>
    %gt3A_938 = arith.cmpf ogt, %sub3A_910, %gt3A_937 : vector<128x128xf32>
    %sub3A_939 = vector.broadcast %reduce_sum3A_762 : f32 to vector<128x128xf32>
    %sub3A_940 = arith.subf %sub3A_939, %sub3A_911 : vector<128x128xf32>
    %div3A_941 = arith.divf %sub3A_940, %max3A_935 : vector<128x128xf32>
    %sub3A_942 = arith.constant 1.000000e+00 : f32
    %sub3A_943 = vector.broadcast %sub3A_942 : f32 to vector<128x128xf32>
    %sub3A_944 = arith.subf %sub3A_943, %div3A_941 : vector<128x128xf32>
    %jit3A_945 = arith.constant 0.000000e+00 : f32
    %broadcast_in_dim3A_946 = vector.broadcast %jit3A_945 : f32 to vector<128x128xf32>
    %select_n3A_947 = arith.select %gt3A_938, %sub3A_944, %broadcast_in_dim3A_946 : vector<128x128xi1>, vector<128x128xf32>
    %sub3A_948 = arith.subf %select_n3A_929, %select_n3A_947 : vector<128x128xf32>
    %mul3A_949 = arith.mulf %mul3A_12, %sub3A_948 : vector<128x128xf32>
    %reduce_sum3A_950 = vector.shape_cast %mul3A_949 : vector<128x128xf32> to vector<1x128x128xf32>
    %reduce_sum3A_951 = arith.constant dense<0.000000e+00> : vector<1xf32>
    %reduce_sum3A_952 = vector.multi_reduction <add>, %reduce_sum3A_950, %reduce_sum3A_951 [1, 2] : vector<1x128x128xf32> to vector<1xf32>
    %reduce_sum3A_953 = vector.shape_cast %reduce_sum3A_952 : vector<1xf32> to vector<1x1x1xf32>
    %reduce_sum3A_954 = vector.extract %reduce_sum3A_953[0, 0, 0] : f32 from vector<1x1x1xf32>
    %gt3A_955 = arith.constant 0.000000e+00 : f32
    %gt3A_956 = arith.cmpf ogt, %reduce_sum3A_762, %gt3A_955 : f32
    %convert_element_type3A_957 = arith.extui %gt3A_956 : i1 to i32
    %convert_element_type3A_958 = arith.sitofp %convert_element_type3A_957 : i32 to f32
    %mul3A_959 = arith.mulf %reduce_sum3A_954, %convert_element_type3A_958 : f32
    %add3A_960 = arith.addf %add3A_727, %mul3A_959 : f32
    %add3A_961 = arith.addf %add3A_728, %convert_element_type3A_958 : f32
    %get3A_962 = arith.constant 6 : index
    %get3A_963 = arith.constant 1 : index
    %get3A_964 = arith.constant 0 : index
    %get3A_965 = arith.constant 0 : index
    %get3A_966 = vector.load %arg0[%get3A_962, %get3A_963, %get3A_964, %get3A_965] : memref<32x4x128x128xi32, #tpu.memory_space<vmem>>, vector<1x1x128x128xi32>
    %get3A_967 = vector.shape_cast %get3A_966 : vector<1x1x128x128xi32> to vector<128x128xi32>
    %get3A_968 = arith.constant 6 : index
    %get3A_969 = arith.constant 0 : index
    %get3A_970 = arith.constant 0 : index
    %get3A_971 = arith.constant 0 : index
    %get3A_972 = vector.load %arg0[%get3A_968, %get3A_969, %get3A_970, %get3A_971] : memref<32x4x128x128xi32, #tpu.memory_space<vmem>>, vector<1x1x128x128xi32>
    %get3A_973 = vector.shape_cast %get3A_972 : vector<1x1x128x128xi32> to vector<128x128xi32>
    %get3A_974 = arith.constant 7 : index
    %get3A_975 = arith.constant 1 : index
    %get3A_976 = arith.constant 0 : index
    %get3A_977 = arith.constant 0 : index
    %get3A_978 = vector.load %arg0[%get3A_974, %get3A_975, %get3A_976, %get3A_977] : memref<32x4x128x128xi32, #tpu.memory_space<vmem>>, vector<1x1x128x128xi32>
    %get3A_979 = vector.shape_cast %get3A_978 : vector<1x1x128x128xi32> to vector<128x128xi32>
    %add3A_980 = arith.addi %get3A_967, %get3A_979 : vector<128x128xi32>
    %get3A_981 = arith.constant 7 : index
    %get3A_982 = arith.constant 0 : index
    %get3A_983 = arith.constant 0 : index
    %get3A_984 = arith.constant 0 : index
    %get3A_985 = vector.load %arg0[%get3A_981, %get3A_982, %get3A_983, %get3A_984] : memref<32x4x128x128xi32, #tpu.memory_space<vmem>>, vector<1x1x128x128xi32>
    %get3A_986 = vector.shape_cast %get3A_985 : vector<1x1x128x128xi32> to vector<128x128xi32>
    %add3A_987 = arith.addi %get3A_973, %get3A_986 : vector<128x128xi32>
    %get3A_988 = arith.constant 8 : index
    %get3A_989 = arith.constant 1 : index
    %get3A_990 = arith.constant 0 : index
    %get3A_991 = arith.constant 0 : index
    %get3A_992 = vector.load %arg0[%get3A_988, %get3A_989, %get3A_990, %get3A_991] : memref<32x4x128x128xi32, #tpu.memory_space<vmem>>, vector<1x1x128x128xi32>
    %get3A_993 = vector.shape_cast %get3A_992 : vector<1x1x128x128xi32> to vector<128x128xi32>
    %add3A_994 = arith.addi %add3A_980, %get3A_993 : vector<128x128xi32>
    %get3A_995 = arith.constant 8 : index
    %get3A_996 = arith.constant 0 : index
    %get3A_997 = arith.constant 0 : index
    %get3A_998 = arith.constant 0 : index
    %get3A_999 = vector.load %arg0[%get3A_995, %get3A_996, %get3A_997, %get3A_998] : memref<32x4x128x128xi32, #tpu.memory_space<vmem>>, vector<1x1x128x128xi32>
    %get3A_1000 = vector.shape_cast %get3A_999 : vector<1x1x128x128xi32> to vector<128x128xi32>
    %add3A_1001 = arith.addi %add3A_987, %get3A_1000 : vector<128x128xi32>
    %add3A_1002 = arith.addi %add3A_1001, %add3A_994 : vector<128x128xi32>
    %convert_element_type3A_1003 = arith.sitofp %add3A_994 : vector<128x128xi32> to vector<128x128xf32>
    %convert_element_type3A_1004 = arith.sitofp %add3A_1002 : vector<128x128xi32> to vector<128x128xf32>
    %reduce_sum3A_1005 = vector.shape_cast %convert_element_type3A_1003 : vector<128x128xf32> to vector<1x128x128xf32>
    %reduce_sum3A_1006 = arith.constant dense<0.000000e+00> : vector<1xf32>
    %reduce_sum3A_1007 = vector.multi_reduction <add>, %reduce_sum3A_1005, %reduce_sum3A_1006 [1, 2] : vector<1x128x128xf32> to vector<1xf32>
    %reduce_sum3A_1008 = vector.shape_cast %reduce_sum3A_1007 : vector<1xf32> to vector<1x1x1xf32>
    %reduce_sum3A_1009 = vector.extract %reduce_sum3A_1008[0, 0, 0] : f32 from vector<1x1x1xf32>
    %reduce_sum3A_1010 = vector.shape_cast %convert_element_type3A_1004 : vector<128x128xf32> to vector<1x128x128xf32>
    %reduce_sum3A_1011 = arith.constant dense<0.000000e+00> : vector<1xf32>
    %reduce_sum3A_1012 = vector.multi_reduction <add>, %reduce_sum3A_1010, %reduce_sum3A_1011 [1, 2] : vector<1x128x128xf32> to vector<1xf32>
    %reduce_sum3A_1013 = vector.shape_cast %reduce_sum3A_1012 : vector<1xf32> to vector<1x1x1xf32>
    %reduce_sum3A_1014 = vector.extract %reduce_sum3A_1013[0, 0, 0] : f32 from vector<1x1x1xf32>
    %shift_right_arithmetic3A_1015 = arith.constant 16 : i32
    %shift_right_arithmetic3A_1016 = vector.broadcast %shift_right_arithmetic3A_1015 : i32 to vector<128x128xi32>
    %shift_right_arithmetic3A_1017 = arith.shrsi %add3A_1002, %shift_right_arithmetic3A_1016 : vector<128x128xi32>
    %and3A_1018 = arith.constant 255 : i32
    %and3A_1019 = vector.broadcast %and3A_1018 : i32 to vector<128x128xi32>
    %and3A_1020 = arith.andi %shift_right_arithmetic3A_1017, %and3A_1019 : vector<128x128xi32>
    %convert_element_type3A_1021 = arith.sitofp %and3A_1020 : vector<128x128xi32> to vector<128x128xf32>
    %mul3A_1022 = arith.constant 6.553600e+04 : f32
    %mul3A_1023 = vector.broadcast %mul3A_1022 : f32 to vector<128x128xf32>
    %mul3A_1024 = arith.mulf %mul3A_1023, %convert_element_type3A_1021 : vector<128x128xf32>
    %dot_general3A_1025 = arith.constant dense<0.000000e+00> : vector<128x128xf32>
    %dot_general3A_1026 = tpu.matmul %mul3A_1024, %convert_element_type3A_1, %dot_general3A_1025 {dimension_numbers = #tpu.dot_dimension_numbers<[1], [0], [0], [1], [0, 0, 1, 1], [], []>, transpose_lhs_hint = false} : vector<128x128xf32>, vector<128x128xf32>, vector<128x128xf32> -> vector<128x128xf32>
    %shift_right_arithmetic3A_1027 = arith.constant 8 : i32
    %shift_right_arithmetic3A_1028 = vector.broadcast %shift_right_arithmetic3A_1027 : i32 to vector<128x128xi32>
    %shift_right_arithmetic3A_1029 = arith.shrsi %add3A_1002, %shift_right_arithmetic3A_1028 : vector<128x128xi32>
    %and3A_1030 = arith.constant 255 : i32
    %and3A_1031 = vector.broadcast %and3A_1030 : i32 to vector<128x128xi32>
    %and3A_1032 = arith.andi %shift_right_arithmetic3A_1029, %and3A_1031 : vector<128x128xi32>
    %convert_element_type3A_1033 = arith.sitofp %and3A_1032 : vector<128x128xi32> to vector<128x128xf32>
    %mul3A_1034 = arith.constant 2.560000e+02 : f32
    %mul3A_1035 = vector.broadcast %mul3A_1034 : f32 to vector<128x128xf32>
    %mul3A_1036 = arith.mulf %mul3A_1035, %convert_element_type3A_1033 : vector<128x128xf32>
    %dot_general3A_1037 = arith.constant dense<0.000000e+00> : vector<128x128xf32>
    %dot_general3A_1038 = tpu.matmul %mul3A_1036, %convert_element_type3A_1, %dot_general3A_1037 {dimension_numbers = #tpu.dot_dimension_numbers<[1], [0], [0], [1], [0, 0, 1, 1], [], []>, transpose_lhs_hint = false} : vector<128x128xf32>, vector<128x128xf32>, vector<128x128xf32> -> vector<128x128xf32>
    %add3A_1039 = arith.addf %dot_general3A_1026, %dot_general3A_1038 : vector<128x128xf32>
    %and3A_1040 = arith.constant 255 : i32
    %and3A_1041 = vector.broadcast %and3A_1040 : i32 to vector<128x128xi32>
    %and3A_1042 = arith.andi %add3A_1002, %and3A_1041 : vector<128x128xi32>
    %convert_element_type3A_1043 = arith.sitofp %and3A_1042 : vector<128x128xi32> to vector<128x128xf32>
    %dot_general3A_1044 = arith.constant dense<0.000000e+00> : vector<128x128xf32>
    %dot_general3A_1045 = tpu.matmul %convert_element_type3A_1043, %convert_element_type3A_1, %dot_general3A_1044 {dimension_numbers = #tpu.dot_dimension_numbers<[1], [0], [0], [1], [0, 0, 1, 1], [], []>, transpose_lhs_hint = false} : vector<128x128xf32>, vector<128x128xf32>, vector<128x128xf32> -> vector<128x128xf32>
    %add3A_1046 = arith.addf %add3A_1039, %dot_general3A_1045 : vector<128x128xf32>
    %slice3A_1047 = vector.extract_strided_slice %add3A_1046 {offsets = [0, 127], sizes = [128, 1], strides = [1, 1]} : vector<128x128xf32> to vector<128x1xf32>
    %convert_element_type3A_1048 = arith.fptosi %slice3A_1047 : vector<128x1xf32> to vector<128x1xi32>
    %shift_right_arithmetic3A_1049 = arith.constant 16 : i32
    %shift_right_arithmetic3A_1050 = vector.broadcast %shift_right_arithmetic3A_1049 : i32 to vector<128x1xi32>
    %shift_right_arithmetic3A_1051 = arith.shrsi %convert_element_type3A_1048, %shift_right_arithmetic3A_1050 : vector<128x1xi32>
    %and3A_1052 = arith.constant 255 : i32
    %and3A_1053 = vector.broadcast %and3A_1052 : i32 to vector<128x1xi32>
    %and3A_1054 = arith.andi %shift_right_arithmetic3A_1051, %and3A_1053 : vector<128x1xi32>
    %convert_element_type3A_1055 = arith.sitofp %and3A_1054 : vector<128x1xi32> to vector<128x1xf32>
    %mul3A_1056 = arith.constant 6.553600e+04 : f32
    %mul3A_1057 = vector.broadcast %mul3A_1056 : f32 to vector<128x1xf32>
    %mul3A_1058 = arith.mulf %mul3A_1057, %convert_element_type3A_1055 : vector<128x1xf32>
    %dot_general3A_1059 = arith.constant dense<0.000000e+00> : vector<128x1xf32>
    %dot_general3A_1060 = tpu.matmul %convert_element_type3A_3, %mul3A_1058, %dot_general3A_1059 {dimension_numbers = #tpu.dot_dimension_numbers<[1], [0], [0], [1], [0, 0, 1, 1], [], []>, transpose_lhs_hint = false} : vector<128x128xf32>, vector<128x1xf32>, vector<128x1xf32> -> vector<128x1xf32>
    %shift_right_arithmetic3A_1061 = arith.constant 8 : i32
    %shift_right_arithmetic3A_1062 = vector.broadcast %shift_right_arithmetic3A_1061 : i32 to vector<128x1xi32>
    %shift_right_arithmetic3A_1063 = arith.shrsi %convert_element_type3A_1048, %shift_right_arithmetic3A_1062 : vector<128x1xi32>
    %and3A_1064 = arith.constant 255 : i32
    %and3A_1065 = vector.broadcast %and3A_1064 : i32 to vector<128x1xi32>
    %and3A_1066 = arith.andi %shift_right_arithmetic3A_1063, %and3A_1065 : vector<128x1xi32>
    %convert_element_type3A_1067 = arith.sitofp %and3A_1066 : vector<128x1xi32> to vector<128x1xf32>
    %mul3A_1068 = arith.constant 2.560000e+02 : f32
    %mul3A_1069 = vector.broadcast %mul3A_1068 : f32 to vector<128x1xf32>
    %mul3A_1070 = arith.mulf %mul3A_1069, %convert_element_type3A_1067 : vector<128x1xf32>
    %dot_general3A_1071 = arith.constant dense<0.000000e+00> : vector<128x1xf32>
    %dot_general3A_1072 = tpu.matmul %convert_element_type3A_3, %mul3A_1070, %dot_general3A_1071 {dimension_numbers = #tpu.dot_dimension_numbers<[1], [0], [0], [1], [0, 0, 1, 1], [], []>, transpose_lhs_hint = false} : vector<128x128xf32>, vector<128x1xf32>, vector<128x1xf32> -> vector<128x1xf32>
    %add3A_1073 = arith.addf %dot_general3A_1060, %dot_general3A_1072 : vector<128x1xf32>
    %and3A_1074 = arith.constant 255 : i32
    %and3A_1075 = vector.broadcast %and3A_1074 : i32 to vector<128x1xi32>
    %and3A_1076 = arith.andi %convert_element_type3A_1048, %and3A_1075 : vector<128x1xi32>
    %convert_element_type3A_1077 = arith.sitofp %and3A_1076 : vector<128x1xi32> to vector<128x1xf32>
    %dot_general3A_1078 = arith.constant dense<0.000000e+00> : vector<128x1xf32>
    %dot_general3A_1079 = tpu.matmul %convert_element_type3A_3, %convert_element_type3A_1077, %dot_general3A_1078 {dimension_numbers = #tpu.dot_dimension_numbers<[1], [0], [0], [1], [0, 0, 1, 1], [], []>, transpose_lhs_hint = false} : vector<128x128xf32>, vector<128x1xf32>, vector<128x1xf32> -> vector<128x1xf32>
    %add3A_1080 = arith.addf %add3A_1073, %dot_general3A_1079 : vector<128x1xf32>
    %add3A_1081 = vector.broadcast %add3A_1080 : vector<128x1xf32> to vector<128x128xf32>
    %add3A_1082 = arith.addf %add3A_1046, %add3A_1081 : vector<128x128xf32>
    %shift_right_arithmetic3A_1083 = arith.constant 16 : i32
    %shift_right_arithmetic3A_1084 = vector.broadcast %shift_right_arithmetic3A_1083 : i32 to vector<128x128xi32>
    %shift_right_arithmetic3A_1085 = arith.shrsi %add3A_994, %shift_right_arithmetic3A_1084 : vector<128x128xi32>
    %and3A_1086 = arith.constant 255 : i32
    %and3A_1087 = vector.broadcast %and3A_1086 : i32 to vector<128x128xi32>
    %and3A_1088 = arith.andi %shift_right_arithmetic3A_1085, %and3A_1087 : vector<128x128xi32>
    %convert_element_type3A_1089 = arith.sitofp %and3A_1088 : vector<128x128xi32> to vector<128x128xf32>
    %mul3A_1090 = arith.constant 6.553600e+04 : f32
    %mul3A_1091 = vector.broadcast %mul3A_1090 : f32 to vector<128x128xf32>
    %mul3A_1092 = arith.mulf %mul3A_1091, %convert_element_type3A_1089 : vector<128x128xf32>
    %dot_general3A_1093 = arith.constant dense<0.000000e+00> : vector<128x128xf32>
    %dot_general3A_1094 = tpu.matmul %mul3A_1092, %convert_element_type3A_1, %dot_general3A_1093 {dimension_numbers = #tpu.dot_dimension_numbers<[1], [0], [0], [1], [0, 0, 1, 1], [], []>, transpose_lhs_hint = false} : vector<128x128xf32>, vector<128x128xf32>, vector<128x128xf32> -> vector<128x128xf32>
    %shift_right_arithmetic3A_1095 = arith.constant 8 : i32
    %shift_right_arithmetic3A_1096 = vector.broadcast %shift_right_arithmetic3A_1095 : i32 to vector<128x128xi32>
    %shift_right_arithmetic3A_1097 = arith.shrsi %add3A_994, %shift_right_arithmetic3A_1096 : vector<128x128xi32>
    %and3A_1098 = arith.constant 255 : i32
    %and3A_1099 = vector.broadcast %and3A_1098 : i32 to vector<128x128xi32>
    %and3A_1100 = arith.andi %shift_right_arithmetic3A_1097, %and3A_1099 : vector<128x128xi32>
    %convert_element_type3A_1101 = arith.sitofp %and3A_1100 : vector<128x128xi32> to vector<128x128xf32>
    %mul3A_1102 = arith.constant 2.560000e+02 : f32
    %mul3A_1103 = vector.broadcast %mul3A_1102 : f32 to vector<128x128xf32>
    %mul3A_1104 = arith.mulf %mul3A_1103, %convert_element_type3A_1101 : vector<128x128xf32>
    %dot_general3A_1105 = arith.constant dense<0.000000e+00> : vector<128x128xf32>
    %dot_general3A_1106 = tpu.matmul %mul3A_1104, %convert_element_type3A_1, %dot_general3A_1105 {dimension_numbers = #tpu.dot_dimension_numbers<[1], [0], [0], [1], [0, 0, 1, 1], [], []>, transpose_lhs_hint = false} : vector<128x128xf32>, vector<128x128xf32>, vector<128x128xf32> -> vector<128x128xf32>
    %add3A_1107 = arith.addf %dot_general3A_1094, %dot_general3A_1106 : vector<128x128xf32>
    %and3A_1108 = arith.constant 255 : i32
    %and3A_1109 = vector.broadcast %and3A_1108 : i32 to vector<128x128xi32>
    %and3A_1110 = arith.andi %add3A_994, %and3A_1109 : vector<128x128xi32>
    %convert_element_type3A_1111 = arith.sitofp %and3A_1110 : vector<128x128xi32> to vector<128x128xf32>
    %dot_general3A_1112 = arith.constant dense<0.000000e+00> : vector<128x128xf32>
    %dot_general3A_1113 = tpu.matmul %convert_element_type3A_1111, %convert_element_type3A_1, %dot_general3A_1112 {dimension_numbers = #tpu.dot_dimension_numbers<[1], [0], [0], [1], [0, 0, 1, 1], [], []>, transpose_lhs_hint = false} : vector<128x128xf32>, vector<128x128xf32>, vector<128x128xf32> -> vector<128x128xf32>
    %add3A_1114 = arith.addf %add3A_1107, %dot_general3A_1113 : vector<128x128xf32>
    %slice3A_1115 = vector.extract_strided_slice %add3A_1114 {offsets = [0, 127], sizes = [128, 1], strides = [1, 1]} : vector<128x128xf32> to vector<128x1xf32>
    %convert_element_type3A_1116 = arith.fptosi %slice3A_1115 : vector<128x1xf32> to vector<128x1xi32>
    %shift_right_arithmetic3A_1117 = arith.constant 16 : i32
    %shift_right_arithmetic3A_1118 = vector.broadcast %shift_right_arithmetic3A_1117 : i32 to vector<128x1xi32>
    %shift_right_arithmetic3A_1119 = arith.shrsi %convert_element_type3A_1116, %shift_right_arithmetic3A_1118 : vector<128x1xi32>
    %and3A_1120 = arith.constant 255 : i32
    %and3A_1121 = vector.broadcast %and3A_1120 : i32 to vector<128x1xi32>
    %and3A_1122 = arith.andi %shift_right_arithmetic3A_1119, %and3A_1121 : vector<128x1xi32>
    %convert_element_type3A_1123 = arith.sitofp %and3A_1122 : vector<128x1xi32> to vector<128x1xf32>
    %mul3A_1124 = arith.constant 6.553600e+04 : f32
    %mul3A_1125 = vector.broadcast %mul3A_1124 : f32 to vector<128x1xf32>
    %mul3A_1126 = arith.mulf %mul3A_1125, %convert_element_type3A_1123 : vector<128x1xf32>
    %dot_general3A_1127 = arith.constant dense<0.000000e+00> : vector<128x1xf32>
    %dot_general3A_1128 = tpu.matmul %convert_element_type3A_3, %mul3A_1126, %dot_general3A_1127 {dimension_numbers = #tpu.dot_dimension_numbers<[1], [0], [0], [1], [0, 0, 1, 1], [], []>, transpose_lhs_hint = false} : vector<128x128xf32>, vector<128x1xf32>, vector<128x1xf32> -> vector<128x1xf32>
    %shift_right_arithmetic3A_1129 = arith.constant 8 : i32
    %shift_right_arithmetic3A_1130 = vector.broadcast %shift_right_arithmetic3A_1129 : i32 to vector<128x1xi32>
    %shift_right_arithmetic3A_1131 = arith.shrsi %convert_element_type3A_1116, %shift_right_arithmetic3A_1130 : vector<128x1xi32>
    %and3A_1132 = arith.constant 255 : i32
    %and3A_1133 = vector.broadcast %and3A_1132 : i32 to vector<128x1xi32>
    %and3A_1134 = arith.andi %shift_right_arithmetic3A_1131, %and3A_1133 : vector<128x1xi32>
    %convert_element_type3A_1135 = arith.sitofp %and3A_1134 : vector<128x1xi32> to vector<128x1xf32>
    %mul3A_1136 = arith.constant 2.560000e+02 : f32
    %mul3A_1137 = vector.broadcast %mul3A_1136 : f32 to vector<128x1xf32>
    %mul3A_1138 = arith.mulf %mul3A_1137, %convert_element_type3A_1135 : vector<128x1xf32>
    %dot_general3A_1139 = arith.constant dense<0.000000e+00> : vector<128x1xf32>
    %dot_general3A_1140 = tpu.matmul %convert_element_type3A_3, %mul3A_1138, %dot_general3A_1139 {dimension_numbers = #tpu.dot_dimension_numbers<[1], [0], [0], [1], [0, 0, 1, 1], [], []>, transpose_lhs_hint = false} : vector<128x128xf32>, vector<128x1xf32>, vector<128x1xf32> -> vector<128x1xf32>
    %add3A_1141 = arith.addf %dot_general3A_1128, %dot_general3A_1140 : vector<128x1xf32>
    %and3A_1142 = arith.constant 255 : i32
    %and3A_1143 = vector.broadcast %and3A_1142 : i32 to vector<128x1xi32>
    %and3A_1144 = arith.andi %convert_element_type3A_1116, %and3A_1143 : vector<128x1xi32>
    %convert_element_type3A_1145 = arith.sitofp %and3A_1144 : vector<128x1xi32> to vector<128x1xf32>
    %dot_general3A_1146 = arith.constant dense<0.000000e+00> : vector<128x1xf32>
    %dot_general3A_1147 = tpu.matmul %convert_element_type3A_3, %convert_element_type3A_1145, %dot_general3A_1146 {dimension_numbers = #tpu.dot_dimension_numbers<[1], [0], [0], [1], [0, 0, 1, 1], [], []>, transpose_lhs_hint = false} : vector<128x128xf32>, vector<128x1xf32>, vector<128x1xf32> -> vector<128x1xf32>
    %add3A_1148 = arith.addf %add3A_1141, %dot_general3A_1147 : vector<128x1xf32>
    %add3A_1149 = vector.broadcast %add3A_1148 : vector<128x1xf32> to vector<128x128xf32>
    %add3A_1150 = arith.addf %add3A_1114, %add3A_1149 : vector<128x128xf32>
    %sub3A_1151 = vector.broadcast %reduce_sum3A_1014 : f32 to vector<128x128xf32>
    %sub3A_1152 = arith.subf %sub3A_1151, %add3A_1082 : vector<128x128xf32>
    %add3A_1153 = arith.addf %sub3A_1152, %convert_element_type3A_1004 : vector<128x128xf32>
    %sub3A_1154 = vector.broadcast %reduce_sum3A_1009 : f32 to vector<128x128xf32>
    %sub3A_1155 = arith.subf %sub3A_1154, %add3A_1150 : vector<128x128xf32>
    %add3A_1156 = arith.addf %sub3A_1155, %convert_element_type3A_1003 : vector<128x128xf32>
    %sub3A_1157 = arith.subf %add3A_1153, %convert_element_type3A_1004 : vector<128x128xf32>
    %sub3A_1158 = arith.subf %add3A_1156, %convert_element_type3A_1003 : vector<128x128xf32>
    %add3A_1159 = vector.broadcast %reduce_sum3A_1009 : f32 to vector<128x128xf32>
    %add3A_1160 = arith.addf %add3A_1159, %add3A_1153 : vector<128x128xf32>
    %sub3A_1161 = arith.subf %add3A_1160, %add3A_1156 : vector<128x128xf32>
    %max3A_1162 = arith.constant 1.000000e+00 : f32
    %max3A_1163 = vector.broadcast %max3A_1162 : f32 to vector<128x128xf32>
    %max3A_1164 = arith.maximumf %sub3A_1161, %max3A_1163 : vector<128x128xf32>
    %gt3A_1165 = arith.constant 0.000000e+00 : f32
    %gt3A_1166 = vector.broadcast %gt3A_1165 : f32 to vector<128x128xf32>
    %gt3A_1167 = arith.cmpf ogt, %add3A_1153, %gt3A_1166 : vector<128x128xf32>
    %sub3A_1168 = vector.broadcast %reduce_sum3A_1009 : f32 to vector<128x128xf32>
    %sub3A_1169 = arith.subf %sub3A_1168, %add3A_1156 : vector<128x128xf32>
    %div3A_1170 = arith.divf %sub3A_1169, %max3A_1164 : vector<128x128xf32>
    %sub3A_1171 = arith.constant 1.000000e+00 : f32
    %sub3A_1172 = vector.broadcast %sub3A_1171 : f32 to vector<128x128xf32>
    %sub3A_1173 = arith.subf %sub3A_1172, %div3A_1170 : vector<128x128xf32>
    %jit3A_1174 = arith.constant 0.000000e+00 : f32
    %broadcast_in_dim3A_1175 = vector.broadcast %jit3A_1174 : f32 to vector<128x128xf32>
    %select_n3A_1176 = arith.select %gt3A_1167, %sub3A_1173, %broadcast_in_dim3A_1175 : vector<128x128xi1>, vector<128x128xf32>
    %add3A_1177 = vector.broadcast %reduce_sum3A_1009 : f32 to vector<128x128xf32>
    %add3A_1178 = arith.addf %add3A_1177, %sub3A_1157 : vector<128x128xf32>
    %sub3A_1179 = arith.subf %add3A_1178, %sub3A_1158 : vector<128x128xf32>
    %max3A_1180 = arith.constant 1.000000e+00 : f32
    %max3A_1181 = vector.broadcast %max3A_1180 : f32 to vector<128x128xf32>
    %max3A_1182 = arith.maximumf %sub3A_1179, %max3A_1181 : vector<128x128xf32>
    %gt3A_1183 = arith.constant 0.000000e+00 : f32
    %gt3A_1184 = vector.broadcast %gt3A_1183 : f32 to vector<128x128xf32>
    %gt3A_1185 = arith.cmpf ogt, %sub3A_1157, %gt3A_1184 : vector<128x128xf32>
    %sub3A_1186 = vector.broadcast %reduce_sum3A_1009 : f32 to vector<128x128xf32>
    %sub3A_1187 = arith.subf %sub3A_1186, %sub3A_1158 : vector<128x128xf32>
    %div3A_1188 = arith.divf %sub3A_1187, %max3A_1182 : vector<128x128xf32>
    %sub3A_1189 = arith.constant 1.000000e+00 : f32
    %sub3A_1190 = vector.broadcast %sub3A_1189 : f32 to vector<128x128xf32>
    %sub3A_1191 = arith.subf %sub3A_1190, %div3A_1188 : vector<128x128xf32>
    %jit3A_1192 = arith.constant 0.000000e+00 : f32
    %broadcast_in_dim3A_1193 = vector.broadcast %jit3A_1192 : f32 to vector<128x128xf32>
    %select_n3A_1194 = arith.select %gt3A_1185, %sub3A_1191, %broadcast_in_dim3A_1193 : vector<128x128xi1>, vector<128x128xf32>
    %sub3A_1195 = arith.subf %select_n3A_1176, %select_n3A_1194 : vector<128x128xf32>
    %mul3A_1196 = arith.mulf %mul3A_12, %sub3A_1195 : vector<128x128xf32>
    %reduce_sum3A_1197 = vector.shape_cast %mul3A_1196 : vector<128x128xf32> to vector<1x128x128xf32>
    %reduce_sum3A_1198 = arith.constant dense<0.000000e+00> : vector<1xf32>
    %reduce_sum3A_1199 = vector.multi_reduction <add>, %reduce_sum3A_1197, %reduce_sum3A_1198 [1, 2] : vector<1x128x128xf32> to vector<1xf32>
    %reduce_sum3A_1200 = vector.shape_cast %reduce_sum3A_1199 : vector<1xf32> to vector<1x1x1xf32>
    %reduce_sum3A_1201 = vector.extract %reduce_sum3A_1200[0, 0, 0] : f32 from vector<1x1x1xf32>
    %gt3A_1202 = arith.constant 0.000000e+00 : f32
    %gt3A_1203 = arith.cmpf ogt, %reduce_sum3A_1009, %gt3A_1202 : f32
    %convert_element_type3A_1204 = arith.extui %gt3A_1203 : i1 to i32
    %convert_element_type3A_1205 = arith.sitofp %convert_element_type3A_1204 : i32 to f32
    %mul3A_1206 = arith.mulf %reduce_sum3A_1201, %convert_element_type3A_1205 : f32
    %add3A_1207 = arith.addf %add3A_960, %mul3A_1206 : f32
    %add3A_1208 = arith.addf %add3A_961, %convert_element_type3A_1205 : f32
    %get3A_1209 = arith.constant 8 : index
    %get3A_1210 = arith.constant 3 : index
    %get3A_1211 = arith.constant 0 : index
    %get3A_1212 = arith.constant 0 : index
    %get3A_1213 = vector.load %arg0[%get3A_1209, %get3A_1210, %get3A_1211, %get3A_1212] : memref<32x4x128x128xi32, #tpu.memory_space<vmem>>, vector<1x1x128x128xi32>
    %get3A_1214 = vector.shape_cast %get3A_1213 : vector<1x1x128x128xi32> to vector<128x128xi32>
    %get3A_1215 = arith.constant 8 : index
    %get3A_1216 = arith.constant 2 : index
    %get3A_1217 = arith.constant 0 : index
    %get3A_1218 = arith.constant 0 : index
    %get3A_1219 = vector.load %arg0[%get3A_1215, %get3A_1216, %get3A_1217, %get3A_1218] : memref<32x4x128x128xi32, #tpu.memory_space<vmem>>, vector<1x1x128x128xi32>
    %get3A_1220 = vector.shape_cast %get3A_1219 : vector<1x1x128x128xi32> to vector<128x128xi32>
    %get3A_1221 = arith.constant 9 : index
    %get3A_1222 = arith.constant 3 : index
    %get3A_1223 = arith.constant 0 : index
    %get3A_1224 = arith.constant 0 : index
    %get3A_1225 = vector.load %arg0[%get3A_1221, %get3A_1222, %get3A_1223, %get3A_1224] : memref<32x4x128x128xi32, #tpu.memory_space<vmem>>, vector<1x1x128x128xi32>
    %get3A_1226 = vector.shape_cast %get3A_1225 : vector<1x1x128x128xi32> to vector<128x128xi32>
    %add3A_1227 = arith.addi %get3A_1214, %get3A_1226 : vector<128x128xi32>
    %get3A_1228 = arith.constant 9 : index
    %get3A_1229 = arith.constant 2 : index
    %get3A_1230 = arith.constant 0 : index
    %get3A_1231 = arith.constant 0 : index
    %get3A_1232 = vector.load %arg0[%get3A_1228, %get3A_1229, %get3A_1230, %get3A_1231] : memref<32x4x128x128xi32, #tpu.memory_space<vmem>>, vector<1x1x128x128xi32>
    %get3A_1233 = vector.shape_cast %get3A_1232 : vector<1x1x128x128xi32> to vector<128x128xi32>
    %add3A_1234 = arith.addi %get3A_1220, %get3A_1233 : vector<128x128xi32>
    %get3A_1235 = arith.constant 10 : index
    %get3A_1236 = arith.constant 3 : index
    %get3A_1237 = arith.constant 0 : index
    %get3A_1238 = arith.constant 0 : index
    %get3A_1239 = vector.load %arg0[%get3A_1235, %get3A_1236, %get3A_1237, %get3A_1238] : memref<32x4x128x128xi32, #tpu.memory_space<vmem>>, vector<1x1x128x128xi32>
    %get3A_1240 = vector.shape_cast %get3A_1239 : vector<1x1x128x128xi32> to vector<128x128xi32>
    %add3A_1241 = arith.addi %add3A_1227, %get3A_1240 : vector<128x128xi32>
    %get3A_1242 = arith.constant 10 : index
    %get3A_1243 = arith.constant 2 : index
    %get3A_1244 = arith.constant 0 : index
    %get3A_1245 = arith.constant 0 : index
    %get3A_1246 = vector.load %arg0[%get3A_1242, %get3A_1243, %get3A_1244, %get3A_1245] : memref<32x4x128x128xi32, #tpu.memory_space<vmem>>, vector<1x1x128x128xi32>
    %get3A_1247 = vector.shape_cast %get3A_1246 : vector<1x1x128x128xi32> to vector<128x128xi32>
    %add3A_1248 = arith.addi %add3A_1234, %get3A_1247 : vector<128x128xi32>
    %add3A_1249 = arith.addi %add3A_1248, %add3A_1241 : vector<128x128xi32>
    %convert_element_type3A_1250 = arith.sitofp %add3A_1241 : vector<128x128xi32> to vector<128x128xf32>
    %convert_element_type3A_1251 = arith.sitofp %add3A_1249 : vector<128x128xi32> to vector<128x128xf32>
    %reduce_sum3A_1252 = vector.shape_cast %convert_element_type3A_1250 : vector<128x128xf32> to vector<1x128x128xf32>
    %reduce_sum3A_1253 = arith.constant dense<0.000000e+00> : vector<1xf32>
    %reduce_sum3A_1254 = vector.multi_reduction <add>, %reduce_sum3A_1252, %reduce_sum3A_1253 [1, 2] : vector<1x128x128xf32> to vector<1xf32>
    %reduce_sum3A_1255 = vector.shape_cast %reduce_sum3A_1254 : vector<1xf32> to vector<1x1x1xf32>
    %reduce_sum3A_1256 = vector.extract %reduce_sum3A_1255[0, 0, 0] : f32 from vector<1x1x1xf32>
    %reduce_sum3A_1257 = vector.shape_cast %convert_element_type3A_1251 : vector<128x128xf32> to vector<1x128x128xf32>
    %reduce_sum3A_1258 = arith.constant dense<0.000000e+00> : vector<1xf32>
    %reduce_sum3A_1259 = vector.multi_reduction <add>, %reduce_sum3A_1257, %reduce_sum3A_1258 [1, 2] : vector<1x128x128xf32> to vector<1xf32>
    %reduce_sum3A_1260 = vector.shape_cast %reduce_sum3A_1259 : vector<1xf32> to vector<1x1x1xf32>
    %reduce_sum3A_1261 = vector.extract %reduce_sum3A_1260[0, 0, 0] : f32 from vector<1x1x1xf32>
    %shift_right_arithmetic3A_1262 = arith.constant 16 : i32
    %shift_right_arithmetic3A_1263 = vector.broadcast %shift_right_arithmetic3A_1262 : i32 to vector<128x128xi32>
    %shift_right_arithmetic3A_1264 = arith.shrsi %add3A_1249, %shift_right_arithmetic3A_1263 : vector<128x128xi32>
    %and3A_1265 = arith.constant 255 : i32
    %and3A_1266 = vector.broadcast %and3A_1265 : i32 to vector<128x128xi32>
    %and3A_1267 = arith.andi %shift_right_arithmetic3A_1264, %and3A_1266 : vector<128x128xi32>
    %convert_element_type3A_1268 = arith.sitofp %and3A_1267 : vector<128x128xi32> to vector<128x128xf32>
    %mul3A_1269 = arith.constant 6.553600e+04 : f32
    %mul3A_1270 = vector.broadcast %mul3A_1269 : f32 to vector<128x128xf32>
    %mul3A_1271 = arith.mulf %mul3A_1270, %convert_element_type3A_1268 : vector<128x128xf32>
    %dot_general3A_1272 = arith.constant dense<0.000000e+00> : vector<128x128xf32>
    %dot_general3A_1273 = tpu.matmul %mul3A_1271, %convert_element_type3A_1, %dot_general3A_1272 {dimension_numbers = #tpu.dot_dimension_numbers<[1], [0], [0], [1], [0, 0, 1, 1], [], []>, transpose_lhs_hint = false} : vector<128x128xf32>, vector<128x128xf32>, vector<128x128xf32> -> vector<128x128xf32>
    %shift_right_arithmetic3A_1274 = arith.constant 8 : i32
    %shift_right_arithmetic3A_1275 = vector.broadcast %shift_right_arithmetic3A_1274 : i32 to vector<128x128xi32>
    %shift_right_arithmetic3A_1276 = arith.shrsi %add3A_1249, %shift_right_arithmetic3A_1275 : vector<128x128xi32>
    %and3A_1277 = arith.constant 255 : i32
    %and3A_1278 = vector.broadcast %and3A_1277 : i32 to vector<128x128xi32>
    %and3A_1279 = arith.andi %shift_right_arithmetic3A_1276, %and3A_1278 : vector<128x128xi32>
    %convert_element_type3A_1280 = arith.sitofp %and3A_1279 : vector<128x128xi32> to vector<128x128xf32>
    %mul3A_1281 = arith.constant 2.560000e+02 : f32
    %mul3A_1282 = vector.broadcast %mul3A_1281 : f32 to vector<128x128xf32>
    %mul3A_1283 = arith.mulf %mul3A_1282, %convert_element_type3A_1280 : vector<128x128xf32>
    %dot_general3A_1284 = arith.constant dense<0.000000e+00> : vector<128x128xf32>
    %dot_general3A_1285 = tpu.matmul %mul3A_1283, %convert_element_type3A_1, %dot_general3A_1284 {dimension_numbers = #tpu.dot_dimension_numbers<[1], [0], [0], [1], [0, 0, 1, 1], [], []>, transpose_lhs_hint = false} : vector<128x128xf32>, vector<128x128xf32>, vector<128x128xf32> -> vector<128x128xf32>
    %add3A_1286 = arith.addf %dot_general3A_1273, %dot_general3A_1285 : vector<128x128xf32>
    %and3A_1287 = arith.constant 255 : i32
    %and3A_1288 = vector.broadcast %and3A_1287 : i32 to vector<128x128xi32>
    %and3A_1289 = arith.andi %add3A_1249, %and3A_1288 : vector<128x128xi32>
    %convert_element_type3A_1290 = arith.sitofp %and3A_1289 : vector<128x128xi32> to vector<128x128xf32>
    %dot_general3A_1291 = arith.constant dense<0.000000e+00> : vector<128x128xf32>
    %dot_general3A_1292 = tpu.matmul %convert_element_type3A_1290, %convert_element_type3A_1, %dot_general3A_1291 {dimension_numbers = #tpu.dot_dimension_numbers<[1], [0], [0], [1], [0, 0, 1, 1], [], []>, transpose_lhs_hint = false} : vector<128x128xf32>, vector<128x128xf32>, vector<128x128xf32> -> vector<128x128xf32>
    %add3A_1293 = arith.addf %add3A_1286, %dot_general3A_1292 : vector<128x128xf32>
    %slice3A_1294 = vector.extract_strided_slice %add3A_1293 {offsets = [0, 127], sizes = [128, 1], strides = [1, 1]} : vector<128x128xf32> to vector<128x1xf32>
    %convert_element_type3A_1295 = arith.fptosi %slice3A_1294 : vector<128x1xf32> to vector<128x1xi32>
    %shift_right_arithmetic3A_1296 = arith.constant 16 : i32
    %shift_right_arithmetic3A_1297 = vector.broadcast %shift_right_arithmetic3A_1296 : i32 to vector<128x1xi32>
    %shift_right_arithmetic3A_1298 = arith.shrsi %convert_element_type3A_1295, %shift_right_arithmetic3A_1297 : vector<128x1xi32>
    %and3A_1299 = arith.constant 255 : i32
    %and3A_1300 = vector.broadcast %and3A_1299 : i32 to vector<128x1xi32>
    %and3A_1301 = arith.andi %shift_right_arithmetic3A_1298, %and3A_1300 : vector<128x1xi32>
    %convert_element_type3A_1302 = arith.sitofp %and3A_1301 : vector<128x1xi32> to vector<128x1xf32>
    %mul3A_1303 = arith.constant 6.553600e+04 : f32
    %mul3A_1304 = vector.broadcast %mul3A_1303 : f32 to vector<128x1xf32>
    %mul3A_1305 = arith.mulf %mul3A_1304, %convert_element_type3A_1302 : vector<128x1xf32>
    %dot_general3A_1306 = arith.constant dense<0.000000e+00> : vector<128x1xf32>
    %dot_general3A_1307 = tpu.matmul %convert_element_type3A_3, %mul3A_1305, %dot_general3A_1306 {dimension_numbers = #tpu.dot_dimension_numbers<[1], [0], [0], [1], [0, 0, 1, 1], [], []>, transpose_lhs_hint = false} : vector<128x128xf32>, vector<128x1xf32>, vector<128x1xf32> -> vector<128x1xf32>
    %shift_right_arithmetic3A_1308 = arith.constant 8 : i32
    %shift_right_arithmetic3A_1309 = vector.broadcast %shift_right_arithmetic3A_1308 : i32 to vector<128x1xi32>
    %shift_right_arithmetic3A_1310 = arith.shrsi %convert_element_type3A_1295, %shift_right_arithmetic3A_1309 : vector<128x1xi32>
    %and3A_1311 = arith.constant 255 : i32
    %and3A_1312 = vector.broadcast %and3A_1311 : i32 to vector<128x1xi32>
    %and3A_1313 = arith.andi %shift_right_arithmetic3A_1310, %and3A_1312 : vector<128x1xi32>
    %convert_element_type3A_1314 = arith.sitofp %and3A_1313 : vector<128x1xi32> to vector<128x1xf32>
    %mul3A_1315 = arith.constant 2.560000e+02 : f32
    %mul3A_1316 = vector.broadcast %mul3A_1315 : f32 to vector<128x1xf32>
    %mul3A_1317 = arith.mulf %mul3A_1316, %convert_element_type3A_1314 : vector<128x1xf32>
    %dot_general3A_1318 = arith.constant dense<0.000000e+00> : vector<128x1xf32>
    %dot_general3A_1319 = tpu.matmul %convert_element_type3A_3, %mul3A_1317, %dot_general3A_1318 {dimension_numbers = #tpu.dot_dimension_numbers<[1], [0], [0], [1], [0, 0, 1, 1], [], []>, transpose_lhs_hint = false} : vector<128x128xf32>, vector<128x1xf32>, vector<128x1xf32> -> vector<128x1xf32>
    %add3A_1320 = arith.addf %dot_general3A_1307, %dot_general3A_1319 : vector<128x1xf32>
    %and3A_1321 = arith.constant 255 : i32
    %and3A_1322 = vector.broadcast %and3A_1321 : i32 to vector<128x1xi32>
    %and3A_1323 = arith.andi %convert_element_type3A_1295, %and3A_1322 : vector<128x1xi32>
    %convert_element_type3A_1324 = arith.sitofp %and3A_1323 : vector<128x1xi32> to vector<128x1xf32>
    %dot_general3A_1325 = arith.constant dense<0.000000e+00> : vector<128x1xf32>
    %dot_general3A_1326 = tpu.matmul %convert_element_type3A_3, %convert_element_type3A_1324, %dot_general3A_1325 {dimension_numbers = #tpu.dot_dimension_numbers<[1], [0], [0], [1], [0, 0, 1, 1], [], []>, transpose_lhs_hint = false} : vector<128x128xf32>, vector<128x1xf32>, vector<128x1xf32> -> vector<128x1xf32>
    %add3A_1327 = arith.addf %add3A_1320, %dot_general3A_1326 : vector<128x1xf32>
    %add3A_1328 = vector.broadcast %add3A_1327 : vector<128x1xf32> to vector<128x128xf32>
    %add3A_1329 = arith.addf %add3A_1293, %add3A_1328 : vector<128x128xf32>
    %shift_right_arithmetic3A_1330 = arith.constant 16 : i32
    %shift_right_arithmetic3A_1331 = vector.broadcast %shift_right_arithmetic3A_1330 : i32 to vector<128x128xi32>
    %shift_right_arithmetic3A_1332 = arith.shrsi %add3A_1241, %shift_right_arithmetic3A_1331 : vector<128x128xi32>
    %and3A_1333 = arith.constant 255 : i32
    %and3A_1334 = vector.broadcast %and3A_1333 : i32 to vector<128x128xi32>
    %and3A_1335 = arith.andi %shift_right_arithmetic3A_1332, %and3A_1334 : vector<128x128xi32>
    %convert_element_type3A_1336 = arith.sitofp %and3A_1335 : vector<128x128xi32> to vector<128x128xf32>
    %mul3A_1337 = arith.constant 6.553600e+04 : f32
    %mul3A_1338 = vector.broadcast %mul3A_1337 : f32 to vector<128x128xf32>
    %mul3A_1339 = arith.mulf %mul3A_1338, %convert_element_type3A_1336 : vector<128x128xf32>
    %dot_general3A_1340 = arith.constant dense<0.000000e+00> : vector<128x128xf32>
    %dot_general3A_1341 = tpu.matmul %mul3A_1339, %convert_element_type3A_1, %dot_general3A_1340 {dimension_numbers = #tpu.dot_dimension_numbers<[1], [0], [0], [1], [0, 0, 1, 1], [], []>, transpose_lhs_hint = false} : vector<128x128xf32>, vector<128x128xf32>, vector<128x128xf32> -> vector<128x128xf32>
    %shift_right_arithmetic3A_1342 = arith.constant 8 : i32
    %shift_right_arithmetic3A_1343 = vector.broadcast %shift_right_arithmetic3A_1342 : i32 to vector<128x128xi32>
    %shift_right_arithmetic3A_1344 = arith.shrsi %add3A_1241, %shift_right_arithmetic3A_1343 : vector<128x128xi32>
    %and3A_1345 = arith.constant 255 : i32
    %and3A_1346 = vector.broadcast %and3A_1345 : i32 to vector<128x128xi32>
    %and3A_1347 = arith.andi %shift_right_arithmetic3A_1344, %and3A_1346 : vector<128x128xi32>
    %convert_element_type3A_1348 = arith.sitofp %and3A_1347 : vector<128x128xi32> to vector<128x128xf32>
    %mul3A_1349 = arith.constant 2.560000e+02 : f32
    %mul3A_1350 = vector.broadcast %mul3A_1349 : f32 to vector<128x128xf32>
    %mul3A_1351 = arith.mulf %mul3A_1350, %convert_element_type3A_1348 : vector<128x128xf32>
    %dot_general3A_1352 = arith.constant dense<0.000000e+00> : vector<128x128xf32>
    %dot_general3A_1353 = tpu.matmul %mul3A_1351, %convert_element_type3A_1, %dot_general3A_1352 {dimension_numbers = #tpu.dot_dimension_numbers<[1], [0], [0], [1], [0, 0, 1, 1], [], []>, transpose_lhs_hint = false} : vector<128x128xf32>, vector<128x128xf32>, vector<128x128xf32> -> vector<128x128xf32>
    %add3A_1354 = arith.addf %dot_general3A_1341, %dot_general3A_1353 : vector<128x128xf32>
    %and3A_1355 = arith.constant 255 : i32
    %and3A_1356 = vector.broadcast %and3A_1355 : i32 to vector<128x128xi32>
    %and3A_1357 = arith.andi %add3A_1241, %and3A_1356 : vector<128x128xi32>
    %convert_element_type3A_1358 = arith.sitofp %and3A_1357 : vector<128x128xi32> to vector<128x128xf32>
    %dot_general3A_1359 = arith.constant dense<0.000000e+00> : vector<128x128xf32>
    %dot_general3A_1360 = tpu.matmul %convert_element_type3A_1358, %convert_element_type3A_1, %dot_general3A_1359 {dimension_numbers = #tpu.dot_dimension_numbers<[1], [0], [0], [1], [0, 0, 1, 1], [], []>, transpose_lhs_hint = false} : vector<128x128xf32>, vector<128x128xf32>, vector<128x128xf32> -> vector<128x128xf32>
    %add3A_1361 = arith.addf %add3A_1354, %dot_general3A_1360 : vector<128x128xf32>
    %slice3A_1362 = vector.extract_strided_slice %add3A_1361 {offsets = [0, 127], sizes = [128, 1], strides = [1, 1]} : vector<128x128xf32> to vector<128x1xf32>
    %convert_element_type3A_1363 = arith.fptosi %slice3A_1362 : vector<128x1xf32> to vector<128x1xi32>
    %shift_right_arithmetic3A_1364 = arith.constant 16 : i32
    %shift_right_arithmetic3A_1365 = vector.broadcast %shift_right_arithmetic3A_1364 : i32 to vector<128x1xi32>
    %shift_right_arithmetic3A_1366 = arith.shrsi %convert_element_type3A_1363, %shift_right_arithmetic3A_1365 : vector<128x1xi32>
    %and3A_1367 = arith.constant 255 : i32
    %and3A_1368 = vector.broadcast %and3A_1367 : i32 to vector<128x1xi32>
    %and3A_1369 = arith.andi %shift_right_arithmetic3A_1366, %and3A_1368 : vector<128x1xi32>
    %convert_element_type3A_1370 = arith.sitofp %and3A_1369 : vector<128x1xi32> to vector<128x1xf32>
    %mul3A_1371 = arith.constant 6.553600e+04 : f32
    %mul3A_1372 = vector.broadcast %mul3A_1371 : f32 to vector<128x1xf32>
    %mul3A_1373 = arith.mulf %mul3A_1372, %convert_element_type3A_1370 : vector<128x1xf32>
    %dot_general3A_1374 = arith.constant dense<0.000000e+00> : vector<128x1xf32>
    %dot_general3A_1375 = tpu.matmul %convert_element_type3A_3, %mul3A_1373, %dot_general3A_1374 {dimension_numbers = #tpu.dot_dimension_numbers<[1], [0], [0], [1], [0, 0, 1, 1], [], []>, transpose_lhs_hint = false} : vector<128x128xf32>, vector<128x1xf32>, vector<128x1xf32> -> vector<128x1xf32>
    %shift_right_arithmetic3A_1376 = arith.constant 8 : i32
    %shift_right_arithmetic3A_1377 = vector.broadcast %shift_right_arithmetic3A_1376 : i32 to vector<128x1xi32>
    %shift_right_arithmetic3A_1378 = arith.shrsi %convert_element_type3A_1363, %shift_right_arithmetic3A_1377 : vector<128x1xi32>
    %and3A_1379 = arith.constant 255 : i32
    %and3A_1380 = vector.broadcast %and3A_1379 : i32 to vector<128x1xi32>
    %and3A_1381 = arith.andi %shift_right_arithmetic3A_1378, %and3A_1380 : vector<128x1xi32>
    %convert_element_type3A_1382 = arith.sitofp %and3A_1381 : vector<128x1xi32> to vector<128x1xf32>
    %mul3A_1383 = arith.constant 2.560000e+02 : f32
    %mul3A_1384 = vector.broadcast %mul3A_1383 : f32 to vector<128x1xf32>
    %mul3A_1385 = arith.mulf %mul3A_1384, %convert_element_type3A_1382 : vector<128x1xf32>
    %dot_general3A_1386 = arith.constant dense<0.000000e+00> : vector<128x1xf32>
    %dot_general3A_1387 = tpu.matmul %convert_element_type3A_3, %mul3A_1385, %dot_general3A_1386 {dimension_numbers = #tpu.dot_dimension_numbers<[1], [0], [0], [1], [0, 0, 1, 1], [], []>, transpose_lhs_hint = false} : vector<128x128xf32>, vector<128x1xf32>, vector<128x1xf32> -> vector<128x1xf32>
    %add3A_1388 = arith.addf %dot_general3A_1375, %dot_general3A_1387 : vector<128x1xf32>
    %and3A_1389 = arith.constant 255 : i32
    %and3A_1390 = vector.broadcast %and3A_1389 : i32 to vector<128x1xi32>
    %and3A_1391 = arith.andi %convert_element_type3A_1363, %and3A_1390 : vector<128x1xi32>
    %convert_element_type3A_1392 = arith.sitofp %and3A_1391 : vector<128x1xi32> to vector<128x1xf32>
    %dot_general3A_1393 = arith.constant dense<0.000000e+00> : vector<128x1xf32>
    %dot_general3A_1394 = tpu.matmul %convert_element_type3A_3, %convert_element_type3A_1392, %dot_general3A_1393 {dimension_numbers = #tpu.dot_dimension_numbers<[1], [0], [0], [1], [0, 0, 1, 1], [], []>, transpose_lhs_hint = false} : vector<128x128xf32>, vector<128x1xf32>, vector<128x1xf32> -> vector<128x1xf32>
    %add3A_1395 = arith.addf %add3A_1388, %dot_general3A_1394 : vector<128x1xf32>
    %add3A_1396 = vector.broadcast %add3A_1395 : vector<128x1xf32> to vector<128x128xf32>
    %add3A_1397 = arith.addf %add3A_1361, %add3A_1396 : vector<128x128xf32>
    %sub3A_1398 = vector.broadcast %reduce_sum3A_1261 : f32 to vector<128x128xf32>
    %sub3A_1399 = arith.subf %sub3A_1398, %add3A_1329 : vector<128x128xf32>
    %add3A_1400 = arith.addf %sub3A_1399, %convert_element_type3A_1251 : vector<128x128xf32>
    %sub3A_1401 = vector.broadcast %reduce_sum3A_1256 : f32 to vector<128x128xf32>
    %sub3A_1402 = arith.subf %sub3A_1401, %add3A_1397 : vector<128x128xf32>
    %add3A_1403 = arith.addf %sub3A_1402, %convert_element_type3A_1250 : vector<128x128xf32>
    %sub3A_1404 = arith.subf %add3A_1400, %convert_element_type3A_1251 : vector<128x128xf32>
    %sub3A_1405 = arith.subf %add3A_1403, %convert_element_type3A_1250 : vector<128x128xf32>
    %add3A_1406 = vector.broadcast %reduce_sum3A_1256 : f32 to vector<128x128xf32>
    %add3A_1407 = arith.addf %add3A_1406, %add3A_1400 : vector<128x128xf32>
    %sub3A_1408 = arith.subf %add3A_1407, %add3A_1403 : vector<128x128xf32>
    %max3A_1409 = arith.constant 1.000000e+00 : f32
    %max3A_1410 = vector.broadcast %max3A_1409 : f32 to vector<128x128xf32>
    %max3A_1411 = arith.maximumf %sub3A_1408, %max3A_1410 : vector<128x128xf32>
    %gt3A_1412 = arith.constant 0.000000e+00 : f32
    %gt3A_1413 = vector.broadcast %gt3A_1412 : f32 to vector<128x128xf32>
    %gt3A_1414 = arith.cmpf ogt, %add3A_1400, %gt3A_1413 : vector<128x128xf32>
    %sub3A_1415 = vector.broadcast %reduce_sum3A_1256 : f32 to vector<128x128xf32>
    %sub3A_1416 = arith.subf %sub3A_1415, %add3A_1403 : vector<128x128xf32>
    %div3A_1417 = arith.divf %sub3A_1416, %max3A_1411 : vector<128x128xf32>
    %sub3A_1418 = arith.constant 1.000000e+00 : f32
    %sub3A_1419 = vector.broadcast %sub3A_1418 : f32 to vector<128x128xf32>
    %sub3A_1420 = arith.subf %sub3A_1419, %div3A_1417 : vector<128x128xf32>
    %jit3A_1421 = arith.constant 0.000000e+00 : f32
    %broadcast_in_dim3A_1422 = vector.broadcast %jit3A_1421 : f32 to vector<128x128xf32>
    %select_n3A_1423 = arith.select %gt3A_1414, %sub3A_1420, %broadcast_in_dim3A_1422 : vector<128x128xi1>, vector<128x128xf32>
    %add3A_1424 = vector.broadcast %reduce_sum3A_1256 : f32 to vector<128x128xf32>
    %add3A_1425 = arith.addf %add3A_1424, %sub3A_1404 : vector<128x128xf32>
    %sub3A_1426 = arith.subf %add3A_1425, %sub3A_1405 : vector<128x128xf32>
    %max3A_1427 = arith.constant 1.000000e+00 : f32
    %max3A_1428 = vector.broadcast %max3A_1427 : f32 to vector<128x128xf32>
    %max3A_1429 = arith.maximumf %sub3A_1426, %max3A_1428 : vector<128x128xf32>
    %gt3A_1430 = arith.constant 0.000000e+00 : f32
    %gt3A_1431 = vector.broadcast %gt3A_1430 : f32 to vector<128x128xf32>
    %gt3A_1432 = arith.cmpf ogt, %sub3A_1404, %gt3A_1431 : vector<128x128xf32>
    %sub3A_1433 = vector.broadcast %reduce_sum3A_1256 : f32 to vector<128x128xf32>
    %sub3A_1434 = arith.subf %sub3A_1433, %sub3A_1405 : vector<128x128xf32>
    %div3A_1435 = arith.divf %sub3A_1434, %max3A_1429 : vector<128x128xf32>
    %sub3A_1436 = arith.constant 1.000000e+00 : f32
    %sub3A_1437 = vector.broadcast %sub3A_1436 : f32 to vector<128x128xf32>
    %sub3A_1438 = arith.subf %sub3A_1437, %div3A_1435 : vector<128x128xf32>
    %jit3A_1439 = arith.constant 0.000000e+00 : f32
    %broadcast_in_dim3A_1440 = vector.broadcast %jit3A_1439 : f32 to vector<128x128xf32>
    %select_n3A_1441 = arith.select %gt3A_1432, %sub3A_1438, %broadcast_in_dim3A_1440 : vector<128x128xi1>, vector<128x128xf32>
    %sub3A_1442 = arith.subf %select_n3A_1423, %select_n3A_1441 : vector<128x128xf32>
    %mul3A_1443 = arith.mulf %mul3A_12, %sub3A_1442 : vector<128x128xf32>
    %reduce_sum3A_1444 = vector.shape_cast %mul3A_1443 : vector<128x128xf32> to vector<1x128x128xf32>
    %reduce_sum3A_1445 = arith.constant dense<0.000000e+00> : vector<1xf32>
    %reduce_sum3A_1446 = vector.multi_reduction <add>, %reduce_sum3A_1444, %reduce_sum3A_1445 [1, 2] : vector<1x128x128xf32> to vector<1xf32>
    %reduce_sum3A_1447 = vector.shape_cast %reduce_sum3A_1446 : vector<1xf32> to vector<1x1x1xf32>
    %reduce_sum3A_1448 = vector.extract %reduce_sum3A_1447[0, 0, 0] : f32 from vector<1x1x1xf32>
    %gt3A_1449 = arith.constant 0.000000e+00 : f32
    %gt3A_1450 = arith.cmpf ogt, %reduce_sum3A_1256, %gt3A_1449 : f32
    %convert_element_type3A_1451 = arith.extui %gt3A_1450 : i1 to i32
    %convert_element_type3A_1452 = arith.sitofp %convert_element_type3A_1451 : i32 to f32
    %mul3A_1453 = arith.mulf %reduce_sum3A_1448, %convert_element_type3A_1452 : f32
    %add3A_1454 = arith.addf %add3A_1207, %mul3A_1453 : f32
    %add3A_1455 = arith.addf %add3A_1208, %convert_element_type3A_1452 : f32
    %get3A_1456 = arith.constant 10 : index
    %get3A_1457 = arith.constant 1 : index
    %get3A_1458 = arith.constant 0 : index
    %get3A_1459 = arith.constant 0 : index
    %get3A_1460 = vector.load %arg0[%get3A_1456, %get3A_1457, %get3A_1458, %get3A_1459] : memref<32x4x128x128xi32, #tpu.memory_space<vmem>>, vector<1x1x128x128xi32>
    %get3A_1461 = vector.shape_cast %get3A_1460 : vector<1x1x128x128xi32> to vector<128x128xi32>
    %get3A_1462 = arith.constant 10 : index
    %get3A_1463 = arith.constant 0 : index
    %get3A_1464 = arith.constant 0 : index
    %get3A_1465 = arith.constant 0 : index
    %get3A_1466 = vector.load %arg0[%get3A_1462, %get3A_1463, %get3A_1464, %get3A_1465] : memref<32x4x128x128xi32, #tpu.memory_space<vmem>>, vector<1x1x128x128xi32>
    %get3A_1467 = vector.shape_cast %get3A_1466 : vector<1x1x128x128xi32> to vector<128x128xi32>
    %get3A_1468 = arith.constant 11 : index
    %get3A_1469 = arith.constant 1 : index
    %get3A_1470 = arith.constant 0 : index
    %get3A_1471 = arith.constant 0 : index
    %get3A_1472 = vector.load %arg0[%get3A_1468, %get3A_1469, %get3A_1470, %get3A_1471] : memref<32x4x128x128xi32, #tpu.memory_space<vmem>>, vector<1x1x128x128xi32>
    %get3A_1473 = vector.shape_cast %get3A_1472 : vector<1x1x128x128xi32> to vector<128x128xi32>
    %add3A_1474 = arith.addi %get3A_1461, %get3A_1473 : vector<128x128xi32>
    %get3A_1475 = arith.constant 11 : index
    %get3A_1476 = arith.constant 0 : index
    %get3A_1477 = arith.constant 0 : index
    %get3A_1478 = arith.constant 0 : index
    %get3A_1479 = vector.load %arg0[%get3A_1475, %get3A_1476, %get3A_1477, %get3A_1478] : memref<32x4x128x128xi32, #tpu.memory_space<vmem>>, vector<1x1x128x128xi32>
    %get3A_1480 = vector.shape_cast %get3A_1479 : vector<1x1x128x128xi32> to vector<128x128xi32>
    %add3A_1481 = arith.addi %get3A_1467, %get3A_1480 : vector<128x128xi32>
    %add3A_1482 = arith.addi %add3A_1481, %add3A_1474 : vector<128x128xi32>
    %convert_element_type3A_1483 = arith.sitofp %add3A_1474 : vector<128x128xi32> to vector<128x128xf32>
    %convert_element_type3A_1484 = arith.sitofp %add3A_1482 : vector<128x128xi32> to vector<128x128xf32>
    %reduce_sum3A_1485 = vector.shape_cast %convert_element_type3A_1483 : vector<128x128xf32> to vector<1x128x128xf32>
    %reduce_sum3A_1486 = arith.constant dense<0.000000e+00> : vector<1xf32>
    %reduce_sum3A_1487 = vector.multi_reduction <add>, %reduce_sum3A_1485, %reduce_sum3A_1486 [1, 2] : vector<1x128x128xf32> to vector<1xf32>
    %reduce_sum3A_1488 = vector.shape_cast %reduce_sum3A_1487 : vector<1xf32> to vector<1x1x1xf32>
    %reduce_sum3A_1489 = vector.extract %reduce_sum3A_1488[0, 0, 0] : f32 from vector<1x1x1xf32>
    %reduce_sum3A_1490 = vector.shape_cast %convert_element_type3A_1484 : vector<128x128xf32> to vector<1x128x128xf32>
    %reduce_sum3A_1491 = arith.constant dense<0.000000e+00> : vector<1xf32>
    %reduce_sum3A_1492 = vector.multi_reduction <add>, %reduce_sum3A_1490, %reduce_sum3A_1491 [1, 2] : vector<1x128x128xf32> to vector<1xf32>
    %reduce_sum3A_1493 = vector.shape_cast %reduce_sum3A_1492 : vector<1xf32> to vector<1x1x1xf32>
    %reduce_sum3A_1494 = vector.extract %reduce_sum3A_1493[0, 0, 0] : f32 from vector<1x1x1xf32>
    %shift_right_arithmetic3A_1495 = arith.constant 16 : i32
    %shift_right_arithmetic3A_1496 = vector.broadcast %shift_right_arithmetic3A_1495 : i32 to vector<128x128xi32>
    %shift_right_arithmetic3A_1497 = arith.shrsi %add3A_1482, %shift_right_arithmetic3A_1496 : vector<128x128xi32>
    %and3A_1498 = arith.constant 255 : i32
    %and3A_1499 = vector.broadcast %and3A_1498 : i32 to vector<128x128xi32>
    %and3A_1500 = arith.andi %shift_right_arithmetic3A_1497, %and3A_1499 : vector<128x128xi32>
    %convert_element_type3A_1501 = arith.sitofp %and3A_1500 : vector<128x128xi32> to vector<128x128xf32>
    %mul3A_1502 = arith.constant 6.553600e+04 : f32
    %mul3A_1503 = vector.broadcast %mul3A_1502 : f32 to vector<128x128xf32>
    %mul3A_1504 = arith.mulf %mul3A_1503, %convert_element_type3A_1501 : vector<128x128xf32>
    %dot_general3A_1505 = arith.constant dense<0.000000e+00> : vector<128x128xf32>
    %dot_general3A_1506 = tpu.matmul %mul3A_1504, %convert_element_type3A_1, %dot_general3A_1505 {dimension_numbers = #tpu.dot_dimension_numbers<[1], [0], [0], [1], [0, 0, 1, 1], [], []>, transpose_lhs_hint = false} : vector<128x128xf32>, vector<128x128xf32>, vector<128x128xf32> -> vector<128x128xf32>
    %shift_right_arithmetic3A_1507 = arith.constant 8 : i32
    %shift_right_arithmetic3A_1508 = vector.broadcast %shift_right_arithmetic3A_1507 : i32 to vector<128x128xi32>
    %shift_right_arithmetic3A_1509 = arith.shrsi %add3A_1482, %shift_right_arithmetic3A_1508 : vector<128x128xi32>
    %and3A_1510 = arith.constant 255 : i32
    %and3A_1511 = vector.broadcast %and3A_1510 : i32 to vector<128x128xi32>
    %and3A_1512 = arith.andi %shift_right_arithmetic3A_1509, %and3A_1511 : vector<128x128xi32>
    %convert_element_type3A_1513 = arith.sitofp %and3A_1512 : vector<128x128xi32> to vector<128x128xf32>
    %mul3A_1514 = arith.constant 2.560000e+02 : f32
    %mul3A_1515 = vector.broadcast %mul3A_1514 : f32 to vector<128x128xf32>
    %mul3A_1516 = arith.mulf %mul3A_1515, %convert_element_type3A_1513 : vector<128x128xf32>
    %dot_general3A_1517 = arith.constant dense<0.000000e+00> : vector<128x128xf32>
    %dot_general3A_1518 = tpu.matmul %mul3A_1516, %convert_element_type3A_1, %dot_general3A_1517 {dimension_numbers = #tpu.dot_dimension_numbers<[1], [0], [0], [1], [0, 0, 1, 1], [], []>, transpose_lhs_hint = false} : vector<128x128xf32>, vector<128x128xf32>, vector<128x128xf32> -> vector<128x128xf32>
    %add3A_1519 = arith.addf %dot_general3A_1506, %dot_general3A_1518 : vector<128x128xf32>
    %and3A_1520 = arith.constant 255 : i32
    %and3A_1521 = vector.broadcast %and3A_1520 : i32 to vector<128x128xi32>
    %and3A_1522 = arith.andi %add3A_1482, %and3A_1521 : vector<128x128xi32>
    %convert_element_type3A_1523 = arith.sitofp %and3A_1522 : vector<128x128xi32> to vector<128x128xf32>
    %dot_general3A_1524 = arith.constant dense<0.000000e+00> : vector<128x128xf32>
    %dot_general3A_1525 = tpu.matmul %convert_element_type3A_1523, %convert_element_type3A_1, %dot_general3A_1524 {dimension_numbers = #tpu.dot_dimension_numbers<[1], [0], [0], [1], [0, 0, 1, 1], [], []>, transpose_lhs_hint = false} : vector<128x128xf32>, vector<128x128xf32>, vector<128x128xf32> -> vector<128x128xf32>
    %add3A_1526 = arith.addf %add3A_1519, %dot_general3A_1525 : vector<128x128xf32>
    %slice3A_1527 = vector.extract_strided_slice %add3A_1526 {offsets = [0, 127], sizes = [128, 1], strides = [1, 1]} : vector<128x128xf32> to vector<128x1xf32>
    %convert_element_type3A_1528 = arith.fptosi %slice3A_1527 : vector<128x1xf32> to vector<128x1xi32>
    %shift_right_arithmetic3A_1529 = arith.constant 16 : i32
    %shift_right_arithmetic3A_1530 = vector.broadcast %shift_right_arithmetic3A_1529 : i32 to vector<128x1xi32>
    %shift_right_arithmetic3A_1531 = arith.shrsi %convert_element_type3A_1528, %shift_right_arithmetic3A_1530 : vector<128x1xi32>
    %and3A_1532 = arith.constant 255 : i32
    %and3A_1533 = vector.broadcast %and3A_1532 : i32 to vector<128x1xi32>
    %and3A_1534 = arith.andi %shift_right_arithmetic3A_1531, %and3A_1533 : vector<128x1xi32>
    %convert_element_type3A_1535 = arith.sitofp %and3A_1534 : vector<128x1xi32> to vector<128x1xf32>
    %mul3A_1536 = arith.constant 6.553600e+04 : f32
    %mul3A_1537 = vector.broadcast %mul3A_1536 : f32 to vector<128x1xf32>
    %mul3A_1538 = arith.mulf %mul3A_1537, %convert_element_type3A_1535 : vector<128x1xf32>
    %dot_general3A_1539 = arith.constant dense<0.000000e+00> : vector<128x1xf32>
    %dot_general3A_1540 = tpu.matmul %convert_element_type3A_3, %mul3A_1538, %dot_general3A_1539 {dimension_numbers = #tpu.dot_dimension_numbers<[1], [0], [0], [1], [0, 0, 1, 1], [], []>, transpose_lhs_hint = false} : vector<128x128xf32>, vector<128x1xf32>, vector<128x1xf32> -> vector<128x1xf32>
    %shift_right_arithmetic3A_1541 = arith.constant 8 : i32
    %shift_right_arithmetic3A_1542 = vector.broadcast %shift_right_arithmetic3A_1541 : i32 to vector<128x1xi32>
    %shift_right_arithmetic3A_1543 = arith.shrsi %convert_element_type3A_1528, %shift_right_arithmetic3A_1542 : vector<128x1xi32>
    %and3A_1544 = arith.constant 255 : i32
    %and3A_1545 = vector.broadcast %and3A_1544 : i32 to vector<128x1xi32>
    %and3A_1546 = arith.andi %shift_right_arithmetic3A_1543, %and3A_1545 : vector<128x1xi32>
    %convert_element_type3A_1547 = arith.sitofp %and3A_1546 : vector<128x1xi32> to vector<128x1xf32>
    %mul3A_1548 = arith.constant 2.560000e+02 : f32
    %mul3A_1549 = vector.broadcast %mul3A_1548 : f32 to vector<128x1xf32>
    %mul3A_1550 = arith.mulf %mul3A_1549, %convert_element_type3A_1547 : vector<128x1xf32>
    %dot_general3A_1551 = arith.constant dense<0.000000e+00> : vector<128x1xf32>
    %dot_general3A_1552 = tpu.matmul %convert_element_type3A_3, %mul3A_1550, %dot_general3A_1551 {dimension_numbers = #tpu.dot_dimension_numbers<[1], [0], [0], [1], [0, 0, 1, 1], [], []>, transpose_lhs_hint = false} : vector<128x128xf32>, vector<128x1xf32>, vector<128x1xf32> -> vector<128x1xf32>
    %add3A_1553 = arith.addf %dot_general3A_1540, %dot_general3A_1552 : vector<128x1xf32>
    %and3A_1554 = arith.constant 255 : i32
    %and3A_1555 = vector.broadcast %and3A_1554 : i32 to vector<128x1xi32>
    %and3A_1556 = arith.andi %convert_element_type3A_1528, %and3A_1555 : vector<128x1xi32>
    %convert_element_type3A_1557 = arith.sitofp %and3A_1556 : vector<128x1xi32> to vector<128x1xf32>
    %dot_general3A_1558 = arith.constant dense<0.000000e+00> : vector<128x1xf32>
    %dot_general3A_1559 = tpu.matmul %convert_element_type3A_3, %convert_element_type3A_1557, %dot_general3A_1558 {dimension_numbers = #tpu.dot_dimension_numbers<[1], [0], [0], [1], [0, 0, 1, 1], [], []>, transpose_lhs_hint = false} : vector<128x128xf32>, vector<128x1xf32>, vector<128x1xf32> -> vector<128x1xf32>
    %add3A_1560 = arith.addf %add3A_1553, %dot_general3A_1559 : vector<128x1xf32>
    %add3A_1561 = vector.broadcast %add3A_1560 : vector<128x1xf32> to vector<128x128xf32>
    %add3A_1562 = arith.addf %add3A_1526, %add3A_1561 : vector<128x128xf32>
    %shift_right_arithmetic3A_1563 = arith.constant 16 : i32
    %shift_right_arithmetic3A_1564 = vector.broadcast %shift_right_arithmetic3A_1563 : i32 to vector<128x128xi32>
    %shift_right_arithmetic3A_1565 = arith.shrsi %add3A_1474, %shift_right_arithmetic3A_1564 : vector<128x128xi32>
    %and3A_1566 = arith.constant 255 : i32
    %and3A_1567 = vector.broadcast %and3A_1566 : i32 to vector<128x128xi32>
    %and3A_1568 = arith.andi %shift_right_arithmetic3A_1565, %and3A_1567 : vector<128x128xi32>
    %convert_element_type3A_1569 = arith.sitofp %and3A_1568 : vector<128x128xi32> to vector<128x128xf32>
    %mul3A_1570 = arith.constant 6.553600e+04 : f32
    %mul3A_1571 = vector.broadcast %mul3A_1570 : f32 to vector<128x128xf32>
    %mul3A_1572 = arith.mulf %mul3A_1571, %convert_element_type3A_1569 : vector<128x128xf32>
    %dot_general3A_1573 = arith.constant dense<0.000000e+00> : vector<128x128xf32>
    %dot_general3A_1574 = tpu.matmul %mul3A_1572, %convert_element_type3A_1, %dot_general3A_1573 {dimension_numbers = #tpu.dot_dimension_numbers<[1], [0], [0], [1], [0, 0, 1, 1], [], []>, transpose_lhs_hint = false} : vector<128x128xf32>, vector<128x128xf32>, vector<128x128xf32> -> vector<128x128xf32>
    %shift_right_arithmetic3A_1575 = arith.constant 8 : i32
    %shift_right_arithmetic3A_1576 = vector.broadcast %shift_right_arithmetic3A_1575 : i32 to vector<128x128xi32>
    %shift_right_arithmetic3A_1577 = arith.shrsi %add3A_1474, %shift_right_arithmetic3A_1576 : vector<128x128xi32>
    %and3A_1578 = arith.constant 255 : i32
    %and3A_1579 = vector.broadcast %and3A_1578 : i32 to vector<128x128xi32>
    %and3A_1580 = arith.andi %shift_right_arithmetic3A_1577, %and3A_1579 : vector<128x128xi32>
    %convert_element_type3A_1581 = arith.sitofp %and3A_1580 : vector<128x128xi32> to vector<128x128xf32>
    %mul3A_1582 = arith.constant 2.560000e+02 : f32
    %mul3A_1583 = vector.broadcast %mul3A_1582 : f32 to vector<128x128xf32>
    %mul3A_1584 = arith.mulf %mul3A_1583, %convert_element_type3A_1581 : vector<128x128xf32>
    %dot_general3A_1585 = arith.constant dense<0.000000e+00> : vector<128x128xf32>
    %dot_general3A_1586 = tpu.matmul %mul3A_1584, %convert_element_type3A_1, %dot_general3A_1585 {dimension_numbers = #tpu.dot_dimension_numbers<[1], [0], [0], [1], [0, 0, 1, 1], [], []>, transpose_lhs_hint = false} : vector<128x128xf32>, vector<128x128xf32>, vector<128x128xf32> -> vector<128x128xf32>
    %add3A_1587 = arith.addf %dot_general3A_1574, %dot_general3A_1586 : vector<128x128xf32>
    %and3A_1588 = arith.constant 255 : i32
    %and3A_1589 = vector.broadcast %and3A_1588 : i32 to vector<128x128xi32>
    %and3A_1590 = arith.andi %add3A_1474, %and3A_1589 : vector<128x128xi32>
    %convert_element_type3A_1591 = arith.sitofp %and3A_1590 : vector<128x128xi32> to vector<128x128xf32>
    %dot_general3A_1592 = arith.constant dense<0.000000e+00> : vector<128x128xf32>
    %dot_general3A_1593 = tpu.matmul %convert_element_type3A_1591, %convert_element_type3A_1, %dot_general3A_1592 {dimension_numbers = #tpu.dot_dimension_numbers<[1], [0], [0], [1], [0, 0, 1, 1], [], []>, transpose_lhs_hint = false} : vector<128x128xf32>, vector<128x128xf32>, vector<128x128xf32> -> vector<128x128xf32>
    %add3A_1594 = arith.addf %add3A_1587, %dot_general3A_1593 : vector<128x128xf32>
    %slice3A_1595 = vector.extract_strided_slice %add3A_1594 {offsets = [0, 127], sizes = [128, 1], strides = [1, 1]} : vector<128x128xf32> to vector<128x1xf32>
    %convert_element_type3A_1596 = arith.fptosi %slice3A_1595 : vector<128x1xf32> to vector<128x1xi32>
    %shift_right_arithmetic3A_1597 = arith.constant 16 : i32
    %shift_right_arithmetic3A_1598 = vector.broadcast %shift_right_arithmetic3A_1597 : i32 to vector<128x1xi32>
    %shift_right_arithmetic3A_1599 = arith.shrsi %convert_element_type3A_1596, %shift_right_arithmetic3A_1598 : vector<128x1xi32>
    %and3A_1600 = arith.constant 255 : i32
    %and3A_1601 = vector.broadcast %and3A_1600 : i32 to vector<128x1xi32>
    %and3A_1602 = arith.andi %shift_right_arithmetic3A_1599, %and3A_1601 : vector<128x1xi32>
    %convert_element_type3A_1603 = arith.sitofp %and3A_1602 : vector<128x1xi32> to vector<128x1xf32>
    %mul3A_1604 = arith.constant 6.553600e+04 : f32
    %mul3A_1605 = vector.broadcast %mul3A_1604 : f32 to vector<128x1xf32>
    %mul3A_1606 = arith.mulf %mul3A_1605, %convert_element_type3A_1603 : vector<128x1xf32>
    %dot_general3A_1607 = arith.constant dense<0.000000e+00> : vector<128x1xf32>
    %dot_general3A_1608 = tpu.matmul %convert_element_type3A_3, %mul3A_1606, %dot_general3A_1607 {dimension_numbers = #tpu.dot_dimension_numbers<[1], [0], [0], [1], [0, 0, 1, 1], [], []>, transpose_lhs_hint = false} : vector<128x128xf32>, vector<128x1xf32>, vector<128x1xf32> -> vector<128x1xf32>
    %shift_right_arithmetic3A_1609 = arith.constant 8 : i32
    %shift_right_arithmetic3A_1610 = vector.broadcast %shift_right_arithmetic3A_1609 : i32 to vector<128x1xi32>
    %shift_right_arithmetic3A_1611 = arith.shrsi %convert_element_type3A_1596, %shift_right_arithmetic3A_1610 : vector<128x1xi32>
    %and3A_1612 = arith.constant 255 : i32
    %and3A_1613 = vector.broadcast %and3A_1612 : i32 to vector<128x1xi32>
    %and3A_1614 = arith.andi %shift_right_arithmetic3A_1611, %and3A_1613 : vector<128x1xi32>
    %convert_element_type3A_1615 = arith.sitofp %and3A_1614 : vector<128x1xi32> to vector<128x1xf32>
    %mul3A_1616 = arith.constant 2.560000e+02 : f32
    %mul3A_1617 = vector.broadcast %mul3A_1616 : f32 to vector<128x1xf32>
    %mul3A_1618 = arith.mulf %mul3A_1617, %convert_element_type3A_1615 : vector<128x1xf32>
    %dot_general3A_1619 = arith.constant dense<0.000000e+00> : vector<128x1xf32>
    %dot_general3A_1620 = tpu.matmul %convert_element_type3A_3, %mul3A_1618, %dot_general3A_1619 {dimension_numbers = #tpu.dot_dimension_numbers<[1], [0], [0], [1], [0, 0, 1, 1], [], []>, transpose_lhs_hint = false} : vector<128x128xf32>, vector<128x1xf32>, vector<128x1xf32> -> vector<128x1xf32>
    %add3A_1621 = arith.addf %dot_general3A_1608, %dot_general3A_1620 : vector<128x1xf32>
    %and3A_1622 = arith.constant 255 : i32
    %and3A_1623 = vector.broadcast %and3A_1622 : i32 to vector<128x1xi32>
    %and3A_1624 = arith.andi %convert_element_type3A_1596, %and3A_1623 : vector<128x1xi32>
    %convert_element_type3A_1625 = arith.sitofp %and3A_1624 : vector<128x1xi32> to vector<128x1xf32>
    %dot_general3A_1626 = arith.constant dense<0.000000e+00> : vector<128x1xf32>
    %dot_general3A_1627 = tpu.matmul %convert_element_type3A_3, %convert_element_type3A_1625, %dot_general3A_1626 {dimension_numbers = #tpu.dot_dimension_numbers<[1], [0], [0], [1], [0, 0, 1, 1], [], []>, transpose_lhs_hint = false} : vector<128x128xf32>, vector<128x1xf32>, vector<128x1xf32> -> vector<128x1xf32>
    %add3A_1628 = arith.addf %add3A_1621, %dot_general3A_1627 : vector<128x1xf32>
    %add3A_1629 = vector.broadcast %add3A_1628 : vector<128x1xf32> to vector<128x128xf32>
    %add3A_1630 = arith.addf %add3A_1594, %add3A_1629 : vector<128x128xf32>
    %sub3A_1631 = vector.broadcast %reduce_sum3A_1494 : f32 to vector<128x128xf32>
    %sub3A_1632 = arith.subf %sub3A_1631, %add3A_1562 : vector<128x128xf32>
    %add3A_1633 = arith.addf %sub3A_1632, %convert_element_type3A_1484 : vector<128x128xf32>
    %sub3A_1634 = vector.broadcast %reduce_sum3A_1489 : f32 to vector<128x128xf32>
    %sub3A_1635 = arith.subf %sub3A_1634, %add3A_1630 : vector<128x128xf32>
    %add3A_1636 = arith.addf %sub3A_1635, %convert_element_type3A_1483 : vector<128x128xf32>
    %sub3A_1637 = arith.subf %add3A_1633, %convert_element_type3A_1484 : vector<128x128xf32>
    %sub3A_1638 = arith.subf %add3A_1636, %convert_element_type3A_1483 : vector<128x128xf32>
    %add3A_1639 = vector.broadcast %reduce_sum3A_1489 : f32 to vector<128x128xf32>
    %add3A_1640 = arith.addf %add3A_1639, %add3A_1633 : vector<128x128xf32>
    %sub3A_1641 = arith.subf %add3A_1640, %add3A_1636 : vector<128x128xf32>
    %max3A_1642 = arith.constant 1.000000e+00 : f32
    %max3A_1643 = vector.broadcast %max3A_1642 : f32 to vector<128x128xf32>
    %max3A_1644 = arith.maximumf %sub3A_1641, %max3A_1643 : vector<128x128xf32>
    %gt3A_1645 = arith.constant 0.000000e+00 : f32
    %gt3A_1646 = vector.broadcast %gt3A_1645 : f32 to vector<128x128xf32>
    %gt3A_1647 = arith.cmpf ogt, %add3A_1633, %gt3A_1646 : vector<128x128xf32>
    %sub3A_1648 = vector.broadcast %reduce_sum3A_1489 : f32 to vector<128x128xf32>
    %sub3A_1649 = arith.subf %sub3A_1648, %add3A_1636 : vector<128x128xf32>
    %div3A_1650 = arith.divf %sub3A_1649, %max3A_1644 : vector<128x128xf32>
    %sub3A_1651 = arith.constant 1.000000e+00 : f32
    %sub3A_1652 = vector.broadcast %sub3A_1651 : f32 to vector<128x128xf32>
    %sub3A_1653 = arith.subf %sub3A_1652, %div3A_1650 : vector<128x128xf32>
    %jit3A_1654 = arith.constant 0.000000e+00 : f32
    %broadcast_in_dim3A_1655 = vector.broadcast %jit3A_1654 : f32 to vector<128x128xf32>
    %select_n3A_1656 = arith.select %gt3A_1647, %sub3A_1653, %broadcast_in_dim3A_1655 : vector<128x128xi1>, vector<128x128xf32>
    %add3A_1657 = vector.broadcast %reduce_sum3A_1489 : f32 to vector<128x128xf32>
    %add3A_1658 = arith.addf %add3A_1657, %sub3A_1637 : vector<128x128xf32>
    %sub3A_1659 = arith.subf %add3A_1658, %sub3A_1638 : vector<128x128xf32>
    %max3A_1660 = arith.constant 1.000000e+00 : f32
    %max3A_1661 = vector.broadcast %max3A_1660 : f32 to vector<128x128xf32>
    %max3A_1662 = arith.maximumf %sub3A_1659, %max3A_1661 : vector<128x128xf32>
    %gt3A_1663 = arith.constant 0.000000e+00 : f32
    %gt3A_1664 = vector.broadcast %gt3A_1663 : f32 to vector<128x128xf32>
    %gt3A_1665 = arith.cmpf ogt, %sub3A_1637, %gt3A_1664 : vector<128x128xf32>
    %sub3A_1666 = vector.broadcast %reduce_sum3A_1489 : f32 to vector<128x128xf32>
    %sub3A_1667 = arith.subf %sub3A_1666, %sub3A_1638 : vector<128x128xf32>
    %div3A_1668 = arith.divf %sub3A_1667, %max3A_1662 : vector<128x128xf32>
    %sub3A_1669 = arith.constant 1.000000e+00 : f32
    %sub3A_1670 = vector.broadcast %sub3A_1669 : f32 to vector<128x128xf32>
    %sub3A_1671 = arith.subf %sub3A_1670, %div3A_1668 : vector<128x128xf32>
    %jit3A_1672 = arith.constant 0.000000e+00 : f32
    %broadcast_in_dim3A_1673 = vector.broadcast %jit3A_1672 : f32 to vector<128x128xf32>
    %select_n3A_1674 = arith.select %gt3A_1665, %sub3A_1671, %broadcast_in_dim3A_1673 : vector<128x128xi1>, vector<128x128xf32>
    %sub3A_1675 = arith.subf %select_n3A_1656, %select_n3A_1674 : vector<128x128xf32>
    %mul3A_1676 = arith.mulf %mul3A_12, %sub3A_1675 : vector<128x128xf32>
    %reduce_sum3A_1677 = vector.shape_cast %mul3A_1676 : vector<128x128xf32> to vector<1x128x128xf32>
    %reduce_sum3A_1678 = arith.constant dense<0.000000e+00> : vector<1xf32>
    %reduce_sum3A_1679 = vector.multi_reduction <add>, %reduce_sum3A_1677, %reduce_sum3A_1678 [1, 2] : vector<1x128x128xf32> to vector<1xf32>
    %reduce_sum3A_1680 = vector.shape_cast %reduce_sum3A_1679 : vector<1xf32> to vector<1x1x1xf32>
    %reduce_sum3A_1681 = vector.extract %reduce_sum3A_1680[0, 0, 0] : f32 from vector<1x1x1xf32>
    %gt3A_1682 = arith.constant 0.000000e+00 : f32
    %gt3A_1683 = arith.cmpf ogt, %reduce_sum3A_1489, %gt3A_1682 : f32
    %convert_element_type3A_1684 = arith.extui %gt3A_1683 : i1 to i32
    %convert_element_type3A_1685 = arith.sitofp %convert_element_type3A_1684 : i32 to f32
    %mul3A_1686 = arith.mulf %reduce_sum3A_1681, %convert_element_type3A_1685 : f32
    %add3A_1687 = arith.addf %add3A_1454, %mul3A_1686 : f32
    %add3A_1688 = arith.addf %add3A_1455, %convert_element_type3A_1685 : f32
    %get3A_1689 = arith.constant 11 : index
    %get3A_1690 = arith.constant 3 : index
    %get3A_1691 = arith.constant 0 : index
    %get3A_1692 = arith.constant 0 : index
    %get3A_1693 = vector.load %arg0[%get3A_1689, %get3A_1690, %get3A_1691, %get3A_1692] : memref<32x4x128x128xi32, #tpu.memory_space<vmem>>, vector<1x1x128x128xi32>
    %get3A_1694 = vector.shape_cast %get3A_1693 : vector<1x1x128x128xi32> to vector<128x128xi32>
    %get3A_1695 = arith.constant 11 : index
    %get3A_1696 = arith.constant 2 : index
    %get3A_1697 = arith.constant 0 : index
    %get3A_1698 = arith.constant 0 : index
    %get3A_1699 = vector.load %arg0[%get3A_1695, %get3A_1696, %get3A_1697, %get3A_1698] : memref<32x4x128x128xi32, #tpu.memory_space<vmem>>, vector<1x1x128x128xi32>
    %get3A_1700 = vector.shape_cast %get3A_1699 : vector<1x1x128x128xi32> to vector<128x128xi32>
    %get3A_1701 = arith.constant 12 : index
    %get3A_1702 = arith.constant 3 : index
    %get3A_1703 = arith.constant 0 : index
    %get3A_1704 = arith.constant 0 : index
    %get3A_1705 = vector.load %arg0[%get3A_1701, %get3A_1702, %get3A_1703, %get3A_1704] : memref<32x4x128x128xi32, #tpu.memory_space<vmem>>, vector<1x1x128x128xi32>
    %get3A_1706 = vector.shape_cast %get3A_1705 : vector<1x1x128x128xi32> to vector<128x128xi32>
    %add3A_1707 = arith.addi %get3A_1694, %get3A_1706 : vector<128x128xi32>
    %get3A_1708 = arith.constant 12 : index
    %get3A_1709 = arith.constant 2 : index
    %get3A_1710 = arith.constant 0 : index
    %get3A_1711 = arith.constant 0 : index
    %get3A_1712 = vector.load %arg0[%get3A_1708, %get3A_1709, %get3A_1710, %get3A_1711] : memref<32x4x128x128xi32, #tpu.memory_space<vmem>>, vector<1x1x128x128xi32>
    %get3A_1713 = vector.shape_cast %get3A_1712 : vector<1x1x128x128xi32> to vector<128x128xi32>
    %add3A_1714 = arith.addi %get3A_1700, %get3A_1713 : vector<128x128xi32>
    %get3A_1715 = arith.constant 13 : index
    %get3A_1716 = arith.constant 3 : index
    %get3A_1717 = arith.constant 0 : index
    %get3A_1718 = arith.constant 0 : index
    %get3A_1719 = vector.load %arg0[%get3A_1715, %get3A_1716, %get3A_1717, %get3A_1718] : memref<32x4x128x128xi32, #tpu.memory_space<vmem>>, vector<1x1x128x128xi32>
    %get3A_1720 = vector.shape_cast %get3A_1719 : vector<1x1x128x128xi32> to vector<128x128xi32>
    %add3A_1721 = arith.addi %add3A_1707, %get3A_1720 : vector<128x128xi32>
    %get3A_1722 = arith.constant 13 : index
    %get3A_1723 = arith.constant 2 : index
    %get3A_1724 = arith.constant 0 : index
    %get3A_1725 = arith.constant 0 : index
    %get3A_1726 = vector.load %arg0[%get3A_1722, %get3A_1723, %get3A_1724, %get3A_1725] : memref<32x4x128x128xi32, #tpu.memory_space<vmem>>, vector<1x1x128x128xi32>
    %get3A_1727 = vector.shape_cast %get3A_1726 : vector<1x1x128x128xi32> to vector<128x128xi32>
    %add3A_1728 = arith.addi %add3A_1714, %get3A_1727 : vector<128x128xi32>
    %add3A_1729 = arith.addi %add3A_1728, %add3A_1721 : vector<128x128xi32>
    %convert_element_type3A_1730 = arith.sitofp %add3A_1721 : vector<128x128xi32> to vector<128x128xf32>
    %convert_element_type3A_1731 = arith.sitofp %add3A_1729 : vector<128x128xi32> to vector<128x128xf32>
    %reduce_sum3A_1732 = vector.shape_cast %convert_element_type3A_1730 : vector<128x128xf32> to vector<1x128x128xf32>
    %reduce_sum3A_1733 = arith.constant dense<0.000000e+00> : vector<1xf32>
    %reduce_sum3A_1734 = vector.multi_reduction <add>, %reduce_sum3A_1732, %reduce_sum3A_1733 [1, 2] : vector<1x128x128xf32> to vector<1xf32>
    %reduce_sum3A_1735 = vector.shape_cast %reduce_sum3A_1734 : vector<1xf32> to vector<1x1x1xf32>
    %reduce_sum3A_1736 = vector.extract %reduce_sum3A_1735[0, 0, 0] : f32 from vector<1x1x1xf32>
    %reduce_sum3A_1737 = vector.shape_cast %convert_element_type3A_1731 : vector<128x128xf32> to vector<1x128x128xf32>
    %reduce_sum3A_1738 = arith.constant dense<0.000000e+00> : vector<1xf32>
    %reduce_sum3A_1739 = vector.multi_reduction <add>, %reduce_sum3A_1737, %reduce_sum3A_1738 [1, 2] : vector<1x128x128xf32> to vector<1xf32>
    %reduce_sum3A_1740 = vector.shape_cast %reduce_sum3A_1739 : vector<1xf32> to vector<1x1x1xf32>
    %reduce_sum3A_1741 = vector.extract %reduce_sum3A_1740[0, 0, 0] : f32 from vector<1x1x1xf32>
    %shift_right_arithmetic3A_1742 = arith.constant 16 : i32
    %shift_right_arithmetic3A_1743 = vector.broadcast %shift_right_arithmetic3A_1742 : i32 to vector<128x128xi32>
    %shift_right_arithmetic3A_1744 = arith.shrsi %add3A_1729, %shift_right_arithmetic3A_1743 : vector<128x128xi32>
    %and3A_1745 = arith.constant 255 : i32
    %and3A_1746 = vector.broadcast %and3A_1745 : i32 to vector<128x128xi32>
    %and3A_1747 = arith.andi %shift_right_arithmetic3A_1744, %and3A_1746 : vector<128x128xi32>
    %convert_element_type3A_1748 = arith.sitofp %and3A_1747 : vector<128x128xi32> to vector<128x128xf32>
    %mul3A_1749 = arith.constant 6.553600e+04 : f32
    %mul3A_1750 = vector.broadcast %mul3A_1749 : f32 to vector<128x128xf32>
    %mul3A_1751 = arith.mulf %mul3A_1750, %convert_element_type3A_1748 : vector<128x128xf32>
    %dot_general3A_1752 = arith.constant dense<0.000000e+00> : vector<128x128xf32>
    %dot_general3A_1753 = tpu.matmul %mul3A_1751, %convert_element_type3A_1, %dot_general3A_1752 {dimension_numbers = #tpu.dot_dimension_numbers<[1], [0], [0], [1], [0, 0, 1, 1], [], []>, transpose_lhs_hint = false} : vector<128x128xf32>, vector<128x128xf32>, vector<128x128xf32> -> vector<128x128xf32>
    %shift_right_arithmetic3A_1754 = arith.constant 8 : i32
    %shift_right_arithmetic3A_1755 = vector.broadcast %shift_right_arithmetic3A_1754 : i32 to vector<128x128xi32>
    %shift_right_arithmetic3A_1756 = arith.shrsi %add3A_1729, %shift_right_arithmetic3A_1755 : vector<128x128xi32>
    %and3A_1757 = arith.constant 255 : i32
    %and3A_1758 = vector.broadcast %and3A_1757 : i32 to vector<128x128xi32>
    %and3A_1759 = arith.andi %shift_right_arithmetic3A_1756, %and3A_1758 : vector<128x128xi32>
    %convert_element_type3A_1760 = arith.sitofp %and3A_1759 : vector<128x128xi32> to vector<128x128xf32>
    %mul3A_1761 = arith.constant 2.560000e+02 : f32
    %mul3A_1762 = vector.broadcast %mul3A_1761 : f32 to vector<128x128xf32>
    %mul3A_1763 = arith.mulf %mul3A_1762, %convert_element_type3A_1760 : vector<128x128xf32>
    %dot_general3A_1764 = arith.constant dense<0.000000e+00> : vector<128x128xf32>
    %dot_general3A_1765 = tpu.matmul %mul3A_1763, %convert_element_type3A_1, %dot_general3A_1764 {dimension_numbers = #tpu.dot_dimension_numbers<[1], [0], [0], [1], [0, 0, 1, 1], [], []>, transpose_lhs_hint = false} : vector<128x128xf32>, vector<128x128xf32>, vector<128x128xf32> -> vector<128x128xf32>
    %add3A_1766 = arith.addf %dot_general3A_1753, %dot_general3A_1765 : vector<128x128xf32>
    %and3A_1767 = arith.constant 255 : i32
    %and3A_1768 = vector.broadcast %and3A_1767 : i32 to vector<128x128xi32>
    %and3A_1769 = arith.andi %add3A_1729, %and3A_1768 : vector<128x128xi32>
    %convert_element_type3A_1770 = arith.sitofp %and3A_1769 : vector<128x128xi32> to vector<128x128xf32>
    %dot_general3A_1771 = arith.constant dense<0.000000e+00> : vector<128x128xf32>
    %dot_general3A_1772 = tpu.matmul %convert_element_type3A_1770, %convert_element_type3A_1, %dot_general3A_1771 {dimension_numbers = #tpu.dot_dimension_numbers<[1], [0], [0], [1], [0, 0, 1, 1], [], []>, transpose_lhs_hint = false} : vector<128x128xf32>, vector<128x128xf32>, vector<128x128xf32> -> vector<128x128xf32>
    %add3A_1773 = arith.addf %add3A_1766, %dot_general3A_1772 : vector<128x128xf32>
    %slice3A_1774 = vector.extract_strided_slice %add3A_1773 {offsets = [0, 127], sizes = [128, 1], strides = [1, 1]} : vector<128x128xf32> to vector<128x1xf32>
    %convert_element_type3A_1775 = arith.fptosi %slice3A_1774 : vector<128x1xf32> to vector<128x1xi32>
    %shift_right_arithmetic3A_1776 = arith.constant 16 : i32
    %shift_right_arithmetic3A_1777 = vector.broadcast %shift_right_arithmetic3A_1776 : i32 to vector<128x1xi32>
    %shift_right_arithmetic3A_1778 = arith.shrsi %convert_element_type3A_1775, %shift_right_arithmetic3A_1777 : vector<128x1xi32>
    %and3A_1779 = arith.constant 255 : i32
    %and3A_1780 = vector.broadcast %and3A_1779 : i32 to vector<128x1xi32>
    %and3A_1781 = arith.andi %shift_right_arithmetic3A_1778, %and3A_1780 : vector<128x1xi32>
    %convert_element_type3A_1782 = arith.sitofp %and3A_1781 : vector<128x1xi32> to vector<128x1xf32>
    %mul3A_1783 = arith.constant 6.553600e+04 : f32
    %mul3A_1784 = vector.broadcast %mul3A_1783 : f32 to vector<128x1xf32>
    %mul3A_1785 = arith.mulf %mul3A_1784, %convert_element_type3A_1782 : vector<128x1xf32>
    %dot_general3A_1786 = arith.constant dense<0.000000e+00> : vector<128x1xf32>
    %dot_general3A_1787 = tpu.matmul %convert_element_type3A_3, %mul3A_1785, %dot_general3A_1786 {dimension_numbers = #tpu.dot_dimension_numbers<[1], [0], [0], [1], [0, 0, 1, 1], [], []>, transpose_lhs_hint = false} : vector<128x128xf32>, vector<128x1xf32>, vector<128x1xf32> -> vector<128x1xf32>
    %shift_right_arithmetic3A_1788 = arith.constant 8 : i32
    %shift_right_arithmetic3A_1789 = vector.broadcast %shift_right_arithmetic3A_1788 : i32 to vector<128x1xi32>
    %shift_right_arithmetic3A_1790 = arith.shrsi %convert_element_type3A_1775, %shift_right_arithmetic3A_1789 : vector<128x1xi32>
    %and3A_1791 = arith.constant 255 : i32
    %and3A_1792 = vector.broadcast %and3A_1791 : i32 to vector<128x1xi32>
    %and3A_1793 = arith.andi %shift_right_arithmetic3A_1790, %and3A_1792 : vector<128x1xi32>
    %convert_element_type3A_1794 = arith.sitofp %and3A_1793 : vector<128x1xi32> to vector<128x1xf32>
    %mul3A_1795 = arith.constant 2.560000e+02 : f32
    %mul3A_1796 = vector.broadcast %mul3A_1795 : f32 to vector<128x1xf32>
    %mul3A_1797 = arith.mulf %mul3A_1796, %convert_element_type3A_1794 : vector<128x1xf32>
    %dot_general3A_1798 = arith.constant dense<0.000000e+00> : vector<128x1xf32>
    %dot_general3A_1799 = tpu.matmul %convert_element_type3A_3, %mul3A_1797, %dot_general3A_1798 {dimension_numbers = #tpu.dot_dimension_numbers<[1], [0], [0], [1], [0, 0, 1, 1], [], []>, transpose_lhs_hint = false} : vector<128x128xf32>, vector<128x1xf32>, vector<128x1xf32> -> vector<128x1xf32>
    %add3A_1800 = arith.addf %dot_general3A_1787, %dot_general3A_1799 : vector<128x1xf32>
    %and3A_1801 = arith.constant 255 : i32
    %and3A_1802 = vector.broadcast %and3A_1801 : i32 to vector<128x1xi32>
    %and3A_1803 = arith.andi %convert_element_type3A_1775, %and3A_1802 : vector<128x1xi32>
    %convert_element_type3A_1804 = arith.sitofp %and3A_1803 : vector<128x1xi32> to vector<128x1xf32>
    %dot_general3A_1805 = arith.constant dense<0.000000e+00> : vector<128x1xf32>
    %dot_general3A_1806 = tpu.matmul %convert_element_type3A_3, %convert_element_type3A_1804, %dot_general3A_1805 {dimension_numbers = #tpu.dot_dimension_numbers<[1], [0], [0], [1], [0, 0, 1, 1], [], []>, transpose_lhs_hint = false} : vector<128x128xf32>, vector<128x1xf32>, vector<128x1xf32> -> vector<128x1xf32>
    %add3A_1807 = arith.addf %add3A_1800, %dot_general3A_1806 : vector<128x1xf32>
    %add3A_1808 = vector.broadcast %add3A_1807 : vector<128x1xf32> to vector<128x128xf32>
    %add3A_1809 = arith.addf %add3A_1773, %add3A_1808 : vector<128x128xf32>
    %shift_right_arithmetic3A_1810 = arith.constant 16 : i32
    %shift_right_arithmetic3A_1811 = vector.broadcast %shift_right_arithmetic3A_1810 : i32 to vector<128x128xi32>
    %shift_right_arithmetic3A_1812 = arith.shrsi %add3A_1721, %shift_right_arithmetic3A_1811 : vector<128x128xi32>
    %and3A_1813 = arith.constant 255 : i32
    %and3A_1814 = vector.broadcast %and3A_1813 : i32 to vector<128x128xi32>
    %and3A_1815 = arith.andi %shift_right_arithmetic3A_1812, %and3A_1814 : vector<128x128xi32>
    %convert_element_type3A_1816 = arith.sitofp %and3A_1815 : vector<128x128xi32> to vector<128x128xf32>
    %mul3A_1817 = arith.constant 6.553600e+04 : f32
    %mul3A_1818 = vector.broadcast %mul3A_1817 : f32 to vector<128x128xf32>
    %mul3A_1819 = arith.mulf %mul3A_1818, %convert_element_type3A_1816 : vector<128x128xf32>
    %dot_general3A_1820 = arith.constant dense<0.000000e+00> : vector<128x128xf32>
    %dot_general3A_1821 = tpu.matmul %mul3A_1819, %convert_element_type3A_1, %dot_general3A_1820 {dimension_numbers = #tpu.dot_dimension_numbers<[1], [0], [0], [1], [0, 0, 1, 1], [], []>, transpose_lhs_hint = false} : vector<128x128xf32>, vector<128x128xf32>, vector<128x128xf32> -> vector<128x128xf32>
    %shift_right_arithmetic3A_1822 = arith.constant 8 : i32
    %shift_right_arithmetic3A_1823 = vector.broadcast %shift_right_arithmetic3A_1822 : i32 to vector<128x128xi32>
    %shift_right_arithmetic3A_1824 = arith.shrsi %add3A_1721, %shift_right_arithmetic3A_1823 : vector<128x128xi32>
    %and3A_1825 = arith.constant 255 : i32
    %and3A_1826 = vector.broadcast %and3A_1825 : i32 to vector<128x128xi32>
    %and3A_1827 = arith.andi %shift_right_arithmetic3A_1824, %and3A_1826 : vector<128x128xi32>
    %convert_element_type3A_1828 = arith.sitofp %and3A_1827 : vector<128x128xi32> to vector<128x128xf32>
    %mul3A_1829 = arith.constant 2.560000e+02 : f32
    %mul3A_1830 = vector.broadcast %mul3A_1829 : f32 to vector<128x128xf32>
    %mul3A_1831 = arith.mulf %mul3A_1830, %convert_element_type3A_1828 : vector<128x128xf32>
    %dot_general3A_1832 = arith.constant dense<0.000000e+00> : vector<128x128xf32>
    %dot_general3A_1833 = tpu.matmul %mul3A_1831, %convert_element_type3A_1, %dot_general3A_1832 {dimension_numbers = #tpu.dot_dimension_numbers<[1], [0], [0], [1], [0, 0, 1, 1], [], []>, transpose_lhs_hint = false} : vector<128x128xf32>, vector<128x128xf32>, vector<128x128xf32> -> vector<128x128xf32>
    %add3A_1834 = arith.addf %dot_general3A_1821, %dot_general3A_1833 : vector<128x128xf32>
    %and3A_1835 = arith.constant 255 : i32
    %and3A_1836 = vector.broadcast %and3A_1835 : i32 to vector<128x128xi32>
    %and3A_1837 = arith.andi %add3A_1721, %and3A_1836 : vector<128x128xi32>
    %convert_element_type3A_1838 = arith.sitofp %and3A_1837 : vector<128x128xi32> to vector<128x128xf32>
    %dot_general3A_1839 = arith.constant dense<0.000000e+00> : vector<128x128xf32>
    %dot_general3A_1840 = tpu.matmul %convert_element_type3A_1838, %convert_element_type3A_1, %dot_general3A_1839 {dimension_numbers = #tpu.dot_dimension_numbers<[1], [0], [0], [1], [0, 0, 1, 1], [], []>, transpose_lhs_hint = false} : vector<128x128xf32>, vector<128x128xf32>, vector<128x128xf32> -> vector<128x128xf32>
    %add3A_1841 = arith.addf %add3A_1834, %dot_general3A_1840 : vector<128x128xf32>
    %slice3A_1842 = vector.extract_strided_slice %add3A_1841 {offsets = [0, 127], sizes = [128, 1], strides = [1, 1]} : vector<128x128xf32> to vector<128x1xf32>
    %convert_element_type3A_1843 = arith.fptosi %slice3A_1842 : vector<128x1xf32> to vector<128x1xi32>
    %shift_right_arithmetic3A_1844 = arith.constant 16 : i32
    %shift_right_arithmetic3A_1845 = vector.broadcast %shift_right_arithmetic3A_1844 : i32 to vector<128x1xi32>
    %shift_right_arithmetic3A_1846 = arith.shrsi %convert_element_type3A_1843, %shift_right_arithmetic3A_1845 : vector<128x1xi32>
    %and3A_1847 = arith.constant 255 : i32
    %and3A_1848 = vector.broadcast %and3A_1847 : i32 to vector<128x1xi32>
    %and3A_1849 = arith.andi %shift_right_arithmetic3A_1846, %and3A_1848 : vector<128x1xi32>
    %convert_element_type3A_1850 = arith.sitofp %and3A_1849 : vector<128x1xi32> to vector<128x1xf32>
    %mul3A_1851 = arith.constant 6.553600e+04 : f32
    %mul3A_1852 = vector.broadcast %mul3A_1851 : f32 to vector<128x1xf32>
    %mul3A_1853 = arith.mulf %mul3A_1852, %convert_element_type3A_1850 : vector<128x1xf32>
    %dot_general3A_1854 = arith.constant dense<0.000000e+00> : vector<128x1xf32>
    %dot_general3A_1855 = tpu.matmul %convert_element_type3A_3, %mul3A_1853, %dot_general3A_1854 {dimension_numbers = #tpu.dot_dimension_numbers<[1], [0], [0], [1], [0, 0, 1, 1], [], []>, transpose_lhs_hint = false} : vector<128x128xf32>, vector<128x1xf32>, vector<128x1xf32> -> vector<128x1xf32>
    %shift_right_arithmetic3A_1856 = arith.constant 8 : i32
    %shift_right_arithmetic3A_1857 = vector.broadcast %shift_right_arithmetic3A_1856 : i32 to vector<128x1xi32>
    %shift_right_arithmetic3A_1858 = arith.shrsi %convert_element_type3A_1843, %shift_right_arithmetic3A_1857 : vector<128x1xi32>
    %and3A_1859 = arith.constant 255 : i32
    %and3A_1860 = vector.broadcast %and3A_1859 : i32 to vector<128x1xi32>
    %and3A_1861 = arith.andi %shift_right_arithmetic3A_1858, %and3A_1860 : vector<128x1xi32>
    %convert_element_type3A_1862 = arith.sitofp %and3A_1861 : vector<128x1xi32> to vector<128x1xf32>
    %mul3A_1863 = arith.constant 2.560000e+02 : f32
    %mul3A_1864 = vector.broadcast %mul3A_1863 : f32 to vector<128x1xf32>
    %mul3A_1865 = arith.mulf %mul3A_1864, %convert_element_type3A_1862 : vector<128x1xf32>
    %dot_general3A_1866 = arith.constant dense<0.000000e+00> : vector<128x1xf32>
    %dot_general3A_1867 = tpu.matmul %convert_element_type3A_3, %mul3A_1865, %dot_general3A_1866 {dimension_numbers = #tpu.dot_dimension_numbers<[1], [0], [0], [1], [0, 0, 1, 1], [], []>, transpose_lhs_hint = false} : vector<128x128xf32>, vector<128x1xf32>, vector<128x1xf32> -> vector<128x1xf32>
    %add3A_1868 = arith.addf %dot_general3A_1855, %dot_general3A_1867 : vector<128x1xf32>
    %and3A_1869 = arith.constant 255 : i32
    %and3A_1870 = vector.broadcast %and3A_1869 : i32 to vector<128x1xi32>
    %and3A_1871 = arith.andi %convert_element_type3A_1843, %and3A_1870 : vector<128x1xi32>
    %convert_element_type3A_1872 = arith.sitofp %and3A_1871 : vector<128x1xi32> to vector<128x1xf32>
    %dot_general3A_1873 = arith.constant dense<0.000000e+00> : vector<128x1xf32>
    %dot_general3A_1874 = tpu.matmul %convert_element_type3A_3, %convert_element_type3A_1872, %dot_general3A_1873 {dimension_numbers = #tpu.dot_dimension_numbers<[1], [0], [0], [1], [0, 0, 1, 1], [], []>, transpose_lhs_hint = false} : vector<128x128xf32>, vector<128x1xf32>, vector<128x1xf32> -> vector<128x1xf32>
    %add3A_1875 = arith.addf %add3A_1868, %dot_general3A_1874 : vector<128x1xf32>
    %add3A_1876 = vector.broadcast %add3A_1875 : vector<128x1xf32> to vector<128x128xf32>
    %add3A_1877 = arith.addf %add3A_1841, %add3A_1876 : vector<128x128xf32>
    %sub3A_1878 = vector.broadcast %reduce_sum3A_1741 : f32 to vector<128x128xf32>
    %sub3A_1879 = arith.subf %sub3A_1878, %add3A_1809 : vector<128x128xf32>
    %add3A_1880 = arith.addf %sub3A_1879, %convert_element_type3A_1731 : vector<128x128xf32>
    %sub3A_1881 = vector.broadcast %reduce_sum3A_1736 : f32 to vector<128x128xf32>
    %sub3A_1882 = arith.subf %sub3A_1881, %add3A_1877 : vector<128x128xf32>
    %add3A_1883 = arith.addf %sub3A_1882, %convert_element_type3A_1730 : vector<128x128xf32>
    %sub3A_1884 = arith.subf %add3A_1880, %convert_element_type3A_1731 : vector<128x128xf32>
    %sub3A_1885 = arith.subf %add3A_1883, %convert_element_type3A_1730 : vector<128x128xf32>
    %add3A_1886 = vector.broadcast %reduce_sum3A_1736 : f32 to vector<128x128xf32>
    %add3A_1887 = arith.addf %add3A_1886, %add3A_1880 : vector<128x128xf32>
    %sub3A_1888 = arith.subf %add3A_1887, %add3A_1883 : vector<128x128xf32>
    %max3A_1889 = arith.constant 1.000000e+00 : f32
    %max3A_1890 = vector.broadcast %max3A_1889 : f32 to vector<128x128xf32>
    %max3A_1891 = arith.maximumf %sub3A_1888, %max3A_1890 : vector<128x128xf32>
    %gt3A_1892 = arith.constant 0.000000e+00 : f32
    %gt3A_1893 = vector.broadcast %gt3A_1892 : f32 to vector<128x128xf32>
    %gt3A_1894 = arith.cmpf ogt, %add3A_1880, %gt3A_1893 : vector<128x128xf32>
    %sub3A_1895 = vector.broadcast %reduce_sum3A_1736 : f32 to vector<128x128xf32>
    %sub3A_1896 = arith.subf %sub3A_1895, %add3A_1883 : vector<128x128xf32>
    %div3A_1897 = arith.divf %sub3A_1896, %max3A_1891 : vector<128x128xf32>
    %sub3A_1898 = arith.constant 1.000000e+00 : f32
    %sub3A_1899 = vector.broadcast %sub3A_1898 : f32 to vector<128x128xf32>
    %sub3A_1900 = arith.subf %sub3A_1899, %div3A_1897 : vector<128x128xf32>
    %jit3A_1901 = arith.constant 0.000000e+00 : f32
    %broadcast_in_dim3A_1902 = vector.broadcast %jit3A_1901 : f32 to vector<128x128xf32>
    %select_n3A_1903 = arith.select %gt3A_1894, %sub3A_1900, %broadcast_in_dim3A_1902 : vector<128x128xi1>, vector<128x128xf32>
    %add3A_1904 = vector.broadcast %reduce_sum3A_1736 : f32 to vector<128x128xf32>
    %add3A_1905 = arith.addf %add3A_1904, %sub3A_1884 : vector<128x128xf32>
    %sub3A_1906 = arith.subf %add3A_1905, %sub3A_1885 : vector<128x128xf32>
    %max3A_1907 = arith.constant 1.000000e+00 : f32
    %max3A_1908 = vector.broadcast %max3A_1907 : f32 to vector<128x128xf32>
    %max3A_1909 = arith.maximumf %sub3A_1906, %max3A_1908 : vector<128x128xf32>
    %gt3A_1910 = arith.constant 0.000000e+00 : f32
    %gt3A_1911 = vector.broadcast %gt3A_1910 : f32 to vector<128x128xf32>
    %gt3A_1912 = arith.cmpf ogt, %sub3A_1884, %gt3A_1911 : vector<128x128xf32>
    %sub3A_1913 = vector.broadcast %reduce_sum3A_1736 : f32 to vector<128x128xf32>
    %sub3A_1914 = arith.subf %sub3A_1913, %sub3A_1885 : vector<128x128xf32>
    %div3A_1915 = arith.divf %sub3A_1914, %max3A_1909 : vector<128x128xf32>
    %sub3A_1916 = arith.constant 1.000000e+00 : f32
    %sub3A_1917 = vector.broadcast %sub3A_1916 : f32 to vector<128x128xf32>
    %sub3A_1918 = arith.subf %sub3A_1917, %div3A_1915 : vector<128x128xf32>
    %jit3A_1919 = arith.constant 0.000000e+00 : f32
    %broadcast_in_dim3A_1920 = vector.broadcast %jit3A_1919 : f32 to vector<128x128xf32>
    %select_n3A_1921 = arith.select %gt3A_1912, %sub3A_1918, %broadcast_in_dim3A_1920 : vector<128x128xi1>, vector<128x128xf32>
    %sub3A_1922 = arith.subf %select_n3A_1903, %select_n3A_1921 : vector<128x128xf32>
    %mul3A_1923 = arith.mulf %mul3A_12, %sub3A_1922 : vector<128x128xf32>
    %reduce_sum3A_1924 = vector.shape_cast %mul3A_1923 : vector<128x128xf32> to vector<1x128x128xf32>
    %reduce_sum3A_1925 = arith.constant dense<0.000000e+00> : vector<1xf32>
    %reduce_sum3A_1926 = vector.multi_reduction <add>, %reduce_sum3A_1924, %reduce_sum3A_1925 [1, 2] : vector<1x128x128xf32> to vector<1xf32>
    %reduce_sum3A_1927 = vector.shape_cast %reduce_sum3A_1926 : vector<1xf32> to vector<1x1x1xf32>
    %reduce_sum3A_1928 = vector.extract %reduce_sum3A_1927[0, 0, 0] : f32 from vector<1x1x1xf32>
    %gt3A_1929 = arith.constant 0.000000e+00 : f32
    %gt3A_1930 = arith.cmpf ogt, %reduce_sum3A_1736, %gt3A_1929 : f32
    %convert_element_type3A_1931 = arith.extui %gt3A_1930 : i1 to i32
    %convert_element_type3A_1932 = arith.sitofp %convert_element_type3A_1931 : i32 to f32
    %mul3A_1933 = arith.mulf %reduce_sum3A_1928, %convert_element_type3A_1932 : f32
    %add3A_1934 = arith.addf %add3A_1687, %mul3A_1933 : f32
    %add3A_1935 = arith.addf %add3A_1688, %convert_element_type3A_1932 : f32
    %get3A_1936 = arith.constant 13 : index
    %get3A_1937 = arith.constant 1 : index
    %get3A_1938 = arith.constant 0 : index
    %get3A_1939 = arith.constant 0 : index
    %get3A_1940 = vector.load %arg0[%get3A_1936, %get3A_1937, %get3A_1938, %get3A_1939] : memref<32x4x128x128xi32, #tpu.memory_space<vmem>>, vector<1x1x128x128xi32>
    %get3A_1941 = vector.shape_cast %get3A_1940 : vector<1x1x128x128xi32> to vector<128x128xi32>
    %get3A_1942 = arith.constant 13 : index
    %get3A_1943 = arith.constant 0 : index
    %get3A_1944 = arith.constant 0 : index
    %get3A_1945 = arith.constant 0 : index
    %get3A_1946 = vector.load %arg0[%get3A_1942, %get3A_1943, %get3A_1944, %get3A_1945] : memref<32x4x128x128xi32, #tpu.memory_space<vmem>>, vector<1x1x128x128xi32>
    %get3A_1947 = vector.shape_cast %get3A_1946 : vector<1x1x128x128xi32> to vector<128x128xi32>
    %get3A_1948 = arith.constant 14 : index
    %get3A_1949 = arith.constant 1 : index
    %get3A_1950 = arith.constant 0 : index
    %get3A_1951 = arith.constant 0 : index
    %get3A_1952 = vector.load %arg0[%get3A_1948, %get3A_1949, %get3A_1950, %get3A_1951] : memref<32x4x128x128xi32, #tpu.memory_space<vmem>>, vector<1x1x128x128xi32>
    %get3A_1953 = vector.shape_cast %get3A_1952 : vector<1x1x128x128xi32> to vector<128x128xi32>
    %add3A_1954 = arith.addi %get3A_1941, %get3A_1953 : vector<128x128xi32>
    %get3A_1955 = arith.constant 14 : index
    %get3A_1956 = arith.constant 0 : index
    %get3A_1957 = arith.constant 0 : index
    %get3A_1958 = arith.constant 0 : index
    %get3A_1959 = vector.load %arg0[%get3A_1955, %get3A_1956, %get3A_1957, %get3A_1958] : memref<32x4x128x128xi32, #tpu.memory_space<vmem>>, vector<1x1x128x128xi32>
    %get3A_1960 = vector.shape_cast %get3A_1959 : vector<1x1x128x128xi32> to vector<128x128xi32>
    %add3A_1961 = arith.addi %get3A_1947, %get3A_1960 : vector<128x128xi32>
    %get3A_1962 = arith.constant 15 : index
    %get3A_1963 = arith.constant 1 : index
    %get3A_1964 = arith.constant 0 : index
    %get3A_1965 = arith.constant 0 : index
    %get3A_1966 = vector.load %arg0[%get3A_1962, %get3A_1963, %get3A_1964, %get3A_1965] : memref<32x4x128x128xi32, #tpu.memory_space<vmem>>, vector<1x1x128x128xi32>
    %get3A_1967 = vector.shape_cast %get3A_1966 : vector<1x1x128x128xi32> to vector<128x128xi32>
    %add3A_1968 = arith.addi %add3A_1954, %get3A_1967 : vector<128x128xi32>
    %get3A_1969 = arith.constant 15 : index
    %get3A_1970 = arith.constant 0 : index
    %get3A_1971 = arith.constant 0 : index
    %get3A_1972 = arith.constant 0 : index
    %get3A_1973 = vector.load %arg0[%get3A_1969, %get3A_1970, %get3A_1971, %get3A_1972] : memref<32x4x128x128xi32, #tpu.memory_space<vmem>>, vector<1x1x128x128xi32>
    %get3A_1974 = vector.shape_cast %get3A_1973 : vector<1x1x128x128xi32> to vector<128x128xi32>
    %add3A_1975 = arith.addi %add3A_1961, %get3A_1974 : vector<128x128xi32>
    %add3A_1976 = arith.addi %add3A_1975, %add3A_1968 : vector<128x128xi32>
    %convert_element_type3A_1977 = arith.sitofp %add3A_1968 : vector<128x128xi32> to vector<128x128xf32>
    %convert_element_type3A_1978 = arith.sitofp %add3A_1976 : vector<128x128xi32> to vector<128x128xf32>
    %reduce_sum3A_1979 = vector.shape_cast %convert_element_type3A_1977 : vector<128x128xf32> to vector<1x128x128xf32>
    %reduce_sum3A_1980 = arith.constant dense<0.000000e+00> : vector<1xf32>
    %reduce_sum3A_1981 = vector.multi_reduction <add>, %reduce_sum3A_1979, %reduce_sum3A_1980 [1, 2] : vector<1x128x128xf32> to vector<1xf32>
    %reduce_sum3A_1982 = vector.shape_cast %reduce_sum3A_1981 : vector<1xf32> to vector<1x1x1xf32>
    %reduce_sum3A_1983 = vector.extract %reduce_sum3A_1982[0, 0, 0] : f32 from vector<1x1x1xf32>
    %reduce_sum3A_1984 = vector.shape_cast %convert_element_type3A_1978 : vector<128x128xf32> to vector<1x128x128xf32>
    %reduce_sum3A_1985 = arith.constant dense<0.000000e+00> : vector<1xf32>
    %reduce_sum3A_1986 = vector.multi_reduction <add>, %reduce_sum3A_1984, %reduce_sum3A_1985 [1, 2] : vector<1x128x128xf32> to vector<1xf32>
    %reduce_sum3A_1987 = vector.shape_cast %reduce_sum3A_1986 : vector<1xf32> to vector<1x1x1xf32>
    %reduce_sum3A_1988 = vector.extract %reduce_sum3A_1987[0, 0, 0] : f32 from vector<1x1x1xf32>
    %shift_right_arithmetic3A_1989 = arith.constant 16 : i32
    %shift_right_arithmetic3A_1990 = vector.broadcast %shift_right_arithmetic3A_1989 : i32 to vector<128x128xi32>
    %shift_right_arithmetic3A_1991 = arith.shrsi %add3A_1976, %shift_right_arithmetic3A_1990 : vector<128x128xi32>
    %and3A_1992 = arith.constant 255 : i32
    %and3A_1993 = vector.broadcast %and3A_1992 : i32 to vector<128x128xi32>
    %and3A_1994 = arith.andi %shift_right_arithmetic3A_1991, %and3A_1993 : vector<128x128xi32>
    %convert_element_type3A_1995 = arith.sitofp %and3A_1994 : vector<128x128xi32> to vector<128x128xf32>
    %mul3A_1996 = arith.constant 6.553600e+04 : f32
    %mul3A_1997 = vector.broadcast %mul3A_1996 : f32 to vector<128x128xf32>
    %mul3A_1998 = arith.mulf %mul3A_1997, %convert_element_type3A_1995 : vector<128x128xf32>
    %dot_general3A_1999 = arith.constant dense<0.000000e+00> : vector<128x128xf32>
    %dot_general3A_2000 = tpu.matmul %mul3A_1998, %convert_element_type3A_1, %dot_general3A_1999 {dimension_numbers = #tpu.dot_dimension_numbers<[1], [0], [0], [1], [0, 0, 1, 1], [], []>, transpose_lhs_hint = false} : vector<128x128xf32>, vector<128x128xf32>, vector<128x128xf32> -> vector<128x128xf32>
    %shift_right_arithmetic3A_2001 = arith.constant 8 : i32
    %shift_right_arithmetic3A_2002 = vector.broadcast %shift_right_arithmetic3A_2001 : i32 to vector<128x128xi32>
    %shift_right_arithmetic3A_2003 = arith.shrsi %add3A_1976, %shift_right_arithmetic3A_2002 : vector<128x128xi32>
    %and3A_2004 = arith.constant 255 : i32
    %and3A_2005 = vector.broadcast %and3A_2004 : i32 to vector<128x128xi32>
    %and3A_2006 = arith.andi %shift_right_arithmetic3A_2003, %and3A_2005 : vector<128x128xi32>
    %convert_element_type3A_2007 = arith.sitofp %and3A_2006 : vector<128x128xi32> to vector<128x128xf32>
    %mul3A_2008 = arith.constant 2.560000e+02 : f32
    %mul3A_2009 = vector.broadcast %mul3A_2008 : f32 to vector<128x128xf32>
    %mul3A_2010 = arith.mulf %mul3A_2009, %convert_element_type3A_2007 : vector<128x128xf32>
    %dot_general3A_2011 = arith.constant dense<0.000000e+00> : vector<128x128xf32>
    %dot_general3A_2012 = tpu.matmul %mul3A_2010, %convert_element_type3A_1, %dot_general3A_2011 {dimension_numbers = #tpu.dot_dimension_numbers<[1], [0], [0], [1], [0, 0, 1, 1], [], []>, transpose_lhs_hint = false} : vector<128x128xf32>, vector<128x128xf32>, vector<128x128xf32> -> vector<128x128xf32>
    %add3A_2013 = arith.addf %dot_general3A_2000, %dot_general3A_2012 : vector<128x128xf32>
    %and3A_2014 = arith.constant 255 : i32
    %and3A_2015 = vector.broadcast %and3A_2014 : i32 to vector<128x128xi32>
    %and3A_2016 = arith.andi %add3A_1976, %and3A_2015 : vector<128x128xi32>
    %convert_element_type3A_2017 = arith.sitofp %and3A_2016 : vector<128x128xi32> to vector<128x128xf32>
    %dot_general3A_2018 = arith.constant dense<0.000000e+00> : vector<128x128xf32>
    %dot_general3A_2019 = tpu.matmul %convert_element_type3A_2017, %convert_element_type3A_1, %dot_general3A_2018 {dimension_numbers = #tpu.dot_dimension_numbers<[1], [0], [0], [1], [0, 0, 1, 1], [], []>, transpose_lhs_hint = false} : vector<128x128xf32>, vector<128x128xf32>, vector<128x128xf32> -> vector<128x128xf32>
    %add3A_2020 = arith.addf %add3A_2013, %dot_general3A_2019 : vector<128x128xf32>
    %slice3A_2021 = vector.extract_strided_slice %add3A_2020 {offsets = [0, 127], sizes = [128, 1], strides = [1, 1]} : vector<128x128xf32> to vector<128x1xf32>
    %convert_element_type3A_2022 = arith.fptosi %slice3A_2021 : vector<128x1xf32> to vector<128x1xi32>
    %shift_right_arithmetic3A_2023 = arith.constant 16 : i32
    %shift_right_arithmetic3A_2024 = vector.broadcast %shift_right_arithmetic3A_2023 : i32 to vector<128x1xi32>
    %shift_right_arithmetic3A_2025 = arith.shrsi %convert_element_type3A_2022, %shift_right_arithmetic3A_2024 : vector<128x1xi32>
    %and3A_2026 = arith.constant 255 : i32
    %and3A_2027 = vector.broadcast %and3A_2026 : i32 to vector<128x1xi32>
    %and3A_2028 = arith.andi %shift_right_arithmetic3A_2025, %and3A_2027 : vector<128x1xi32>
    %convert_element_type3A_2029 = arith.sitofp %and3A_2028 : vector<128x1xi32> to vector<128x1xf32>
    %mul3A_2030 = arith.constant 6.553600e+04 : f32
    %mul3A_2031 = vector.broadcast %mul3A_2030 : f32 to vector<128x1xf32>
    %mul3A_2032 = arith.mulf %mul3A_2031, %convert_element_type3A_2029 : vector<128x1xf32>
    %dot_general3A_2033 = arith.constant dense<0.000000e+00> : vector<128x1xf32>
    %dot_general3A_2034 = tpu.matmul %convert_element_type3A_3, %mul3A_2032, %dot_general3A_2033 {dimension_numbers = #tpu.dot_dimension_numbers<[1], [0], [0], [1], [0, 0, 1, 1], [], []>, transpose_lhs_hint = false} : vector<128x128xf32>, vector<128x1xf32>, vector<128x1xf32> -> vector<128x1xf32>
    %shift_right_arithmetic3A_2035 = arith.constant 8 : i32
    %shift_right_arithmetic3A_2036 = vector.broadcast %shift_right_arithmetic3A_2035 : i32 to vector<128x1xi32>
    %shift_right_arithmetic3A_2037 = arith.shrsi %convert_element_type3A_2022, %shift_right_arithmetic3A_2036 : vector<128x1xi32>
    %and3A_2038 = arith.constant 255 : i32
    %and3A_2039 = vector.broadcast %and3A_2038 : i32 to vector<128x1xi32>
    %and3A_2040 = arith.andi %shift_right_arithmetic3A_2037, %and3A_2039 : vector<128x1xi32>
    %convert_element_type3A_2041 = arith.sitofp %and3A_2040 : vector<128x1xi32> to vector<128x1xf32>
    %mul3A_2042 = arith.constant 2.560000e+02 : f32
    %mul3A_2043 = vector.broadcast %mul3A_2042 : f32 to vector<128x1xf32>
    %mul3A_2044 = arith.mulf %mul3A_2043, %convert_element_type3A_2041 : vector<128x1xf32>
    %dot_general3A_2045 = arith.constant dense<0.000000e+00> : vector<128x1xf32>
    %dot_general3A_2046 = tpu.matmul %convert_element_type3A_3, %mul3A_2044, %dot_general3A_2045 {dimension_numbers = #tpu.dot_dimension_numbers<[1], [0], [0], [1], [0, 0, 1, 1], [], []>, transpose_lhs_hint = false} : vector<128x128xf32>, vector<128x1xf32>, vector<128x1xf32> -> vector<128x1xf32>
    %add3A_2047 = arith.addf %dot_general3A_2034, %dot_general3A_2046 : vector<128x1xf32>
    %and3A_2048 = arith.constant 255 : i32
    %and3A_2049 = vector.broadcast %and3A_2048 : i32 to vector<128x1xi32>
    %and3A_2050 = arith.andi %convert_element_type3A_2022, %and3A_2049 : vector<128x1xi32>
    %convert_element_type3A_2051 = arith.sitofp %and3A_2050 : vector<128x1xi32> to vector<128x1xf32>
    %dot_general3A_2052 = arith.constant dense<0.000000e+00> : vector<128x1xf32>
    %dot_general3A_2053 = tpu.matmul %convert_element_type3A_3, %convert_element_type3A_2051, %dot_general3A_2052 {dimension_numbers = #tpu.dot_dimension_numbers<[1], [0], [0], [1], [0, 0, 1, 1], [], []>, transpose_lhs_hint = false} : vector<128x128xf32>, vector<128x1xf32>, vector<128x1xf32> -> vector<128x1xf32>
    %add3A_2054 = arith.addf %add3A_2047, %dot_general3A_2053 : vector<128x1xf32>
    %add3A_2055 = vector.broadcast %add3A_2054 : vector<128x1xf32> to vector<128x128xf32>
    %add3A_2056 = arith.addf %add3A_2020, %add3A_2055 : vector<128x128xf32>
    %shift_right_arithmetic3A_2057 = arith.constant 16 : i32
    %shift_right_arithmetic3A_2058 = vector.broadcast %shift_right_arithmetic3A_2057 : i32 to vector<128x128xi32>
    %shift_right_arithmetic3A_2059 = arith.shrsi %add3A_1968, %shift_right_arithmetic3A_2058 : vector<128x128xi32>
    %and3A_2060 = arith.constant 255 : i32
    %and3A_2061 = vector.broadcast %and3A_2060 : i32 to vector<128x128xi32>
    %and3A_2062 = arith.andi %shift_right_arithmetic3A_2059, %and3A_2061 : vector<128x128xi32>
    %convert_element_type3A_2063 = arith.sitofp %and3A_2062 : vector<128x128xi32> to vector<128x128xf32>
    %mul3A_2064 = arith.constant 6.553600e+04 : f32
    %mul3A_2065 = vector.broadcast %mul3A_2064 : f32 to vector<128x128xf32>
    %mul3A_2066 = arith.mulf %mul3A_2065, %convert_element_type3A_2063 : vector<128x128xf32>
    %dot_general3A_2067 = arith.constant dense<0.000000e+00> : vector<128x128xf32>
    %dot_general3A_2068 = tpu.matmul %mul3A_2066, %convert_element_type3A_1, %dot_general3A_2067 {dimension_numbers = #tpu.dot_dimension_numbers<[1], [0], [0], [1], [0, 0, 1, 1], [], []>, transpose_lhs_hint = false} : vector<128x128xf32>, vector<128x128xf32>, vector<128x128xf32> -> vector<128x128xf32>
    %shift_right_arithmetic3A_2069 = arith.constant 8 : i32
    %shift_right_arithmetic3A_2070 = vector.broadcast %shift_right_arithmetic3A_2069 : i32 to vector<128x128xi32>
    %shift_right_arithmetic3A_2071 = arith.shrsi %add3A_1968, %shift_right_arithmetic3A_2070 : vector<128x128xi32>
    %and3A_2072 = arith.constant 255 : i32
    %and3A_2073 = vector.broadcast %and3A_2072 : i32 to vector<128x128xi32>
    %and3A_2074 = arith.andi %shift_right_arithmetic3A_2071, %and3A_2073 : vector<128x128xi32>
    %convert_element_type3A_2075 = arith.sitofp %and3A_2074 : vector<128x128xi32> to vector<128x128xf32>
    %mul3A_2076 = arith.constant 2.560000e+02 : f32
    %mul3A_2077 = vector.broadcast %mul3A_2076 : f32 to vector<128x128xf32>
    %mul3A_2078 = arith.mulf %mul3A_2077, %convert_element_type3A_2075 : vector<128x128xf32>
    %dot_general3A_2079 = arith.constant dense<0.000000e+00> : vector<128x128xf32>
    %dot_general3A_2080 = tpu.matmul %mul3A_2078, %convert_element_type3A_1, %dot_general3A_2079 {dimension_numbers = #tpu.dot_dimension_numbers<[1], [0], [0], [1], [0, 0, 1, 1], [], []>, transpose_lhs_hint = false} : vector<128x128xf32>, vector<128x128xf32>, vector<128x128xf32> -> vector<128x128xf32>
    %add3A_2081 = arith.addf %dot_general3A_2068, %dot_general3A_2080 : vector<128x128xf32>
    %and3A_2082 = arith.constant 255 : i32
    %and3A_2083 = vector.broadcast %and3A_2082 : i32 to vector<128x128xi32>
    %and3A_2084 = arith.andi %add3A_1968, %and3A_2083 : vector<128x128xi32>
    %convert_element_type3A_2085 = arith.sitofp %and3A_2084 : vector<128x128xi32> to vector<128x128xf32>
    %dot_general3A_2086 = arith.constant dense<0.000000e+00> : vector<128x128xf32>
    %dot_general3A_2087 = tpu.matmul %convert_element_type3A_2085, %convert_element_type3A_1, %dot_general3A_2086 {dimension_numbers = #tpu.dot_dimension_numbers<[1], [0], [0], [1], [0, 0, 1, 1], [], []>, transpose_lhs_hint = false} : vector<128x128xf32>, vector<128x128xf32>, vector<128x128xf32> -> vector<128x128xf32>
    %add3A_2088 = arith.addf %add3A_2081, %dot_general3A_2087 : vector<128x128xf32>
    %slice3A_2089 = vector.extract_strided_slice %add3A_2088 {offsets = [0, 127], sizes = [128, 1], strides = [1, 1]} : vector<128x128xf32> to vector<128x1xf32>
    %convert_element_type3A_2090 = arith.fptosi %slice3A_2089 : vector<128x1xf32> to vector<128x1xi32>
    %shift_right_arithmetic3A_2091 = arith.constant 16 : i32
    %shift_right_arithmetic3A_2092 = vector.broadcast %shift_right_arithmetic3A_2091 : i32 to vector<128x1xi32>
    %shift_right_arithmetic3A_2093 = arith.shrsi %convert_element_type3A_2090, %shift_right_arithmetic3A_2092 : vector<128x1xi32>
    %and3A_2094 = arith.constant 255 : i32
    %and3A_2095 = vector.broadcast %and3A_2094 : i32 to vector<128x1xi32>
    %and3A_2096 = arith.andi %shift_right_arithmetic3A_2093, %and3A_2095 : vector<128x1xi32>
    %convert_element_type3A_2097 = arith.sitofp %and3A_2096 : vector<128x1xi32> to vector<128x1xf32>
    %mul3A_2098 = arith.constant 6.553600e+04 : f32
    %mul3A_2099 = vector.broadcast %mul3A_2098 : f32 to vector<128x1xf32>
    %mul3A_2100 = arith.mulf %mul3A_2099, %convert_element_type3A_2097 : vector<128x1xf32>
    %dot_general3A_2101 = arith.constant dense<0.000000e+00> : vector<128x1xf32>
    %dot_general3A_2102 = tpu.matmul %convert_element_type3A_3, %mul3A_2100, %dot_general3A_2101 {dimension_numbers = #tpu.dot_dimension_numbers<[1], [0], [0], [1], [0, 0, 1, 1], [], []>, transpose_lhs_hint = false} : vector<128x128xf32>, vector<128x1xf32>, vector<128x1xf32> -> vector<128x1xf32>
    %shift_right_arithmetic3A_2103 = arith.constant 8 : i32
    %shift_right_arithmetic3A_2104 = vector.broadcast %shift_right_arithmetic3A_2103 : i32 to vector<128x1xi32>
    %shift_right_arithmetic3A_2105 = arith.shrsi %convert_element_type3A_2090, %shift_right_arithmetic3A_2104 : vector<128x1xi32>
    %and3A_2106 = arith.constant 255 : i32
    %and3A_2107 = vector.broadcast %and3A_2106 : i32 to vector<128x1xi32>
    %and3A_2108 = arith.andi %shift_right_arithmetic3A_2105, %and3A_2107 : vector<128x1xi32>
    %convert_element_type3A_2109 = arith.sitofp %and3A_2108 : vector<128x1xi32> to vector<128x1xf32>
    %mul3A_2110 = arith.constant 2.560000e+02 : f32
    %mul3A_2111 = vector.broadcast %mul3A_2110 : f32 to vector<128x1xf32>
    %mul3A_2112 = arith.mulf %mul3A_2111, %convert_element_type3A_2109 : vector<128x1xf32>
    %dot_general3A_2113 = arith.constant dense<0.000000e+00> : vector<128x1xf32>
    %dot_general3A_2114 = tpu.matmul %convert_element_type3A_3, %mul3A_2112, %dot_general3A_2113 {dimension_numbers = #tpu.dot_dimension_numbers<[1], [0], [0], [1], [0, 0, 1, 1], [], []>, transpose_lhs_hint = false} : vector<128x128xf32>, vector<128x1xf32>, vector<128x1xf32> -> vector<128x1xf32>
    %add3A_2115 = arith.addf %dot_general3A_2102, %dot_general3A_2114 : vector<128x1xf32>
    %and3A_2116 = arith.constant 255 : i32
    %and3A_2117 = vector.broadcast %and3A_2116 : i32 to vector<128x1xi32>
    %and3A_2118 = arith.andi %convert_element_type3A_2090, %and3A_2117 : vector<128x1xi32>
    %convert_element_type3A_2119 = arith.sitofp %and3A_2118 : vector<128x1xi32> to vector<128x1xf32>
    %dot_general3A_2120 = arith.constant dense<0.000000e+00> : vector<128x1xf32>
    %dot_general3A_2121 = tpu.matmul %convert_element_type3A_3, %convert_element_type3A_2119, %dot_general3A_2120 {dimension_numbers = #tpu.dot_dimension_numbers<[1], [0], [0], [1], [0, 0, 1, 1], [], []>, transpose_lhs_hint = false} : vector<128x128xf32>, vector<128x1xf32>, vector<128x1xf32> -> vector<128x1xf32>
    %add3A_2122 = arith.addf %add3A_2115, %dot_general3A_2121 : vector<128x1xf32>
    %add3A_2123 = vector.broadcast %add3A_2122 : vector<128x1xf32> to vector<128x128xf32>
    %add3A_2124 = arith.addf %add3A_2088, %add3A_2123 : vector<128x128xf32>
    %sub3A_2125 = vector.broadcast %reduce_sum3A_1988 : f32 to vector<128x128xf32>
    %sub3A_2126 = arith.subf %sub3A_2125, %add3A_2056 : vector<128x128xf32>
    %add3A_2127 = arith.addf %sub3A_2126, %convert_element_type3A_1978 : vector<128x128xf32>
    %sub3A_2128 = vector.broadcast %reduce_sum3A_1983 : f32 to vector<128x128xf32>
    %sub3A_2129 = arith.subf %sub3A_2128, %add3A_2124 : vector<128x128xf32>
    %add3A_2130 = arith.addf %sub3A_2129, %convert_element_type3A_1977 : vector<128x128xf32>
    %sub3A_2131 = arith.subf %add3A_2127, %convert_element_type3A_1978 : vector<128x128xf32>
    %sub3A_2132 = arith.subf %add3A_2130, %convert_element_type3A_1977 : vector<128x128xf32>
    %add3A_2133 = vector.broadcast %reduce_sum3A_1983 : f32 to vector<128x128xf32>
    %add3A_2134 = arith.addf %add3A_2133, %add3A_2127 : vector<128x128xf32>
    %sub3A_2135 = arith.subf %add3A_2134, %add3A_2130 : vector<128x128xf32>
    %max3A_2136 = arith.constant 1.000000e+00 : f32
    %max3A_2137 = vector.broadcast %max3A_2136 : f32 to vector<128x128xf32>
    %max3A_2138 = arith.maximumf %sub3A_2135, %max3A_2137 : vector<128x128xf32>
    %gt3A_2139 = arith.constant 0.000000e+00 : f32
    %gt3A_2140 = vector.broadcast %gt3A_2139 : f32 to vector<128x128xf32>
    %gt3A_2141 = arith.cmpf ogt, %add3A_2127, %gt3A_2140 : vector<128x128xf32>
    %sub3A_2142 = vector.broadcast %reduce_sum3A_1983 : f32 to vector<128x128xf32>
    %sub3A_2143 = arith.subf %sub3A_2142, %add3A_2130 : vector<128x128xf32>
    %div3A_2144 = arith.divf %sub3A_2143, %max3A_2138 : vector<128x128xf32>
    %sub3A_2145 = arith.constant 1.000000e+00 : f32
    %sub3A_2146 = vector.broadcast %sub3A_2145 : f32 to vector<128x128xf32>
    %sub3A_2147 = arith.subf %sub3A_2146, %div3A_2144 : vector<128x128xf32>
    %jit3A_2148 = arith.constant 0.000000e+00 : f32
    %broadcast_in_dim3A_2149 = vector.broadcast %jit3A_2148 : f32 to vector<128x128xf32>
    %select_n3A_2150 = arith.select %gt3A_2141, %sub3A_2147, %broadcast_in_dim3A_2149 : vector<128x128xi1>, vector<128x128xf32>
    %add3A_2151 = vector.broadcast %reduce_sum3A_1983 : f32 to vector<128x128xf32>
    %add3A_2152 = arith.addf %add3A_2151, %sub3A_2131 : vector<128x128xf32>
    %sub3A_2153 = arith.subf %add3A_2152, %sub3A_2132 : vector<128x128xf32>
    %max3A_2154 = arith.constant 1.000000e+00 : f32
    %max3A_2155 = vector.broadcast %max3A_2154 : f32 to vector<128x128xf32>
    %max3A_2156 = arith.maximumf %sub3A_2153, %max3A_2155 : vector<128x128xf32>
    %gt3A_2157 = arith.constant 0.000000e+00 : f32
    %gt3A_2158 = vector.broadcast %gt3A_2157 : f32 to vector<128x128xf32>
    %gt3A_2159 = arith.cmpf ogt, %sub3A_2131, %gt3A_2158 : vector<128x128xf32>
    %sub3A_2160 = vector.broadcast %reduce_sum3A_1983 : f32 to vector<128x128xf32>
    %sub3A_2161 = arith.subf %sub3A_2160, %sub3A_2132 : vector<128x128xf32>
    %div3A_2162 = arith.divf %sub3A_2161, %max3A_2156 : vector<128x128xf32>
    %sub3A_2163 = arith.constant 1.000000e+00 : f32
    %sub3A_2164 = vector.broadcast %sub3A_2163 : f32 to vector<128x128xf32>
    %sub3A_2165 = arith.subf %sub3A_2164, %div3A_2162 : vector<128x128xf32>
    %jit3A_2166 = arith.constant 0.000000e+00 : f32
    %broadcast_in_dim3A_2167 = vector.broadcast %jit3A_2166 : f32 to vector<128x128xf32>
    %select_n3A_2168 = arith.select %gt3A_2159, %sub3A_2165, %broadcast_in_dim3A_2167 : vector<128x128xi1>, vector<128x128xf32>
    %sub3A_2169 = arith.subf %select_n3A_2150, %select_n3A_2168 : vector<128x128xf32>
    %mul3A_2170 = arith.mulf %mul3A_12, %sub3A_2169 : vector<128x128xf32>
    %reduce_sum3A_2171 = vector.shape_cast %mul3A_2170 : vector<128x128xf32> to vector<1x128x128xf32>
    %reduce_sum3A_2172 = arith.constant dense<0.000000e+00> : vector<1xf32>
    %reduce_sum3A_2173 = vector.multi_reduction <add>, %reduce_sum3A_2171, %reduce_sum3A_2172 [1, 2] : vector<1x128x128xf32> to vector<1xf32>
    %reduce_sum3A_2174 = vector.shape_cast %reduce_sum3A_2173 : vector<1xf32> to vector<1x1x1xf32>
    %reduce_sum3A_2175 = vector.extract %reduce_sum3A_2174[0, 0, 0] : f32 from vector<1x1x1xf32>
    %gt3A_2176 = arith.constant 0.000000e+00 : f32
    %gt3A_2177 = arith.cmpf ogt, %reduce_sum3A_1983, %gt3A_2176 : f32
    %convert_element_type3A_2178 = arith.extui %gt3A_2177 : i1 to i32
    %convert_element_type3A_2179 = arith.sitofp %convert_element_type3A_2178 : i32 to f32
    %mul3A_2180 = arith.mulf %reduce_sum3A_2175, %convert_element_type3A_2179 : f32
    %add3A_2181 = arith.addf %add3A_1934, %mul3A_2180 : f32
    %add3A_2182 = arith.addf %add3A_1935, %convert_element_type3A_2179 : f32
    %get3A_2183 = arith.constant 15 : index
    %get3A_2184 = arith.constant 3 : index
    %get3A_2185 = arith.constant 0 : index
    %get3A_2186 = arith.constant 0 : index
    %get3A_2187 = vector.load %arg0[%get3A_2183, %get3A_2184, %get3A_2185, %get3A_2186] : memref<32x4x128x128xi32, #tpu.memory_space<vmem>>, vector<1x1x128x128xi32>
    %get3A_2188 = vector.shape_cast %get3A_2187 : vector<1x1x128x128xi32> to vector<128x128xi32>
    %get3A_2189 = arith.constant 15 : index
    %get3A_2190 = arith.constant 2 : index
    %get3A_2191 = arith.constant 0 : index
    %get3A_2192 = arith.constant 0 : index
    %get3A_2193 = vector.load %arg0[%get3A_2189, %get3A_2190, %get3A_2191, %get3A_2192] : memref<32x4x128x128xi32, #tpu.memory_space<vmem>>, vector<1x1x128x128xi32>
    %get3A_2194 = vector.shape_cast %get3A_2193 : vector<1x1x128x128xi32> to vector<128x128xi32>
    %get3A_2195 = arith.constant 16 : index
    %get3A_2196 = arith.constant 3 : index
    %get3A_2197 = arith.constant 0 : index
    %get3A_2198 = arith.constant 0 : index
    %get3A_2199 = vector.load %arg0[%get3A_2195, %get3A_2196, %get3A_2197, %get3A_2198] : memref<32x4x128x128xi32, #tpu.memory_space<vmem>>, vector<1x1x128x128xi32>
    %get3A_2200 = vector.shape_cast %get3A_2199 : vector<1x1x128x128xi32> to vector<128x128xi32>
    %add3A_2201 = arith.addi %get3A_2188, %get3A_2200 : vector<128x128xi32>
    %get3A_2202 = arith.constant 16 : index
    %get3A_2203 = arith.constant 2 : index
    %get3A_2204 = arith.constant 0 : index
    %get3A_2205 = arith.constant 0 : index
    %get3A_2206 = vector.load %arg0[%get3A_2202, %get3A_2203, %get3A_2204, %get3A_2205] : memref<32x4x128x128xi32, #tpu.memory_space<vmem>>, vector<1x1x128x128xi32>
    %get3A_2207 = vector.shape_cast %get3A_2206 : vector<1x1x128x128xi32> to vector<128x128xi32>
    %add3A_2208 = arith.addi %get3A_2194, %get3A_2207 : vector<128x128xi32>
    %add3A_2209 = arith.addi %add3A_2208, %add3A_2201 : vector<128x128xi32>
    %convert_element_type3A_2210 = arith.sitofp %add3A_2201 : vector<128x128xi32> to vector<128x128xf32>
    %convert_element_type3A_2211 = arith.sitofp %add3A_2209 : vector<128x128xi32> to vector<128x128xf32>
    %reduce_sum3A_2212 = vector.shape_cast %convert_element_type3A_2210 : vector<128x128xf32> to vector<1x128x128xf32>
    %reduce_sum3A_2213 = arith.constant dense<0.000000e+00> : vector<1xf32>
    %reduce_sum3A_2214 = vector.multi_reduction <add>, %reduce_sum3A_2212, %reduce_sum3A_2213 [1, 2] : vector<1x128x128xf32> to vector<1xf32>
    %reduce_sum3A_2215 = vector.shape_cast %reduce_sum3A_2214 : vector<1xf32> to vector<1x1x1xf32>
    %reduce_sum3A_2216 = vector.extract %reduce_sum3A_2215[0, 0, 0] : f32 from vector<1x1x1xf32>
    %reduce_sum3A_2217 = vector.shape_cast %convert_element_type3A_2211 : vector<128x128xf32> to vector<1x128x128xf32>
    %reduce_sum3A_2218 = arith.constant dense<0.000000e+00> : vector<1xf32>
    %reduce_sum3A_2219 = vector.multi_reduction <add>, %reduce_sum3A_2217, %reduce_sum3A_2218 [1, 2] : vector<1x128x128xf32> to vector<1xf32>
    %reduce_sum3A_2220 = vector.shape_cast %reduce_sum3A_2219 : vector<1xf32> to vector<1x1x1xf32>
    %reduce_sum3A_2221 = vector.extract %reduce_sum3A_2220[0, 0, 0] : f32 from vector<1x1x1xf32>
    %shift_right_arithmetic3A_2222 = arith.constant 16 : i32
    %shift_right_arithmetic3A_2223 = vector.broadcast %shift_right_arithmetic3A_2222 : i32 to vector<128x128xi32>
    %shift_right_arithmetic3A_2224 = arith.shrsi %add3A_2209, %shift_right_arithmetic3A_2223 : vector<128x128xi32>
    %and3A_2225 = arith.constant 255 : i32
    %and3A_2226 = vector.broadcast %and3A_2225 : i32 to vector<128x128xi32>
    %and3A_2227 = arith.andi %shift_right_arithmetic3A_2224, %and3A_2226 : vector<128x128xi32>
    %convert_element_type3A_2228 = arith.sitofp %and3A_2227 : vector<128x128xi32> to vector<128x128xf32>
    %mul3A_2229 = arith.constant 6.553600e+04 : f32
    %mul3A_2230 = vector.broadcast %mul3A_2229 : f32 to vector<128x128xf32>
    %mul3A_2231 = arith.mulf %mul3A_2230, %convert_element_type3A_2228 : vector<128x128xf32>
    %dot_general3A_2232 = arith.constant dense<0.000000e+00> : vector<128x128xf32>
    %dot_general3A_2233 = tpu.matmul %mul3A_2231, %convert_element_type3A_1, %dot_general3A_2232 {dimension_numbers = #tpu.dot_dimension_numbers<[1], [0], [0], [1], [0, 0, 1, 1], [], []>, transpose_lhs_hint = false} : vector<128x128xf32>, vector<128x128xf32>, vector<128x128xf32> -> vector<128x128xf32>
    %shift_right_arithmetic3A_2234 = arith.constant 8 : i32
    %shift_right_arithmetic3A_2235 = vector.broadcast %shift_right_arithmetic3A_2234 : i32 to vector<128x128xi32>
    %shift_right_arithmetic3A_2236 = arith.shrsi %add3A_2209, %shift_right_arithmetic3A_2235 : vector<128x128xi32>
    %and3A_2237 = arith.constant 255 : i32
    %and3A_2238 = vector.broadcast %and3A_2237 : i32 to vector<128x128xi32>
    %and3A_2239 = arith.andi %shift_right_arithmetic3A_2236, %and3A_2238 : vector<128x128xi32>
    %convert_element_type3A_2240 = arith.sitofp %and3A_2239 : vector<128x128xi32> to vector<128x128xf32>
    %mul3A_2241 = arith.constant 2.560000e+02 : f32
    %mul3A_2242 = vector.broadcast %mul3A_2241 : f32 to vector<128x128xf32>
    %mul3A_2243 = arith.mulf %mul3A_2242, %convert_element_type3A_2240 : vector<128x128xf32>
    %dot_general3A_2244 = arith.constant dense<0.000000e+00> : vector<128x128xf32>
    %dot_general3A_2245 = tpu.matmul %mul3A_2243, %convert_element_type3A_1, %dot_general3A_2244 {dimension_numbers = #tpu.dot_dimension_numbers<[1], [0], [0], [1], [0, 0, 1, 1], [], []>, transpose_lhs_hint = false} : vector<128x128xf32>, vector<128x128xf32>, vector<128x128xf32> -> vector<128x128xf32>
    %add3A_2246 = arith.addf %dot_general3A_2233, %dot_general3A_2245 : vector<128x128xf32>
    %and3A_2247 = arith.constant 255 : i32
    %and3A_2248 = vector.broadcast %and3A_2247 : i32 to vector<128x128xi32>
    %and3A_2249 = arith.andi %add3A_2209, %and3A_2248 : vector<128x128xi32>
    %convert_element_type3A_2250 = arith.sitofp %and3A_2249 : vector<128x128xi32> to vector<128x128xf32>
    %dot_general3A_2251 = arith.constant dense<0.000000e+00> : vector<128x128xf32>
    %dot_general3A_2252 = tpu.matmul %convert_element_type3A_2250, %convert_element_type3A_1, %dot_general3A_2251 {dimension_numbers = #tpu.dot_dimension_numbers<[1], [0], [0], [1], [0, 0, 1, 1], [], []>, transpose_lhs_hint = false} : vector<128x128xf32>, vector<128x128xf32>, vector<128x128xf32> -> vector<128x128xf32>
    %add3A_2253 = arith.addf %add3A_2246, %dot_general3A_2252 : vector<128x128xf32>
    %slice3A_2254 = vector.extract_strided_slice %add3A_2253 {offsets = [0, 127], sizes = [128, 1], strides = [1, 1]} : vector<128x128xf32> to vector<128x1xf32>
    %convert_element_type3A_2255 = arith.fptosi %slice3A_2254 : vector<128x1xf32> to vector<128x1xi32>
    %shift_right_arithmetic3A_2256 = arith.constant 16 : i32
    %shift_right_arithmetic3A_2257 = vector.broadcast %shift_right_arithmetic3A_2256 : i32 to vector<128x1xi32>
    %shift_right_arithmetic3A_2258 = arith.shrsi %convert_element_type3A_2255, %shift_right_arithmetic3A_2257 : vector<128x1xi32>
    %and3A_2259 = arith.constant 255 : i32
    %and3A_2260 = vector.broadcast %and3A_2259 : i32 to vector<128x1xi32>
    %and3A_2261 = arith.andi %shift_right_arithmetic3A_2258, %and3A_2260 : vector<128x1xi32>
    %convert_element_type3A_2262 = arith.sitofp %and3A_2261 : vector<128x1xi32> to vector<128x1xf32>
    %mul3A_2263 = arith.constant 6.553600e+04 : f32
    %mul3A_2264 = vector.broadcast %mul3A_2263 : f32 to vector<128x1xf32>
    %mul3A_2265 = arith.mulf %mul3A_2264, %convert_element_type3A_2262 : vector<128x1xf32>
    %dot_general3A_2266 = arith.constant dense<0.000000e+00> : vector<128x1xf32>
    %dot_general3A_2267 = tpu.matmul %convert_element_type3A_3, %mul3A_2265, %dot_general3A_2266 {dimension_numbers = #tpu.dot_dimension_numbers<[1], [0], [0], [1], [0, 0, 1, 1], [], []>, transpose_lhs_hint = false} : vector<128x128xf32>, vector<128x1xf32>, vector<128x1xf32> -> vector<128x1xf32>
    %shift_right_arithmetic3A_2268 = arith.constant 8 : i32
    %shift_right_arithmetic3A_2269 = vector.broadcast %shift_right_arithmetic3A_2268 : i32 to vector<128x1xi32>
    %shift_right_arithmetic3A_2270 = arith.shrsi %convert_element_type3A_2255, %shift_right_arithmetic3A_2269 : vector<128x1xi32>
    %and3A_2271 = arith.constant 255 : i32
    %and3A_2272 = vector.broadcast %and3A_2271 : i32 to vector<128x1xi32>
    %and3A_2273 = arith.andi %shift_right_arithmetic3A_2270, %and3A_2272 : vector<128x1xi32>
    %convert_element_type3A_2274 = arith.sitofp %and3A_2273 : vector<128x1xi32> to vector<128x1xf32>
    %mul3A_2275 = arith.constant 2.560000e+02 : f32
    %mul3A_2276 = vector.broadcast %mul3A_2275 : f32 to vector<128x1xf32>
    %mul3A_2277 = arith.mulf %mul3A_2276, %convert_element_type3A_2274 : vector<128x1xf32>
    %dot_general3A_2278 = arith.constant dense<0.000000e+00> : vector<128x1xf32>
    %dot_general3A_2279 = tpu.matmul %convert_element_type3A_3, %mul3A_2277, %dot_general3A_2278 {dimension_numbers = #tpu.dot_dimension_numbers<[1], [0], [0], [1], [0, 0, 1, 1], [], []>, transpose_lhs_hint = false} : vector<128x128xf32>, vector<128x1xf32>, vector<128x1xf32> -> vector<128x1xf32>
    %add3A_2280 = arith.addf %dot_general3A_2267, %dot_general3A_2279 : vector<128x1xf32>
    %and3A_2281 = arith.constant 255 : i32
    %and3A_2282 = vector.broadcast %and3A_2281 : i32 to vector<128x1xi32>
    %and3A_2283 = arith.andi %convert_element_type3A_2255, %and3A_2282 : vector<128x1xi32>
    %convert_element_type3A_2284 = arith.sitofp %and3A_2283 : vector<128x1xi32> to vector<128x1xf32>
    %dot_general3A_2285 = arith.constant dense<0.000000e+00> : vector<128x1xf32>
    %dot_general3A_2286 = tpu.matmul %convert_element_type3A_3, %convert_element_type3A_2284, %dot_general3A_2285 {dimension_numbers = #tpu.dot_dimension_numbers<[1], [0], [0], [1], [0, 0, 1, 1], [], []>, transpose_lhs_hint = false} : vector<128x128xf32>, vector<128x1xf32>, vector<128x1xf32> -> vector<128x1xf32>
    %add3A_2287 = arith.addf %add3A_2280, %dot_general3A_2286 : vector<128x1xf32>
    %add3A_2288 = vector.broadcast %add3A_2287 : vector<128x1xf32> to vector<128x128xf32>
    %add3A_2289 = arith.addf %add3A_2253, %add3A_2288 : vector<128x128xf32>
    %shift_right_arithmetic3A_2290 = arith.constant 16 : i32
    %shift_right_arithmetic3A_2291 = vector.broadcast %shift_right_arithmetic3A_2290 : i32 to vector<128x128xi32>
    %shift_right_arithmetic3A_2292 = arith.shrsi %add3A_2201, %shift_right_arithmetic3A_2291 : vector<128x128xi32>
    %and3A_2293 = arith.constant 255 : i32
    %and3A_2294 = vector.broadcast %and3A_2293 : i32 to vector<128x128xi32>
    %and3A_2295 = arith.andi %shift_right_arithmetic3A_2292, %and3A_2294 : vector<128x128xi32>
    %convert_element_type3A_2296 = arith.sitofp %and3A_2295 : vector<128x128xi32> to vector<128x128xf32>
    %mul3A_2297 = arith.constant 6.553600e+04 : f32
    %mul3A_2298 = vector.broadcast %mul3A_2297 : f32 to vector<128x128xf32>
    %mul3A_2299 = arith.mulf %mul3A_2298, %convert_element_type3A_2296 : vector<128x128xf32>
    %dot_general3A_2300 = arith.constant dense<0.000000e+00> : vector<128x128xf32>
    %dot_general3A_2301 = tpu.matmul %mul3A_2299, %convert_element_type3A_1, %dot_general3A_2300 {dimension_numbers = #tpu.dot_dimension_numbers<[1], [0], [0], [1], [0, 0, 1, 1], [], []>, transpose_lhs_hint = false} : vector<128x128xf32>, vector<128x128xf32>, vector<128x128xf32> -> vector<128x128xf32>
    %shift_right_arithmetic3A_2302 = arith.constant 8 : i32
    %shift_right_arithmetic3A_2303 = vector.broadcast %shift_right_arithmetic3A_2302 : i32 to vector<128x128xi32>
    %shift_right_arithmetic3A_2304 = arith.shrsi %add3A_2201, %shift_right_arithmetic3A_2303 : vector<128x128xi32>
    %and3A_2305 = arith.constant 255 : i32
    %and3A_2306 = vector.broadcast %and3A_2305 : i32 to vector<128x128xi32>
    %and3A_2307 = arith.andi %shift_right_arithmetic3A_2304, %and3A_2306 : vector<128x128xi32>
    %convert_element_type3A_2308 = arith.sitofp %and3A_2307 : vector<128x128xi32> to vector<128x128xf32>
    %mul3A_2309 = arith.constant 2.560000e+02 : f32
    %mul3A_2310 = vector.broadcast %mul3A_2309 : f32 to vector<128x128xf32>
    %mul3A_2311 = arith.mulf %mul3A_2310, %convert_element_type3A_2308 : vector<128x128xf32>
    %dot_general3A_2312 = arith.constant dense<0.000000e+00> : vector<128x128xf32>
    %dot_general3A_2313 = tpu.matmul %mul3A_2311, %convert_element_type3A_1, %dot_general3A_2312 {dimension_numbers = #tpu.dot_dimension_numbers<[1], [0], [0], [1], [0, 0, 1, 1], [], []>, transpose_lhs_hint = false} : vector<128x128xf32>, vector<128x128xf32>, vector<128x128xf32> -> vector<128x128xf32>
    %add3A_2314 = arith.addf %dot_general3A_2301, %dot_general3A_2313 : vector<128x128xf32>
    %and3A_2315 = arith.constant 255 : i32
    %and3A_2316 = vector.broadcast %and3A_2315 : i32 to vector<128x128xi32>
    %and3A_2317 = arith.andi %add3A_2201, %and3A_2316 : vector<128x128xi32>
    %convert_element_type3A_2318 = arith.sitofp %and3A_2317 : vector<128x128xi32> to vector<128x128xf32>
    %dot_general3A_2319 = arith.constant dense<0.000000e+00> : vector<128x128xf32>
    %dot_general3A_2320 = tpu.matmul %convert_element_type3A_2318, %convert_element_type3A_1, %dot_general3A_2319 {dimension_numbers = #tpu.dot_dimension_numbers<[1], [0], [0], [1], [0, 0, 1, 1], [], []>, transpose_lhs_hint = false} : vector<128x128xf32>, vector<128x128xf32>, vector<128x128xf32> -> vector<128x128xf32>
    %add3A_2321 = arith.addf %add3A_2314, %dot_general3A_2320 : vector<128x128xf32>
    %slice3A_2322 = vector.extract_strided_slice %add3A_2321 {offsets = [0, 127], sizes = [128, 1], strides = [1, 1]} : vector<128x128xf32> to vector<128x1xf32>
    %convert_element_type3A_2323 = arith.fptosi %slice3A_2322 : vector<128x1xf32> to vector<128x1xi32>
    %shift_right_arithmetic3A_2324 = arith.constant 16 : i32
    %shift_right_arithmetic3A_2325 = vector.broadcast %shift_right_arithmetic3A_2324 : i32 to vector<128x1xi32>
    %shift_right_arithmetic3A_2326 = arith.shrsi %convert_element_type3A_2323, %shift_right_arithmetic3A_2325 : vector<128x1xi32>
    %and3A_2327 = arith.constant 255 : i32
    %and3A_2328 = vector.broadcast %and3A_2327 : i32 to vector<128x1xi32>
    %and3A_2329 = arith.andi %shift_right_arithmetic3A_2326, %and3A_2328 : vector<128x1xi32>
    %convert_element_type3A_2330 = arith.sitofp %and3A_2329 : vector<128x1xi32> to vector<128x1xf32>
    %mul3A_2331 = arith.constant 6.553600e+04 : f32
    %mul3A_2332 = vector.broadcast %mul3A_2331 : f32 to vector<128x1xf32>
    %mul3A_2333 = arith.mulf %mul3A_2332, %convert_element_type3A_2330 : vector<128x1xf32>
    %dot_general3A_2334 = arith.constant dense<0.000000e+00> : vector<128x1xf32>
    %dot_general3A_2335 = tpu.matmul %convert_element_type3A_3, %mul3A_2333, %dot_general3A_2334 {dimension_numbers = #tpu.dot_dimension_numbers<[1], [0], [0], [1], [0, 0, 1, 1], [], []>, transpose_lhs_hint = false} : vector<128x128xf32>, vector<128x1xf32>, vector<128x1xf32> -> vector<128x1xf32>
    %shift_right_arithmetic3A_2336 = arith.constant 8 : i32
    %shift_right_arithmetic3A_2337 = vector.broadcast %shift_right_arithmetic3A_2336 : i32 to vector<128x1xi32>
    %shift_right_arithmetic3A_2338 = arith.shrsi %convert_element_type3A_2323, %shift_right_arithmetic3A_2337 : vector<128x1xi32>
    %and3A_2339 = arith.constant 255 : i32
    %and3A_2340 = vector.broadcast %and3A_2339 : i32 to vector<128x1xi32>
    %and3A_2341 = arith.andi %shift_right_arithmetic3A_2338, %and3A_2340 : vector<128x1xi32>
    %convert_element_type3A_2342 = arith.sitofp %and3A_2341 : vector<128x1xi32> to vector<128x1xf32>
    %mul3A_2343 = arith.constant 2.560000e+02 : f32
    %mul3A_2344 = vector.broadcast %mul3A_2343 : f32 to vector<128x1xf32>
    %mul3A_2345 = arith.mulf %mul3A_2344, %convert_element_type3A_2342 : vector<128x1xf32>
    %dot_general3A_2346 = arith.constant dense<0.000000e+00> : vector<128x1xf32>
    %dot_general3A_2347 = tpu.matmul %convert_element_type3A_3, %mul3A_2345, %dot_general3A_2346 {dimension_numbers = #tpu.dot_dimension_numbers<[1], [0], [0], [1], [0, 0, 1, 1], [], []>, transpose_lhs_hint = false} : vector<128x128xf32>, vector<128x1xf32>, vector<128x1xf32> -> vector<128x1xf32>
    %add3A_2348 = arith.addf %dot_general3A_2335, %dot_general3A_2347 : vector<128x1xf32>
    %and3A_2349 = arith.constant 255 : i32
    %and3A_2350 = vector.broadcast %and3A_2349 : i32 to vector<128x1xi32>
    %and3A_2351 = arith.andi %convert_element_type3A_2323, %and3A_2350 : vector<128x1xi32>
    %convert_element_type3A_2352 = arith.sitofp %and3A_2351 : vector<128x1xi32> to vector<128x1xf32>
    %dot_general3A_2353 = arith.constant dense<0.000000e+00> : vector<128x1xf32>
    %dot_general3A_2354 = tpu.matmul %convert_element_type3A_3, %convert_element_type3A_2352, %dot_general3A_2353 {dimension_numbers = #tpu.dot_dimension_numbers<[1], [0], [0], [1], [0, 0, 1, 1], [], []>, transpose_lhs_hint = false} : vector<128x128xf32>, vector<128x1xf32>, vector<128x1xf32> -> vector<128x1xf32>
    %add3A_2355 = arith.addf %add3A_2348, %dot_general3A_2354 : vector<128x1xf32>
    %add3A_2356 = vector.broadcast %add3A_2355 : vector<128x1xf32> to vector<128x128xf32>
    %add3A_2357 = arith.addf %add3A_2321, %add3A_2356 : vector<128x128xf32>
    %sub3A_2358 = vector.broadcast %reduce_sum3A_2221 : f32 to vector<128x128xf32>
    %sub3A_2359 = arith.subf %sub3A_2358, %add3A_2289 : vector<128x128xf32>
    %add3A_2360 = arith.addf %sub3A_2359, %convert_element_type3A_2211 : vector<128x128xf32>
    %sub3A_2361 = vector.broadcast %reduce_sum3A_2216 : f32 to vector<128x128xf32>
    %sub3A_2362 = arith.subf %sub3A_2361, %add3A_2357 : vector<128x128xf32>
    %add3A_2363 = arith.addf %sub3A_2362, %convert_element_type3A_2210 : vector<128x128xf32>
    %sub3A_2364 = arith.subf %add3A_2360, %convert_element_type3A_2211 : vector<128x128xf32>
    %sub3A_2365 = arith.subf %add3A_2363, %convert_element_type3A_2210 : vector<128x128xf32>
    %add3A_2366 = vector.broadcast %reduce_sum3A_2216 : f32 to vector<128x128xf32>
    %add3A_2367 = arith.addf %add3A_2366, %add3A_2360 : vector<128x128xf32>
    %sub3A_2368 = arith.subf %add3A_2367, %add3A_2363 : vector<128x128xf32>
    %max3A_2369 = arith.constant 1.000000e+00 : f32
    %max3A_2370 = vector.broadcast %max3A_2369 : f32 to vector<128x128xf32>
    %max3A_2371 = arith.maximumf %sub3A_2368, %max3A_2370 : vector<128x128xf32>
    %gt3A_2372 = arith.constant 0.000000e+00 : f32
    %gt3A_2373 = vector.broadcast %gt3A_2372 : f32 to vector<128x128xf32>
    %gt3A_2374 = arith.cmpf ogt, %add3A_2360, %gt3A_2373 : vector<128x128xf32>
    %sub3A_2375 = vector.broadcast %reduce_sum3A_2216 : f32 to vector<128x128xf32>
    %sub3A_2376 = arith.subf %sub3A_2375, %add3A_2363 : vector<128x128xf32>
    %div3A_2377 = arith.divf %sub3A_2376, %max3A_2371 : vector<128x128xf32>
    %sub3A_2378 = arith.constant 1.000000e+00 : f32
    %sub3A_2379 = vector.broadcast %sub3A_2378 : f32 to vector<128x128xf32>
    %sub3A_2380 = arith.subf %sub3A_2379, %div3A_2377 : vector<128x128xf32>
    %jit3A_2381 = arith.constant 0.000000e+00 : f32
    %broadcast_in_dim3A_2382 = vector.broadcast %jit3A_2381 : f32 to vector<128x128xf32>
    %select_n3A_2383 = arith.select %gt3A_2374, %sub3A_2380, %broadcast_in_dim3A_2382 : vector<128x128xi1>, vector<128x128xf32>
    %add3A_2384 = vector.broadcast %reduce_sum3A_2216 : f32 to vector<128x128xf32>
    %add3A_2385 = arith.addf %add3A_2384, %sub3A_2364 : vector<128x128xf32>
    %sub3A_2386 = arith.subf %add3A_2385, %sub3A_2365 : vector<128x128xf32>
    %max3A_2387 = arith.constant 1.000000e+00 : f32
    %max3A_2388 = vector.broadcast %max3A_2387 : f32 to vector<128x128xf32>
    %max3A_2389 = arith.maximumf %sub3A_2386, %max3A_2388 : vector<128x128xf32>
    %gt3A_2390 = arith.constant 0.000000e+00 : f32
    %gt3A_2391 = vector.broadcast %gt3A_2390 : f32 to vector<128x128xf32>
    %gt3A_2392 = arith.cmpf ogt, %sub3A_2364, %gt3A_2391 : vector<128x128xf32>
    %sub3A_2393 = vector.broadcast %reduce_sum3A_2216 : f32 to vector<128x128xf32>
    %sub3A_2394 = arith.subf %sub3A_2393, %sub3A_2365 : vector<128x128xf32>
    %div3A_2395 = arith.divf %sub3A_2394, %max3A_2389 : vector<128x128xf32>
    %sub3A_2396 = arith.constant 1.000000e+00 : f32
    %sub3A_2397 = vector.broadcast %sub3A_2396 : f32 to vector<128x128xf32>
    %sub3A_2398 = arith.subf %sub3A_2397, %div3A_2395 : vector<128x128xf32>
    %jit3A_2399 = arith.constant 0.000000e+00 : f32
    %broadcast_in_dim3A_2400 = vector.broadcast %jit3A_2399 : f32 to vector<128x128xf32>
    %select_n3A_2401 = arith.select %gt3A_2392, %sub3A_2398, %broadcast_in_dim3A_2400 : vector<128x128xi1>, vector<128x128xf32>
    %sub3A_2402 = arith.subf %select_n3A_2383, %select_n3A_2401 : vector<128x128xf32>
    %mul3A_2403 = arith.mulf %mul3A_12, %sub3A_2402 : vector<128x128xf32>
    %reduce_sum3A_2404 = vector.shape_cast %mul3A_2403 : vector<128x128xf32> to vector<1x128x128xf32>
    %reduce_sum3A_2405 = arith.constant dense<0.000000e+00> : vector<1xf32>
    %reduce_sum3A_2406 = vector.multi_reduction <add>, %reduce_sum3A_2404, %reduce_sum3A_2405 [1, 2] : vector<1x128x128xf32> to vector<1xf32>
    %reduce_sum3A_2407 = vector.shape_cast %reduce_sum3A_2406 : vector<1xf32> to vector<1x1x1xf32>
    %reduce_sum3A_2408 = vector.extract %reduce_sum3A_2407[0, 0, 0] : f32 from vector<1x1x1xf32>
    %gt3A_2409 = arith.constant 0.000000e+00 : f32
    %gt3A_2410 = arith.cmpf ogt, %reduce_sum3A_2216, %gt3A_2409 : f32
    %convert_element_type3A_2411 = arith.extui %gt3A_2410 : i1 to i32
    %convert_element_type3A_2412 = arith.sitofp %convert_element_type3A_2411 : i32 to f32
    %mul3A_2413 = arith.mulf %reduce_sum3A_2408, %convert_element_type3A_2412 : f32
    %add3A_2414 = arith.addf %add3A_2181, %mul3A_2413 : f32
    %add3A_2415 = arith.addf %add3A_2182, %convert_element_type3A_2412 : f32
    %get3A_2416 = arith.constant 16 : index
    %get3A_2417 = arith.constant 1 : index
    %get3A_2418 = arith.constant 0 : index
    %get3A_2419 = arith.constant 0 : index
    %get3A_2420 = vector.load %arg0[%get3A_2416, %get3A_2417, %get3A_2418, %get3A_2419] : memref<32x4x128x128xi32, #tpu.memory_space<vmem>>, vector<1x1x128x128xi32>
    %get3A_2421 = vector.shape_cast %get3A_2420 : vector<1x1x128x128xi32> to vector<128x128xi32>
    %get3A_2422 = arith.constant 16 : index
    %get3A_2423 = arith.constant 0 : index
    %get3A_2424 = arith.constant 0 : index
    %get3A_2425 = arith.constant 0 : index
    %get3A_2426 = vector.load %arg0[%get3A_2422, %get3A_2423, %get3A_2424, %get3A_2425] : memref<32x4x128x128xi32, #tpu.memory_space<vmem>>, vector<1x1x128x128xi32>
    %get3A_2427 = vector.shape_cast %get3A_2426 : vector<1x1x128x128xi32> to vector<128x128xi32>
    %get3A_2428 = arith.constant 17 : index
    %get3A_2429 = arith.constant 1 : index
    %get3A_2430 = arith.constant 0 : index
    %get3A_2431 = arith.constant 0 : index
    %get3A_2432 = vector.load %arg0[%get3A_2428, %get3A_2429, %get3A_2430, %get3A_2431] : memref<32x4x128x128xi32, #tpu.memory_space<vmem>>, vector<1x1x128x128xi32>
    %get3A_2433 = vector.shape_cast %get3A_2432 : vector<1x1x128x128xi32> to vector<128x128xi32>
    %add3A_2434 = arith.addi %get3A_2421, %get3A_2433 : vector<128x128xi32>
    %get3A_2435 = arith.constant 17 : index
    %get3A_2436 = arith.constant 0 : index
    %get3A_2437 = arith.constant 0 : index
    %get3A_2438 = arith.constant 0 : index
    %get3A_2439 = vector.load %arg0[%get3A_2435, %get3A_2436, %get3A_2437, %get3A_2438] : memref<32x4x128x128xi32, #tpu.memory_space<vmem>>, vector<1x1x128x128xi32>
    %get3A_2440 = vector.shape_cast %get3A_2439 : vector<1x1x128x128xi32> to vector<128x128xi32>
    %add3A_2441 = arith.addi %get3A_2427, %get3A_2440 : vector<128x128xi32>
    %get3A_2442 = arith.constant 18 : index
    %get3A_2443 = arith.constant 1 : index
    %get3A_2444 = arith.constant 0 : index
    %get3A_2445 = arith.constant 0 : index
    %get3A_2446 = vector.load %arg0[%get3A_2442, %get3A_2443, %get3A_2444, %get3A_2445] : memref<32x4x128x128xi32, #tpu.memory_space<vmem>>, vector<1x1x128x128xi32>
    %get3A_2447 = vector.shape_cast %get3A_2446 : vector<1x1x128x128xi32> to vector<128x128xi32>
    %add3A_2448 = arith.addi %add3A_2434, %get3A_2447 : vector<128x128xi32>
    %get3A_2449 = arith.constant 18 : index
    %get3A_2450 = arith.constant 0 : index
    %get3A_2451 = arith.constant 0 : index
    %get3A_2452 = arith.constant 0 : index
    %get3A_2453 = vector.load %arg0[%get3A_2449, %get3A_2450, %get3A_2451, %get3A_2452] : memref<32x4x128x128xi32, #tpu.memory_space<vmem>>, vector<1x1x128x128xi32>
    %get3A_2454 = vector.shape_cast %get3A_2453 : vector<1x1x128x128xi32> to vector<128x128xi32>
    %add3A_2455 = arith.addi %add3A_2441, %get3A_2454 : vector<128x128xi32>
    %add3A_2456 = arith.addi %add3A_2455, %add3A_2448 : vector<128x128xi32>
    %convert_element_type3A_2457 = arith.sitofp %add3A_2448 : vector<128x128xi32> to vector<128x128xf32>
    %convert_element_type3A_2458 = arith.sitofp %add3A_2456 : vector<128x128xi32> to vector<128x128xf32>
    %reduce_sum3A_2459 = vector.shape_cast %convert_element_type3A_2457 : vector<128x128xf32> to vector<1x128x128xf32>
    %reduce_sum3A_2460 = arith.constant dense<0.000000e+00> : vector<1xf32>
    %reduce_sum3A_2461 = vector.multi_reduction <add>, %reduce_sum3A_2459, %reduce_sum3A_2460 [1, 2] : vector<1x128x128xf32> to vector<1xf32>
    %reduce_sum3A_2462 = vector.shape_cast %reduce_sum3A_2461 : vector<1xf32> to vector<1x1x1xf32>
    %reduce_sum3A_2463 = vector.extract %reduce_sum3A_2462[0, 0, 0] : f32 from vector<1x1x1xf32>
    %reduce_sum3A_2464 = vector.shape_cast %convert_element_type3A_2458 : vector<128x128xf32> to vector<1x128x128xf32>
    %reduce_sum3A_2465 = arith.constant dense<0.000000e+00> : vector<1xf32>
    %reduce_sum3A_2466 = vector.multi_reduction <add>, %reduce_sum3A_2464, %reduce_sum3A_2465 [1, 2] : vector<1x128x128xf32> to vector<1xf32>
    %reduce_sum3A_2467 = vector.shape_cast %reduce_sum3A_2466 : vector<1xf32> to vector<1x1x1xf32>
    %reduce_sum3A_2468 = vector.extract %reduce_sum3A_2467[0, 0, 0] : f32 from vector<1x1x1xf32>
    %shift_right_arithmetic3A_2469 = arith.constant 16 : i32
    %shift_right_arithmetic3A_2470 = vector.broadcast %shift_right_arithmetic3A_2469 : i32 to vector<128x128xi32>
    %shift_right_arithmetic3A_2471 = arith.shrsi %add3A_2456, %shift_right_arithmetic3A_2470 : vector<128x128xi32>
    %and3A_2472 = arith.constant 255 : i32
    %and3A_2473 = vector.broadcast %and3A_2472 : i32 to vector<128x128xi32>
    %and3A_2474 = arith.andi %shift_right_arithmetic3A_2471, %and3A_2473 : vector<128x128xi32>
    %convert_element_type3A_2475 = arith.sitofp %and3A_2474 : vector<128x128xi32> to vector<128x128xf32>
    %mul3A_2476 = arith.constant 6.553600e+04 : f32
    %mul3A_2477 = vector.broadcast %mul3A_2476 : f32 to vector<128x128xf32>
    %mul3A_2478 = arith.mulf %mul3A_2477, %convert_element_type3A_2475 : vector<128x128xf32>
    %dot_general3A_2479 = arith.constant dense<0.000000e+00> : vector<128x128xf32>
    %dot_general3A_2480 = tpu.matmul %mul3A_2478, %convert_element_type3A_1, %dot_general3A_2479 {dimension_numbers = #tpu.dot_dimension_numbers<[1], [0], [0], [1], [0, 0, 1, 1], [], []>, transpose_lhs_hint = false} : vector<128x128xf32>, vector<128x128xf32>, vector<128x128xf32> -> vector<128x128xf32>
    %shift_right_arithmetic3A_2481 = arith.constant 8 : i32
    %shift_right_arithmetic3A_2482 = vector.broadcast %shift_right_arithmetic3A_2481 : i32 to vector<128x128xi32>
    %shift_right_arithmetic3A_2483 = arith.shrsi %add3A_2456, %shift_right_arithmetic3A_2482 : vector<128x128xi32>
    %and3A_2484 = arith.constant 255 : i32
    %and3A_2485 = vector.broadcast %and3A_2484 : i32 to vector<128x128xi32>
    %and3A_2486 = arith.andi %shift_right_arithmetic3A_2483, %and3A_2485 : vector<128x128xi32>
    %convert_element_type3A_2487 = arith.sitofp %and3A_2486 : vector<128x128xi32> to vector<128x128xf32>
    %mul3A_2488 = arith.constant 2.560000e+02 : f32
    %mul3A_2489 = vector.broadcast %mul3A_2488 : f32 to vector<128x128xf32>
    %mul3A_2490 = arith.mulf %mul3A_2489, %convert_element_type3A_2487 : vector<128x128xf32>
    %dot_general3A_2491 = arith.constant dense<0.000000e+00> : vector<128x128xf32>
    %dot_general3A_2492 = tpu.matmul %mul3A_2490, %convert_element_type3A_1, %dot_general3A_2491 {dimension_numbers = #tpu.dot_dimension_numbers<[1], [0], [0], [1], [0, 0, 1, 1], [], []>, transpose_lhs_hint = false} : vector<128x128xf32>, vector<128x128xf32>, vector<128x128xf32> -> vector<128x128xf32>
    %add3A_2493 = arith.addf %dot_general3A_2480, %dot_general3A_2492 : vector<128x128xf32>
    %and3A_2494 = arith.constant 255 : i32
    %and3A_2495 = vector.broadcast %and3A_2494 : i32 to vector<128x128xi32>
    %and3A_2496 = arith.andi %add3A_2456, %and3A_2495 : vector<128x128xi32>
    %convert_element_type3A_2497 = arith.sitofp %and3A_2496 : vector<128x128xi32> to vector<128x128xf32>
    %dot_general3A_2498 = arith.constant dense<0.000000e+00> : vector<128x128xf32>
    %dot_general3A_2499 = tpu.matmul %convert_element_type3A_2497, %convert_element_type3A_1, %dot_general3A_2498 {dimension_numbers = #tpu.dot_dimension_numbers<[1], [0], [0], [1], [0, 0, 1, 1], [], []>, transpose_lhs_hint = false} : vector<128x128xf32>, vector<128x128xf32>, vector<128x128xf32> -> vector<128x128xf32>
    %add3A_2500 = arith.addf %add3A_2493, %dot_general3A_2499 : vector<128x128xf32>
    %slice3A_2501 = vector.extract_strided_slice %add3A_2500 {offsets = [0, 127], sizes = [128, 1], strides = [1, 1]} : vector<128x128xf32> to vector<128x1xf32>
    %convert_element_type3A_2502 = arith.fptosi %slice3A_2501 : vector<128x1xf32> to vector<128x1xi32>
    %shift_right_arithmetic3A_2503 = arith.constant 16 : i32
    %shift_right_arithmetic3A_2504 = vector.broadcast %shift_right_arithmetic3A_2503 : i32 to vector<128x1xi32>
    %shift_right_arithmetic3A_2505 = arith.shrsi %convert_element_type3A_2502, %shift_right_arithmetic3A_2504 : vector<128x1xi32>
    %and3A_2506 = arith.constant 255 : i32
    %and3A_2507 = vector.broadcast %and3A_2506 : i32 to vector<128x1xi32>
    %and3A_2508 = arith.andi %shift_right_arithmetic3A_2505, %and3A_2507 : vector<128x1xi32>
    %convert_element_type3A_2509 = arith.sitofp %and3A_2508 : vector<128x1xi32> to vector<128x1xf32>
    %mul3A_2510 = arith.constant 6.553600e+04 : f32
    %mul3A_2511 = vector.broadcast %mul3A_2510 : f32 to vector<128x1xf32>
    %mul3A_2512 = arith.mulf %mul3A_2511, %convert_element_type3A_2509 : vector<128x1xf32>
    %dot_general3A_2513 = arith.constant dense<0.000000e+00> : vector<128x1xf32>
    %dot_general3A_2514 = tpu.matmul %convert_element_type3A_3, %mul3A_2512, %dot_general3A_2513 {dimension_numbers = #tpu.dot_dimension_numbers<[1], [0], [0], [1], [0, 0, 1, 1], [], []>, transpose_lhs_hint = false} : vector<128x128xf32>, vector<128x1xf32>, vector<128x1xf32> -> vector<128x1xf32>
    %shift_right_arithmetic3A_2515 = arith.constant 8 : i32
    %shift_right_arithmetic3A_2516 = vector.broadcast %shift_right_arithmetic3A_2515 : i32 to vector<128x1xi32>
    %shift_right_arithmetic3A_2517 = arith.shrsi %convert_element_type3A_2502, %shift_right_arithmetic3A_2516 : vector<128x1xi32>
    %and3A_2518 = arith.constant 255 : i32
    %and3A_2519 = vector.broadcast %and3A_2518 : i32 to vector<128x1xi32>
    %and3A_2520 = arith.andi %shift_right_arithmetic3A_2517, %and3A_2519 : vector<128x1xi32>
    %convert_element_type3A_2521 = arith.sitofp %and3A_2520 : vector<128x1xi32> to vector<128x1xf32>
    %mul3A_2522 = arith.constant 2.560000e+02 : f32
    %mul3A_2523 = vector.broadcast %mul3A_2522 : f32 to vector<128x1xf32>
    %mul3A_2524 = arith.mulf %mul3A_2523, %convert_element_type3A_2521 : vector<128x1xf32>
    %dot_general3A_2525 = arith.constant dense<0.000000e+00> : vector<128x1xf32>
    %dot_general3A_2526 = tpu.matmul %convert_element_type3A_3, %mul3A_2524, %dot_general3A_2525 {dimension_numbers = #tpu.dot_dimension_numbers<[1], [0], [0], [1], [0, 0, 1, 1], [], []>, transpose_lhs_hint = false} : vector<128x128xf32>, vector<128x1xf32>, vector<128x1xf32> -> vector<128x1xf32>
    %add3A_2527 = arith.addf %dot_general3A_2514, %dot_general3A_2526 : vector<128x1xf32>
    %and3A_2528 = arith.constant 255 : i32
    %and3A_2529 = vector.broadcast %and3A_2528 : i32 to vector<128x1xi32>
    %and3A_2530 = arith.andi %convert_element_type3A_2502, %and3A_2529 : vector<128x1xi32>
    %convert_element_type3A_2531 = arith.sitofp %and3A_2530 : vector<128x1xi32> to vector<128x1xf32>
    %dot_general3A_2532 = arith.constant dense<0.000000e+00> : vector<128x1xf32>
    %dot_general3A_2533 = tpu.matmul %convert_element_type3A_3, %convert_element_type3A_2531, %dot_general3A_2532 {dimension_numbers = #tpu.dot_dimension_numbers<[1], [0], [0], [1], [0, 0, 1, 1], [], []>, transpose_lhs_hint = false} : vector<128x128xf32>, vector<128x1xf32>, vector<128x1xf32> -> vector<128x1xf32>
    %add3A_2534 = arith.addf %add3A_2527, %dot_general3A_2533 : vector<128x1xf32>
    %add3A_2535 = vector.broadcast %add3A_2534 : vector<128x1xf32> to vector<128x128xf32>
    %add3A_2536 = arith.addf %add3A_2500, %add3A_2535 : vector<128x128xf32>
    %shift_right_arithmetic3A_2537 = arith.constant 16 : i32
    %shift_right_arithmetic3A_2538 = vector.broadcast %shift_right_arithmetic3A_2537 : i32 to vector<128x128xi32>
    %shift_right_arithmetic3A_2539 = arith.shrsi %add3A_2448, %shift_right_arithmetic3A_2538 : vector<128x128xi32>
    %and3A_2540 = arith.constant 255 : i32
    %and3A_2541 = vector.broadcast %and3A_2540 : i32 to vector<128x128xi32>
    %and3A_2542 = arith.andi %shift_right_arithmetic3A_2539, %and3A_2541 : vector<128x128xi32>
    %convert_element_type3A_2543 = arith.sitofp %and3A_2542 : vector<128x128xi32> to vector<128x128xf32>
    %mul3A_2544 = arith.constant 6.553600e+04 : f32
    %mul3A_2545 = vector.broadcast %mul3A_2544 : f32 to vector<128x128xf32>
    %mul3A_2546 = arith.mulf %mul3A_2545, %convert_element_type3A_2543 : vector<128x128xf32>
    %dot_general3A_2547 = arith.constant dense<0.000000e+00> : vector<128x128xf32>
    %dot_general3A_2548 = tpu.matmul %mul3A_2546, %convert_element_type3A_1, %dot_general3A_2547 {dimension_numbers = #tpu.dot_dimension_numbers<[1], [0], [0], [1], [0, 0, 1, 1], [], []>, transpose_lhs_hint = false} : vector<128x128xf32>, vector<128x128xf32>, vector<128x128xf32> -> vector<128x128xf32>
    %shift_right_arithmetic3A_2549 = arith.constant 8 : i32
    %shift_right_arithmetic3A_2550 = vector.broadcast %shift_right_arithmetic3A_2549 : i32 to vector<128x128xi32>
    %shift_right_arithmetic3A_2551 = arith.shrsi %add3A_2448, %shift_right_arithmetic3A_2550 : vector<128x128xi32>
    %and3A_2552 = arith.constant 255 : i32
    %and3A_2553 = vector.broadcast %and3A_2552 : i32 to vector<128x128xi32>
    %and3A_2554 = arith.andi %shift_right_arithmetic3A_2551, %and3A_2553 : vector<128x128xi32>
    %convert_element_type3A_2555 = arith.sitofp %and3A_2554 : vector<128x128xi32> to vector<128x128xf32>
    %mul3A_2556 = arith.constant 2.560000e+02 : f32
    %mul3A_2557 = vector.broadcast %mul3A_2556 : f32 to vector<128x128xf32>
    %mul3A_2558 = arith.mulf %mul3A_2557, %convert_element_type3A_2555 : vector<128x128xf32>
    %dot_general3A_2559 = arith.constant dense<0.000000e+00> : vector<128x128xf32>
    %dot_general3A_2560 = tpu.matmul %mul3A_2558, %convert_element_type3A_1, %dot_general3A_2559 {dimension_numbers = #tpu.dot_dimension_numbers<[1], [0], [0], [1], [0, 0, 1, 1], [], []>, transpose_lhs_hint = false} : vector<128x128xf32>, vector<128x128xf32>, vector<128x128xf32> -> vector<128x128xf32>
    %add3A_2561 = arith.addf %dot_general3A_2548, %dot_general3A_2560 : vector<128x128xf32>
    %and3A_2562 = arith.constant 255 : i32
    %and3A_2563 = vector.broadcast %and3A_2562 : i32 to vector<128x128xi32>
    %and3A_2564 = arith.andi %add3A_2448, %and3A_2563 : vector<128x128xi32>
    %convert_element_type3A_2565 = arith.sitofp %and3A_2564 : vector<128x128xi32> to vector<128x128xf32>
    %dot_general3A_2566 = arith.constant dense<0.000000e+00> : vector<128x128xf32>
    %dot_general3A_2567 = tpu.matmul %convert_element_type3A_2565, %convert_element_type3A_1, %dot_general3A_2566 {dimension_numbers = #tpu.dot_dimension_numbers<[1], [0], [0], [1], [0, 0, 1, 1], [], []>, transpose_lhs_hint = false} : vector<128x128xf32>, vector<128x128xf32>, vector<128x128xf32> -> vector<128x128xf32>
    %add3A_2568 = arith.addf %add3A_2561, %dot_general3A_2567 : vector<128x128xf32>
    %slice3A_2569 = vector.extract_strided_slice %add3A_2568 {offsets = [0, 127], sizes = [128, 1], strides = [1, 1]} : vector<128x128xf32> to vector<128x1xf32>
    %convert_element_type3A_2570 = arith.fptosi %slice3A_2569 : vector<128x1xf32> to vector<128x1xi32>
    %shift_right_arithmetic3A_2571 = arith.constant 16 : i32
    %shift_right_arithmetic3A_2572 = vector.broadcast %shift_right_arithmetic3A_2571 : i32 to vector<128x1xi32>
    %shift_right_arithmetic3A_2573 = arith.shrsi %convert_element_type3A_2570, %shift_right_arithmetic3A_2572 : vector<128x1xi32>
    %and3A_2574 = arith.constant 255 : i32
    %and3A_2575 = vector.broadcast %and3A_2574 : i32 to vector<128x1xi32>
    %and3A_2576 = arith.andi %shift_right_arithmetic3A_2573, %and3A_2575 : vector<128x1xi32>
    %convert_element_type3A_2577 = arith.sitofp %and3A_2576 : vector<128x1xi32> to vector<128x1xf32>
    %mul3A_2578 = arith.constant 6.553600e+04 : f32
    %mul3A_2579 = vector.broadcast %mul3A_2578 : f32 to vector<128x1xf32>
    %mul3A_2580 = arith.mulf %mul3A_2579, %convert_element_type3A_2577 : vector<128x1xf32>
    %dot_general3A_2581 = arith.constant dense<0.000000e+00> : vector<128x1xf32>
    %dot_general3A_2582 = tpu.matmul %convert_element_type3A_3, %mul3A_2580, %dot_general3A_2581 {dimension_numbers = #tpu.dot_dimension_numbers<[1], [0], [0], [1], [0, 0, 1, 1], [], []>, transpose_lhs_hint = false} : vector<128x128xf32>, vector<128x1xf32>, vector<128x1xf32> -> vector<128x1xf32>
    %shift_right_arithmetic3A_2583 = arith.constant 8 : i32
    %shift_right_arithmetic3A_2584 = vector.broadcast %shift_right_arithmetic3A_2583 : i32 to vector<128x1xi32>
    %shift_right_arithmetic3A_2585 = arith.shrsi %convert_element_type3A_2570, %shift_right_arithmetic3A_2584 : vector<128x1xi32>
    %and3A_2586 = arith.constant 255 : i32
    %and3A_2587 = vector.broadcast %and3A_2586 : i32 to vector<128x1xi32>
    %and3A_2588 = arith.andi %shift_right_arithmetic3A_2585, %and3A_2587 : vector<128x1xi32>
    %convert_element_type3A_2589 = arith.sitofp %and3A_2588 : vector<128x1xi32> to vector<128x1xf32>
    %mul3A_2590 = arith.constant 2.560000e+02 : f32
    %mul3A_2591 = vector.broadcast %mul3A_2590 : f32 to vector<128x1xf32>
    %mul3A_2592 = arith.mulf %mul3A_2591, %convert_element_type3A_2589 : vector<128x1xf32>
    %dot_general3A_2593 = arith.constant dense<0.000000e+00> : vector<128x1xf32>
    %dot_general3A_2594 = tpu.matmul %convert_element_type3A_3, %mul3A_2592, %dot_general3A_2593 {dimension_numbers = #tpu.dot_dimension_numbers<[1], [0], [0], [1], [0, 0, 1, 1], [], []>, transpose_lhs_hint = false} : vector<128x128xf32>, vector<128x1xf32>, vector<128x1xf32> -> vector<128x1xf32>
    %add3A_2595 = arith.addf %dot_general3A_2582, %dot_general3A_2594 : vector<128x1xf32>
    %and3A_2596 = arith.constant 255 : i32
    %and3A_2597 = vector.broadcast %and3A_2596 : i32 to vector<128x1xi32>
    %and3A_2598 = arith.andi %convert_element_type3A_2570, %and3A_2597 : vector<128x1xi32>
    %convert_element_type3A_2599 = arith.sitofp %and3A_2598 : vector<128x1xi32> to vector<128x1xf32>
    %dot_general3A_2600 = arith.constant dense<0.000000e+00> : vector<128x1xf32>
    %dot_general3A_2601 = tpu.matmul %convert_element_type3A_3, %convert_element_type3A_2599, %dot_general3A_2600 {dimension_numbers = #tpu.dot_dimension_numbers<[1], [0], [0], [1], [0, 0, 1, 1], [], []>, transpose_lhs_hint = false} : vector<128x128xf32>, vector<128x1xf32>, vector<128x1xf32> -> vector<128x1xf32>
    %add3A_2602 = arith.addf %add3A_2595, %dot_general3A_2601 : vector<128x1xf32>
    %add3A_2603 = vector.broadcast %add3A_2602 : vector<128x1xf32> to vector<128x128xf32>
    %add3A_2604 = arith.addf %add3A_2568, %add3A_2603 : vector<128x128xf32>
    %sub3A_2605 = vector.broadcast %reduce_sum3A_2468 : f32 to vector<128x128xf32>
    %sub3A_2606 = arith.subf %sub3A_2605, %add3A_2536 : vector<128x128xf32>
    %add3A_2607 = arith.addf %sub3A_2606, %convert_element_type3A_2458 : vector<128x128xf32>
    %sub3A_2608 = vector.broadcast %reduce_sum3A_2463 : f32 to vector<128x128xf32>
    %sub3A_2609 = arith.subf %sub3A_2608, %add3A_2604 : vector<128x128xf32>
    %add3A_2610 = arith.addf %sub3A_2609, %convert_element_type3A_2457 : vector<128x128xf32>
    %sub3A_2611 = arith.subf %add3A_2607, %convert_element_type3A_2458 : vector<128x128xf32>
    %sub3A_2612 = arith.subf %add3A_2610, %convert_element_type3A_2457 : vector<128x128xf32>
    %add3A_2613 = vector.broadcast %reduce_sum3A_2463 : f32 to vector<128x128xf32>
    %add3A_2614 = arith.addf %add3A_2613, %add3A_2607 : vector<128x128xf32>
    %sub3A_2615 = arith.subf %add3A_2614, %add3A_2610 : vector<128x128xf32>
    %max3A_2616 = arith.constant 1.000000e+00 : f32
    %max3A_2617 = vector.broadcast %max3A_2616 : f32 to vector<128x128xf32>
    %max3A_2618 = arith.maximumf %sub3A_2615, %max3A_2617 : vector<128x128xf32>
    %gt3A_2619 = arith.constant 0.000000e+00 : f32
    %gt3A_2620 = vector.broadcast %gt3A_2619 : f32 to vector<128x128xf32>
    %gt3A_2621 = arith.cmpf ogt, %add3A_2607, %gt3A_2620 : vector<128x128xf32>
    %sub3A_2622 = vector.broadcast %reduce_sum3A_2463 : f32 to vector<128x128xf32>
    %sub3A_2623 = arith.subf %sub3A_2622, %add3A_2610 : vector<128x128xf32>
    %div3A_2624 = arith.divf %sub3A_2623, %max3A_2618 : vector<128x128xf32>
    %sub3A_2625 = arith.constant 1.000000e+00 : f32
    %sub3A_2626 = vector.broadcast %sub3A_2625 : f32 to vector<128x128xf32>
    %sub3A_2627 = arith.subf %sub3A_2626, %div3A_2624 : vector<128x128xf32>
    %jit3A_2628 = arith.constant 0.000000e+00 : f32
    %broadcast_in_dim3A_2629 = vector.broadcast %jit3A_2628 : f32 to vector<128x128xf32>
    %select_n3A_2630 = arith.select %gt3A_2621, %sub3A_2627, %broadcast_in_dim3A_2629 : vector<128x128xi1>, vector<128x128xf32>
    %add3A_2631 = vector.broadcast %reduce_sum3A_2463 : f32 to vector<128x128xf32>
    %add3A_2632 = arith.addf %add3A_2631, %sub3A_2611 : vector<128x128xf32>
    %sub3A_2633 = arith.subf %add3A_2632, %sub3A_2612 : vector<128x128xf32>
    %max3A_2634 = arith.constant 1.000000e+00 : f32
    %max3A_2635 = vector.broadcast %max3A_2634 : f32 to vector<128x128xf32>
    %max3A_2636 = arith.maximumf %sub3A_2633, %max3A_2635 : vector<128x128xf32>
    %gt3A_2637 = arith.constant 0.000000e+00 : f32
    %gt3A_2638 = vector.broadcast %gt3A_2637 : f32 to vector<128x128xf32>
    %gt3A_2639 = arith.cmpf ogt, %sub3A_2611, %gt3A_2638 : vector<128x128xf32>
    %sub3A_2640 = vector.broadcast %reduce_sum3A_2463 : f32 to vector<128x128xf32>
    %sub3A_2641 = arith.subf %sub3A_2640, %sub3A_2612 : vector<128x128xf32>
    %div3A_2642 = arith.divf %sub3A_2641, %max3A_2636 : vector<128x128xf32>
    %sub3A_2643 = arith.constant 1.000000e+00 : f32
    %sub3A_2644 = vector.broadcast %sub3A_2643 : f32 to vector<128x128xf32>
    %sub3A_2645 = arith.subf %sub3A_2644, %div3A_2642 : vector<128x128xf32>
    %jit3A_2646 = arith.constant 0.000000e+00 : f32
    %broadcast_in_dim3A_2647 = vector.broadcast %jit3A_2646 : f32 to vector<128x128xf32>
    %select_n3A_2648 = arith.select %gt3A_2639, %sub3A_2645, %broadcast_in_dim3A_2647 : vector<128x128xi1>, vector<128x128xf32>
    %sub3A_2649 = arith.subf %select_n3A_2630, %select_n3A_2648 : vector<128x128xf32>
    %mul3A_2650 = arith.mulf %mul3A_12, %sub3A_2649 : vector<128x128xf32>
    %reduce_sum3A_2651 = vector.shape_cast %mul3A_2650 : vector<128x128xf32> to vector<1x128x128xf32>
    %reduce_sum3A_2652 = arith.constant dense<0.000000e+00> : vector<1xf32>
    %reduce_sum3A_2653 = vector.multi_reduction <add>, %reduce_sum3A_2651, %reduce_sum3A_2652 [1, 2] : vector<1x128x128xf32> to vector<1xf32>
    %reduce_sum3A_2654 = vector.shape_cast %reduce_sum3A_2653 : vector<1xf32> to vector<1x1x1xf32>
    %reduce_sum3A_2655 = vector.extract %reduce_sum3A_2654[0, 0, 0] : f32 from vector<1x1x1xf32>
    %gt3A_2656 = arith.constant 0.000000e+00 : f32
    %gt3A_2657 = arith.cmpf ogt, %reduce_sum3A_2463, %gt3A_2656 : f32
    %convert_element_type3A_2658 = arith.extui %gt3A_2657 : i1 to i32
    %convert_element_type3A_2659 = arith.sitofp %convert_element_type3A_2658 : i32 to f32
    %mul3A_2660 = arith.mulf %reduce_sum3A_2655, %convert_element_type3A_2659 : f32
    %add3A_2661 = arith.addf %add3A_2414, %mul3A_2660 : f32
    %add3A_2662 = arith.addf %add3A_2415, %convert_element_type3A_2659 : f32
    %get3A_2663 = arith.constant 18 : index
    %get3A_2664 = arith.constant 3 : index
    %get3A_2665 = arith.constant 0 : index
    %get3A_2666 = arith.constant 0 : index
    %get3A_2667 = vector.load %arg0[%get3A_2663, %get3A_2664, %get3A_2665, %get3A_2666] : memref<32x4x128x128xi32, #tpu.memory_space<vmem>>, vector<1x1x128x128xi32>
    %get3A_2668 = vector.shape_cast %get3A_2667 : vector<1x1x128x128xi32> to vector<128x128xi32>
    %get3A_2669 = arith.constant 18 : index
    %get3A_2670 = arith.constant 2 : index
    %get3A_2671 = arith.constant 0 : index
    %get3A_2672 = arith.constant 0 : index
    %get3A_2673 = vector.load %arg0[%get3A_2669, %get3A_2670, %get3A_2671, %get3A_2672] : memref<32x4x128x128xi32, #tpu.memory_space<vmem>>, vector<1x1x128x128xi32>
    %get3A_2674 = vector.shape_cast %get3A_2673 : vector<1x1x128x128xi32> to vector<128x128xi32>
    %get3A_2675 = arith.constant 19 : index
    %get3A_2676 = arith.constant 3 : index
    %get3A_2677 = arith.constant 0 : index
    %get3A_2678 = arith.constant 0 : index
    %get3A_2679 = vector.load %arg0[%get3A_2675, %get3A_2676, %get3A_2677, %get3A_2678] : memref<32x4x128x128xi32, #tpu.memory_space<vmem>>, vector<1x1x128x128xi32>
    %get3A_2680 = vector.shape_cast %get3A_2679 : vector<1x1x128x128xi32> to vector<128x128xi32>
    %add3A_2681 = arith.addi %get3A_2668, %get3A_2680 : vector<128x128xi32>
    %get3A_2682 = arith.constant 19 : index
    %get3A_2683 = arith.constant 2 : index
    %get3A_2684 = arith.constant 0 : index
    %get3A_2685 = arith.constant 0 : index
    %get3A_2686 = vector.load %arg0[%get3A_2682, %get3A_2683, %get3A_2684, %get3A_2685] : memref<32x4x128x128xi32, #tpu.memory_space<vmem>>, vector<1x1x128x128xi32>
    %get3A_2687 = vector.shape_cast %get3A_2686 : vector<1x1x128x128xi32> to vector<128x128xi32>
    %add3A_2688 = arith.addi %get3A_2674, %get3A_2687 : vector<128x128xi32>
    %get3A_2689 = arith.constant 20 : index
    %get3A_2690 = arith.constant 3 : index
    %get3A_2691 = arith.constant 0 : index
    %get3A_2692 = arith.constant 0 : index
    %get3A_2693 = vector.load %arg0[%get3A_2689, %get3A_2690, %get3A_2691, %get3A_2692] : memref<32x4x128x128xi32, #tpu.memory_space<vmem>>, vector<1x1x128x128xi32>
    %get3A_2694 = vector.shape_cast %get3A_2693 : vector<1x1x128x128xi32> to vector<128x128xi32>
    %add3A_2695 = arith.addi %add3A_2681, %get3A_2694 : vector<128x128xi32>
    %get3A_2696 = arith.constant 20 : index
    %get3A_2697 = arith.constant 2 : index
    %get3A_2698 = arith.constant 0 : index
    %get3A_2699 = arith.constant 0 : index
    %get3A_2700 = vector.load %arg0[%get3A_2696, %get3A_2697, %get3A_2698, %get3A_2699] : memref<32x4x128x128xi32, #tpu.memory_space<vmem>>, vector<1x1x128x128xi32>
    %get3A_2701 = vector.shape_cast %get3A_2700 : vector<1x1x128x128xi32> to vector<128x128xi32>
    %add3A_2702 = arith.addi %add3A_2688, %get3A_2701 : vector<128x128xi32>
    %add3A_2703 = arith.addi %add3A_2702, %add3A_2695 : vector<128x128xi32>
    %convert_element_type3A_2704 = arith.sitofp %add3A_2695 : vector<128x128xi32> to vector<128x128xf32>
    %convert_element_type3A_2705 = arith.sitofp %add3A_2703 : vector<128x128xi32> to vector<128x128xf32>
    %reduce_sum3A_2706 = vector.shape_cast %convert_element_type3A_2704 : vector<128x128xf32> to vector<1x128x128xf32>
    %reduce_sum3A_2707 = arith.constant dense<0.000000e+00> : vector<1xf32>
    %reduce_sum3A_2708 = vector.multi_reduction <add>, %reduce_sum3A_2706, %reduce_sum3A_2707 [1, 2] : vector<1x128x128xf32> to vector<1xf32>
    %reduce_sum3A_2709 = vector.shape_cast %reduce_sum3A_2708 : vector<1xf32> to vector<1x1x1xf32>
    %reduce_sum3A_2710 = vector.extract %reduce_sum3A_2709[0, 0, 0] : f32 from vector<1x1x1xf32>
    %reduce_sum3A_2711 = vector.shape_cast %convert_element_type3A_2705 : vector<128x128xf32> to vector<1x128x128xf32>
    %reduce_sum3A_2712 = arith.constant dense<0.000000e+00> : vector<1xf32>
    %reduce_sum3A_2713 = vector.multi_reduction <add>, %reduce_sum3A_2711, %reduce_sum3A_2712 [1, 2] : vector<1x128x128xf32> to vector<1xf32>
    %reduce_sum3A_2714 = vector.shape_cast %reduce_sum3A_2713 : vector<1xf32> to vector<1x1x1xf32>
    %reduce_sum3A_2715 = vector.extract %reduce_sum3A_2714[0, 0, 0] : f32 from vector<1x1x1xf32>
    %shift_right_arithmetic3A_2716 = arith.constant 16 : i32
    %shift_right_arithmetic3A_2717 = vector.broadcast %shift_right_arithmetic3A_2716 : i32 to vector<128x128xi32>
    %shift_right_arithmetic3A_2718 = arith.shrsi %add3A_2703, %shift_right_arithmetic3A_2717 : vector<128x128xi32>
    %and3A_2719 = arith.constant 255 : i32
    %and3A_2720 = vector.broadcast %and3A_2719 : i32 to vector<128x128xi32>
    %and3A_2721 = arith.andi %shift_right_arithmetic3A_2718, %and3A_2720 : vector<128x128xi32>
    %convert_element_type3A_2722 = arith.sitofp %and3A_2721 : vector<128x128xi32> to vector<128x128xf32>
    %mul3A_2723 = arith.constant 6.553600e+04 : f32
    %mul3A_2724 = vector.broadcast %mul3A_2723 : f32 to vector<128x128xf32>
    %mul3A_2725 = arith.mulf %mul3A_2724, %convert_element_type3A_2722 : vector<128x128xf32>
    %dot_general3A_2726 = arith.constant dense<0.000000e+00> : vector<128x128xf32>
    %dot_general3A_2727 = tpu.matmul %mul3A_2725, %convert_element_type3A_1, %dot_general3A_2726 {dimension_numbers = #tpu.dot_dimension_numbers<[1], [0], [0], [1], [0, 0, 1, 1], [], []>, transpose_lhs_hint = false} : vector<128x128xf32>, vector<128x128xf32>, vector<128x128xf32> -> vector<128x128xf32>
    %shift_right_arithmetic3A_2728 = arith.constant 8 : i32
    %shift_right_arithmetic3A_2729 = vector.broadcast %shift_right_arithmetic3A_2728 : i32 to vector<128x128xi32>
    %shift_right_arithmetic3A_2730 = arith.shrsi %add3A_2703, %shift_right_arithmetic3A_2729 : vector<128x128xi32>
    %and3A_2731 = arith.constant 255 : i32
    %and3A_2732 = vector.broadcast %and3A_2731 : i32 to vector<128x128xi32>
    %and3A_2733 = arith.andi %shift_right_arithmetic3A_2730, %and3A_2732 : vector<128x128xi32>
    %convert_element_type3A_2734 = arith.sitofp %and3A_2733 : vector<128x128xi32> to vector<128x128xf32>
    %mul3A_2735 = arith.constant 2.560000e+02 : f32
    %mul3A_2736 = vector.broadcast %mul3A_2735 : f32 to vector<128x128xf32>
    %mul3A_2737 = arith.mulf %mul3A_2736, %convert_element_type3A_2734 : vector<128x128xf32>
    %dot_general3A_2738 = arith.constant dense<0.000000e+00> : vector<128x128xf32>
    %dot_general3A_2739 = tpu.matmul %mul3A_2737, %convert_element_type3A_1, %dot_general3A_2738 {dimension_numbers = #tpu.dot_dimension_numbers<[1], [0], [0], [1], [0, 0, 1, 1], [], []>, transpose_lhs_hint = false} : vector<128x128xf32>, vector<128x128xf32>, vector<128x128xf32> -> vector<128x128xf32>
    %add3A_2740 = arith.addf %dot_general3A_2727, %dot_general3A_2739 : vector<128x128xf32>
    %and3A_2741 = arith.constant 255 : i32
    %and3A_2742 = vector.broadcast %and3A_2741 : i32 to vector<128x128xi32>
    %and3A_2743 = arith.andi %add3A_2703, %and3A_2742 : vector<128x128xi32>
    %convert_element_type3A_2744 = arith.sitofp %and3A_2743 : vector<128x128xi32> to vector<128x128xf32>
    %dot_general3A_2745 = arith.constant dense<0.000000e+00> : vector<128x128xf32>
    %dot_general3A_2746 = tpu.matmul %convert_element_type3A_2744, %convert_element_type3A_1, %dot_general3A_2745 {dimension_numbers = #tpu.dot_dimension_numbers<[1], [0], [0], [1], [0, 0, 1, 1], [], []>, transpose_lhs_hint = false} : vector<128x128xf32>, vector<128x128xf32>, vector<128x128xf32> -> vector<128x128xf32>
    %add3A_2747 = arith.addf %add3A_2740, %dot_general3A_2746 : vector<128x128xf32>
    %slice3A_2748 = vector.extract_strided_slice %add3A_2747 {offsets = [0, 127], sizes = [128, 1], strides = [1, 1]} : vector<128x128xf32> to vector<128x1xf32>
    %convert_element_type3A_2749 = arith.fptosi %slice3A_2748 : vector<128x1xf32> to vector<128x1xi32>
    %shift_right_arithmetic3A_2750 = arith.constant 16 : i32
    %shift_right_arithmetic3A_2751 = vector.broadcast %shift_right_arithmetic3A_2750 : i32 to vector<128x1xi32>
    %shift_right_arithmetic3A_2752 = arith.shrsi %convert_element_type3A_2749, %shift_right_arithmetic3A_2751 : vector<128x1xi32>
    %and3A_2753 = arith.constant 255 : i32
    %and3A_2754 = vector.broadcast %and3A_2753 : i32 to vector<128x1xi32>
    %and3A_2755 = arith.andi %shift_right_arithmetic3A_2752, %and3A_2754 : vector<128x1xi32>
    %convert_element_type3A_2756 = arith.sitofp %and3A_2755 : vector<128x1xi32> to vector<128x1xf32>
    %mul3A_2757 = arith.constant 6.553600e+04 : f32
    %mul3A_2758 = vector.broadcast %mul3A_2757 : f32 to vector<128x1xf32>
    %mul3A_2759 = arith.mulf %mul3A_2758, %convert_element_type3A_2756 : vector<128x1xf32>
    %dot_general3A_2760 = arith.constant dense<0.000000e+00> : vector<128x1xf32>
    %dot_general3A_2761 = tpu.matmul %convert_element_type3A_3, %mul3A_2759, %dot_general3A_2760 {dimension_numbers = #tpu.dot_dimension_numbers<[1], [0], [0], [1], [0, 0, 1, 1], [], []>, transpose_lhs_hint = false} : vector<128x128xf32>, vector<128x1xf32>, vector<128x1xf32> -> vector<128x1xf32>
    %shift_right_arithmetic3A_2762 = arith.constant 8 : i32
    %shift_right_arithmetic3A_2763 = vector.broadcast %shift_right_arithmetic3A_2762 : i32 to vector<128x1xi32>
    %shift_right_arithmetic3A_2764 = arith.shrsi %convert_element_type3A_2749, %shift_right_arithmetic3A_2763 : vector<128x1xi32>
    %and3A_2765 = arith.constant 255 : i32
    %and3A_2766 = vector.broadcast %and3A_2765 : i32 to vector<128x1xi32>
    %and3A_2767 = arith.andi %shift_right_arithmetic3A_2764, %and3A_2766 : vector<128x1xi32>
    %convert_element_type3A_2768 = arith.sitofp %and3A_2767 : vector<128x1xi32> to vector<128x1xf32>
    %mul3A_2769 = arith.constant 2.560000e+02 : f32
    %mul3A_2770 = vector.broadcast %mul3A_2769 : f32 to vector<128x1xf32>
    %mul3A_2771 = arith.mulf %mul3A_2770, %convert_element_type3A_2768 : vector<128x1xf32>
    %dot_general3A_2772 = arith.constant dense<0.000000e+00> : vector<128x1xf32>
    %dot_general3A_2773 = tpu.matmul %convert_element_type3A_3, %mul3A_2771, %dot_general3A_2772 {dimension_numbers = #tpu.dot_dimension_numbers<[1], [0], [0], [1], [0, 0, 1, 1], [], []>, transpose_lhs_hint = false} : vector<128x128xf32>, vector<128x1xf32>, vector<128x1xf32> -> vector<128x1xf32>
    %add3A_2774 = arith.addf %dot_general3A_2761, %dot_general3A_2773 : vector<128x1xf32>
    %and3A_2775 = arith.constant 255 : i32
    %and3A_2776 = vector.broadcast %and3A_2775 : i32 to vector<128x1xi32>
    %and3A_2777 = arith.andi %convert_element_type3A_2749, %and3A_2776 : vector<128x1xi32>
    %convert_element_type3A_2778 = arith.sitofp %and3A_2777 : vector<128x1xi32> to vector<128x1xf32>
    %dot_general3A_2779 = arith.constant dense<0.000000e+00> : vector<128x1xf32>
    %dot_general3A_2780 = tpu.matmul %convert_element_type3A_3, %convert_element_type3A_2778, %dot_general3A_2779 {dimension_numbers = #tpu.dot_dimension_numbers<[1], [0], [0], [1], [0, 0, 1, 1], [], []>, transpose_lhs_hint = false} : vector<128x128xf32>, vector<128x1xf32>, vector<128x1xf32> -> vector<128x1xf32>
    %add3A_2781 = arith.addf %add3A_2774, %dot_general3A_2780 : vector<128x1xf32>
    %add3A_2782 = vector.broadcast %add3A_2781 : vector<128x1xf32> to vector<128x128xf32>
    %add3A_2783 = arith.addf %add3A_2747, %add3A_2782 : vector<128x128xf32>
    %shift_right_arithmetic3A_2784 = arith.constant 16 : i32
    %shift_right_arithmetic3A_2785 = vector.broadcast %shift_right_arithmetic3A_2784 : i32 to vector<128x128xi32>
    %shift_right_arithmetic3A_2786 = arith.shrsi %add3A_2695, %shift_right_arithmetic3A_2785 : vector<128x128xi32>
    %and3A_2787 = arith.constant 255 : i32
    %and3A_2788 = vector.broadcast %and3A_2787 : i32 to vector<128x128xi32>
    %and3A_2789 = arith.andi %shift_right_arithmetic3A_2786, %and3A_2788 : vector<128x128xi32>
    %convert_element_type3A_2790 = arith.sitofp %and3A_2789 : vector<128x128xi32> to vector<128x128xf32>
    %mul3A_2791 = arith.constant 6.553600e+04 : f32
    %mul3A_2792 = vector.broadcast %mul3A_2791 : f32 to vector<128x128xf32>
    %mul3A_2793 = arith.mulf %mul3A_2792, %convert_element_type3A_2790 : vector<128x128xf32>
    %dot_general3A_2794 = arith.constant dense<0.000000e+00> : vector<128x128xf32>
    %dot_general3A_2795 = tpu.matmul %mul3A_2793, %convert_element_type3A_1, %dot_general3A_2794 {dimension_numbers = #tpu.dot_dimension_numbers<[1], [0], [0], [1], [0, 0, 1, 1], [], []>, transpose_lhs_hint = false} : vector<128x128xf32>, vector<128x128xf32>, vector<128x128xf32> -> vector<128x128xf32>
    %shift_right_arithmetic3A_2796 = arith.constant 8 : i32
    %shift_right_arithmetic3A_2797 = vector.broadcast %shift_right_arithmetic3A_2796 : i32 to vector<128x128xi32>
    %shift_right_arithmetic3A_2798 = arith.shrsi %add3A_2695, %shift_right_arithmetic3A_2797 : vector<128x128xi32>
    %and3A_2799 = arith.constant 255 : i32
    %and3A_2800 = vector.broadcast %and3A_2799 : i32 to vector<128x128xi32>
    %and3A_2801 = arith.andi %shift_right_arithmetic3A_2798, %and3A_2800 : vector<128x128xi32>
    %convert_element_type3A_2802 = arith.sitofp %and3A_2801 : vector<128x128xi32> to vector<128x128xf32>
    %mul3A_2803 = arith.constant 2.560000e+02 : f32
    %mul3A_2804 = vector.broadcast %mul3A_2803 : f32 to vector<128x128xf32>
    %mul3A_2805 = arith.mulf %mul3A_2804, %convert_element_type3A_2802 : vector<128x128xf32>
    %dot_general3A_2806 = arith.constant dense<0.000000e+00> : vector<128x128xf32>
    %dot_general3A_2807 = tpu.matmul %mul3A_2805, %convert_element_type3A_1, %dot_general3A_2806 {dimension_numbers = #tpu.dot_dimension_numbers<[1], [0], [0], [1], [0, 0, 1, 1], [], []>, transpose_lhs_hint = false} : vector<128x128xf32>, vector<128x128xf32>, vector<128x128xf32> -> vector<128x128xf32>
    %add3A_2808 = arith.addf %dot_general3A_2795, %dot_general3A_2807 : vector<128x128xf32>
    %and3A_2809 = arith.constant 255 : i32
    %and3A_2810 = vector.broadcast %and3A_2809 : i32 to vector<128x128xi32>
    %and3A_2811 = arith.andi %add3A_2695, %and3A_2810 : vector<128x128xi32>
    %convert_element_type3A_2812 = arith.sitofp %and3A_2811 : vector<128x128xi32> to vector<128x128xf32>
    %dot_general3A_2813 = arith.constant dense<0.000000e+00> : vector<128x128xf32>
    %dot_general3A_2814 = tpu.matmul %convert_element_type3A_2812, %convert_element_type3A_1, %dot_general3A_2813 {dimension_numbers = #tpu.dot_dimension_numbers<[1], [0], [0], [1], [0, 0, 1, 1], [], []>, transpose_lhs_hint = false} : vector<128x128xf32>, vector<128x128xf32>, vector<128x128xf32> -> vector<128x128xf32>
    %add3A_2815 = arith.addf %add3A_2808, %dot_general3A_2814 : vector<128x128xf32>
    %slice3A_2816 = vector.extract_strided_slice %add3A_2815 {offsets = [0, 127], sizes = [128, 1], strides = [1, 1]} : vector<128x128xf32> to vector<128x1xf32>
    %convert_element_type3A_2817 = arith.fptosi %slice3A_2816 : vector<128x1xf32> to vector<128x1xi32>
    %shift_right_arithmetic3A_2818 = arith.constant 16 : i32
    %shift_right_arithmetic3A_2819 = vector.broadcast %shift_right_arithmetic3A_2818 : i32 to vector<128x1xi32>
    %shift_right_arithmetic3A_2820 = arith.shrsi %convert_element_type3A_2817, %shift_right_arithmetic3A_2819 : vector<128x1xi32>
    %and3A_2821 = arith.constant 255 : i32
    %and3A_2822 = vector.broadcast %and3A_2821 : i32 to vector<128x1xi32>
    %and3A_2823 = arith.andi %shift_right_arithmetic3A_2820, %and3A_2822 : vector<128x1xi32>
    %convert_element_type3A_2824 = arith.sitofp %and3A_2823 : vector<128x1xi32> to vector<128x1xf32>
    %mul3A_2825 = arith.constant 6.553600e+04 : f32
    %mul3A_2826 = vector.broadcast %mul3A_2825 : f32 to vector<128x1xf32>
    %mul3A_2827 = arith.mulf %mul3A_2826, %convert_element_type3A_2824 : vector<128x1xf32>
    %dot_general3A_2828 = arith.constant dense<0.000000e+00> : vector<128x1xf32>
    %dot_general3A_2829 = tpu.matmul %convert_element_type3A_3, %mul3A_2827, %dot_general3A_2828 {dimension_numbers = #tpu.dot_dimension_numbers<[1], [0], [0], [1], [0, 0, 1, 1], [], []>, transpose_lhs_hint = false} : vector<128x128xf32>, vector<128x1xf32>, vector<128x1xf32> -> vector<128x1xf32>
    %shift_right_arithmetic3A_2830 = arith.constant 8 : i32
    %shift_right_arithmetic3A_2831 = vector.broadcast %shift_right_arithmetic3A_2830 : i32 to vector<128x1xi32>
    %shift_right_arithmetic3A_2832 = arith.shrsi %convert_element_type3A_2817, %shift_right_arithmetic3A_2831 : vector<128x1xi32>
    %and3A_2833 = arith.constant 255 : i32
    %and3A_2834 = vector.broadcast %and3A_2833 : i32 to vector<128x1xi32>
    %and3A_2835 = arith.andi %shift_right_arithmetic3A_2832, %and3A_2834 : vector<128x1xi32>
    %convert_element_type3A_2836 = arith.sitofp %and3A_2835 : vector<128x1xi32> to vector<128x1xf32>
    %mul3A_2837 = arith.constant 2.560000e+02 : f32
    %mul3A_2838 = vector.broadcast %mul3A_2837 : f32 to vector<128x1xf32>
    %mul3A_2839 = arith.mulf %mul3A_2838, %convert_element_type3A_2836 : vector<128x1xf32>
    %dot_general3A_2840 = arith.constant dense<0.000000e+00> : vector<128x1xf32>
    %dot_general3A_2841 = tpu.matmul %convert_element_type3A_3, %mul3A_2839, %dot_general3A_2840 {dimension_numbers = #tpu.dot_dimension_numbers<[1], [0], [0], [1], [0, 0, 1, 1], [], []>, transpose_lhs_hint = false} : vector<128x128xf32>, vector<128x1xf32>, vector<128x1xf32> -> vector<128x1xf32>
    %add3A_2842 = arith.addf %dot_general3A_2829, %dot_general3A_2841 : vector<128x1xf32>
    %and3A_2843 = arith.constant 255 : i32
    %and3A_2844 = vector.broadcast %and3A_2843 : i32 to vector<128x1xi32>
    %and3A_2845 = arith.andi %convert_element_type3A_2817, %and3A_2844 : vector<128x1xi32>
    %convert_element_type3A_2846 = arith.sitofp %and3A_2845 : vector<128x1xi32> to vector<128x1xf32>
    %dot_general3A_2847 = arith.constant dense<0.000000e+00> : vector<128x1xf32>
    %dot_general3A_2848 = tpu.matmul %convert_element_type3A_3, %convert_element_type3A_2846, %dot_general3A_2847 {dimension_numbers = #tpu.dot_dimension_numbers<[1], [0], [0], [1], [0, 0, 1, 1], [], []>, transpose_lhs_hint = false} : vector<128x128xf32>, vector<128x1xf32>, vector<128x1xf32> -> vector<128x1xf32>
    %add3A_2849 = arith.addf %add3A_2842, %dot_general3A_2848 : vector<128x1xf32>
    %add3A_2850 = vector.broadcast %add3A_2849 : vector<128x1xf32> to vector<128x128xf32>
    %add3A_2851 = arith.addf %add3A_2815, %add3A_2850 : vector<128x128xf32>
    %sub3A_2852 = vector.broadcast %reduce_sum3A_2715 : f32 to vector<128x128xf32>
    %sub3A_2853 = arith.subf %sub3A_2852, %add3A_2783 : vector<128x128xf32>
    %add3A_2854 = arith.addf %sub3A_2853, %convert_element_type3A_2705 : vector<128x128xf32>
    %sub3A_2855 = vector.broadcast %reduce_sum3A_2710 : f32 to vector<128x128xf32>
    %sub3A_2856 = arith.subf %sub3A_2855, %add3A_2851 : vector<128x128xf32>
    %add3A_2857 = arith.addf %sub3A_2856, %convert_element_type3A_2704 : vector<128x128xf32>
    %sub3A_2858 = arith.subf %add3A_2854, %convert_element_type3A_2705 : vector<128x128xf32>
    %sub3A_2859 = arith.subf %add3A_2857, %convert_element_type3A_2704 : vector<128x128xf32>
    %add3A_2860 = vector.broadcast %reduce_sum3A_2710 : f32 to vector<128x128xf32>
    %add3A_2861 = arith.addf %add3A_2860, %add3A_2854 : vector<128x128xf32>
    %sub3A_2862 = arith.subf %add3A_2861, %add3A_2857 : vector<128x128xf32>
    %max3A_2863 = arith.constant 1.000000e+00 : f32
    %max3A_2864 = vector.broadcast %max3A_2863 : f32 to vector<128x128xf32>
    %max3A_2865 = arith.maximumf %sub3A_2862, %max3A_2864 : vector<128x128xf32>
    %gt3A_2866 = arith.constant 0.000000e+00 : f32
    %gt3A_2867 = vector.broadcast %gt3A_2866 : f32 to vector<128x128xf32>
    %gt3A_2868 = arith.cmpf ogt, %add3A_2854, %gt3A_2867 : vector<128x128xf32>
    %sub3A_2869 = vector.broadcast %reduce_sum3A_2710 : f32 to vector<128x128xf32>
    %sub3A_2870 = arith.subf %sub3A_2869, %add3A_2857 : vector<128x128xf32>
    %div3A_2871 = arith.divf %sub3A_2870, %max3A_2865 : vector<128x128xf32>
    %sub3A_2872 = arith.constant 1.000000e+00 : f32
    %sub3A_2873 = vector.broadcast %sub3A_2872 : f32 to vector<128x128xf32>
    %sub3A_2874 = arith.subf %sub3A_2873, %div3A_2871 : vector<128x128xf32>
    %jit3A_2875 = arith.constant 0.000000e+00 : f32
    %broadcast_in_dim3A_2876 = vector.broadcast %jit3A_2875 : f32 to vector<128x128xf32>
    %select_n3A_2877 = arith.select %gt3A_2868, %sub3A_2874, %broadcast_in_dim3A_2876 : vector<128x128xi1>, vector<128x128xf32>
    %add3A_2878 = vector.broadcast %reduce_sum3A_2710 : f32 to vector<128x128xf32>
    %add3A_2879 = arith.addf %add3A_2878, %sub3A_2858 : vector<128x128xf32>
    %sub3A_2880 = arith.subf %add3A_2879, %sub3A_2859 : vector<128x128xf32>
    %max3A_2881 = arith.constant 1.000000e+00 : f32
    %max3A_2882 = vector.broadcast %max3A_2881 : f32 to vector<128x128xf32>
    %max3A_2883 = arith.maximumf %sub3A_2880, %max3A_2882 : vector<128x128xf32>
    %gt3A_2884 = arith.constant 0.000000e+00 : f32
    %gt3A_2885 = vector.broadcast %gt3A_2884 : f32 to vector<128x128xf32>
    %gt3A_2886 = arith.cmpf ogt, %sub3A_2858, %gt3A_2885 : vector<128x128xf32>
    %sub3A_2887 = vector.broadcast %reduce_sum3A_2710 : f32 to vector<128x128xf32>
    %sub3A_2888 = arith.subf %sub3A_2887, %sub3A_2859 : vector<128x128xf32>
    %div3A_2889 = arith.divf %sub3A_2888, %max3A_2883 : vector<128x128xf32>
    %sub3A_2890 = arith.constant 1.000000e+00 : f32
    %sub3A_2891 = vector.broadcast %sub3A_2890 : f32 to vector<128x128xf32>
    %sub3A_2892 = arith.subf %sub3A_2891, %div3A_2889 : vector<128x128xf32>
    %jit3A_2893 = arith.constant 0.000000e+00 : f32
    %broadcast_in_dim3A_2894 = vector.broadcast %jit3A_2893 : f32 to vector<128x128xf32>
    %select_n3A_2895 = arith.select %gt3A_2886, %sub3A_2892, %broadcast_in_dim3A_2894 : vector<128x128xi1>, vector<128x128xf32>
    %sub3A_2896 = arith.subf %select_n3A_2877, %select_n3A_2895 : vector<128x128xf32>
    %mul3A_2897 = arith.mulf %mul3A_12, %sub3A_2896 : vector<128x128xf32>
    %reduce_sum3A_2898 = vector.shape_cast %mul3A_2897 : vector<128x128xf32> to vector<1x128x128xf32>
    %reduce_sum3A_2899 = arith.constant dense<0.000000e+00> : vector<1xf32>
    %reduce_sum3A_2900 = vector.multi_reduction <add>, %reduce_sum3A_2898, %reduce_sum3A_2899 [1, 2] : vector<1x128x128xf32> to vector<1xf32>
    %reduce_sum3A_2901 = vector.shape_cast %reduce_sum3A_2900 : vector<1xf32> to vector<1x1x1xf32>
    %reduce_sum3A_2902 = vector.extract %reduce_sum3A_2901[0, 0, 0] : f32 from vector<1x1x1xf32>
    %gt3A_2903 = arith.constant 0.000000e+00 : f32
    %gt3A_2904 = arith.cmpf ogt, %reduce_sum3A_2710, %gt3A_2903 : f32
    %convert_element_type3A_2905 = arith.extui %gt3A_2904 : i1 to i32
    %convert_element_type3A_2906 = arith.sitofp %convert_element_type3A_2905 : i32 to f32
    %mul3A_2907 = arith.mulf %reduce_sum3A_2902, %convert_element_type3A_2906 : f32
    %add3A_2908 = arith.addf %add3A_2661, %mul3A_2907 : f32
    %add3A_2909 = arith.addf %add3A_2662, %convert_element_type3A_2906 : f32
    %get3A_2910 = arith.constant 20 : index
    %get3A_2911 = arith.constant 1 : index
    %get3A_2912 = arith.constant 0 : index
    %get3A_2913 = arith.constant 0 : index
    %get3A_2914 = vector.load %arg0[%get3A_2910, %get3A_2911, %get3A_2912, %get3A_2913] : memref<32x4x128x128xi32, #tpu.memory_space<vmem>>, vector<1x1x128x128xi32>
    %get3A_2915 = vector.shape_cast %get3A_2914 : vector<1x1x128x128xi32> to vector<128x128xi32>
    %get3A_2916 = arith.constant 20 : index
    %get3A_2917 = arith.constant 0 : index
    %get3A_2918 = arith.constant 0 : index
    %get3A_2919 = arith.constant 0 : index
    %get3A_2920 = vector.load %arg0[%get3A_2916, %get3A_2917, %get3A_2918, %get3A_2919] : memref<32x4x128x128xi32, #tpu.memory_space<vmem>>, vector<1x1x128x128xi32>
    %get3A_2921 = vector.shape_cast %get3A_2920 : vector<1x1x128x128xi32> to vector<128x128xi32>
    %get3A_2922 = arith.constant 21 : index
    %get3A_2923 = arith.constant 1 : index
    %get3A_2924 = arith.constant 0 : index
    %get3A_2925 = arith.constant 0 : index
    %get3A_2926 = vector.load %arg0[%get3A_2922, %get3A_2923, %get3A_2924, %get3A_2925] : memref<32x4x128x128xi32, #tpu.memory_space<vmem>>, vector<1x1x128x128xi32>
    %get3A_2927 = vector.shape_cast %get3A_2926 : vector<1x1x128x128xi32> to vector<128x128xi32>
    %add3A_2928 = arith.addi %get3A_2915, %get3A_2927 : vector<128x128xi32>
    %get3A_2929 = arith.constant 21 : index
    %get3A_2930 = arith.constant 0 : index
    %get3A_2931 = arith.constant 0 : index
    %get3A_2932 = arith.constant 0 : index
    %get3A_2933 = vector.load %arg0[%get3A_2929, %get3A_2930, %get3A_2931, %get3A_2932] : memref<32x4x128x128xi32, #tpu.memory_space<vmem>>, vector<1x1x128x128xi32>
    %get3A_2934 = vector.shape_cast %get3A_2933 : vector<1x1x128x128xi32> to vector<128x128xi32>
    %add3A_2935 = arith.addi %get3A_2921, %get3A_2934 : vector<128x128xi32>
    %add3A_2936 = arith.addi %add3A_2935, %add3A_2928 : vector<128x128xi32>
    %convert_element_type3A_2937 = arith.sitofp %add3A_2928 : vector<128x128xi32> to vector<128x128xf32>
    %convert_element_type3A_2938 = arith.sitofp %add3A_2936 : vector<128x128xi32> to vector<128x128xf32>
    %reduce_sum3A_2939 = vector.shape_cast %convert_element_type3A_2937 : vector<128x128xf32> to vector<1x128x128xf32>
    %reduce_sum3A_2940 = arith.constant dense<0.000000e+00> : vector<1xf32>
    %reduce_sum3A_2941 = vector.multi_reduction <add>, %reduce_sum3A_2939, %reduce_sum3A_2940 [1, 2] : vector<1x128x128xf32> to vector<1xf32>
    %reduce_sum3A_2942 = vector.shape_cast %reduce_sum3A_2941 : vector<1xf32> to vector<1x1x1xf32>
    %reduce_sum3A_2943 = vector.extract %reduce_sum3A_2942[0, 0, 0] : f32 from vector<1x1x1xf32>
    %reduce_sum3A_2944 = vector.shape_cast %convert_element_type3A_2938 : vector<128x128xf32> to vector<1x128x128xf32>
    %reduce_sum3A_2945 = arith.constant dense<0.000000e+00> : vector<1xf32>
    %reduce_sum3A_2946 = vector.multi_reduction <add>, %reduce_sum3A_2944, %reduce_sum3A_2945 [1, 2] : vector<1x128x128xf32> to vector<1xf32>
    %reduce_sum3A_2947 = vector.shape_cast %reduce_sum3A_2946 : vector<1xf32> to vector<1x1x1xf32>
    %reduce_sum3A_2948 = vector.extract %reduce_sum3A_2947[0, 0, 0] : f32 from vector<1x1x1xf32>
    %shift_right_arithmetic3A_2949 = arith.constant 16 : i32
    %shift_right_arithmetic3A_2950 = vector.broadcast %shift_right_arithmetic3A_2949 : i32 to vector<128x128xi32>
    %shift_right_arithmetic3A_2951 = arith.shrsi %add3A_2936, %shift_right_arithmetic3A_2950 : vector<128x128xi32>
    %and3A_2952 = arith.constant 255 : i32
    %and3A_2953 = vector.broadcast %and3A_2952 : i32 to vector<128x128xi32>
    %and3A_2954 = arith.andi %shift_right_arithmetic3A_2951, %and3A_2953 : vector<128x128xi32>
    %convert_element_type3A_2955 = arith.sitofp %and3A_2954 : vector<128x128xi32> to vector<128x128xf32>
    %mul3A_2956 = arith.constant 6.553600e+04 : f32
    %mul3A_2957 = vector.broadcast %mul3A_2956 : f32 to vector<128x128xf32>
    %mul3A_2958 = arith.mulf %mul3A_2957, %convert_element_type3A_2955 : vector<128x128xf32>
    %dot_general3A_2959 = arith.constant dense<0.000000e+00> : vector<128x128xf32>
    %dot_general3A_2960 = tpu.matmul %mul3A_2958, %convert_element_type3A_1, %dot_general3A_2959 {dimension_numbers = #tpu.dot_dimension_numbers<[1], [0], [0], [1], [0, 0, 1, 1], [], []>, transpose_lhs_hint = false} : vector<128x128xf32>, vector<128x128xf32>, vector<128x128xf32> -> vector<128x128xf32>
    %shift_right_arithmetic3A_2961 = arith.constant 8 : i32
    %shift_right_arithmetic3A_2962 = vector.broadcast %shift_right_arithmetic3A_2961 : i32 to vector<128x128xi32>
    %shift_right_arithmetic3A_2963 = arith.shrsi %add3A_2936, %shift_right_arithmetic3A_2962 : vector<128x128xi32>
    %and3A_2964 = arith.constant 255 : i32
    %and3A_2965 = vector.broadcast %and3A_2964 : i32 to vector<128x128xi32>
    %and3A_2966 = arith.andi %shift_right_arithmetic3A_2963, %and3A_2965 : vector<128x128xi32>
    %convert_element_type3A_2967 = arith.sitofp %and3A_2966 : vector<128x128xi32> to vector<128x128xf32>
    %mul3A_2968 = arith.constant 2.560000e+02 : f32
    %mul3A_2969 = vector.broadcast %mul3A_2968 : f32 to vector<128x128xf32>
    %mul3A_2970 = arith.mulf %mul3A_2969, %convert_element_type3A_2967 : vector<128x128xf32>
    %dot_general3A_2971 = arith.constant dense<0.000000e+00> : vector<128x128xf32>
    %dot_general3A_2972 = tpu.matmul %mul3A_2970, %convert_element_type3A_1, %dot_general3A_2971 {dimension_numbers = #tpu.dot_dimension_numbers<[1], [0], [0], [1], [0, 0, 1, 1], [], []>, transpose_lhs_hint = false} : vector<128x128xf32>, vector<128x128xf32>, vector<128x128xf32> -> vector<128x128xf32>
    %add3A_2973 = arith.addf %dot_general3A_2960, %dot_general3A_2972 : vector<128x128xf32>
    %and3A_2974 = arith.constant 255 : i32
    %and3A_2975 = vector.broadcast %and3A_2974 : i32 to vector<128x128xi32>
    %and3A_2976 = arith.andi %add3A_2936, %and3A_2975 : vector<128x128xi32>
    %convert_element_type3A_2977 = arith.sitofp %and3A_2976 : vector<128x128xi32> to vector<128x128xf32>
    %dot_general3A_2978 = arith.constant dense<0.000000e+00> : vector<128x128xf32>
    %dot_general3A_2979 = tpu.matmul %convert_element_type3A_2977, %convert_element_type3A_1, %dot_general3A_2978 {dimension_numbers = #tpu.dot_dimension_numbers<[1], [0], [0], [1], [0, 0, 1, 1], [], []>, transpose_lhs_hint = false} : vector<128x128xf32>, vector<128x128xf32>, vector<128x128xf32> -> vector<128x128xf32>
    %add3A_2980 = arith.addf %add3A_2973, %dot_general3A_2979 : vector<128x128xf32>
    %slice3A_2981 = vector.extract_strided_slice %add3A_2980 {offsets = [0, 127], sizes = [128, 1], strides = [1, 1]} : vector<128x128xf32> to vector<128x1xf32>
    %convert_element_type3A_2982 = arith.fptosi %slice3A_2981 : vector<128x1xf32> to vector<128x1xi32>
    %shift_right_arithmetic3A_2983 = arith.constant 16 : i32
    %shift_right_arithmetic3A_2984 = vector.broadcast %shift_right_arithmetic3A_2983 : i32 to vector<128x1xi32>
    %shift_right_arithmetic3A_2985 = arith.shrsi %convert_element_type3A_2982, %shift_right_arithmetic3A_2984 : vector<128x1xi32>
    %and3A_2986 = arith.constant 255 : i32
    %and3A_2987 = vector.broadcast %and3A_2986 : i32 to vector<128x1xi32>
    %and3A_2988 = arith.andi %shift_right_arithmetic3A_2985, %and3A_2987 : vector<128x1xi32>
    %convert_element_type3A_2989 = arith.sitofp %and3A_2988 : vector<128x1xi32> to vector<128x1xf32>
    %mul3A_2990 = arith.constant 6.553600e+04 : f32
    %mul3A_2991 = vector.broadcast %mul3A_2990 : f32 to vector<128x1xf32>
    %mul3A_2992 = arith.mulf %mul3A_2991, %convert_element_type3A_2989 : vector<128x1xf32>
    %dot_general3A_2993 = arith.constant dense<0.000000e+00> : vector<128x1xf32>
    %dot_general3A_2994 = tpu.matmul %convert_element_type3A_3, %mul3A_2992, %dot_general3A_2993 {dimension_numbers = #tpu.dot_dimension_numbers<[1], [0], [0], [1], [0, 0, 1, 1], [], []>, transpose_lhs_hint = false} : vector<128x128xf32>, vector<128x1xf32>, vector<128x1xf32> -> vector<128x1xf32>
    %shift_right_arithmetic3A_2995 = arith.constant 8 : i32
    %shift_right_arithmetic3A_2996 = vector.broadcast %shift_right_arithmetic3A_2995 : i32 to vector<128x1xi32>
    %shift_right_arithmetic3A_2997 = arith.shrsi %convert_element_type3A_2982, %shift_right_arithmetic3A_2996 : vector<128x1xi32>
    %and3A_2998 = arith.constant 255 : i32
    %and3A_2999 = vector.broadcast %and3A_2998 : i32 to vector<128x1xi32>
    %and3A_3000 = arith.andi %shift_right_arithmetic3A_2997, %and3A_2999 : vector<128x1xi32>
    %convert_element_type3A_3001 = arith.sitofp %and3A_3000 : vector<128x1xi32> to vector<128x1xf32>
    %mul3A_3002 = arith.constant 2.560000e+02 : f32
    %mul3A_3003 = vector.broadcast %mul3A_3002 : f32 to vector<128x1xf32>
    %mul3A_3004 = arith.mulf %mul3A_3003, %convert_element_type3A_3001 : vector<128x1xf32>
    %dot_general3A_3005 = arith.constant dense<0.000000e+00> : vector<128x1xf32>
    %dot_general3A_3006 = tpu.matmul %convert_element_type3A_3, %mul3A_3004, %dot_general3A_3005 {dimension_numbers = #tpu.dot_dimension_numbers<[1], [0], [0], [1], [0, 0, 1, 1], [], []>, transpose_lhs_hint = false} : vector<128x128xf32>, vector<128x1xf32>, vector<128x1xf32> -> vector<128x1xf32>
    %add3A_3007 = arith.addf %dot_general3A_2994, %dot_general3A_3006 : vector<128x1xf32>
    %and3A_3008 = arith.constant 255 : i32
    %and3A_3009 = vector.broadcast %and3A_3008 : i32 to vector<128x1xi32>
    %and3A_3010 = arith.andi %convert_element_type3A_2982, %and3A_3009 : vector<128x1xi32>
    %convert_element_type3A_3011 = arith.sitofp %and3A_3010 : vector<128x1xi32> to vector<128x1xf32>
    %dot_general3A_3012 = arith.constant dense<0.000000e+00> : vector<128x1xf32>
    %dot_general3A_3013 = tpu.matmul %convert_element_type3A_3, %convert_element_type3A_3011, %dot_general3A_3012 {dimension_numbers = #tpu.dot_dimension_numbers<[1], [0], [0], [1], [0, 0, 1, 1], [], []>, transpose_lhs_hint = false} : vector<128x128xf32>, vector<128x1xf32>, vector<128x1xf32> -> vector<128x1xf32>
    %add3A_3014 = arith.addf %add3A_3007, %dot_general3A_3013 : vector<128x1xf32>
    %add3A_3015 = vector.broadcast %add3A_3014 : vector<128x1xf32> to vector<128x128xf32>
    %add3A_3016 = arith.addf %add3A_2980, %add3A_3015 : vector<128x128xf32>
    %shift_right_arithmetic3A_3017 = arith.constant 16 : i32
    %shift_right_arithmetic3A_3018 = vector.broadcast %shift_right_arithmetic3A_3017 : i32 to vector<128x128xi32>
    %shift_right_arithmetic3A_3019 = arith.shrsi %add3A_2928, %shift_right_arithmetic3A_3018 : vector<128x128xi32>
    %and3A_3020 = arith.constant 255 : i32
    %and3A_3021 = vector.broadcast %and3A_3020 : i32 to vector<128x128xi32>
    %and3A_3022 = arith.andi %shift_right_arithmetic3A_3019, %and3A_3021 : vector<128x128xi32>
    %convert_element_type3A_3023 = arith.sitofp %and3A_3022 : vector<128x128xi32> to vector<128x128xf32>
    %mul3A_3024 = arith.constant 6.553600e+04 : f32
    %mul3A_3025 = vector.broadcast %mul3A_3024 : f32 to vector<128x128xf32>
    %mul3A_3026 = arith.mulf %mul3A_3025, %convert_element_type3A_3023 : vector<128x128xf32>
    %dot_general3A_3027 = arith.constant dense<0.000000e+00> : vector<128x128xf32>
    %dot_general3A_3028 = tpu.matmul %mul3A_3026, %convert_element_type3A_1, %dot_general3A_3027 {dimension_numbers = #tpu.dot_dimension_numbers<[1], [0], [0], [1], [0, 0, 1, 1], [], []>, transpose_lhs_hint = false} : vector<128x128xf32>, vector<128x128xf32>, vector<128x128xf32> -> vector<128x128xf32>
    %shift_right_arithmetic3A_3029 = arith.constant 8 : i32
    %shift_right_arithmetic3A_3030 = vector.broadcast %shift_right_arithmetic3A_3029 : i32 to vector<128x128xi32>
    %shift_right_arithmetic3A_3031 = arith.shrsi %add3A_2928, %shift_right_arithmetic3A_3030 : vector<128x128xi32>
    %and3A_3032 = arith.constant 255 : i32
    %and3A_3033 = vector.broadcast %and3A_3032 : i32 to vector<128x128xi32>
    %and3A_3034 = arith.andi %shift_right_arithmetic3A_3031, %and3A_3033 : vector<128x128xi32>
    %convert_element_type3A_3035 = arith.sitofp %and3A_3034 : vector<128x128xi32> to vector<128x128xf32>
    %mul3A_3036 = arith.constant 2.560000e+02 : f32
    %mul3A_3037 = vector.broadcast %mul3A_3036 : f32 to vector<128x128xf32>
    %mul3A_3038 = arith.mulf %mul3A_3037, %convert_element_type3A_3035 : vector<128x128xf32>
    %dot_general3A_3039 = arith.constant dense<0.000000e+00> : vector<128x128xf32>
    %dot_general3A_3040 = tpu.matmul %mul3A_3038, %convert_element_type3A_1, %dot_general3A_3039 {dimension_numbers = #tpu.dot_dimension_numbers<[1], [0], [0], [1], [0, 0, 1, 1], [], []>, transpose_lhs_hint = false} : vector<128x128xf32>, vector<128x128xf32>, vector<128x128xf32> -> vector<128x128xf32>
    %add3A_3041 = arith.addf %dot_general3A_3028, %dot_general3A_3040 : vector<128x128xf32>
    %and3A_3042 = arith.constant 255 : i32
    %and3A_3043 = vector.broadcast %and3A_3042 : i32 to vector<128x128xi32>
    %and3A_3044 = arith.andi %add3A_2928, %and3A_3043 : vector<128x128xi32>
    %convert_element_type3A_3045 = arith.sitofp %and3A_3044 : vector<128x128xi32> to vector<128x128xf32>
    %dot_general3A_3046 = arith.constant dense<0.000000e+00> : vector<128x128xf32>
    %dot_general3A_3047 = tpu.matmul %convert_element_type3A_3045, %convert_element_type3A_1, %dot_general3A_3046 {dimension_numbers = #tpu.dot_dimension_numbers<[1], [0], [0], [1], [0, 0, 1, 1], [], []>, transpose_lhs_hint = false} : vector<128x128xf32>, vector<128x128xf32>, vector<128x128xf32> -> vector<128x128xf32>
    %add3A_3048 = arith.addf %add3A_3041, %dot_general3A_3047 : vector<128x128xf32>
    %slice3A_3049 = vector.extract_strided_slice %add3A_3048 {offsets = [0, 127], sizes = [128, 1], strides = [1, 1]} : vector<128x128xf32> to vector<128x1xf32>
    %convert_element_type3A_3050 = arith.fptosi %slice3A_3049 : vector<128x1xf32> to vector<128x1xi32>
    %shift_right_arithmetic3A_3051 = arith.constant 16 : i32
    %shift_right_arithmetic3A_3052 = vector.broadcast %shift_right_arithmetic3A_3051 : i32 to vector<128x1xi32>
    %shift_right_arithmetic3A_3053 = arith.shrsi %convert_element_type3A_3050, %shift_right_arithmetic3A_3052 : vector<128x1xi32>
    %and3A_3054 = arith.constant 255 : i32
    %and3A_3055 = vector.broadcast %and3A_3054 : i32 to vector<128x1xi32>
    %and3A_3056 = arith.andi %shift_right_arithmetic3A_3053, %and3A_3055 : vector<128x1xi32>
    %convert_element_type3A_3057 = arith.sitofp %and3A_3056 : vector<128x1xi32> to vector<128x1xf32>
    %mul3A_3058 = arith.constant 6.553600e+04 : f32
    %mul3A_3059 = vector.broadcast %mul3A_3058 : f32 to vector<128x1xf32>
    %mul3A_3060 = arith.mulf %mul3A_3059, %convert_element_type3A_3057 : vector<128x1xf32>
    %dot_general3A_3061 = arith.constant dense<0.000000e+00> : vector<128x1xf32>
    %dot_general3A_3062 = tpu.matmul %convert_element_type3A_3, %mul3A_3060, %dot_general3A_3061 {dimension_numbers = #tpu.dot_dimension_numbers<[1], [0], [0], [1], [0, 0, 1, 1], [], []>, transpose_lhs_hint = false} : vector<128x128xf32>, vector<128x1xf32>, vector<128x1xf32> -> vector<128x1xf32>
    %shift_right_arithmetic3A_3063 = arith.constant 8 : i32
    %shift_right_arithmetic3A_3064 = vector.broadcast %shift_right_arithmetic3A_3063 : i32 to vector<128x1xi32>
    %shift_right_arithmetic3A_3065 = arith.shrsi %convert_element_type3A_3050, %shift_right_arithmetic3A_3064 : vector<128x1xi32>
    %and3A_3066 = arith.constant 255 : i32
    %and3A_3067 = vector.broadcast %and3A_3066 : i32 to vector<128x1xi32>
    %and3A_3068 = arith.andi %shift_right_arithmetic3A_3065, %and3A_3067 : vector<128x1xi32>
    %convert_element_type3A_3069 = arith.sitofp %and3A_3068 : vector<128x1xi32> to vector<128x1xf32>
    %mul3A_3070 = arith.constant 2.560000e+02 : f32
    %mul3A_3071 = vector.broadcast %mul3A_3070 : f32 to vector<128x1xf32>
    %mul3A_3072 = arith.mulf %mul3A_3071, %convert_element_type3A_3069 : vector<128x1xf32>
    %dot_general3A_3073 = arith.constant dense<0.000000e+00> : vector<128x1xf32>
    %dot_general3A_3074 = tpu.matmul %convert_element_type3A_3, %mul3A_3072, %dot_general3A_3073 {dimension_numbers = #tpu.dot_dimension_numbers<[1], [0], [0], [1], [0, 0, 1, 1], [], []>, transpose_lhs_hint = false} : vector<128x128xf32>, vector<128x1xf32>, vector<128x1xf32> -> vector<128x1xf32>
    %add3A_3075 = arith.addf %dot_general3A_3062, %dot_general3A_3074 : vector<128x1xf32>
    %and3A_3076 = arith.constant 255 : i32
    %and3A_3077 = vector.broadcast %and3A_3076 : i32 to vector<128x1xi32>
    %and3A_3078 = arith.andi %convert_element_type3A_3050, %and3A_3077 : vector<128x1xi32>
    %convert_element_type3A_3079 = arith.sitofp %and3A_3078 : vector<128x1xi32> to vector<128x1xf32>
    %dot_general3A_3080 = arith.constant dense<0.000000e+00> : vector<128x1xf32>
    %dot_general3A_3081 = tpu.matmul %convert_element_type3A_3, %convert_element_type3A_3079, %dot_general3A_3080 {dimension_numbers = #tpu.dot_dimension_numbers<[1], [0], [0], [1], [0, 0, 1, 1], [], []>, transpose_lhs_hint = false} : vector<128x128xf32>, vector<128x1xf32>, vector<128x1xf32> -> vector<128x1xf32>
    %add3A_3082 = arith.addf %add3A_3075, %dot_general3A_3081 : vector<128x1xf32>
    %add3A_3083 = vector.broadcast %add3A_3082 : vector<128x1xf32> to vector<128x128xf32>
    %add3A_3084 = arith.addf %add3A_3048, %add3A_3083 : vector<128x128xf32>
    %sub3A_3085 = vector.broadcast %reduce_sum3A_2948 : f32 to vector<128x128xf32>
    %sub3A_3086 = arith.subf %sub3A_3085, %add3A_3016 : vector<128x128xf32>
    %add3A_3087 = arith.addf %sub3A_3086, %convert_element_type3A_2938 : vector<128x128xf32>
    %sub3A_3088 = vector.broadcast %reduce_sum3A_2943 : f32 to vector<128x128xf32>
    %sub3A_3089 = arith.subf %sub3A_3088, %add3A_3084 : vector<128x128xf32>
    %add3A_3090 = arith.addf %sub3A_3089, %convert_element_type3A_2937 : vector<128x128xf32>
    %sub3A_3091 = arith.subf %add3A_3087, %convert_element_type3A_2938 : vector<128x128xf32>
    %sub3A_3092 = arith.subf %add3A_3090, %convert_element_type3A_2937 : vector<128x128xf32>
    %add3A_3093 = vector.broadcast %reduce_sum3A_2943 : f32 to vector<128x128xf32>
    %add3A_3094 = arith.addf %add3A_3093, %add3A_3087 : vector<128x128xf32>
    %sub3A_3095 = arith.subf %add3A_3094, %add3A_3090 : vector<128x128xf32>
    %max3A_3096 = arith.constant 1.000000e+00 : f32
    %max3A_3097 = vector.broadcast %max3A_3096 : f32 to vector<128x128xf32>
    %max3A_3098 = arith.maximumf %sub3A_3095, %max3A_3097 : vector<128x128xf32>
    %gt3A_3099 = arith.constant 0.000000e+00 : f32
    %gt3A_3100 = vector.broadcast %gt3A_3099 : f32 to vector<128x128xf32>
    %gt3A_3101 = arith.cmpf ogt, %add3A_3087, %gt3A_3100 : vector<128x128xf32>
    %sub3A_3102 = vector.broadcast %reduce_sum3A_2943 : f32 to vector<128x128xf32>
    %sub3A_3103 = arith.subf %sub3A_3102, %add3A_3090 : vector<128x128xf32>
    %div3A_3104 = arith.divf %sub3A_3103, %max3A_3098 : vector<128x128xf32>
    %sub3A_3105 = arith.constant 1.000000e+00 : f32
    %sub3A_3106 = vector.broadcast %sub3A_3105 : f32 to vector<128x128xf32>
    %sub3A_3107 = arith.subf %sub3A_3106, %div3A_3104 : vector<128x128xf32>
    %jit3A_3108 = arith.constant 0.000000e+00 : f32
    %broadcast_in_dim3A_3109 = vector.broadcast %jit3A_3108 : f32 to vector<128x128xf32>
    %select_n3A_3110 = arith.select %gt3A_3101, %sub3A_3107, %broadcast_in_dim3A_3109 : vector<128x128xi1>, vector<128x128xf32>
    %add3A_3111 = vector.broadcast %reduce_sum3A_2943 : f32 to vector<128x128xf32>
    %add3A_3112 = arith.addf %add3A_3111, %sub3A_3091 : vector<128x128xf32>
    %sub3A_3113 = arith.subf %add3A_3112, %sub3A_3092 : vector<128x128xf32>
    %max3A_3114 = arith.constant 1.000000e+00 : f32
    %max3A_3115 = vector.broadcast %max3A_3114 : f32 to vector<128x128xf32>
    %max3A_3116 = arith.maximumf %sub3A_3113, %max3A_3115 : vector<128x128xf32>
    %gt3A_3117 = arith.constant 0.000000e+00 : f32
    %gt3A_3118 = vector.broadcast %gt3A_3117 : f32 to vector<128x128xf32>
    %gt3A_3119 = arith.cmpf ogt, %sub3A_3091, %gt3A_3118 : vector<128x128xf32>
    %sub3A_3120 = vector.broadcast %reduce_sum3A_2943 : f32 to vector<128x128xf32>
    %sub3A_3121 = arith.subf %sub3A_3120, %sub3A_3092 : vector<128x128xf32>
    %div3A_3122 = arith.divf %sub3A_3121, %max3A_3116 : vector<128x128xf32>
    %sub3A_3123 = arith.constant 1.000000e+00 : f32
    %sub3A_3124 = vector.broadcast %sub3A_3123 : f32 to vector<128x128xf32>
    %sub3A_3125 = arith.subf %sub3A_3124, %div3A_3122 : vector<128x128xf32>
    %jit3A_3126 = arith.constant 0.000000e+00 : f32
    %broadcast_in_dim3A_3127 = vector.broadcast %jit3A_3126 : f32 to vector<128x128xf32>
    %select_n3A_3128 = arith.select %gt3A_3119, %sub3A_3125, %broadcast_in_dim3A_3127 : vector<128x128xi1>, vector<128x128xf32>
    %sub3A_3129 = arith.subf %select_n3A_3110, %select_n3A_3128 : vector<128x128xf32>
    %mul3A_3130 = arith.mulf %mul3A_12, %sub3A_3129 : vector<128x128xf32>
    %reduce_sum3A_3131 = vector.shape_cast %mul3A_3130 : vector<128x128xf32> to vector<1x128x128xf32>
    %reduce_sum3A_3132 = arith.constant dense<0.000000e+00> : vector<1xf32>
    %reduce_sum3A_3133 = vector.multi_reduction <add>, %reduce_sum3A_3131, %reduce_sum3A_3132 [1, 2] : vector<1x128x128xf32> to vector<1xf32>
    %reduce_sum3A_3134 = vector.shape_cast %reduce_sum3A_3133 : vector<1xf32> to vector<1x1x1xf32>
    %reduce_sum3A_3135 = vector.extract %reduce_sum3A_3134[0, 0, 0] : f32 from vector<1x1x1xf32>
    %gt3A_3136 = arith.constant 0.000000e+00 : f32
    %gt3A_3137 = arith.cmpf ogt, %reduce_sum3A_2943, %gt3A_3136 : f32
    %convert_element_type3A_3138 = arith.extui %gt3A_3137 : i1 to i32
    %convert_element_type3A_3139 = arith.sitofp %convert_element_type3A_3138 : i32 to f32
    %mul3A_3140 = arith.mulf %reduce_sum3A_3135, %convert_element_type3A_3139 : f32
    %add3A_3141 = arith.addf %add3A_2908, %mul3A_3140 : f32
    %add3A_3142 = arith.addf %add3A_2909, %convert_element_type3A_3139 : f32
    %get3A_3143 = arith.constant 21 : index
    %get3A_3144 = arith.constant 3 : index
    %get3A_3145 = arith.constant 0 : index
    %get3A_3146 = arith.constant 0 : index
    %get3A_3147 = vector.load %arg0[%get3A_3143, %get3A_3144, %get3A_3145, %get3A_3146] : memref<32x4x128x128xi32, #tpu.memory_space<vmem>>, vector<1x1x128x128xi32>
    %get3A_3148 = vector.shape_cast %get3A_3147 : vector<1x1x128x128xi32> to vector<128x128xi32>
    %get3A_3149 = arith.constant 21 : index
    %get3A_3150 = arith.constant 2 : index
    %get3A_3151 = arith.constant 0 : index
    %get3A_3152 = arith.constant 0 : index
    %get3A_3153 = vector.load %arg0[%get3A_3149, %get3A_3150, %get3A_3151, %get3A_3152] : memref<32x4x128x128xi32, #tpu.memory_space<vmem>>, vector<1x1x128x128xi32>
    %get3A_3154 = vector.shape_cast %get3A_3153 : vector<1x1x128x128xi32> to vector<128x128xi32>
    %get3A_3155 = arith.constant 22 : index
    %get3A_3156 = arith.constant 3 : index
    %get3A_3157 = arith.constant 0 : index
    %get3A_3158 = arith.constant 0 : index
    %get3A_3159 = vector.load %arg0[%get3A_3155, %get3A_3156, %get3A_3157, %get3A_3158] : memref<32x4x128x128xi32, #tpu.memory_space<vmem>>, vector<1x1x128x128xi32>
    %get3A_3160 = vector.shape_cast %get3A_3159 : vector<1x1x128x128xi32> to vector<128x128xi32>
    %add3A_3161 = arith.addi %get3A_3148, %get3A_3160 : vector<128x128xi32>
    %get3A_3162 = arith.constant 22 : index
    %get3A_3163 = arith.constant 2 : index
    %get3A_3164 = arith.constant 0 : index
    %get3A_3165 = arith.constant 0 : index
    %get3A_3166 = vector.load %arg0[%get3A_3162, %get3A_3163, %get3A_3164, %get3A_3165] : memref<32x4x128x128xi32, #tpu.memory_space<vmem>>, vector<1x1x128x128xi32>
    %get3A_3167 = vector.shape_cast %get3A_3166 : vector<1x1x128x128xi32> to vector<128x128xi32>
    %add3A_3168 = arith.addi %get3A_3154, %get3A_3167 : vector<128x128xi32>
    %get3A_3169 = arith.constant 23 : index
    %get3A_3170 = arith.constant 3 : index
    %get3A_3171 = arith.constant 0 : index
    %get3A_3172 = arith.constant 0 : index
    %get3A_3173 = vector.load %arg0[%get3A_3169, %get3A_3170, %get3A_3171, %get3A_3172] : memref<32x4x128x128xi32, #tpu.memory_space<vmem>>, vector<1x1x128x128xi32>
    %get3A_3174 = vector.shape_cast %get3A_3173 : vector<1x1x128x128xi32> to vector<128x128xi32>
    %add3A_3175 = arith.addi %add3A_3161, %get3A_3174 : vector<128x128xi32>
    %get3A_3176 = arith.constant 23 : index
    %get3A_3177 = arith.constant 2 : index
    %get3A_3178 = arith.constant 0 : index
    %get3A_3179 = arith.constant 0 : index
    %get3A_3180 = vector.load %arg0[%get3A_3176, %get3A_3177, %get3A_3178, %get3A_3179] : memref<32x4x128x128xi32, #tpu.memory_space<vmem>>, vector<1x1x128x128xi32>
    %get3A_3181 = vector.shape_cast %get3A_3180 : vector<1x1x128x128xi32> to vector<128x128xi32>
    %add3A_3182 = arith.addi %add3A_3168, %get3A_3181 : vector<128x128xi32>
    %add3A_3183 = arith.addi %add3A_3182, %add3A_3175 : vector<128x128xi32>
    %convert_element_type3A_3184 = arith.sitofp %add3A_3175 : vector<128x128xi32> to vector<128x128xf32>
    %convert_element_type3A_3185 = arith.sitofp %add3A_3183 : vector<128x128xi32> to vector<128x128xf32>
    %reduce_sum3A_3186 = vector.shape_cast %convert_element_type3A_3184 : vector<128x128xf32> to vector<1x128x128xf32>
    %reduce_sum3A_3187 = arith.constant dense<0.000000e+00> : vector<1xf32>
    %reduce_sum3A_3188 = vector.multi_reduction <add>, %reduce_sum3A_3186, %reduce_sum3A_3187 [1, 2] : vector<1x128x128xf32> to vector<1xf32>
    %reduce_sum3A_3189 = vector.shape_cast %reduce_sum3A_3188 : vector<1xf32> to vector<1x1x1xf32>
    %reduce_sum3A_3190 = vector.extract %reduce_sum3A_3189[0, 0, 0] : f32 from vector<1x1x1xf32>
    %reduce_sum3A_3191 = vector.shape_cast %convert_element_type3A_3185 : vector<128x128xf32> to vector<1x128x128xf32>
    %reduce_sum3A_3192 = arith.constant dense<0.000000e+00> : vector<1xf32>
    %reduce_sum3A_3193 = vector.multi_reduction <add>, %reduce_sum3A_3191, %reduce_sum3A_3192 [1, 2] : vector<1x128x128xf32> to vector<1xf32>
    %reduce_sum3A_3194 = vector.shape_cast %reduce_sum3A_3193 : vector<1xf32> to vector<1x1x1xf32>
    %reduce_sum3A_3195 = vector.extract %reduce_sum3A_3194[0, 0, 0] : f32 from vector<1x1x1xf32>
    %shift_right_arithmetic3A_3196 = arith.constant 16 : i32
    %shift_right_arithmetic3A_3197 = vector.broadcast %shift_right_arithmetic3A_3196 : i32 to vector<128x128xi32>
    %shift_right_arithmetic3A_3198 = arith.shrsi %add3A_3183, %shift_right_arithmetic3A_3197 : vector<128x128xi32>
    %and3A_3199 = arith.constant 255 : i32
    %and3A_3200 = vector.broadcast %and3A_3199 : i32 to vector<128x128xi32>
    %and3A_3201 = arith.andi %shift_right_arithmetic3A_3198, %and3A_3200 : vector<128x128xi32>
    %convert_element_type3A_3202 = arith.sitofp %and3A_3201 : vector<128x128xi32> to vector<128x128xf32>
    %mul3A_3203 = arith.constant 6.553600e+04 : f32
    %mul3A_3204 = vector.broadcast %mul3A_3203 : f32 to vector<128x128xf32>
    %mul3A_3205 = arith.mulf %mul3A_3204, %convert_element_type3A_3202 : vector<128x128xf32>
    %dot_general3A_3206 = arith.constant dense<0.000000e+00> : vector<128x128xf32>
    %dot_general3A_3207 = tpu.matmul %mul3A_3205, %convert_element_type3A_1, %dot_general3A_3206 {dimension_numbers = #tpu.dot_dimension_numbers<[1], [0], [0], [1], [0, 0, 1, 1], [], []>, transpose_lhs_hint = false} : vector<128x128xf32>, vector<128x128xf32>, vector<128x128xf32> -> vector<128x128xf32>
    %shift_right_arithmetic3A_3208 = arith.constant 8 : i32
    %shift_right_arithmetic3A_3209 = vector.broadcast %shift_right_arithmetic3A_3208 : i32 to vector<128x128xi32>
    %shift_right_arithmetic3A_3210 = arith.shrsi %add3A_3183, %shift_right_arithmetic3A_3209 : vector<128x128xi32>
    %and3A_3211 = arith.constant 255 : i32
    %and3A_3212 = vector.broadcast %and3A_3211 : i32 to vector<128x128xi32>
    %and3A_3213 = arith.andi %shift_right_arithmetic3A_3210, %and3A_3212 : vector<128x128xi32>
    %convert_element_type3A_3214 = arith.sitofp %and3A_3213 : vector<128x128xi32> to vector<128x128xf32>
    %mul3A_3215 = arith.constant 2.560000e+02 : f32
    %mul3A_3216 = vector.broadcast %mul3A_3215 : f32 to vector<128x128xf32>
    %mul3A_3217 = arith.mulf %mul3A_3216, %convert_element_type3A_3214 : vector<128x128xf32>
    %dot_general3A_3218 = arith.constant dense<0.000000e+00> : vector<128x128xf32>
    %dot_general3A_3219 = tpu.matmul %mul3A_3217, %convert_element_type3A_1, %dot_general3A_3218 {dimension_numbers = #tpu.dot_dimension_numbers<[1], [0], [0], [1], [0, 0, 1, 1], [], []>, transpose_lhs_hint = false} : vector<128x128xf32>, vector<128x128xf32>, vector<128x128xf32> -> vector<128x128xf32>
    %add3A_3220 = arith.addf %dot_general3A_3207, %dot_general3A_3219 : vector<128x128xf32>
    %and3A_3221 = arith.constant 255 : i32
    %and3A_3222 = vector.broadcast %and3A_3221 : i32 to vector<128x128xi32>
    %and3A_3223 = arith.andi %add3A_3183, %and3A_3222 : vector<128x128xi32>
    %convert_element_type3A_3224 = arith.sitofp %and3A_3223 : vector<128x128xi32> to vector<128x128xf32>
    %dot_general3A_3225 = arith.constant dense<0.000000e+00> : vector<128x128xf32>
    %dot_general3A_3226 = tpu.matmul %convert_element_type3A_3224, %convert_element_type3A_1, %dot_general3A_3225 {dimension_numbers = #tpu.dot_dimension_numbers<[1], [0], [0], [1], [0, 0, 1, 1], [], []>, transpose_lhs_hint = false} : vector<128x128xf32>, vector<128x128xf32>, vector<128x128xf32> -> vector<128x128xf32>
    %add3A_3227 = arith.addf %add3A_3220, %dot_general3A_3226 : vector<128x128xf32>
    %slice3A_3228 = vector.extract_strided_slice %add3A_3227 {offsets = [0, 127], sizes = [128, 1], strides = [1, 1]} : vector<128x128xf32> to vector<128x1xf32>
    %convert_element_type3A_3229 = arith.fptosi %slice3A_3228 : vector<128x1xf32> to vector<128x1xi32>
    %shift_right_arithmetic3A_3230 = arith.constant 16 : i32
    %shift_right_arithmetic3A_3231 = vector.broadcast %shift_right_arithmetic3A_3230 : i32 to vector<128x1xi32>
    %shift_right_arithmetic3A_3232 = arith.shrsi %convert_element_type3A_3229, %shift_right_arithmetic3A_3231 : vector<128x1xi32>
    %and3A_3233 = arith.constant 255 : i32
    %and3A_3234 = vector.broadcast %and3A_3233 : i32 to vector<128x1xi32>
    %and3A_3235 = arith.andi %shift_right_arithmetic3A_3232, %and3A_3234 : vector<128x1xi32>
    %convert_element_type3A_3236 = arith.sitofp %and3A_3235 : vector<128x1xi32> to vector<128x1xf32>
    %mul3A_3237 = arith.constant 6.553600e+04 : f32
    %mul3A_3238 = vector.broadcast %mul3A_3237 : f32 to vector<128x1xf32>
    %mul3A_3239 = arith.mulf %mul3A_3238, %convert_element_type3A_3236 : vector<128x1xf32>
    %dot_general3A_3240 = arith.constant dense<0.000000e+00> : vector<128x1xf32>
    %dot_general3A_3241 = tpu.matmul %convert_element_type3A_3, %mul3A_3239, %dot_general3A_3240 {dimension_numbers = #tpu.dot_dimension_numbers<[1], [0], [0], [1], [0, 0, 1, 1], [], []>, transpose_lhs_hint = false} : vector<128x128xf32>, vector<128x1xf32>, vector<128x1xf32> -> vector<128x1xf32>
    %shift_right_arithmetic3A_3242 = arith.constant 8 : i32
    %shift_right_arithmetic3A_3243 = vector.broadcast %shift_right_arithmetic3A_3242 : i32 to vector<128x1xi32>
    %shift_right_arithmetic3A_3244 = arith.shrsi %convert_element_type3A_3229, %shift_right_arithmetic3A_3243 : vector<128x1xi32>
    %and3A_3245 = arith.constant 255 : i32
    %and3A_3246 = vector.broadcast %and3A_3245 : i32 to vector<128x1xi32>
    %and3A_3247 = arith.andi %shift_right_arithmetic3A_3244, %and3A_3246 : vector<128x1xi32>
    %convert_element_type3A_3248 = arith.sitofp %and3A_3247 : vector<128x1xi32> to vector<128x1xf32>
    %mul3A_3249 = arith.constant 2.560000e+02 : f32
    %mul3A_3250 = vector.broadcast %mul3A_3249 : f32 to vector<128x1xf32>
    %mul3A_3251 = arith.mulf %mul3A_3250, %convert_element_type3A_3248 : vector<128x1xf32>
    %dot_general3A_3252 = arith.constant dense<0.000000e+00> : vector<128x1xf32>
    %dot_general3A_3253 = tpu.matmul %convert_element_type3A_3, %mul3A_3251, %dot_general3A_3252 {dimension_numbers = #tpu.dot_dimension_numbers<[1], [0], [0], [1], [0, 0, 1, 1], [], []>, transpose_lhs_hint = false} : vector<128x128xf32>, vector<128x1xf32>, vector<128x1xf32> -> vector<128x1xf32>
    %add3A_3254 = arith.addf %dot_general3A_3241, %dot_general3A_3253 : vector<128x1xf32>
    %and3A_3255 = arith.constant 255 : i32
    %and3A_3256 = vector.broadcast %and3A_3255 : i32 to vector<128x1xi32>
    %and3A_3257 = arith.andi %convert_element_type3A_3229, %and3A_3256 : vector<128x1xi32>
    %convert_element_type3A_3258 = arith.sitofp %and3A_3257 : vector<128x1xi32> to vector<128x1xf32>
    %dot_general3A_3259 = arith.constant dense<0.000000e+00> : vector<128x1xf32>
    %dot_general3A_3260 = tpu.matmul %convert_element_type3A_3, %convert_element_type3A_3258, %dot_general3A_3259 {dimension_numbers = #tpu.dot_dimension_numbers<[1], [0], [0], [1], [0, 0, 1, 1], [], []>, transpose_lhs_hint = false} : vector<128x128xf32>, vector<128x1xf32>, vector<128x1xf32> -> vector<128x1xf32>
    %add3A_3261 = arith.addf %add3A_3254, %dot_general3A_3260 : vector<128x1xf32>
    %add3A_3262 = vector.broadcast %add3A_3261 : vector<128x1xf32> to vector<128x128xf32>
    %add3A_3263 = arith.addf %add3A_3227, %add3A_3262 : vector<128x128xf32>
    %shift_right_arithmetic3A_3264 = arith.constant 16 : i32
    %shift_right_arithmetic3A_3265 = vector.broadcast %shift_right_arithmetic3A_3264 : i32 to vector<128x128xi32>
    %shift_right_arithmetic3A_3266 = arith.shrsi %add3A_3175, %shift_right_arithmetic3A_3265 : vector<128x128xi32>
    %and3A_3267 = arith.constant 255 : i32
    %and3A_3268 = vector.broadcast %and3A_3267 : i32 to vector<128x128xi32>
    %and3A_3269 = arith.andi %shift_right_arithmetic3A_3266, %and3A_3268 : vector<128x128xi32>
    %convert_element_type3A_3270 = arith.sitofp %and3A_3269 : vector<128x128xi32> to vector<128x128xf32>
    %mul3A_3271 = arith.constant 6.553600e+04 : f32
    %mul3A_3272 = vector.broadcast %mul3A_3271 : f32 to vector<128x128xf32>
    %mul3A_3273 = arith.mulf %mul3A_3272, %convert_element_type3A_3270 : vector<128x128xf32>
    %dot_general3A_3274 = arith.constant dense<0.000000e+00> : vector<128x128xf32>
    %dot_general3A_3275 = tpu.matmul %mul3A_3273, %convert_element_type3A_1, %dot_general3A_3274 {dimension_numbers = #tpu.dot_dimension_numbers<[1], [0], [0], [1], [0, 0, 1, 1], [], []>, transpose_lhs_hint = false} : vector<128x128xf32>, vector<128x128xf32>, vector<128x128xf32> -> vector<128x128xf32>
    %shift_right_arithmetic3A_3276 = arith.constant 8 : i32
    %shift_right_arithmetic3A_3277 = vector.broadcast %shift_right_arithmetic3A_3276 : i32 to vector<128x128xi32>
    %shift_right_arithmetic3A_3278 = arith.shrsi %add3A_3175, %shift_right_arithmetic3A_3277 : vector<128x128xi32>
    %and3A_3279 = arith.constant 255 : i32
    %and3A_3280 = vector.broadcast %and3A_3279 : i32 to vector<128x128xi32>
    %and3A_3281 = arith.andi %shift_right_arithmetic3A_3278, %and3A_3280 : vector<128x128xi32>
    %convert_element_type3A_3282 = arith.sitofp %and3A_3281 : vector<128x128xi32> to vector<128x128xf32>
    %mul3A_3283 = arith.constant 2.560000e+02 : f32
    %mul3A_3284 = vector.broadcast %mul3A_3283 : f32 to vector<128x128xf32>
    %mul3A_3285 = arith.mulf %mul3A_3284, %convert_element_type3A_3282 : vector<128x128xf32>
    %dot_general3A_3286 = arith.constant dense<0.000000e+00> : vector<128x128xf32>
    %dot_general3A_3287 = tpu.matmul %mul3A_3285, %convert_element_type3A_1, %dot_general3A_3286 {dimension_numbers = #tpu.dot_dimension_numbers<[1], [0], [0], [1], [0, 0, 1, 1], [], []>, transpose_lhs_hint = false} : vector<128x128xf32>, vector<128x128xf32>, vector<128x128xf32> -> vector<128x128xf32>
    %add3A_3288 = arith.addf %dot_general3A_3275, %dot_general3A_3287 : vector<128x128xf32>
    %and3A_3289 = arith.constant 255 : i32
    %and3A_3290 = vector.broadcast %and3A_3289 : i32 to vector<128x128xi32>
    %and3A_3291 = arith.andi %add3A_3175, %and3A_3290 : vector<128x128xi32>
    %convert_element_type3A_3292 = arith.sitofp %and3A_3291 : vector<128x128xi32> to vector<128x128xf32>
    %dot_general3A_3293 = arith.constant dense<0.000000e+00> : vector<128x128xf32>
    %dot_general3A_3294 = tpu.matmul %convert_element_type3A_3292, %convert_element_type3A_1, %dot_general3A_3293 {dimension_numbers = #tpu.dot_dimension_numbers<[1], [0], [0], [1], [0, 0, 1, 1], [], []>, transpose_lhs_hint = false} : vector<128x128xf32>, vector<128x128xf32>, vector<128x128xf32> -> vector<128x128xf32>
    %add3A_3295 = arith.addf %add3A_3288, %dot_general3A_3294 : vector<128x128xf32>
    %slice3A_3296 = vector.extract_strided_slice %add3A_3295 {offsets = [0, 127], sizes = [128, 1], strides = [1, 1]} : vector<128x128xf32> to vector<128x1xf32>
    %convert_element_type3A_3297 = arith.fptosi %slice3A_3296 : vector<128x1xf32> to vector<128x1xi32>
    %shift_right_arithmetic3A_3298 = arith.constant 16 : i32
    %shift_right_arithmetic3A_3299 = vector.broadcast %shift_right_arithmetic3A_3298 : i32 to vector<128x1xi32>
    %shift_right_arithmetic3A_3300 = arith.shrsi %convert_element_type3A_3297, %shift_right_arithmetic3A_3299 : vector<128x1xi32>
    %and3A_3301 = arith.constant 255 : i32
    %and3A_3302 = vector.broadcast %and3A_3301 : i32 to vector<128x1xi32>
    %and3A_3303 = arith.andi %shift_right_arithmetic3A_3300, %and3A_3302 : vector<128x1xi32>
    %convert_element_type3A_3304 = arith.sitofp %and3A_3303 : vector<128x1xi32> to vector<128x1xf32>
    %mul3A_3305 = arith.constant 6.553600e+04 : f32
    %mul3A_3306 = vector.broadcast %mul3A_3305 : f32 to vector<128x1xf32>
    %mul3A_3307 = arith.mulf %mul3A_3306, %convert_element_type3A_3304 : vector<128x1xf32>
    %dot_general3A_3308 = arith.constant dense<0.000000e+00> : vector<128x1xf32>
    %dot_general3A_3309 = tpu.matmul %convert_element_type3A_3, %mul3A_3307, %dot_general3A_3308 {dimension_numbers = #tpu.dot_dimension_numbers<[1], [0], [0], [1], [0, 0, 1, 1], [], []>, transpose_lhs_hint = false} : vector<128x128xf32>, vector<128x1xf32>, vector<128x1xf32> -> vector<128x1xf32>
    %shift_right_arithmetic3A_3310 = arith.constant 8 : i32
    %shift_right_arithmetic3A_3311 = vector.broadcast %shift_right_arithmetic3A_3310 : i32 to vector<128x1xi32>
    %shift_right_arithmetic3A_3312 = arith.shrsi %convert_element_type3A_3297, %shift_right_arithmetic3A_3311 : vector<128x1xi32>
    %and3A_3313 = arith.constant 255 : i32
    %and3A_3314 = vector.broadcast %and3A_3313 : i32 to vector<128x1xi32>
    %and3A_3315 = arith.andi %shift_right_arithmetic3A_3312, %and3A_3314 : vector<128x1xi32>
    %convert_element_type3A_3316 = arith.sitofp %and3A_3315 : vector<128x1xi32> to vector<128x1xf32>
    %mul3A_3317 = arith.constant 2.560000e+02 : f32
    %mul3A_3318 = vector.broadcast %mul3A_3317 : f32 to vector<128x1xf32>
    %mul3A_3319 = arith.mulf %mul3A_3318, %convert_element_type3A_3316 : vector<128x1xf32>
    %dot_general3A_3320 = arith.constant dense<0.000000e+00> : vector<128x1xf32>
    %dot_general3A_3321 = tpu.matmul %convert_element_type3A_3, %mul3A_3319, %dot_general3A_3320 {dimension_numbers = #tpu.dot_dimension_numbers<[1], [0], [0], [1], [0, 0, 1, 1], [], []>, transpose_lhs_hint = false} : vector<128x128xf32>, vector<128x1xf32>, vector<128x1xf32> -> vector<128x1xf32>
    %add3A_3322 = arith.addf %dot_general3A_3309, %dot_general3A_3321 : vector<128x1xf32>
    %and3A_3323 = arith.constant 255 : i32
    %and3A_3324 = vector.broadcast %and3A_3323 : i32 to vector<128x1xi32>
    %and3A_3325 = arith.andi %convert_element_type3A_3297, %and3A_3324 : vector<128x1xi32>
    %convert_element_type3A_3326 = arith.sitofp %and3A_3325 : vector<128x1xi32> to vector<128x1xf32>
    %dot_general3A_3327 = arith.constant dense<0.000000e+00> : vector<128x1xf32>
    %dot_general3A_3328 = tpu.matmul %convert_element_type3A_3, %convert_element_type3A_3326, %dot_general3A_3327 {dimension_numbers = #tpu.dot_dimension_numbers<[1], [0], [0], [1], [0, 0, 1, 1], [], []>, transpose_lhs_hint = false} : vector<128x128xf32>, vector<128x1xf32>, vector<128x1xf32> -> vector<128x1xf32>
    %add3A_3329 = arith.addf %add3A_3322, %dot_general3A_3328 : vector<128x1xf32>
    %add3A_3330 = vector.broadcast %add3A_3329 : vector<128x1xf32> to vector<128x128xf32>
    %add3A_3331 = arith.addf %add3A_3295, %add3A_3330 : vector<128x128xf32>
    %sub3A_3332 = vector.broadcast %reduce_sum3A_3195 : f32 to vector<128x128xf32>
    %sub3A_3333 = arith.subf %sub3A_3332, %add3A_3263 : vector<128x128xf32>
    %add3A_3334 = arith.addf %sub3A_3333, %convert_element_type3A_3185 : vector<128x128xf32>
    %sub3A_3335 = vector.broadcast %reduce_sum3A_3190 : f32 to vector<128x128xf32>
    %sub3A_3336 = arith.subf %sub3A_3335, %add3A_3331 : vector<128x128xf32>
    %add3A_3337 = arith.addf %sub3A_3336, %convert_element_type3A_3184 : vector<128x128xf32>
    %sub3A_3338 = arith.subf %add3A_3334, %convert_element_type3A_3185 : vector<128x128xf32>
    %sub3A_3339 = arith.subf %add3A_3337, %convert_element_type3A_3184 : vector<128x128xf32>
    %add3A_3340 = vector.broadcast %reduce_sum3A_3190 : f32 to vector<128x128xf32>
    %add3A_3341 = arith.addf %add3A_3340, %add3A_3334 : vector<128x128xf32>
    %sub3A_3342 = arith.subf %add3A_3341, %add3A_3337 : vector<128x128xf32>
    %max3A_3343 = arith.constant 1.000000e+00 : f32
    %max3A_3344 = vector.broadcast %max3A_3343 : f32 to vector<128x128xf32>
    %max3A_3345 = arith.maximumf %sub3A_3342, %max3A_3344 : vector<128x128xf32>
    %gt3A_3346 = arith.constant 0.000000e+00 : f32
    %gt3A_3347 = vector.broadcast %gt3A_3346 : f32 to vector<128x128xf32>
    %gt3A_3348 = arith.cmpf ogt, %add3A_3334, %gt3A_3347 : vector<128x128xf32>
    %sub3A_3349 = vector.broadcast %reduce_sum3A_3190 : f32 to vector<128x128xf32>
    %sub3A_3350 = arith.subf %sub3A_3349, %add3A_3337 : vector<128x128xf32>
    %div3A_3351 = arith.divf %sub3A_3350, %max3A_3345 : vector<128x128xf32>
    %sub3A_3352 = arith.constant 1.000000e+00 : f32
    %sub3A_3353 = vector.broadcast %sub3A_3352 : f32 to vector<128x128xf32>
    %sub3A_3354 = arith.subf %sub3A_3353, %div3A_3351 : vector<128x128xf32>
    %jit3A_3355 = arith.constant 0.000000e+00 : f32
    %broadcast_in_dim3A_3356 = vector.broadcast %jit3A_3355 : f32 to vector<128x128xf32>
    %select_n3A_3357 = arith.select %gt3A_3348, %sub3A_3354, %broadcast_in_dim3A_3356 : vector<128x128xi1>, vector<128x128xf32>
    %add3A_3358 = vector.broadcast %reduce_sum3A_3190 : f32 to vector<128x128xf32>
    %add3A_3359 = arith.addf %add3A_3358, %sub3A_3338 : vector<128x128xf32>
    %sub3A_3360 = arith.subf %add3A_3359, %sub3A_3339 : vector<128x128xf32>
    %max3A_3361 = arith.constant 1.000000e+00 : f32
    %max3A_3362 = vector.broadcast %max3A_3361 : f32 to vector<128x128xf32>
    %max3A_3363 = arith.maximumf %sub3A_3360, %max3A_3362 : vector<128x128xf32>
    %gt3A_3364 = arith.constant 0.000000e+00 : f32
    %gt3A_3365 = vector.broadcast %gt3A_3364 : f32 to vector<128x128xf32>
    %gt3A_3366 = arith.cmpf ogt, %sub3A_3338, %gt3A_3365 : vector<128x128xf32>
    %sub3A_3367 = vector.broadcast %reduce_sum3A_3190 : f32 to vector<128x128xf32>
    %sub3A_3368 = arith.subf %sub3A_3367, %sub3A_3339 : vector<128x128xf32>
    %div3A_3369 = arith.divf %sub3A_3368, %max3A_3363 : vector<128x128xf32>
    %sub3A_3370 = arith.constant 1.000000e+00 : f32
    %sub3A_3371 = vector.broadcast %sub3A_3370 : f32 to vector<128x128xf32>
    %sub3A_3372 = arith.subf %sub3A_3371, %div3A_3369 : vector<128x128xf32>
    %jit3A_3373 = arith.constant 0.000000e+00 : f32
    %broadcast_in_dim3A_3374 = vector.broadcast %jit3A_3373 : f32 to vector<128x128xf32>
    %select_n3A_3375 = arith.select %gt3A_3366, %sub3A_3372, %broadcast_in_dim3A_3374 : vector<128x128xi1>, vector<128x128xf32>
    %sub3A_3376 = arith.subf %select_n3A_3357, %select_n3A_3375 : vector<128x128xf32>
    %mul3A_3377 = arith.mulf %mul3A_12, %sub3A_3376 : vector<128x128xf32>
    %reduce_sum3A_3378 = vector.shape_cast %mul3A_3377 : vector<128x128xf32> to vector<1x128x128xf32>
    %reduce_sum3A_3379 = arith.constant dense<0.000000e+00> : vector<1xf32>
    %reduce_sum3A_3380 = vector.multi_reduction <add>, %reduce_sum3A_3378, %reduce_sum3A_3379 [1, 2] : vector<1x128x128xf32> to vector<1xf32>
    %reduce_sum3A_3381 = vector.shape_cast %reduce_sum3A_3380 : vector<1xf32> to vector<1x1x1xf32>
    %reduce_sum3A_3382 = vector.extract %reduce_sum3A_3381[0, 0, 0] : f32 from vector<1x1x1xf32>
    %gt3A_3383 = arith.constant 0.000000e+00 : f32
    %gt3A_3384 = arith.cmpf ogt, %reduce_sum3A_3190, %gt3A_3383 : f32
    %convert_element_type3A_3385 = arith.extui %gt3A_3384 : i1 to i32
    %convert_element_type3A_3386 = arith.sitofp %convert_element_type3A_3385 : i32 to f32
    %mul3A_3387 = arith.mulf %reduce_sum3A_3382, %convert_element_type3A_3386 : f32
    %add3A_3388 = arith.addf %add3A_3141, %mul3A_3387 : f32
    %add3A_3389 = arith.addf %add3A_3142, %convert_element_type3A_3386 : f32
    %get3A_3390 = arith.constant 23 : index
    %get3A_3391 = arith.constant 1 : index
    %get3A_3392 = arith.constant 0 : index
    %get3A_3393 = arith.constant 0 : index
    %get3A_3394 = vector.load %arg0[%get3A_3390, %get3A_3391, %get3A_3392, %get3A_3393] : memref<32x4x128x128xi32, #tpu.memory_space<vmem>>, vector<1x1x128x128xi32>
    %get3A_3395 = vector.shape_cast %get3A_3394 : vector<1x1x128x128xi32> to vector<128x128xi32>
    %get3A_3396 = arith.constant 23 : index
    %get3A_3397 = arith.constant 0 : index
    %get3A_3398 = arith.constant 0 : index
    %get3A_3399 = arith.constant 0 : index
    %get3A_3400 = vector.load %arg0[%get3A_3396, %get3A_3397, %get3A_3398, %get3A_3399] : memref<32x4x128x128xi32, #tpu.memory_space<vmem>>, vector<1x1x128x128xi32>
    %get3A_3401 = vector.shape_cast %get3A_3400 : vector<1x1x128x128xi32> to vector<128x128xi32>
    %get3A_3402 = arith.constant 24 : index
    %get3A_3403 = arith.constant 1 : index
    %get3A_3404 = arith.constant 0 : index
    %get3A_3405 = arith.constant 0 : index
    %get3A_3406 = vector.load %arg0[%get3A_3402, %get3A_3403, %get3A_3404, %get3A_3405] : memref<32x4x128x128xi32, #tpu.memory_space<vmem>>, vector<1x1x128x128xi32>
    %get3A_3407 = vector.shape_cast %get3A_3406 : vector<1x1x128x128xi32> to vector<128x128xi32>
    %add3A_3408 = arith.addi %get3A_3395, %get3A_3407 : vector<128x128xi32>
    %get3A_3409 = arith.constant 24 : index
    %get3A_3410 = arith.constant 0 : index
    %get3A_3411 = arith.constant 0 : index
    %get3A_3412 = arith.constant 0 : index
    %get3A_3413 = vector.load %arg0[%get3A_3409, %get3A_3410, %get3A_3411, %get3A_3412] : memref<32x4x128x128xi32, #tpu.memory_space<vmem>>, vector<1x1x128x128xi32>
    %get3A_3414 = vector.shape_cast %get3A_3413 : vector<1x1x128x128xi32> to vector<128x128xi32>
    %add3A_3415 = arith.addi %get3A_3401, %get3A_3414 : vector<128x128xi32>
    %get3A_3416 = arith.constant 25 : index
    %get3A_3417 = arith.constant 1 : index
    %get3A_3418 = arith.constant 0 : index
    %get3A_3419 = arith.constant 0 : index
    %get3A_3420 = vector.load %arg0[%get3A_3416, %get3A_3417, %get3A_3418, %get3A_3419] : memref<32x4x128x128xi32, #tpu.memory_space<vmem>>, vector<1x1x128x128xi32>
    %get3A_3421 = vector.shape_cast %get3A_3420 : vector<1x1x128x128xi32> to vector<128x128xi32>
    %add3A_3422 = arith.addi %add3A_3408, %get3A_3421 : vector<128x128xi32>
    %get3A_3423 = arith.constant 25 : index
    %get3A_3424 = arith.constant 0 : index
    %get3A_3425 = arith.constant 0 : index
    %get3A_3426 = arith.constant 0 : index
    %get3A_3427 = vector.load %arg0[%get3A_3423, %get3A_3424, %get3A_3425, %get3A_3426] : memref<32x4x128x128xi32, #tpu.memory_space<vmem>>, vector<1x1x128x128xi32>
    %get3A_3428 = vector.shape_cast %get3A_3427 : vector<1x1x128x128xi32> to vector<128x128xi32>
    %add3A_3429 = arith.addi %add3A_3415, %get3A_3428 : vector<128x128xi32>
    %add3A_3430 = arith.addi %add3A_3429, %add3A_3422 : vector<128x128xi32>
    %convert_element_type3A_3431 = arith.sitofp %add3A_3422 : vector<128x128xi32> to vector<128x128xf32>
    %convert_element_type3A_3432 = arith.sitofp %add3A_3430 : vector<128x128xi32> to vector<128x128xf32>
    %reduce_sum3A_3433 = vector.shape_cast %convert_element_type3A_3431 : vector<128x128xf32> to vector<1x128x128xf32>
    %reduce_sum3A_3434 = arith.constant dense<0.000000e+00> : vector<1xf32>
    %reduce_sum3A_3435 = vector.multi_reduction <add>, %reduce_sum3A_3433, %reduce_sum3A_3434 [1, 2] : vector<1x128x128xf32> to vector<1xf32>
    %reduce_sum3A_3436 = vector.shape_cast %reduce_sum3A_3435 : vector<1xf32> to vector<1x1x1xf32>
    %reduce_sum3A_3437 = vector.extract %reduce_sum3A_3436[0, 0, 0] : f32 from vector<1x1x1xf32>
    %reduce_sum3A_3438 = vector.shape_cast %convert_element_type3A_3432 : vector<128x128xf32> to vector<1x128x128xf32>
    %reduce_sum3A_3439 = arith.constant dense<0.000000e+00> : vector<1xf32>
    %reduce_sum3A_3440 = vector.multi_reduction <add>, %reduce_sum3A_3438, %reduce_sum3A_3439 [1, 2] : vector<1x128x128xf32> to vector<1xf32>
    %reduce_sum3A_3441 = vector.shape_cast %reduce_sum3A_3440 : vector<1xf32> to vector<1x1x1xf32>
    %reduce_sum3A_3442 = vector.extract %reduce_sum3A_3441[0, 0, 0] : f32 from vector<1x1x1xf32>
    %shift_right_arithmetic3A_3443 = arith.constant 16 : i32
    %shift_right_arithmetic3A_3444 = vector.broadcast %shift_right_arithmetic3A_3443 : i32 to vector<128x128xi32>
    %shift_right_arithmetic3A_3445 = arith.shrsi %add3A_3430, %shift_right_arithmetic3A_3444 : vector<128x128xi32>
    %and3A_3446 = arith.constant 255 : i32
    %and3A_3447 = vector.broadcast %and3A_3446 : i32 to vector<128x128xi32>
    %and3A_3448 = arith.andi %shift_right_arithmetic3A_3445, %and3A_3447 : vector<128x128xi32>
    %convert_element_type3A_3449 = arith.sitofp %and3A_3448 : vector<128x128xi32> to vector<128x128xf32>
    %mul3A_3450 = arith.constant 6.553600e+04 : f32
    %mul3A_3451 = vector.broadcast %mul3A_3450 : f32 to vector<128x128xf32>
    %mul3A_3452 = arith.mulf %mul3A_3451, %convert_element_type3A_3449 : vector<128x128xf32>
    %dot_general3A_3453 = arith.constant dense<0.000000e+00> : vector<128x128xf32>
    %dot_general3A_3454 = tpu.matmul %mul3A_3452, %convert_element_type3A_1, %dot_general3A_3453 {dimension_numbers = #tpu.dot_dimension_numbers<[1], [0], [0], [1], [0, 0, 1, 1], [], []>, transpose_lhs_hint = false} : vector<128x128xf32>, vector<128x128xf32>, vector<128x128xf32> -> vector<128x128xf32>
    %shift_right_arithmetic3A_3455 = arith.constant 8 : i32
    %shift_right_arithmetic3A_3456 = vector.broadcast %shift_right_arithmetic3A_3455 : i32 to vector<128x128xi32>
    %shift_right_arithmetic3A_3457 = arith.shrsi %add3A_3430, %shift_right_arithmetic3A_3456 : vector<128x128xi32>
    %and3A_3458 = arith.constant 255 : i32
    %and3A_3459 = vector.broadcast %and3A_3458 : i32 to vector<128x128xi32>
    %and3A_3460 = arith.andi %shift_right_arithmetic3A_3457, %and3A_3459 : vector<128x128xi32>
    %convert_element_type3A_3461 = arith.sitofp %and3A_3460 : vector<128x128xi32> to vector<128x128xf32>
    %mul3A_3462 = arith.constant 2.560000e+02 : f32
    %mul3A_3463 = vector.broadcast %mul3A_3462 : f32 to vector<128x128xf32>
    %mul3A_3464 = arith.mulf %mul3A_3463, %convert_element_type3A_3461 : vector<128x128xf32>
    %dot_general3A_3465 = arith.constant dense<0.000000e+00> : vector<128x128xf32>
    %dot_general3A_3466 = tpu.matmul %mul3A_3464, %convert_element_type3A_1, %dot_general3A_3465 {dimension_numbers = #tpu.dot_dimension_numbers<[1], [0], [0], [1], [0, 0, 1, 1], [], []>, transpose_lhs_hint = false} : vector<128x128xf32>, vector<128x128xf32>, vector<128x128xf32> -> vector<128x128xf32>
    %add3A_3467 = arith.addf %dot_general3A_3454, %dot_general3A_3466 : vector<128x128xf32>
    %and3A_3468 = arith.constant 255 : i32
    %and3A_3469 = vector.broadcast %and3A_3468 : i32 to vector<128x128xi32>
    %and3A_3470 = arith.andi %add3A_3430, %and3A_3469 : vector<128x128xi32>
    %convert_element_type3A_3471 = arith.sitofp %and3A_3470 : vector<128x128xi32> to vector<128x128xf32>
    %dot_general3A_3472 = arith.constant dense<0.000000e+00> : vector<128x128xf32>
    %dot_general3A_3473 = tpu.matmul %convert_element_type3A_3471, %convert_element_type3A_1, %dot_general3A_3472 {dimension_numbers = #tpu.dot_dimension_numbers<[1], [0], [0], [1], [0, 0, 1, 1], [], []>, transpose_lhs_hint = false} : vector<128x128xf32>, vector<128x128xf32>, vector<128x128xf32> -> vector<128x128xf32>
    %add3A_3474 = arith.addf %add3A_3467, %dot_general3A_3473 : vector<128x128xf32>
    %slice3A_3475 = vector.extract_strided_slice %add3A_3474 {offsets = [0, 127], sizes = [128, 1], strides = [1, 1]} : vector<128x128xf32> to vector<128x1xf32>
    %convert_element_type3A_3476 = arith.fptosi %slice3A_3475 : vector<128x1xf32> to vector<128x1xi32>
    %shift_right_arithmetic3A_3477 = arith.constant 16 : i32
    %shift_right_arithmetic3A_3478 = vector.broadcast %shift_right_arithmetic3A_3477 : i32 to vector<128x1xi32>
    %shift_right_arithmetic3A_3479 = arith.shrsi %convert_element_type3A_3476, %shift_right_arithmetic3A_3478 : vector<128x1xi32>
    %and3A_3480 = arith.constant 255 : i32
    %and3A_3481 = vector.broadcast %and3A_3480 : i32 to vector<128x1xi32>
    %and3A_3482 = arith.andi %shift_right_arithmetic3A_3479, %and3A_3481 : vector<128x1xi32>
    %convert_element_type3A_3483 = arith.sitofp %and3A_3482 : vector<128x1xi32> to vector<128x1xf32>
    %mul3A_3484 = arith.constant 6.553600e+04 : f32
    %mul3A_3485 = vector.broadcast %mul3A_3484 : f32 to vector<128x1xf32>
    %mul3A_3486 = arith.mulf %mul3A_3485, %convert_element_type3A_3483 : vector<128x1xf32>
    %dot_general3A_3487 = arith.constant dense<0.000000e+00> : vector<128x1xf32>
    %dot_general3A_3488 = tpu.matmul %convert_element_type3A_3, %mul3A_3486, %dot_general3A_3487 {dimension_numbers = #tpu.dot_dimension_numbers<[1], [0], [0], [1], [0, 0, 1, 1], [], []>, transpose_lhs_hint = false} : vector<128x128xf32>, vector<128x1xf32>, vector<128x1xf32> -> vector<128x1xf32>
    %shift_right_arithmetic3A_3489 = arith.constant 8 : i32
    %shift_right_arithmetic3A_3490 = vector.broadcast %shift_right_arithmetic3A_3489 : i32 to vector<128x1xi32>
    %shift_right_arithmetic3A_3491 = arith.shrsi %convert_element_type3A_3476, %shift_right_arithmetic3A_3490 : vector<128x1xi32>
    %and3A_3492 = arith.constant 255 : i32
    %and3A_3493 = vector.broadcast %and3A_3492 : i32 to vector<128x1xi32>
    %and3A_3494 = arith.andi %shift_right_arithmetic3A_3491, %and3A_3493 : vector<128x1xi32>
    %convert_element_type3A_3495 = arith.sitofp %and3A_3494 : vector<128x1xi32> to vector<128x1xf32>
    %mul3A_3496 = arith.constant 2.560000e+02 : f32
    %mul3A_3497 = vector.broadcast %mul3A_3496 : f32 to vector<128x1xf32>
    %mul3A_3498 = arith.mulf %mul3A_3497, %convert_element_type3A_3495 : vector<128x1xf32>
    %dot_general3A_3499 = arith.constant dense<0.000000e+00> : vector<128x1xf32>
    %dot_general3A_3500 = tpu.matmul %convert_element_type3A_3, %mul3A_3498, %dot_general3A_3499 {dimension_numbers = #tpu.dot_dimension_numbers<[1], [0], [0], [1], [0, 0, 1, 1], [], []>, transpose_lhs_hint = false} : vector<128x128xf32>, vector<128x1xf32>, vector<128x1xf32> -> vector<128x1xf32>
    %add3A_3501 = arith.addf %dot_general3A_3488, %dot_general3A_3500 : vector<128x1xf32>
    %and3A_3502 = arith.constant 255 : i32
    %and3A_3503 = vector.broadcast %and3A_3502 : i32 to vector<128x1xi32>
    %and3A_3504 = arith.andi %convert_element_type3A_3476, %and3A_3503 : vector<128x1xi32>
    %convert_element_type3A_3505 = arith.sitofp %and3A_3504 : vector<128x1xi32> to vector<128x1xf32>
    %dot_general3A_3506 = arith.constant dense<0.000000e+00> : vector<128x1xf32>
    %dot_general3A_3507 = tpu.matmul %convert_element_type3A_3, %convert_element_type3A_3505, %dot_general3A_3506 {dimension_numbers = #tpu.dot_dimension_numbers<[1], [0], [0], [1], [0, 0, 1, 1], [], []>, transpose_lhs_hint = false} : vector<128x128xf32>, vector<128x1xf32>, vector<128x1xf32> -> vector<128x1xf32>
    %add3A_3508 = arith.addf %add3A_3501, %dot_general3A_3507 : vector<128x1xf32>
    %add3A_3509 = vector.broadcast %add3A_3508 : vector<128x1xf32> to vector<128x128xf32>
    %add3A_3510 = arith.addf %add3A_3474, %add3A_3509 : vector<128x128xf32>
    %shift_right_arithmetic3A_3511 = arith.constant 16 : i32
    %shift_right_arithmetic3A_3512 = vector.broadcast %shift_right_arithmetic3A_3511 : i32 to vector<128x128xi32>
    %shift_right_arithmetic3A_3513 = arith.shrsi %add3A_3422, %shift_right_arithmetic3A_3512 : vector<128x128xi32>
    %and3A_3514 = arith.constant 255 : i32
    %and3A_3515 = vector.broadcast %and3A_3514 : i32 to vector<128x128xi32>
    %and3A_3516 = arith.andi %shift_right_arithmetic3A_3513, %and3A_3515 : vector<128x128xi32>
    %convert_element_type3A_3517 = arith.sitofp %and3A_3516 : vector<128x128xi32> to vector<128x128xf32>
    %mul3A_3518 = arith.constant 6.553600e+04 : f32
    %mul3A_3519 = vector.broadcast %mul3A_3518 : f32 to vector<128x128xf32>
    %mul3A_3520 = arith.mulf %mul3A_3519, %convert_element_type3A_3517 : vector<128x128xf32>
    %dot_general3A_3521 = arith.constant dense<0.000000e+00> : vector<128x128xf32>
    %dot_general3A_3522 = tpu.matmul %mul3A_3520, %convert_element_type3A_1, %dot_general3A_3521 {dimension_numbers = #tpu.dot_dimension_numbers<[1], [0], [0], [1], [0, 0, 1, 1], [], []>, transpose_lhs_hint = false} : vector<128x128xf32>, vector<128x128xf32>, vector<128x128xf32> -> vector<128x128xf32>
    %shift_right_arithmetic3A_3523 = arith.constant 8 : i32
    %shift_right_arithmetic3A_3524 = vector.broadcast %shift_right_arithmetic3A_3523 : i32 to vector<128x128xi32>
    %shift_right_arithmetic3A_3525 = arith.shrsi %add3A_3422, %shift_right_arithmetic3A_3524 : vector<128x128xi32>
    %and3A_3526 = arith.constant 255 : i32
    %and3A_3527 = vector.broadcast %and3A_3526 : i32 to vector<128x128xi32>
    %and3A_3528 = arith.andi %shift_right_arithmetic3A_3525, %and3A_3527 : vector<128x128xi32>
    %convert_element_type3A_3529 = arith.sitofp %and3A_3528 : vector<128x128xi32> to vector<128x128xf32>
    %mul3A_3530 = arith.constant 2.560000e+02 : f32
    %mul3A_3531 = vector.broadcast %mul3A_3530 : f32 to vector<128x128xf32>
    %mul3A_3532 = arith.mulf %mul3A_3531, %convert_element_type3A_3529 : vector<128x128xf32>
    %dot_general3A_3533 = arith.constant dense<0.000000e+00> : vector<128x128xf32>
    %dot_general3A_3534 = tpu.matmul %mul3A_3532, %convert_element_type3A_1, %dot_general3A_3533 {dimension_numbers = #tpu.dot_dimension_numbers<[1], [0], [0], [1], [0, 0, 1, 1], [], []>, transpose_lhs_hint = false} : vector<128x128xf32>, vector<128x128xf32>, vector<128x128xf32> -> vector<128x128xf32>
    %add3A_3535 = arith.addf %dot_general3A_3522, %dot_general3A_3534 : vector<128x128xf32>
    %and3A_3536 = arith.constant 255 : i32
    %and3A_3537 = vector.broadcast %and3A_3536 : i32 to vector<128x128xi32>
    %and3A_3538 = arith.andi %add3A_3422, %and3A_3537 : vector<128x128xi32>
    %convert_element_type3A_3539 = arith.sitofp %and3A_3538 : vector<128x128xi32> to vector<128x128xf32>
    %dot_general3A_3540 = arith.constant dense<0.000000e+00> : vector<128x128xf32>
    %dot_general3A_3541 = tpu.matmul %convert_element_type3A_3539, %convert_element_type3A_1, %dot_general3A_3540 {dimension_numbers = #tpu.dot_dimension_numbers<[1], [0], [0], [1], [0, 0, 1, 1], [], []>, transpose_lhs_hint = false} : vector<128x128xf32>, vector<128x128xf32>, vector<128x128xf32> -> vector<128x128xf32>
    %add3A_3542 = arith.addf %add3A_3535, %dot_general3A_3541 : vector<128x128xf32>
    %slice3A_3543 = vector.extract_strided_slice %add3A_3542 {offsets = [0, 127], sizes = [128, 1], strides = [1, 1]} : vector<128x128xf32> to vector<128x1xf32>
    %convert_element_type3A_3544 = arith.fptosi %slice3A_3543 : vector<128x1xf32> to vector<128x1xi32>
    %shift_right_arithmetic3A_3545 = arith.constant 16 : i32
    %shift_right_arithmetic3A_3546 = vector.broadcast %shift_right_arithmetic3A_3545 : i32 to vector<128x1xi32>
    %shift_right_arithmetic3A_3547 = arith.shrsi %convert_element_type3A_3544, %shift_right_arithmetic3A_3546 : vector<128x1xi32>
    %and3A_3548 = arith.constant 255 : i32
    %and3A_3549 = vector.broadcast %and3A_3548 : i32 to vector<128x1xi32>
    %and3A_3550 = arith.andi %shift_right_arithmetic3A_3547, %and3A_3549 : vector<128x1xi32>
    %convert_element_type3A_3551 = arith.sitofp %and3A_3550 : vector<128x1xi32> to vector<128x1xf32>
    %mul3A_3552 = arith.constant 6.553600e+04 : f32
    %mul3A_3553 = vector.broadcast %mul3A_3552 : f32 to vector<128x1xf32>
    %mul3A_3554 = arith.mulf %mul3A_3553, %convert_element_type3A_3551 : vector<128x1xf32>
    %dot_general3A_3555 = arith.constant dense<0.000000e+00> : vector<128x1xf32>
    %dot_general3A_3556 = tpu.matmul %convert_element_type3A_3, %mul3A_3554, %dot_general3A_3555 {dimension_numbers = #tpu.dot_dimension_numbers<[1], [0], [0], [1], [0, 0, 1, 1], [], []>, transpose_lhs_hint = false} : vector<128x128xf32>, vector<128x1xf32>, vector<128x1xf32> -> vector<128x1xf32>
    %shift_right_arithmetic3A_3557 = arith.constant 8 : i32
    %shift_right_arithmetic3A_3558 = vector.broadcast %shift_right_arithmetic3A_3557 : i32 to vector<128x1xi32>
    %shift_right_arithmetic3A_3559 = arith.shrsi %convert_element_type3A_3544, %shift_right_arithmetic3A_3558 : vector<128x1xi32>
    %and3A_3560 = arith.constant 255 : i32
    %and3A_3561 = vector.broadcast %and3A_3560 : i32 to vector<128x1xi32>
    %and3A_3562 = arith.andi %shift_right_arithmetic3A_3559, %and3A_3561 : vector<128x1xi32>
    %convert_element_type3A_3563 = arith.sitofp %and3A_3562 : vector<128x1xi32> to vector<128x1xf32>
    %mul3A_3564 = arith.constant 2.560000e+02 : f32
    %mul3A_3565 = vector.broadcast %mul3A_3564 : f32 to vector<128x1xf32>
    %mul3A_3566 = arith.mulf %mul3A_3565, %convert_element_type3A_3563 : vector<128x1xf32>
    %dot_general3A_3567 = arith.constant dense<0.000000e+00> : vector<128x1xf32>
    %dot_general3A_3568 = tpu.matmul %convert_element_type3A_3, %mul3A_3566, %dot_general3A_3567 {dimension_numbers = #tpu.dot_dimension_numbers<[1], [0], [0], [1], [0, 0, 1, 1], [], []>, transpose_lhs_hint = false} : vector<128x128xf32>, vector<128x1xf32>, vector<128x1xf32> -> vector<128x1xf32>
    %add3A_3569 = arith.addf %dot_general3A_3556, %dot_general3A_3568 : vector<128x1xf32>
    %and3A_3570 = arith.constant 255 : i32
    %and3A_3571 = vector.broadcast %and3A_3570 : i32 to vector<128x1xi32>
    %and3A_3572 = arith.andi %convert_element_type3A_3544, %and3A_3571 : vector<128x1xi32>
    %convert_element_type3A_3573 = arith.sitofp %and3A_3572 : vector<128x1xi32> to vector<128x1xf32>
    %dot_general3A_3574 = arith.constant dense<0.000000e+00> : vector<128x1xf32>
    %dot_general3A_3575 = tpu.matmul %convert_element_type3A_3, %convert_element_type3A_3573, %dot_general3A_3574 {dimension_numbers = #tpu.dot_dimension_numbers<[1], [0], [0], [1], [0, 0, 1, 1], [], []>, transpose_lhs_hint = false} : vector<128x128xf32>, vector<128x1xf32>, vector<128x1xf32> -> vector<128x1xf32>
    %add3A_3576 = arith.addf %add3A_3569, %dot_general3A_3575 : vector<128x1xf32>
    %add3A_3577 = vector.broadcast %add3A_3576 : vector<128x1xf32> to vector<128x128xf32>
    %add3A_3578 = arith.addf %add3A_3542, %add3A_3577 : vector<128x128xf32>
    %sub3A_3579 = vector.broadcast %reduce_sum3A_3442 : f32 to vector<128x128xf32>
    %sub3A_3580 = arith.subf %sub3A_3579, %add3A_3510 : vector<128x128xf32>
    %add3A_3581 = arith.addf %sub3A_3580, %convert_element_type3A_3432 : vector<128x128xf32>
    %sub3A_3582 = vector.broadcast %reduce_sum3A_3437 : f32 to vector<128x128xf32>
    %sub3A_3583 = arith.subf %sub3A_3582, %add3A_3578 : vector<128x128xf32>
    %add3A_3584 = arith.addf %sub3A_3583, %convert_element_type3A_3431 : vector<128x128xf32>
    %sub3A_3585 = arith.subf %add3A_3581, %convert_element_type3A_3432 : vector<128x128xf32>
    %sub3A_3586 = arith.subf %add3A_3584, %convert_element_type3A_3431 : vector<128x128xf32>
    %add3A_3587 = vector.broadcast %reduce_sum3A_3437 : f32 to vector<128x128xf32>
    %add3A_3588 = arith.addf %add3A_3587, %add3A_3581 : vector<128x128xf32>
    %sub3A_3589 = arith.subf %add3A_3588, %add3A_3584 : vector<128x128xf32>
    %max3A_3590 = arith.constant 1.000000e+00 : f32
    %max3A_3591 = vector.broadcast %max3A_3590 : f32 to vector<128x128xf32>
    %max3A_3592 = arith.maximumf %sub3A_3589, %max3A_3591 : vector<128x128xf32>
    %gt3A_3593 = arith.constant 0.000000e+00 : f32
    %gt3A_3594 = vector.broadcast %gt3A_3593 : f32 to vector<128x128xf32>
    %gt3A_3595 = arith.cmpf ogt, %add3A_3581, %gt3A_3594 : vector<128x128xf32>
    %sub3A_3596 = vector.broadcast %reduce_sum3A_3437 : f32 to vector<128x128xf32>
    %sub3A_3597 = arith.subf %sub3A_3596, %add3A_3584 : vector<128x128xf32>
    %div3A_3598 = arith.divf %sub3A_3597, %max3A_3592 : vector<128x128xf32>
    %sub3A_3599 = arith.constant 1.000000e+00 : f32
    %sub3A_3600 = vector.broadcast %sub3A_3599 : f32 to vector<128x128xf32>
    %sub3A_3601 = arith.subf %sub3A_3600, %div3A_3598 : vector<128x128xf32>
    %jit3A_3602 = arith.constant 0.000000e+00 : f32
    %broadcast_in_dim3A_3603 = vector.broadcast %jit3A_3602 : f32 to vector<128x128xf32>
    %select_n3A_3604 = arith.select %gt3A_3595, %sub3A_3601, %broadcast_in_dim3A_3603 : vector<128x128xi1>, vector<128x128xf32>
    %add3A_3605 = vector.broadcast %reduce_sum3A_3437 : f32 to vector<128x128xf32>
    %add3A_3606 = arith.addf %add3A_3605, %sub3A_3585 : vector<128x128xf32>
    %sub3A_3607 = arith.subf %add3A_3606, %sub3A_3586 : vector<128x128xf32>
    %max3A_3608 = arith.constant 1.000000e+00 : f32
    %max3A_3609 = vector.broadcast %max3A_3608 : f32 to vector<128x128xf32>
    %max3A_3610 = arith.maximumf %sub3A_3607, %max3A_3609 : vector<128x128xf32>
    %gt3A_3611 = arith.constant 0.000000e+00 : f32
    %gt3A_3612 = vector.broadcast %gt3A_3611 : f32 to vector<128x128xf32>
    %gt3A_3613 = arith.cmpf ogt, %sub3A_3585, %gt3A_3612 : vector<128x128xf32>
    %sub3A_3614 = vector.broadcast %reduce_sum3A_3437 : f32 to vector<128x128xf32>
    %sub3A_3615 = arith.subf %sub3A_3614, %sub3A_3586 : vector<128x128xf32>
    %div3A_3616 = arith.divf %sub3A_3615, %max3A_3610 : vector<128x128xf32>
    %sub3A_3617 = arith.constant 1.000000e+00 : f32
    %sub3A_3618 = vector.broadcast %sub3A_3617 : f32 to vector<128x128xf32>
    %sub3A_3619 = arith.subf %sub3A_3618, %div3A_3616 : vector<128x128xf32>
    %jit3A_3620 = arith.constant 0.000000e+00 : f32
    %broadcast_in_dim3A_3621 = vector.broadcast %jit3A_3620 : f32 to vector<128x128xf32>
    %select_n3A_3622 = arith.select %gt3A_3613, %sub3A_3619, %broadcast_in_dim3A_3621 : vector<128x128xi1>, vector<128x128xf32>
    %sub3A_3623 = arith.subf %select_n3A_3604, %select_n3A_3622 : vector<128x128xf32>
    %mul3A_3624 = arith.mulf %mul3A_12, %sub3A_3623 : vector<128x128xf32>
    %reduce_sum3A_3625 = vector.shape_cast %mul3A_3624 : vector<128x128xf32> to vector<1x128x128xf32>
    %reduce_sum3A_3626 = arith.constant dense<0.000000e+00> : vector<1xf32>
    %reduce_sum3A_3627 = vector.multi_reduction <add>, %reduce_sum3A_3625, %reduce_sum3A_3626 [1, 2] : vector<1x128x128xf32> to vector<1xf32>
    %reduce_sum3A_3628 = vector.shape_cast %reduce_sum3A_3627 : vector<1xf32> to vector<1x1x1xf32>
    %reduce_sum3A_3629 = vector.extract %reduce_sum3A_3628[0, 0, 0] : f32 from vector<1x1x1xf32>
    %gt3A_3630 = arith.constant 0.000000e+00 : f32
    %gt3A_3631 = arith.cmpf ogt, %reduce_sum3A_3437, %gt3A_3630 : f32
    %convert_element_type3A_3632 = arith.extui %gt3A_3631 : i1 to i32
    %convert_element_type3A_3633 = arith.sitofp %convert_element_type3A_3632 : i32 to f32
    %mul3A_3634 = arith.mulf %reduce_sum3A_3629, %convert_element_type3A_3633 : f32
    %add3A_3635 = arith.addf %add3A_3388, %mul3A_3634 : f32
    %add3A_3636 = arith.addf %add3A_3389, %convert_element_type3A_3633 : f32
    %get3A_3637 = arith.constant 25 : index
    %get3A_3638 = arith.constant 3 : index
    %get3A_3639 = arith.constant 0 : index
    %get3A_3640 = arith.constant 0 : index
    %get3A_3641 = vector.load %arg0[%get3A_3637, %get3A_3638, %get3A_3639, %get3A_3640] : memref<32x4x128x128xi32, #tpu.memory_space<vmem>>, vector<1x1x128x128xi32>
    %get3A_3642 = vector.shape_cast %get3A_3641 : vector<1x1x128x128xi32> to vector<128x128xi32>
    %get3A_3643 = arith.constant 25 : index
    %get3A_3644 = arith.constant 2 : index
    %get3A_3645 = arith.constant 0 : index
    %get3A_3646 = arith.constant 0 : index
    %get3A_3647 = vector.load %arg0[%get3A_3643, %get3A_3644, %get3A_3645, %get3A_3646] : memref<32x4x128x128xi32, #tpu.memory_space<vmem>>, vector<1x1x128x128xi32>
    %get3A_3648 = vector.shape_cast %get3A_3647 : vector<1x1x128x128xi32> to vector<128x128xi32>
    %get3A_3649 = arith.constant 26 : index
    %get3A_3650 = arith.constant 3 : index
    %get3A_3651 = arith.constant 0 : index
    %get3A_3652 = arith.constant 0 : index
    %get3A_3653 = vector.load %arg0[%get3A_3649, %get3A_3650, %get3A_3651, %get3A_3652] : memref<32x4x128x128xi32, #tpu.memory_space<vmem>>, vector<1x1x128x128xi32>
    %get3A_3654 = vector.shape_cast %get3A_3653 : vector<1x1x128x128xi32> to vector<128x128xi32>
    %add3A_3655 = arith.addi %get3A_3642, %get3A_3654 : vector<128x128xi32>
    %get3A_3656 = arith.constant 26 : index
    %get3A_3657 = arith.constant 2 : index
    %get3A_3658 = arith.constant 0 : index
    %get3A_3659 = arith.constant 0 : index
    %get3A_3660 = vector.load %arg0[%get3A_3656, %get3A_3657, %get3A_3658, %get3A_3659] : memref<32x4x128x128xi32, #tpu.memory_space<vmem>>, vector<1x1x128x128xi32>
    %get3A_3661 = vector.shape_cast %get3A_3660 : vector<1x1x128x128xi32> to vector<128x128xi32>
    %add3A_3662 = arith.addi %get3A_3648, %get3A_3661 : vector<128x128xi32>
    %add3A_3663 = arith.addi %add3A_3662, %add3A_3655 : vector<128x128xi32>
    %convert_element_type3A_3664 = arith.sitofp %add3A_3655 : vector<128x128xi32> to vector<128x128xf32>
    %convert_element_type3A_3665 = arith.sitofp %add3A_3663 : vector<128x128xi32> to vector<128x128xf32>
    %reduce_sum3A_3666 = vector.shape_cast %convert_element_type3A_3664 : vector<128x128xf32> to vector<1x128x128xf32>
    %reduce_sum3A_3667 = arith.constant dense<0.000000e+00> : vector<1xf32>
    %reduce_sum3A_3668 = vector.multi_reduction <add>, %reduce_sum3A_3666, %reduce_sum3A_3667 [1, 2] : vector<1x128x128xf32> to vector<1xf32>
    %reduce_sum3A_3669 = vector.shape_cast %reduce_sum3A_3668 : vector<1xf32> to vector<1x1x1xf32>
    %reduce_sum3A_3670 = vector.extract %reduce_sum3A_3669[0, 0, 0] : f32 from vector<1x1x1xf32>
    %reduce_sum3A_3671 = vector.shape_cast %convert_element_type3A_3665 : vector<128x128xf32> to vector<1x128x128xf32>
    %reduce_sum3A_3672 = arith.constant dense<0.000000e+00> : vector<1xf32>
    %reduce_sum3A_3673 = vector.multi_reduction <add>, %reduce_sum3A_3671, %reduce_sum3A_3672 [1, 2] : vector<1x128x128xf32> to vector<1xf32>
    %reduce_sum3A_3674 = vector.shape_cast %reduce_sum3A_3673 : vector<1xf32> to vector<1x1x1xf32>
    %reduce_sum3A_3675 = vector.extract %reduce_sum3A_3674[0, 0, 0] : f32 from vector<1x1x1xf32>
    %shift_right_arithmetic3A_3676 = arith.constant 16 : i32
    %shift_right_arithmetic3A_3677 = vector.broadcast %shift_right_arithmetic3A_3676 : i32 to vector<128x128xi32>
    %shift_right_arithmetic3A_3678 = arith.shrsi %add3A_3663, %shift_right_arithmetic3A_3677 : vector<128x128xi32>
    %and3A_3679 = arith.constant 255 : i32
    %and3A_3680 = vector.broadcast %and3A_3679 : i32 to vector<128x128xi32>
    %and3A_3681 = arith.andi %shift_right_arithmetic3A_3678, %and3A_3680 : vector<128x128xi32>
    %convert_element_type3A_3682 = arith.sitofp %and3A_3681 : vector<128x128xi32> to vector<128x128xf32>
    %mul3A_3683 = arith.constant 6.553600e+04 : f32
    %mul3A_3684 = vector.broadcast %mul3A_3683 : f32 to vector<128x128xf32>
    %mul3A_3685 = arith.mulf %mul3A_3684, %convert_element_type3A_3682 : vector<128x128xf32>
    %dot_general3A_3686 = arith.constant dense<0.000000e+00> : vector<128x128xf32>
    %dot_general3A_3687 = tpu.matmul %mul3A_3685, %convert_element_type3A_1, %dot_general3A_3686 {dimension_numbers = #tpu.dot_dimension_numbers<[1], [0], [0], [1], [0, 0, 1, 1], [], []>, transpose_lhs_hint = false} : vector<128x128xf32>, vector<128x128xf32>, vector<128x128xf32> -> vector<128x128xf32>
    %shift_right_arithmetic3A_3688 = arith.constant 8 : i32
    %shift_right_arithmetic3A_3689 = vector.broadcast %shift_right_arithmetic3A_3688 : i32 to vector<128x128xi32>
    %shift_right_arithmetic3A_3690 = arith.shrsi %add3A_3663, %shift_right_arithmetic3A_3689 : vector<128x128xi32>
    %and3A_3691 = arith.constant 255 : i32
    %and3A_3692 = vector.broadcast %and3A_3691 : i32 to vector<128x128xi32>
    %and3A_3693 = arith.andi %shift_right_arithmetic3A_3690, %and3A_3692 : vector<128x128xi32>
    %convert_element_type3A_3694 = arith.sitofp %and3A_3693 : vector<128x128xi32> to vector<128x128xf32>
    %mul3A_3695 = arith.constant 2.560000e+02 : f32
    %mul3A_3696 = vector.broadcast %mul3A_3695 : f32 to vector<128x128xf32>
    %mul3A_3697 = arith.mulf %mul3A_3696, %convert_element_type3A_3694 : vector<128x128xf32>
    %dot_general3A_3698 = arith.constant dense<0.000000e+00> : vector<128x128xf32>
    %dot_general3A_3699 = tpu.matmul %mul3A_3697, %convert_element_type3A_1, %dot_general3A_3698 {dimension_numbers = #tpu.dot_dimension_numbers<[1], [0], [0], [1], [0, 0, 1, 1], [], []>, transpose_lhs_hint = false} : vector<128x128xf32>, vector<128x128xf32>, vector<128x128xf32> -> vector<128x128xf32>
    %add3A_3700 = arith.addf %dot_general3A_3687, %dot_general3A_3699 : vector<128x128xf32>
    %and3A_3701 = arith.constant 255 : i32
    %and3A_3702 = vector.broadcast %and3A_3701 : i32 to vector<128x128xi32>
    %and3A_3703 = arith.andi %add3A_3663, %and3A_3702 : vector<128x128xi32>
    %convert_element_type3A_3704 = arith.sitofp %and3A_3703 : vector<128x128xi32> to vector<128x128xf32>
    %dot_general3A_3705 = arith.constant dense<0.000000e+00> : vector<128x128xf32>
    %dot_general3A_3706 = tpu.matmul %convert_element_type3A_3704, %convert_element_type3A_1, %dot_general3A_3705 {dimension_numbers = #tpu.dot_dimension_numbers<[1], [0], [0], [1], [0, 0, 1, 1], [], []>, transpose_lhs_hint = false} : vector<128x128xf32>, vector<128x128xf32>, vector<128x128xf32> -> vector<128x128xf32>
    %add3A_3707 = arith.addf %add3A_3700, %dot_general3A_3706 : vector<128x128xf32>
    %slice3A_3708 = vector.extract_strided_slice %add3A_3707 {offsets = [0, 127], sizes = [128, 1], strides = [1, 1]} : vector<128x128xf32> to vector<128x1xf32>
    %convert_element_type3A_3709 = arith.fptosi %slice3A_3708 : vector<128x1xf32> to vector<128x1xi32>
    %shift_right_arithmetic3A_3710 = arith.constant 16 : i32
    %shift_right_arithmetic3A_3711 = vector.broadcast %shift_right_arithmetic3A_3710 : i32 to vector<128x1xi32>
    %shift_right_arithmetic3A_3712 = arith.shrsi %convert_element_type3A_3709, %shift_right_arithmetic3A_3711 : vector<128x1xi32>
    %and3A_3713 = arith.constant 255 : i32
    %and3A_3714 = vector.broadcast %and3A_3713 : i32 to vector<128x1xi32>
    %and3A_3715 = arith.andi %shift_right_arithmetic3A_3712, %and3A_3714 : vector<128x1xi32>
    %convert_element_type3A_3716 = arith.sitofp %and3A_3715 : vector<128x1xi32> to vector<128x1xf32>
    %mul3A_3717 = arith.constant 6.553600e+04 : f32
    %mul3A_3718 = vector.broadcast %mul3A_3717 : f32 to vector<128x1xf32>
    %mul3A_3719 = arith.mulf %mul3A_3718, %convert_element_type3A_3716 : vector<128x1xf32>
    %dot_general3A_3720 = arith.constant dense<0.000000e+00> : vector<128x1xf32>
    %dot_general3A_3721 = tpu.matmul %convert_element_type3A_3, %mul3A_3719, %dot_general3A_3720 {dimension_numbers = #tpu.dot_dimension_numbers<[1], [0], [0], [1], [0, 0, 1, 1], [], []>, transpose_lhs_hint = false} : vector<128x128xf32>, vector<128x1xf32>, vector<128x1xf32> -> vector<128x1xf32>
    %shift_right_arithmetic3A_3722 = arith.constant 8 : i32
    %shift_right_arithmetic3A_3723 = vector.broadcast %shift_right_arithmetic3A_3722 : i32 to vector<128x1xi32>
    %shift_right_arithmetic3A_3724 = arith.shrsi %convert_element_type3A_3709, %shift_right_arithmetic3A_3723 : vector<128x1xi32>
    %and3A_3725 = arith.constant 255 : i32
    %and3A_3726 = vector.broadcast %and3A_3725 : i32 to vector<128x1xi32>
    %and3A_3727 = arith.andi %shift_right_arithmetic3A_3724, %and3A_3726 : vector<128x1xi32>
    %convert_element_type3A_3728 = arith.sitofp %and3A_3727 : vector<128x1xi32> to vector<128x1xf32>
    %mul3A_3729 = arith.constant 2.560000e+02 : f32
    %mul3A_3730 = vector.broadcast %mul3A_3729 : f32 to vector<128x1xf32>
    %mul3A_3731 = arith.mulf %mul3A_3730, %convert_element_type3A_3728 : vector<128x1xf32>
    %dot_general3A_3732 = arith.constant dense<0.000000e+00> : vector<128x1xf32>
    %dot_general3A_3733 = tpu.matmul %convert_element_type3A_3, %mul3A_3731, %dot_general3A_3732 {dimension_numbers = #tpu.dot_dimension_numbers<[1], [0], [0], [1], [0, 0, 1, 1], [], []>, transpose_lhs_hint = false} : vector<128x128xf32>, vector<128x1xf32>, vector<128x1xf32> -> vector<128x1xf32>
    %add3A_3734 = arith.addf %dot_general3A_3721, %dot_general3A_3733 : vector<128x1xf32>
    %and3A_3735 = arith.constant 255 : i32
    %and3A_3736 = vector.broadcast %and3A_3735 : i32 to vector<128x1xi32>
    %and3A_3737 = arith.andi %convert_element_type3A_3709, %and3A_3736 : vector<128x1xi32>
    %convert_element_type3A_3738 = arith.sitofp %and3A_3737 : vector<128x1xi32> to vector<128x1xf32>
    %dot_general3A_3739 = arith.constant dense<0.000000e+00> : vector<128x1xf32>
    %dot_general3A_3740 = tpu.matmul %convert_element_type3A_3, %convert_element_type3A_3738, %dot_general3A_3739 {dimension_numbers = #tpu.dot_dimension_numbers<[1], [0], [0], [1], [0, 0, 1, 1], [], []>, transpose_lhs_hint = false} : vector<128x128xf32>, vector<128x1xf32>, vector<128x1xf32> -> vector<128x1xf32>
    %add3A_3741 = arith.addf %add3A_3734, %dot_general3A_3740 : vector<128x1xf32>
    %add3A_3742 = vector.broadcast %add3A_3741 : vector<128x1xf32> to vector<128x128xf32>
    %add3A_3743 = arith.addf %add3A_3707, %add3A_3742 : vector<128x128xf32>
    %shift_right_arithmetic3A_3744 = arith.constant 16 : i32
    %shift_right_arithmetic3A_3745 = vector.broadcast %shift_right_arithmetic3A_3744 : i32 to vector<128x128xi32>
    %shift_right_arithmetic3A_3746 = arith.shrsi %add3A_3655, %shift_right_arithmetic3A_3745 : vector<128x128xi32>
    %and3A_3747 = arith.constant 255 : i32
    %and3A_3748 = vector.broadcast %and3A_3747 : i32 to vector<128x128xi32>
    %and3A_3749 = arith.andi %shift_right_arithmetic3A_3746, %and3A_3748 : vector<128x128xi32>
    %convert_element_type3A_3750 = arith.sitofp %and3A_3749 : vector<128x128xi32> to vector<128x128xf32>
    %mul3A_3751 = arith.constant 6.553600e+04 : f32
    %mul3A_3752 = vector.broadcast %mul3A_3751 : f32 to vector<128x128xf32>
    %mul3A_3753 = arith.mulf %mul3A_3752, %convert_element_type3A_3750 : vector<128x128xf32>
    %dot_general3A_3754 = arith.constant dense<0.000000e+00> : vector<128x128xf32>
    %dot_general3A_3755 = tpu.matmul %mul3A_3753, %convert_element_type3A_1, %dot_general3A_3754 {dimension_numbers = #tpu.dot_dimension_numbers<[1], [0], [0], [1], [0, 0, 1, 1], [], []>, transpose_lhs_hint = false} : vector<128x128xf32>, vector<128x128xf32>, vector<128x128xf32> -> vector<128x128xf32>
    %shift_right_arithmetic3A_3756 = arith.constant 8 : i32
    %shift_right_arithmetic3A_3757 = vector.broadcast %shift_right_arithmetic3A_3756 : i32 to vector<128x128xi32>
    %shift_right_arithmetic3A_3758 = arith.shrsi %add3A_3655, %shift_right_arithmetic3A_3757 : vector<128x128xi32>
    %and3A_3759 = arith.constant 255 : i32
    %and3A_3760 = vector.broadcast %and3A_3759 : i32 to vector<128x128xi32>
    %and3A_3761 = arith.andi %shift_right_arithmetic3A_3758, %and3A_3760 : vector<128x128xi32>
    %convert_element_type3A_3762 = arith.sitofp %and3A_3761 : vector<128x128xi32> to vector<128x128xf32>
    %mul3A_3763 = arith.constant 2.560000e+02 : f32
    %mul3A_3764 = vector.broadcast %mul3A_3763 : f32 to vector<128x128xf32>
    %mul3A_3765 = arith.mulf %mul3A_3764, %convert_element_type3A_3762 : vector<128x128xf32>
    %dot_general3A_3766 = arith.constant dense<0.000000e+00> : vector<128x128xf32>
    %dot_general3A_3767 = tpu.matmul %mul3A_3765, %convert_element_type3A_1, %dot_general3A_3766 {dimension_numbers = #tpu.dot_dimension_numbers<[1], [0], [0], [1], [0, 0, 1, 1], [], []>, transpose_lhs_hint = false} : vector<128x128xf32>, vector<128x128xf32>, vector<128x128xf32> -> vector<128x128xf32>
    %add3A_3768 = arith.addf %dot_general3A_3755, %dot_general3A_3767 : vector<128x128xf32>
    %and3A_3769 = arith.constant 255 : i32
    %and3A_3770 = vector.broadcast %and3A_3769 : i32 to vector<128x128xi32>
    %and3A_3771 = arith.andi %add3A_3655, %and3A_3770 : vector<128x128xi32>
    %convert_element_type3A_3772 = arith.sitofp %and3A_3771 : vector<128x128xi32> to vector<128x128xf32>
    %dot_general3A_3773 = arith.constant dense<0.000000e+00> : vector<128x128xf32>
    %dot_general3A_3774 = tpu.matmul %convert_element_type3A_3772, %convert_element_type3A_1, %dot_general3A_3773 {dimension_numbers = #tpu.dot_dimension_numbers<[1], [0], [0], [1], [0, 0, 1, 1], [], []>, transpose_lhs_hint = false} : vector<128x128xf32>, vector<128x128xf32>, vector<128x128xf32> -> vector<128x128xf32>
    %add3A_3775 = arith.addf %add3A_3768, %dot_general3A_3774 : vector<128x128xf32>
    %slice3A_3776 = vector.extract_strided_slice %add3A_3775 {offsets = [0, 127], sizes = [128, 1], strides = [1, 1]} : vector<128x128xf32> to vector<128x1xf32>
    %convert_element_type3A_3777 = arith.fptosi %slice3A_3776 : vector<128x1xf32> to vector<128x1xi32>
    %shift_right_arithmetic3A_3778 = arith.constant 16 : i32
    %shift_right_arithmetic3A_3779 = vector.broadcast %shift_right_arithmetic3A_3778 : i32 to vector<128x1xi32>
    %shift_right_arithmetic3A_3780 = arith.shrsi %convert_element_type3A_3777, %shift_right_arithmetic3A_3779 : vector<128x1xi32>
    %and3A_3781 = arith.constant 255 : i32
    %and3A_3782 = vector.broadcast %and3A_3781 : i32 to vector<128x1xi32>
    %and3A_3783 = arith.andi %shift_right_arithmetic3A_3780, %and3A_3782 : vector<128x1xi32>
    %convert_element_type3A_3784 = arith.sitofp %and3A_3783 : vector<128x1xi32> to vector<128x1xf32>
    %mul3A_3785 = arith.constant 6.553600e+04 : f32
    %mul3A_3786 = vector.broadcast %mul3A_3785 : f32 to vector<128x1xf32>
    %mul3A_3787 = arith.mulf %mul3A_3786, %convert_element_type3A_3784 : vector<128x1xf32>
    %dot_general3A_3788 = arith.constant dense<0.000000e+00> : vector<128x1xf32>
    %dot_general3A_3789 = tpu.matmul %convert_element_type3A_3, %mul3A_3787, %dot_general3A_3788 {dimension_numbers = #tpu.dot_dimension_numbers<[1], [0], [0], [1], [0, 0, 1, 1], [], []>, transpose_lhs_hint = false} : vector<128x128xf32>, vector<128x1xf32>, vector<128x1xf32> -> vector<128x1xf32>
    %shift_right_arithmetic3A_3790 = arith.constant 8 : i32
    %shift_right_arithmetic3A_3791 = vector.broadcast %shift_right_arithmetic3A_3790 : i32 to vector<128x1xi32>
    %shift_right_arithmetic3A_3792 = arith.shrsi %convert_element_type3A_3777, %shift_right_arithmetic3A_3791 : vector<128x1xi32>
    %and3A_3793 = arith.constant 255 : i32
    %and3A_3794 = vector.broadcast %and3A_3793 : i32 to vector<128x1xi32>
    %and3A_3795 = arith.andi %shift_right_arithmetic3A_3792, %and3A_3794 : vector<128x1xi32>
    %convert_element_type3A_3796 = arith.sitofp %and3A_3795 : vector<128x1xi32> to vector<128x1xf32>
    %mul3A_3797 = arith.constant 2.560000e+02 : f32
    %mul3A_3798 = vector.broadcast %mul3A_3797 : f32 to vector<128x1xf32>
    %mul3A_3799 = arith.mulf %mul3A_3798, %convert_element_type3A_3796 : vector<128x1xf32>
    %dot_general3A_3800 = arith.constant dense<0.000000e+00> : vector<128x1xf32>
    %dot_general3A_3801 = tpu.matmul %convert_element_type3A_3, %mul3A_3799, %dot_general3A_3800 {dimension_numbers = #tpu.dot_dimension_numbers<[1], [0], [0], [1], [0, 0, 1, 1], [], []>, transpose_lhs_hint = false} : vector<128x128xf32>, vector<128x1xf32>, vector<128x1xf32> -> vector<128x1xf32>
    %add3A_3802 = arith.addf %dot_general3A_3789, %dot_general3A_3801 : vector<128x1xf32>
    %and3A_3803 = arith.constant 255 : i32
    %and3A_3804 = vector.broadcast %and3A_3803 : i32 to vector<128x1xi32>
    %and3A_3805 = arith.andi %convert_element_type3A_3777, %and3A_3804 : vector<128x1xi32>
    %convert_element_type3A_3806 = arith.sitofp %and3A_3805 : vector<128x1xi32> to vector<128x1xf32>
    %dot_general3A_3807 = arith.constant dense<0.000000e+00> : vector<128x1xf32>
    %dot_general3A_3808 = tpu.matmul %convert_element_type3A_3, %convert_element_type3A_3806, %dot_general3A_3807 {dimension_numbers = #tpu.dot_dimension_numbers<[1], [0], [0], [1], [0, 0, 1, 1], [], []>, transpose_lhs_hint = false} : vector<128x128xf32>, vector<128x1xf32>, vector<128x1xf32> -> vector<128x1xf32>
    %add3A_3809 = arith.addf %add3A_3802, %dot_general3A_3808 : vector<128x1xf32>
    %add3A_3810 = vector.broadcast %add3A_3809 : vector<128x1xf32> to vector<128x128xf32>
    %add3A_3811 = arith.addf %add3A_3775, %add3A_3810 : vector<128x128xf32>
    %sub3A_3812 = vector.broadcast %reduce_sum3A_3675 : f32 to vector<128x128xf32>
    %sub3A_3813 = arith.subf %sub3A_3812, %add3A_3743 : vector<128x128xf32>
    %add3A_3814 = arith.addf %sub3A_3813, %convert_element_type3A_3665 : vector<128x128xf32>
    %sub3A_3815 = vector.broadcast %reduce_sum3A_3670 : f32 to vector<128x128xf32>
    %sub3A_3816 = arith.subf %sub3A_3815, %add3A_3811 : vector<128x128xf32>
    %add3A_3817 = arith.addf %sub3A_3816, %convert_element_type3A_3664 : vector<128x128xf32>
    %sub3A_3818 = arith.subf %add3A_3814, %convert_element_type3A_3665 : vector<128x128xf32>
    %sub3A_3819 = arith.subf %add3A_3817, %convert_element_type3A_3664 : vector<128x128xf32>
    %add3A_3820 = vector.broadcast %reduce_sum3A_3670 : f32 to vector<128x128xf32>
    %add3A_3821 = arith.addf %add3A_3820, %add3A_3814 : vector<128x128xf32>
    %sub3A_3822 = arith.subf %add3A_3821, %add3A_3817 : vector<128x128xf32>
    %max3A_3823 = arith.constant 1.000000e+00 : f32
    %max3A_3824 = vector.broadcast %max3A_3823 : f32 to vector<128x128xf32>
    %max3A_3825 = arith.maximumf %sub3A_3822, %max3A_3824 : vector<128x128xf32>
    %gt3A_3826 = arith.constant 0.000000e+00 : f32
    %gt3A_3827 = vector.broadcast %gt3A_3826 : f32 to vector<128x128xf32>
    %gt3A_3828 = arith.cmpf ogt, %add3A_3814, %gt3A_3827 : vector<128x128xf32>
    %sub3A_3829 = vector.broadcast %reduce_sum3A_3670 : f32 to vector<128x128xf32>
    %sub3A_3830 = arith.subf %sub3A_3829, %add3A_3817 : vector<128x128xf32>
    %div3A_3831 = arith.divf %sub3A_3830, %max3A_3825 : vector<128x128xf32>
    %sub3A_3832 = arith.constant 1.000000e+00 : f32
    %sub3A_3833 = vector.broadcast %sub3A_3832 : f32 to vector<128x128xf32>
    %sub3A_3834 = arith.subf %sub3A_3833, %div3A_3831 : vector<128x128xf32>
    %jit3A_3835 = arith.constant 0.000000e+00 : f32
    %broadcast_in_dim3A_3836 = vector.broadcast %jit3A_3835 : f32 to vector<128x128xf32>
    %select_n3A_3837 = arith.select %gt3A_3828, %sub3A_3834, %broadcast_in_dim3A_3836 : vector<128x128xi1>, vector<128x128xf32>
    %add3A_3838 = vector.broadcast %reduce_sum3A_3670 : f32 to vector<128x128xf32>
    %add3A_3839 = arith.addf %add3A_3838, %sub3A_3818 : vector<128x128xf32>
    %sub3A_3840 = arith.subf %add3A_3839, %sub3A_3819 : vector<128x128xf32>
    %max3A_3841 = arith.constant 1.000000e+00 : f32
    %max3A_3842 = vector.broadcast %max3A_3841 : f32 to vector<128x128xf32>
    %max3A_3843 = arith.maximumf %sub3A_3840, %max3A_3842 : vector<128x128xf32>
    %gt3A_3844 = arith.constant 0.000000e+00 : f32
    %gt3A_3845 = vector.broadcast %gt3A_3844 : f32 to vector<128x128xf32>
    %gt3A_3846 = arith.cmpf ogt, %sub3A_3818, %gt3A_3845 : vector<128x128xf32>
    %sub3A_3847 = vector.broadcast %reduce_sum3A_3670 : f32 to vector<128x128xf32>
    %sub3A_3848 = arith.subf %sub3A_3847, %sub3A_3819 : vector<128x128xf32>
    %div3A_3849 = arith.divf %sub3A_3848, %max3A_3843 : vector<128x128xf32>
    %sub3A_3850 = arith.constant 1.000000e+00 : f32
    %sub3A_3851 = vector.broadcast %sub3A_3850 : f32 to vector<128x128xf32>
    %sub3A_3852 = arith.subf %sub3A_3851, %div3A_3849 : vector<128x128xf32>
    %jit3A_3853 = arith.constant 0.000000e+00 : f32
    %broadcast_in_dim3A_3854 = vector.broadcast %jit3A_3853 : f32 to vector<128x128xf32>
    %select_n3A_3855 = arith.select %gt3A_3846, %sub3A_3852, %broadcast_in_dim3A_3854 : vector<128x128xi1>, vector<128x128xf32>
    %sub3A_3856 = arith.subf %select_n3A_3837, %select_n3A_3855 : vector<128x128xf32>
    %mul3A_3857 = arith.mulf %mul3A_12, %sub3A_3856 : vector<128x128xf32>
    %reduce_sum3A_3858 = vector.shape_cast %mul3A_3857 : vector<128x128xf32> to vector<1x128x128xf32>
    %reduce_sum3A_3859 = arith.constant dense<0.000000e+00> : vector<1xf32>
    %reduce_sum3A_3860 = vector.multi_reduction <add>, %reduce_sum3A_3858, %reduce_sum3A_3859 [1, 2] : vector<1x128x128xf32> to vector<1xf32>
    %reduce_sum3A_3861 = vector.shape_cast %reduce_sum3A_3860 : vector<1xf32> to vector<1x1x1xf32>
    %reduce_sum3A_3862 = vector.extract %reduce_sum3A_3861[0, 0, 0] : f32 from vector<1x1x1xf32>
    %gt3A_3863 = arith.constant 0.000000e+00 : f32
    %gt3A_3864 = arith.cmpf ogt, %reduce_sum3A_3670, %gt3A_3863 : f32
    %convert_element_type3A_3865 = arith.extui %gt3A_3864 : i1 to i32
    %convert_element_type3A_3866 = arith.sitofp %convert_element_type3A_3865 : i32 to f32
    %mul3A_3867 = arith.mulf %reduce_sum3A_3862, %convert_element_type3A_3866 : f32
    %add3A_3868 = arith.addf %add3A_3635, %mul3A_3867 : f32
    %add3A_3869 = arith.addf %add3A_3636, %convert_element_type3A_3866 : f32
    %get3A_3870 = arith.constant 26 : index
    %get3A_3871 = arith.constant 1 : index
    %get3A_3872 = arith.constant 0 : index
    %get3A_3873 = arith.constant 0 : index
    %get3A_3874 = vector.load %arg0[%get3A_3870, %get3A_3871, %get3A_3872, %get3A_3873] : memref<32x4x128x128xi32, #tpu.memory_space<vmem>>, vector<1x1x128x128xi32>
    %get3A_3875 = vector.shape_cast %get3A_3874 : vector<1x1x128x128xi32> to vector<128x128xi32>
    %get3A_3876 = arith.constant 26 : index
    %get3A_3877 = arith.constant 0 : index
    %get3A_3878 = arith.constant 0 : index
    %get3A_3879 = arith.constant 0 : index
    %get3A_3880 = vector.load %arg0[%get3A_3876, %get3A_3877, %get3A_3878, %get3A_3879] : memref<32x4x128x128xi32, #tpu.memory_space<vmem>>, vector<1x1x128x128xi32>
    %get3A_3881 = vector.shape_cast %get3A_3880 : vector<1x1x128x128xi32> to vector<128x128xi32>
    %get3A_3882 = arith.constant 27 : index
    %get3A_3883 = arith.constant 1 : index
    %get3A_3884 = arith.constant 0 : index
    %get3A_3885 = arith.constant 0 : index
    %get3A_3886 = vector.load %arg0[%get3A_3882, %get3A_3883, %get3A_3884, %get3A_3885] : memref<32x4x128x128xi32, #tpu.memory_space<vmem>>, vector<1x1x128x128xi32>
    %get3A_3887 = vector.shape_cast %get3A_3886 : vector<1x1x128x128xi32> to vector<128x128xi32>
    %add3A_3888 = arith.addi %get3A_3875, %get3A_3887 : vector<128x128xi32>
    %get3A_3889 = arith.constant 27 : index
    %get3A_3890 = arith.constant 0 : index
    %get3A_3891 = arith.constant 0 : index
    %get3A_3892 = arith.constant 0 : index
    %get3A_3893 = vector.load %arg0[%get3A_3889, %get3A_3890, %get3A_3891, %get3A_3892] : memref<32x4x128x128xi32, #tpu.memory_space<vmem>>, vector<1x1x128x128xi32>
    %get3A_3894 = vector.shape_cast %get3A_3893 : vector<1x1x128x128xi32> to vector<128x128xi32>
    %add3A_3895 = arith.addi %get3A_3881, %get3A_3894 : vector<128x128xi32>
    %get3A_3896 = arith.constant 28 : index
    %get3A_3897 = arith.constant 1 : index
    %get3A_3898 = arith.constant 0 : index
    %get3A_3899 = arith.constant 0 : index
    %get3A_3900 = vector.load %arg0[%get3A_3896, %get3A_3897, %get3A_3898, %get3A_3899] : memref<32x4x128x128xi32, #tpu.memory_space<vmem>>, vector<1x1x128x128xi32>
    %get3A_3901 = vector.shape_cast %get3A_3900 : vector<1x1x128x128xi32> to vector<128x128xi32>
    %add3A_3902 = arith.addi %add3A_3888, %get3A_3901 : vector<128x128xi32>
    %get3A_3903 = arith.constant 28 : index
    %get3A_3904 = arith.constant 0 : index
    %get3A_3905 = arith.constant 0 : index
    %get3A_3906 = arith.constant 0 : index
    %get3A_3907 = vector.load %arg0[%get3A_3903, %get3A_3904, %get3A_3905, %get3A_3906] : memref<32x4x128x128xi32, #tpu.memory_space<vmem>>, vector<1x1x128x128xi32>
    %get3A_3908 = vector.shape_cast %get3A_3907 : vector<1x1x128x128xi32> to vector<128x128xi32>
    %add3A_3909 = arith.addi %add3A_3895, %get3A_3908 : vector<128x128xi32>
    %add3A_3910 = arith.addi %add3A_3909, %add3A_3902 : vector<128x128xi32>
    %convert_element_type3A_3911 = arith.sitofp %add3A_3902 : vector<128x128xi32> to vector<128x128xf32>
    %convert_element_type3A_3912 = arith.sitofp %add3A_3910 : vector<128x128xi32> to vector<128x128xf32>
    %reduce_sum3A_3913 = vector.shape_cast %convert_element_type3A_3911 : vector<128x128xf32> to vector<1x128x128xf32>
    %reduce_sum3A_3914 = arith.constant dense<0.000000e+00> : vector<1xf32>
    %reduce_sum3A_3915 = vector.multi_reduction <add>, %reduce_sum3A_3913, %reduce_sum3A_3914 [1, 2] : vector<1x128x128xf32> to vector<1xf32>
    %reduce_sum3A_3916 = vector.shape_cast %reduce_sum3A_3915 : vector<1xf32> to vector<1x1x1xf32>
    %reduce_sum3A_3917 = vector.extract %reduce_sum3A_3916[0, 0, 0] : f32 from vector<1x1x1xf32>
    %reduce_sum3A_3918 = vector.shape_cast %convert_element_type3A_3912 : vector<128x128xf32> to vector<1x128x128xf32>
    %reduce_sum3A_3919 = arith.constant dense<0.000000e+00> : vector<1xf32>
    %reduce_sum3A_3920 = vector.multi_reduction <add>, %reduce_sum3A_3918, %reduce_sum3A_3919 [1, 2] : vector<1x128x128xf32> to vector<1xf32>
    %reduce_sum3A_3921 = vector.shape_cast %reduce_sum3A_3920 : vector<1xf32> to vector<1x1x1xf32>
    %reduce_sum3A_3922 = vector.extract %reduce_sum3A_3921[0, 0, 0] : f32 from vector<1x1x1xf32>
    %shift_right_arithmetic3A_3923 = arith.constant 16 : i32
    %shift_right_arithmetic3A_3924 = vector.broadcast %shift_right_arithmetic3A_3923 : i32 to vector<128x128xi32>
    %shift_right_arithmetic3A_3925 = arith.shrsi %add3A_3910, %shift_right_arithmetic3A_3924 : vector<128x128xi32>
    %and3A_3926 = arith.constant 255 : i32
    %and3A_3927 = vector.broadcast %and3A_3926 : i32 to vector<128x128xi32>
    %and3A_3928 = arith.andi %shift_right_arithmetic3A_3925, %and3A_3927 : vector<128x128xi32>
    %convert_element_type3A_3929 = arith.sitofp %and3A_3928 : vector<128x128xi32> to vector<128x128xf32>
    %mul3A_3930 = arith.constant 6.553600e+04 : f32
    %mul3A_3931 = vector.broadcast %mul3A_3930 : f32 to vector<128x128xf32>
    %mul3A_3932 = arith.mulf %mul3A_3931, %convert_element_type3A_3929 : vector<128x128xf32>
    %dot_general3A_3933 = arith.constant dense<0.000000e+00> : vector<128x128xf32>
    %dot_general3A_3934 = tpu.matmul %mul3A_3932, %convert_element_type3A_1, %dot_general3A_3933 {dimension_numbers = #tpu.dot_dimension_numbers<[1], [0], [0], [1], [0, 0, 1, 1], [], []>, transpose_lhs_hint = false} : vector<128x128xf32>, vector<128x128xf32>, vector<128x128xf32> -> vector<128x128xf32>
    %shift_right_arithmetic3A_3935 = arith.constant 8 : i32
    %shift_right_arithmetic3A_3936 = vector.broadcast %shift_right_arithmetic3A_3935 : i32 to vector<128x128xi32>
    %shift_right_arithmetic3A_3937 = arith.shrsi %add3A_3910, %shift_right_arithmetic3A_3936 : vector<128x128xi32>
    %and3A_3938 = arith.constant 255 : i32
    %and3A_3939 = vector.broadcast %and3A_3938 : i32 to vector<128x128xi32>
    %and3A_3940 = arith.andi %shift_right_arithmetic3A_3937, %and3A_3939 : vector<128x128xi32>
    %convert_element_type3A_3941 = arith.sitofp %and3A_3940 : vector<128x128xi32> to vector<128x128xf32>
    %mul3A_3942 = arith.constant 2.560000e+02 : f32
    %mul3A_3943 = vector.broadcast %mul3A_3942 : f32 to vector<128x128xf32>
    %mul3A_3944 = arith.mulf %mul3A_3943, %convert_element_type3A_3941 : vector<128x128xf32>
    %dot_general3A_3945 = arith.constant dense<0.000000e+00> : vector<128x128xf32>
    %dot_general3A_3946 = tpu.matmul %mul3A_3944, %convert_element_type3A_1, %dot_general3A_3945 {dimension_numbers = #tpu.dot_dimension_numbers<[1], [0], [0], [1], [0, 0, 1, 1], [], []>, transpose_lhs_hint = false} : vector<128x128xf32>, vector<128x128xf32>, vector<128x128xf32> -> vector<128x128xf32>
    %add3A_3947 = arith.addf %dot_general3A_3934, %dot_general3A_3946 : vector<128x128xf32>
    %and3A_3948 = arith.constant 255 : i32
    %and3A_3949 = vector.broadcast %and3A_3948 : i32 to vector<128x128xi32>
    %and3A_3950 = arith.andi %add3A_3910, %and3A_3949 : vector<128x128xi32>
    %convert_element_type3A_3951 = arith.sitofp %and3A_3950 : vector<128x128xi32> to vector<128x128xf32>
    %dot_general3A_3952 = arith.constant dense<0.000000e+00> : vector<128x128xf32>
    %dot_general3A_3953 = tpu.matmul %convert_element_type3A_3951, %convert_element_type3A_1, %dot_general3A_3952 {dimension_numbers = #tpu.dot_dimension_numbers<[1], [0], [0], [1], [0, 0, 1, 1], [], []>, transpose_lhs_hint = false} : vector<128x128xf32>, vector<128x128xf32>, vector<128x128xf32> -> vector<128x128xf32>
    %add3A_3954 = arith.addf %add3A_3947, %dot_general3A_3953 : vector<128x128xf32>
    %slice3A_3955 = vector.extract_strided_slice %add3A_3954 {offsets = [0, 127], sizes = [128, 1], strides = [1, 1]} : vector<128x128xf32> to vector<128x1xf32>
    %convert_element_type3A_3956 = arith.fptosi %slice3A_3955 : vector<128x1xf32> to vector<128x1xi32>
    %shift_right_arithmetic3A_3957 = arith.constant 16 : i32
    %shift_right_arithmetic3A_3958 = vector.broadcast %shift_right_arithmetic3A_3957 : i32 to vector<128x1xi32>
    %shift_right_arithmetic3A_3959 = arith.shrsi %convert_element_type3A_3956, %shift_right_arithmetic3A_3958 : vector<128x1xi32>
    %and3A_3960 = arith.constant 255 : i32
    %and3A_3961 = vector.broadcast %and3A_3960 : i32 to vector<128x1xi32>
    %and3A_3962 = arith.andi %shift_right_arithmetic3A_3959, %and3A_3961 : vector<128x1xi32>
    %convert_element_type3A_3963 = arith.sitofp %and3A_3962 : vector<128x1xi32> to vector<128x1xf32>
    %mul3A_3964 = arith.constant 6.553600e+04 : f32
    %mul3A_3965 = vector.broadcast %mul3A_3964 : f32 to vector<128x1xf32>
    %mul3A_3966 = arith.mulf %mul3A_3965, %convert_element_type3A_3963 : vector<128x1xf32>
    %dot_general3A_3967 = arith.constant dense<0.000000e+00> : vector<128x1xf32>
    %dot_general3A_3968 = tpu.matmul %convert_element_type3A_3, %mul3A_3966, %dot_general3A_3967 {dimension_numbers = #tpu.dot_dimension_numbers<[1], [0], [0], [1], [0, 0, 1, 1], [], []>, transpose_lhs_hint = false} : vector<128x128xf32>, vector<128x1xf32>, vector<128x1xf32> -> vector<128x1xf32>
    %shift_right_arithmetic3A_3969 = arith.constant 8 : i32
    %shift_right_arithmetic3A_3970 = vector.broadcast %shift_right_arithmetic3A_3969 : i32 to vector<128x1xi32>
    %shift_right_arithmetic3A_3971 = arith.shrsi %convert_element_type3A_3956, %shift_right_arithmetic3A_3970 : vector<128x1xi32>
    %and3A_3972 = arith.constant 255 : i32
    %and3A_3973 = vector.broadcast %and3A_3972 : i32 to vector<128x1xi32>
    %and3A_3974 = arith.andi %shift_right_arithmetic3A_3971, %and3A_3973 : vector<128x1xi32>
    %convert_element_type3A_3975 = arith.sitofp %and3A_3974 : vector<128x1xi32> to vector<128x1xf32>
    %mul3A_3976 = arith.constant 2.560000e+02 : f32
    %mul3A_3977 = vector.broadcast %mul3A_3976 : f32 to vector<128x1xf32>
    %mul3A_3978 = arith.mulf %mul3A_3977, %convert_element_type3A_3975 : vector<128x1xf32>
    %dot_general3A_3979 = arith.constant dense<0.000000e+00> : vector<128x1xf32>
    %dot_general3A_3980 = tpu.matmul %convert_element_type3A_3, %mul3A_3978, %dot_general3A_3979 {dimension_numbers = #tpu.dot_dimension_numbers<[1], [0], [0], [1], [0, 0, 1, 1], [], []>, transpose_lhs_hint = false} : vector<128x128xf32>, vector<128x1xf32>, vector<128x1xf32> -> vector<128x1xf32>
    %add3A_3981 = arith.addf %dot_general3A_3968, %dot_general3A_3980 : vector<128x1xf32>
    %and3A_3982 = arith.constant 255 : i32
    %and3A_3983 = vector.broadcast %and3A_3982 : i32 to vector<128x1xi32>
    %and3A_3984 = arith.andi %convert_element_type3A_3956, %and3A_3983 : vector<128x1xi32>
    %convert_element_type3A_3985 = arith.sitofp %and3A_3984 : vector<128x1xi32> to vector<128x1xf32>
    %dot_general3A_3986 = arith.constant dense<0.000000e+00> : vector<128x1xf32>
    %dot_general3A_3987 = tpu.matmul %convert_element_type3A_3, %convert_element_type3A_3985, %dot_general3A_3986 {dimension_numbers = #tpu.dot_dimension_numbers<[1], [0], [0], [1], [0, 0, 1, 1], [], []>, transpose_lhs_hint = false} : vector<128x128xf32>, vector<128x1xf32>, vector<128x1xf32> -> vector<128x1xf32>
    %add3A_3988 = arith.addf %add3A_3981, %dot_general3A_3987 : vector<128x1xf32>
    %add3A_3989 = vector.broadcast %add3A_3988 : vector<128x1xf32> to vector<128x128xf32>
    %add3A_3990 = arith.addf %add3A_3954, %add3A_3989 : vector<128x128xf32>
    %shift_right_arithmetic3A_3991 = arith.constant 16 : i32
    %shift_right_arithmetic3A_3992 = vector.broadcast %shift_right_arithmetic3A_3991 : i32 to vector<128x128xi32>
    %shift_right_arithmetic3A_3993 = arith.shrsi %add3A_3902, %shift_right_arithmetic3A_3992 : vector<128x128xi32>
    %and3A_3994 = arith.constant 255 : i32
    %and3A_3995 = vector.broadcast %and3A_3994 : i32 to vector<128x128xi32>
    %and3A_3996 = arith.andi %shift_right_arithmetic3A_3993, %and3A_3995 : vector<128x128xi32>
    %convert_element_type3A_3997 = arith.sitofp %and3A_3996 : vector<128x128xi32> to vector<128x128xf32>
    %mul3A_3998 = arith.constant 6.553600e+04 : f32
    %mul3A_3999 = vector.broadcast %mul3A_3998 : f32 to vector<128x128xf32>
    %mul3A_4000 = arith.mulf %mul3A_3999, %convert_element_type3A_3997 : vector<128x128xf32>
    %dot_general3A_4001 = arith.constant dense<0.000000e+00> : vector<128x128xf32>
    %dot_general3A_4002 = tpu.matmul %mul3A_4000, %convert_element_type3A_1, %dot_general3A_4001 {dimension_numbers = #tpu.dot_dimension_numbers<[1], [0], [0], [1], [0, 0, 1, 1], [], []>, transpose_lhs_hint = false} : vector<128x128xf32>, vector<128x128xf32>, vector<128x128xf32> -> vector<128x128xf32>
    %shift_right_arithmetic3A_4003 = arith.constant 8 : i32
    %shift_right_arithmetic3A_4004 = vector.broadcast %shift_right_arithmetic3A_4003 : i32 to vector<128x128xi32>
    %shift_right_arithmetic3A_4005 = arith.shrsi %add3A_3902, %shift_right_arithmetic3A_4004 : vector<128x128xi32>
    %and3A_4006 = arith.constant 255 : i32
    %and3A_4007 = vector.broadcast %and3A_4006 : i32 to vector<128x128xi32>
    %and3A_4008 = arith.andi %shift_right_arithmetic3A_4005, %and3A_4007 : vector<128x128xi32>
    %convert_element_type3A_4009 = arith.sitofp %and3A_4008 : vector<128x128xi32> to vector<128x128xf32>
    %mul3A_4010 = arith.constant 2.560000e+02 : f32
    %mul3A_4011 = vector.broadcast %mul3A_4010 : f32 to vector<128x128xf32>
    %mul3A_4012 = arith.mulf %mul3A_4011, %convert_element_type3A_4009 : vector<128x128xf32>
    %dot_general3A_4013 = arith.constant dense<0.000000e+00> : vector<128x128xf32>
    %dot_general3A_4014 = tpu.matmul %mul3A_4012, %convert_element_type3A_1, %dot_general3A_4013 {dimension_numbers = #tpu.dot_dimension_numbers<[1], [0], [0], [1], [0, 0, 1, 1], [], []>, transpose_lhs_hint = false} : vector<128x128xf32>, vector<128x128xf32>, vector<128x128xf32> -> vector<128x128xf32>
    %add3A_4015 = arith.addf %dot_general3A_4002, %dot_general3A_4014 : vector<128x128xf32>
    %and3A_4016 = arith.constant 255 : i32
    %and3A_4017 = vector.broadcast %and3A_4016 : i32 to vector<128x128xi32>
    %and3A_4018 = arith.andi %add3A_3902, %and3A_4017 : vector<128x128xi32>
    %convert_element_type3A_4019 = arith.sitofp %and3A_4018 : vector<128x128xi32> to vector<128x128xf32>
    %dot_general3A_4020 = arith.constant dense<0.000000e+00> : vector<128x128xf32>
    %dot_general3A_4021 = tpu.matmul %convert_element_type3A_4019, %convert_element_type3A_1, %dot_general3A_4020 {dimension_numbers = #tpu.dot_dimension_numbers<[1], [0], [0], [1], [0, 0, 1, 1], [], []>, transpose_lhs_hint = false} : vector<128x128xf32>, vector<128x128xf32>, vector<128x128xf32> -> vector<128x128xf32>
    %add3A_4022 = arith.addf %add3A_4015, %dot_general3A_4021 : vector<128x128xf32>
    %slice3A_4023 = vector.extract_strided_slice %add3A_4022 {offsets = [0, 127], sizes = [128, 1], strides = [1, 1]} : vector<128x128xf32> to vector<128x1xf32>
    %convert_element_type3A_4024 = arith.fptosi %slice3A_4023 : vector<128x1xf32> to vector<128x1xi32>
    %shift_right_arithmetic3A_4025 = arith.constant 16 : i32
    %shift_right_arithmetic3A_4026 = vector.broadcast %shift_right_arithmetic3A_4025 : i32 to vector<128x1xi32>
    %shift_right_arithmetic3A_4027 = arith.shrsi %convert_element_type3A_4024, %shift_right_arithmetic3A_4026 : vector<128x1xi32>
    %and3A_4028 = arith.constant 255 : i32
    %and3A_4029 = vector.broadcast %and3A_4028 : i32 to vector<128x1xi32>
    %and3A_4030 = arith.andi %shift_right_arithmetic3A_4027, %and3A_4029 : vector<128x1xi32>
    %convert_element_type3A_4031 = arith.sitofp %and3A_4030 : vector<128x1xi32> to vector<128x1xf32>
    %mul3A_4032 = arith.constant 6.553600e+04 : f32
    %mul3A_4033 = vector.broadcast %mul3A_4032 : f32 to vector<128x1xf32>
    %mul3A_4034 = arith.mulf %mul3A_4033, %convert_element_type3A_4031 : vector<128x1xf32>
    %dot_general3A_4035 = arith.constant dense<0.000000e+00> : vector<128x1xf32>
    %dot_general3A_4036 = tpu.matmul %convert_element_type3A_3, %mul3A_4034, %dot_general3A_4035 {dimension_numbers = #tpu.dot_dimension_numbers<[1], [0], [0], [1], [0, 0, 1, 1], [], []>, transpose_lhs_hint = false} : vector<128x128xf32>, vector<128x1xf32>, vector<128x1xf32> -> vector<128x1xf32>
    %shift_right_arithmetic3A_4037 = arith.constant 8 : i32
    %shift_right_arithmetic3A_4038 = vector.broadcast %shift_right_arithmetic3A_4037 : i32 to vector<128x1xi32>
    %shift_right_arithmetic3A_4039 = arith.shrsi %convert_element_type3A_4024, %shift_right_arithmetic3A_4038 : vector<128x1xi32>
    %and3A_4040 = arith.constant 255 : i32
    %and3A_4041 = vector.broadcast %and3A_4040 : i32 to vector<128x1xi32>
    %and3A_4042 = arith.andi %shift_right_arithmetic3A_4039, %and3A_4041 : vector<128x1xi32>
    %convert_element_type3A_4043 = arith.sitofp %and3A_4042 : vector<128x1xi32> to vector<128x1xf32>
    %mul3A_4044 = arith.constant 2.560000e+02 : f32
    %mul3A_4045 = vector.broadcast %mul3A_4044 : f32 to vector<128x1xf32>
    %mul3A_4046 = arith.mulf %mul3A_4045, %convert_element_type3A_4043 : vector<128x1xf32>
    %dot_general3A_4047 = arith.constant dense<0.000000e+00> : vector<128x1xf32>
    %dot_general3A_4048 = tpu.matmul %convert_element_type3A_3, %mul3A_4046, %dot_general3A_4047 {dimension_numbers = #tpu.dot_dimension_numbers<[1], [0], [0], [1], [0, 0, 1, 1], [], []>, transpose_lhs_hint = false} : vector<128x128xf32>, vector<128x1xf32>, vector<128x1xf32> -> vector<128x1xf32>
    %add3A_4049 = arith.addf %dot_general3A_4036, %dot_general3A_4048 : vector<128x1xf32>
    %and3A_4050 = arith.constant 255 : i32
    %and3A_4051 = vector.broadcast %and3A_4050 : i32 to vector<128x1xi32>
    %and3A_4052 = arith.andi %convert_element_type3A_4024, %and3A_4051 : vector<128x1xi32>
    %convert_element_type3A_4053 = arith.sitofp %and3A_4052 : vector<128x1xi32> to vector<128x1xf32>
    %dot_general3A_4054 = arith.constant dense<0.000000e+00> : vector<128x1xf32>
    %dot_general3A_4055 = tpu.matmul %convert_element_type3A_3, %convert_element_type3A_4053, %dot_general3A_4054 {dimension_numbers = #tpu.dot_dimension_numbers<[1], [0], [0], [1], [0, 0, 1, 1], [], []>, transpose_lhs_hint = false} : vector<128x128xf32>, vector<128x1xf32>, vector<128x1xf32> -> vector<128x1xf32>
    %add3A_4056 = arith.addf %add3A_4049, %dot_general3A_4055 : vector<128x1xf32>
    %add3A_4057 = vector.broadcast %add3A_4056 : vector<128x1xf32> to vector<128x128xf32>
    %add3A_4058 = arith.addf %add3A_4022, %add3A_4057 : vector<128x128xf32>
    %sub3A_4059 = vector.broadcast %reduce_sum3A_3922 : f32 to vector<128x128xf32>
    %sub3A_4060 = arith.subf %sub3A_4059, %add3A_3990 : vector<128x128xf32>
    %add3A_4061 = arith.addf %sub3A_4060, %convert_element_type3A_3912 : vector<128x128xf32>
    %sub3A_4062 = vector.broadcast %reduce_sum3A_3917 : f32 to vector<128x128xf32>
    %sub3A_4063 = arith.subf %sub3A_4062, %add3A_4058 : vector<128x128xf32>
    %add3A_4064 = arith.addf %sub3A_4063, %convert_element_type3A_3911 : vector<128x128xf32>
    %sub3A_4065 = arith.subf %add3A_4061, %convert_element_type3A_3912 : vector<128x128xf32>
    %sub3A_4066 = arith.subf %add3A_4064, %convert_element_type3A_3911 : vector<128x128xf32>
    %add3A_4067 = vector.broadcast %reduce_sum3A_3917 : f32 to vector<128x128xf32>
    %add3A_4068 = arith.addf %add3A_4067, %add3A_4061 : vector<128x128xf32>
    %sub3A_4069 = arith.subf %add3A_4068, %add3A_4064 : vector<128x128xf32>
    %max3A_4070 = arith.constant 1.000000e+00 : f32
    %max3A_4071 = vector.broadcast %max3A_4070 : f32 to vector<128x128xf32>
    %max3A_4072 = arith.maximumf %sub3A_4069, %max3A_4071 : vector<128x128xf32>
    %gt3A_4073 = arith.constant 0.000000e+00 : f32
    %gt3A_4074 = vector.broadcast %gt3A_4073 : f32 to vector<128x128xf32>
    %gt3A_4075 = arith.cmpf ogt, %add3A_4061, %gt3A_4074 : vector<128x128xf32>
    %sub3A_4076 = vector.broadcast %reduce_sum3A_3917 : f32 to vector<128x128xf32>
    %sub3A_4077 = arith.subf %sub3A_4076, %add3A_4064 : vector<128x128xf32>
    %div3A_4078 = arith.divf %sub3A_4077, %max3A_4072 : vector<128x128xf32>
    %sub3A_4079 = arith.constant 1.000000e+00 : f32
    %sub3A_4080 = vector.broadcast %sub3A_4079 : f32 to vector<128x128xf32>
    %sub3A_4081 = arith.subf %sub3A_4080, %div3A_4078 : vector<128x128xf32>
    %jit3A_4082 = arith.constant 0.000000e+00 : f32
    %broadcast_in_dim3A_4083 = vector.broadcast %jit3A_4082 : f32 to vector<128x128xf32>
    %select_n3A_4084 = arith.select %gt3A_4075, %sub3A_4081, %broadcast_in_dim3A_4083 : vector<128x128xi1>, vector<128x128xf32>
    %add3A_4085 = vector.broadcast %reduce_sum3A_3917 : f32 to vector<128x128xf32>
    %add3A_4086 = arith.addf %add3A_4085, %sub3A_4065 : vector<128x128xf32>
    %sub3A_4087 = arith.subf %add3A_4086, %sub3A_4066 : vector<128x128xf32>
    %max3A_4088 = arith.constant 1.000000e+00 : f32
    %max3A_4089 = vector.broadcast %max3A_4088 : f32 to vector<128x128xf32>
    %max3A_4090 = arith.maximumf %sub3A_4087, %max3A_4089 : vector<128x128xf32>
    %gt3A_4091 = arith.constant 0.000000e+00 : f32
    %gt3A_4092 = vector.broadcast %gt3A_4091 : f32 to vector<128x128xf32>
    %gt3A_4093 = arith.cmpf ogt, %sub3A_4065, %gt3A_4092 : vector<128x128xf32>
    %sub3A_4094 = vector.broadcast %reduce_sum3A_3917 : f32 to vector<128x128xf32>
    %sub3A_4095 = arith.subf %sub3A_4094, %sub3A_4066 : vector<128x128xf32>
    %div3A_4096 = arith.divf %sub3A_4095, %max3A_4090 : vector<128x128xf32>
    %sub3A_4097 = arith.constant 1.000000e+00 : f32
    %sub3A_4098 = vector.broadcast %sub3A_4097 : f32 to vector<128x128xf32>
    %sub3A_4099 = arith.subf %sub3A_4098, %div3A_4096 : vector<128x128xf32>
    %jit3A_4100 = arith.constant 0.000000e+00 : f32
    %broadcast_in_dim3A_4101 = vector.broadcast %jit3A_4100 : f32 to vector<128x128xf32>
    %select_n3A_4102 = arith.select %gt3A_4093, %sub3A_4099, %broadcast_in_dim3A_4101 : vector<128x128xi1>, vector<128x128xf32>
    %sub3A_4103 = arith.subf %select_n3A_4084, %select_n3A_4102 : vector<128x128xf32>
    %mul3A_4104 = arith.mulf %mul3A_12, %sub3A_4103 : vector<128x128xf32>
    %reduce_sum3A_4105 = vector.shape_cast %mul3A_4104 : vector<128x128xf32> to vector<1x128x128xf32>
    %reduce_sum3A_4106 = arith.constant dense<0.000000e+00> : vector<1xf32>
    %reduce_sum3A_4107 = vector.multi_reduction <add>, %reduce_sum3A_4105, %reduce_sum3A_4106 [1, 2] : vector<1x128x128xf32> to vector<1xf32>
    %reduce_sum3A_4108 = vector.shape_cast %reduce_sum3A_4107 : vector<1xf32> to vector<1x1x1xf32>
    %reduce_sum3A_4109 = vector.extract %reduce_sum3A_4108[0, 0, 0] : f32 from vector<1x1x1xf32>
    %gt3A_4110 = arith.constant 0.000000e+00 : f32
    %gt3A_4111 = arith.cmpf ogt, %reduce_sum3A_3917, %gt3A_4110 : f32
    %convert_element_type3A_4112 = arith.extui %gt3A_4111 : i1 to i32
    %convert_element_type3A_4113 = arith.sitofp %convert_element_type3A_4112 : i32 to f32
    %mul3A_4114 = arith.mulf %reduce_sum3A_4109, %convert_element_type3A_4113 : f32
    %add3A_4115 = arith.addf %add3A_3868, %mul3A_4114 : f32
    %add3A_4116 = arith.addf %add3A_3869, %convert_element_type3A_4113 : f32
    %get3A_4117 = arith.constant 28 : index
    %get3A_4118 = arith.constant 3 : index
    %get3A_4119 = arith.constant 0 : index
    %get3A_4120 = arith.constant 0 : index
    %get3A_4121 = vector.load %arg0[%get3A_4117, %get3A_4118, %get3A_4119, %get3A_4120] : memref<32x4x128x128xi32, #tpu.memory_space<vmem>>, vector<1x1x128x128xi32>
    %get3A_4122 = vector.shape_cast %get3A_4121 : vector<1x1x128x128xi32> to vector<128x128xi32>
    %get3A_4123 = arith.constant 28 : index
    %get3A_4124 = arith.constant 2 : index
    %get3A_4125 = arith.constant 0 : index
    %get3A_4126 = arith.constant 0 : index
    %get3A_4127 = vector.load %arg0[%get3A_4123, %get3A_4124, %get3A_4125, %get3A_4126] : memref<32x4x128x128xi32, #tpu.memory_space<vmem>>, vector<1x1x128x128xi32>
    %get3A_4128 = vector.shape_cast %get3A_4127 : vector<1x1x128x128xi32> to vector<128x128xi32>
    %get3A_4129 = arith.constant 29 : index
    %get3A_4130 = arith.constant 3 : index
    %get3A_4131 = arith.constant 0 : index
    %get3A_4132 = arith.constant 0 : index
    %get3A_4133 = vector.load %arg0[%get3A_4129, %get3A_4130, %get3A_4131, %get3A_4132] : memref<32x4x128x128xi32, #tpu.memory_space<vmem>>, vector<1x1x128x128xi32>
    %get3A_4134 = vector.shape_cast %get3A_4133 : vector<1x1x128x128xi32> to vector<128x128xi32>
    %add3A_4135 = arith.addi %get3A_4122, %get3A_4134 : vector<128x128xi32>
    %get3A_4136 = arith.constant 29 : index
    %get3A_4137 = arith.constant 2 : index
    %get3A_4138 = arith.constant 0 : index
    %get3A_4139 = arith.constant 0 : index
    %get3A_4140 = vector.load %arg0[%get3A_4136, %get3A_4137, %get3A_4138, %get3A_4139] : memref<32x4x128x128xi32, #tpu.memory_space<vmem>>, vector<1x1x128x128xi32>
    %get3A_4141 = vector.shape_cast %get3A_4140 : vector<1x1x128x128xi32> to vector<128x128xi32>
    %add3A_4142 = arith.addi %get3A_4128, %get3A_4141 : vector<128x128xi32>
    %get3A_4143 = arith.constant 30 : index
    %get3A_4144 = arith.constant 3 : index
    %get3A_4145 = arith.constant 0 : index
    %get3A_4146 = arith.constant 0 : index
    %get3A_4147 = vector.load %arg0[%get3A_4143, %get3A_4144, %get3A_4145, %get3A_4146] : memref<32x4x128x128xi32, #tpu.memory_space<vmem>>, vector<1x1x128x128xi32>
    %get3A_4148 = vector.shape_cast %get3A_4147 : vector<1x1x128x128xi32> to vector<128x128xi32>
    %add3A_4149 = arith.addi %add3A_4135, %get3A_4148 : vector<128x128xi32>
    %get3A_4150 = arith.constant 30 : index
    %get3A_4151 = arith.constant 2 : index
    %get3A_4152 = arith.constant 0 : index
    %get3A_4153 = arith.constant 0 : index
    %get3A_4154 = vector.load %arg0[%get3A_4150, %get3A_4151, %get3A_4152, %get3A_4153] : memref<32x4x128x128xi32, #tpu.memory_space<vmem>>, vector<1x1x128x128xi32>
    %get3A_4155 = vector.shape_cast %get3A_4154 : vector<1x1x128x128xi32> to vector<128x128xi32>
    %add3A_4156 = arith.addi %add3A_4142, %get3A_4155 : vector<128x128xi32>
    %add3A_4157 = arith.addi %add3A_4156, %add3A_4149 : vector<128x128xi32>
    %convert_element_type3A_4158 = arith.sitofp %add3A_4149 : vector<128x128xi32> to vector<128x128xf32>
    %convert_element_type3A_4159 = arith.sitofp %add3A_4157 : vector<128x128xi32> to vector<128x128xf32>
    %reduce_sum3A_4160 = vector.shape_cast %convert_element_type3A_4158 : vector<128x128xf32> to vector<1x128x128xf32>
    %reduce_sum3A_4161 = arith.constant dense<0.000000e+00> : vector<1xf32>
    %reduce_sum3A_4162 = vector.multi_reduction <add>, %reduce_sum3A_4160, %reduce_sum3A_4161 [1, 2] : vector<1x128x128xf32> to vector<1xf32>
    %reduce_sum3A_4163 = vector.shape_cast %reduce_sum3A_4162 : vector<1xf32> to vector<1x1x1xf32>
    %reduce_sum3A_4164 = vector.extract %reduce_sum3A_4163[0, 0, 0] : f32 from vector<1x1x1xf32>
    %reduce_sum3A_4165 = vector.shape_cast %convert_element_type3A_4159 : vector<128x128xf32> to vector<1x128x128xf32>
    %reduce_sum3A_4166 = arith.constant dense<0.000000e+00> : vector<1xf32>
    %reduce_sum3A_4167 = vector.multi_reduction <add>, %reduce_sum3A_4165, %reduce_sum3A_4166 [1, 2] : vector<1x128x128xf32> to vector<1xf32>
    %reduce_sum3A_4168 = vector.shape_cast %reduce_sum3A_4167 : vector<1xf32> to vector<1x1x1xf32>
    %reduce_sum3A_4169 = vector.extract %reduce_sum3A_4168[0, 0, 0] : f32 from vector<1x1x1xf32>
    %shift_right_arithmetic3A_4170 = arith.constant 16 : i32
    %shift_right_arithmetic3A_4171 = vector.broadcast %shift_right_arithmetic3A_4170 : i32 to vector<128x128xi32>
    %shift_right_arithmetic3A_4172 = arith.shrsi %add3A_4157, %shift_right_arithmetic3A_4171 : vector<128x128xi32>
    %and3A_4173 = arith.constant 255 : i32
    %and3A_4174 = vector.broadcast %and3A_4173 : i32 to vector<128x128xi32>
    %and3A_4175 = arith.andi %shift_right_arithmetic3A_4172, %and3A_4174 : vector<128x128xi32>
    %convert_element_type3A_4176 = arith.sitofp %and3A_4175 : vector<128x128xi32> to vector<128x128xf32>
    %mul3A_4177 = arith.constant 6.553600e+04 : f32
    %mul3A_4178 = vector.broadcast %mul3A_4177 : f32 to vector<128x128xf32>
    %mul3A_4179 = arith.mulf %mul3A_4178, %convert_element_type3A_4176 : vector<128x128xf32>
    %dot_general3A_4180 = arith.constant dense<0.000000e+00> : vector<128x128xf32>
    %dot_general3A_4181 = tpu.matmul %mul3A_4179, %convert_element_type3A_1, %dot_general3A_4180 {dimension_numbers = #tpu.dot_dimension_numbers<[1], [0], [0], [1], [0, 0, 1, 1], [], []>, transpose_lhs_hint = false} : vector<128x128xf32>, vector<128x128xf32>, vector<128x128xf32> -> vector<128x128xf32>
    %shift_right_arithmetic3A_4182 = arith.constant 8 : i32
    %shift_right_arithmetic3A_4183 = vector.broadcast %shift_right_arithmetic3A_4182 : i32 to vector<128x128xi32>
    %shift_right_arithmetic3A_4184 = arith.shrsi %add3A_4157, %shift_right_arithmetic3A_4183 : vector<128x128xi32>
    %and3A_4185 = arith.constant 255 : i32
    %and3A_4186 = vector.broadcast %and3A_4185 : i32 to vector<128x128xi32>
    %and3A_4187 = arith.andi %shift_right_arithmetic3A_4184, %and3A_4186 : vector<128x128xi32>
    %convert_element_type3A_4188 = arith.sitofp %and3A_4187 : vector<128x128xi32> to vector<128x128xf32>
    %mul3A_4189 = arith.constant 2.560000e+02 : f32
    %mul3A_4190 = vector.broadcast %mul3A_4189 : f32 to vector<128x128xf32>
    %mul3A_4191 = arith.mulf %mul3A_4190, %convert_element_type3A_4188 : vector<128x128xf32>
    %dot_general3A_4192 = arith.constant dense<0.000000e+00> : vector<128x128xf32>
    %dot_general3A_4193 = tpu.matmul %mul3A_4191, %convert_element_type3A_1, %dot_general3A_4192 {dimension_numbers = #tpu.dot_dimension_numbers<[1], [0], [0], [1], [0, 0, 1, 1], [], []>, transpose_lhs_hint = false} : vector<128x128xf32>, vector<128x128xf32>, vector<128x128xf32> -> vector<128x128xf32>
    %add3A_4194 = arith.addf %dot_general3A_4181, %dot_general3A_4193 : vector<128x128xf32>
    %and3A_4195 = arith.constant 255 : i32
    %and3A_4196 = vector.broadcast %and3A_4195 : i32 to vector<128x128xi32>
    %and3A_4197 = arith.andi %add3A_4157, %and3A_4196 : vector<128x128xi32>
    %convert_element_type3A_4198 = arith.sitofp %and3A_4197 : vector<128x128xi32> to vector<128x128xf32>
    %dot_general3A_4199 = arith.constant dense<0.000000e+00> : vector<128x128xf32>
    %dot_general3A_4200 = tpu.matmul %convert_element_type3A_4198, %convert_element_type3A_1, %dot_general3A_4199 {dimension_numbers = #tpu.dot_dimension_numbers<[1], [0], [0], [1], [0, 0, 1, 1], [], []>, transpose_lhs_hint = false} : vector<128x128xf32>, vector<128x128xf32>, vector<128x128xf32> -> vector<128x128xf32>
    %add3A_4201 = arith.addf %add3A_4194, %dot_general3A_4200 : vector<128x128xf32>
    %slice3A_4202 = vector.extract_strided_slice %add3A_4201 {offsets = [0, 127], sizes = [128, 1], strides = [1, 1]} : vector<128x128xf32> to vector<128x1xf32>
    %convert_element_type3A_4203 = arith.fptosi %slice3A_4202 : vector<128x1xf32> to vector<128x1xi32>
    %shift_right_arithmetic3A_4204 = arith.constant 16 : i32
    %shift_right_arithmetic3A_4205 = vector.broadcast %shift_right_arithmetic3A_4204 : i32 to vector<128x1xi32>
    %shift_right_arithmetic3A_4206 = arith.shrsi %convert_element_type3A_4203, %shift_right_arithmetic3A_4205 : vector<128x1xi32>
    %and3A_4207 = arith.constant 255 : i32
    %and3A_4208 = vector.broadcast %and3A_4207 : i32 to vector<128x1xi32>
    %and3A_4209 = arith.andi %shift_right_arithmetic3A_4206, %and3A_4208 : vector<128x1xi32>
    %convert_element_type3A_4210 = arith.sitofp %and3A_4209 : vector<128x1xi32> to vector<128x1xf32>
    %mul3A_4211 = arith.constant 6.553600e+04 : f32
    %mul3A_4212 = vector.broadcast %mul3A_4211 : f32 to vector<128x1xf32>
    %mul3A_4213 = arith.mulf %mul3A_4212, %convert_element_type3A_4210 : vector<128x1xf32>
    %dot_general3A_4214 = arith.constant dense<0.000000e+00> : vector<128x1xf32>
    %dot_general3A_4215 = tpu.matmul %convert_element_type3A_3, %mul3A_4213, %dot_general3A_4214 {dimension_numbers = #tpu.dot_dimension_numbers<[1], [0], [0], [1], [0, 0, 1, 1], [], []>, transpose_lhs_hint = false} : vector<128x128xf32>, vector<128x1xf32>, vector<128x1xf32> -> vector<128x1xf32>
    %shift_right_arithmetic3A_4216 = arith.constant 8 : i32
    %shift_right_arithmetic3A_4217 = vector.broadcast %shift_right_arithmetic3A_4216 : i32 to vector<128x1xi32>
    %shift_right_arithmetic3A_4218 = arith.shrsi %convert_element_type3A_4203, %shift_right_arithmetic3A_4217 : vector<128x1xi32>
    %and3A_4219 = arith.constant 255 : i32
    %and3A_4220 = vector.broadcast %and3A_4219 : i32 to vector<128x1xi32>
    %and3A_4221 = arith.andi %shift_right_arithmetic3A_4218, %and3A_4220 : vector<128x1xi32>
    %convert_element_type3A_4222 = arith.sitofp %and3A_4221 : vector<128x1xi32> to vector<128x1xf32>
    %mul3A_4223 = arith.constant 2.560000e+02 : f32
    %mul3A_4224 = vector.broadcast %mul3A_4223 : f32 to vector<128x1xf32>
    %mul3A_4225 = arith.mulf %mul3A_4224, %convert_element_type3A_4222 : vector<128x1xf32>
    %dot_general3A_4226 = arith.constant dense<0.000000e+00> : vector<128x1xf32>
    %dot_general3A_4227 = tpu.matmul %convert_element_type3A_3, %mul3A_4225, %dot_general3A_4226 {dimension_numbers = #tpu.dot_dimension_numbers<[1], [0], [0], [1], [0, 0, 1, 1], [], []>, transpose_lhs_hint = false} : vector<128x128xf32>, vector<128x1xf32>, vector<128x1xf32> -> vector<128x1xf32>
    %add3A_4228 = arith.addf %dot_general3A_4215, %dot_general3A_4227 : vector<128x1xf32>
    %and3A_4229 = arith.constant 255 : i32
    %and3A_4230 = vector.broadcast %and3A_4229 : i32 to vector<128x1xi32>
    %and3A_4231 = arith.andi %convert_element_type3A_4203, %and3A_4230 : vector<128x1xi32>
    %convert_element_type3A_4232 = arith.sitofp %and3A_4231 : vector<128x1xi32> to vector<128x1xf32>
    %dot_general3A_4233 = arith.constant dense<0.000000e+00> : vector<128x1xf32>
    %dot_general3A_4234 = tpu.matmul %convert_element_type3A_3, %convert_element_type3A_4232, %dot_general3A_4233 {dimension_numbers = #tpu.dot_dimension_numbers<[1], [0], [0], [1], [0, 0, 1, 1], [], []>, transpose_lhs_hint = false} : vector<128x128xf32>, vector<128x1xf32>, vector<128x1xf32> -> vector<128x1xf32>
    %add3A_4235 = arith.addf %add3A_4228, %dot_general3A_4234 : vector<128x1xf32>
    %add3A_4236 = vector.broadcast %add3A_4235 : vector<128x1xf32> to vector<128x128xf32>
    %add3A_4237 = arith.addf %add3A_4201, %add3A_4236 : vector<128x128xf32>
    %shift_right_arithmetic3A_4238 = arith.constant 16 : i32
    %shift_right_arithmetic3A_4239 = vector.broadcast %shift_right_arithmetic3A_4238 : i32 to vector<128x128xi32>
    %shift_right_arithmetic3A_4240 = arith.shrsi %add3A_4149, %shift_right_arithmetic3A_4239 : vector<128x128xi32>
    %and3A_4241 = arith.constant 255 : i32
    %and3A_4242 = vector.broadcast %and3A_4241 : i32 to vector<128x128xi32>
    %and3A_4243 = arith.andi %shift_right_arithmetic3A_4240, %and3A_4242 : vector<128x128xi32>
    %convert_element_type3A_4244 = arith.sitofp %and3A_4243 : vector<128x128xi32> to vector<128x128xf32>
    %mul3A_4245 = arith.constant 6.553600e+04 : f32
    %mul3A_4246 = vector.broadcast %mul3A_4245 : f32 to vector<128x128xf32>
    %mul3A_4247 = arith.mulf %mul3A_4246, %convert_element_type3A_4244 : vector<128x128xf32>
    %dot_general3A_4248 = arith.constant dense<0.000000e+00> : vector<128x128xf32>
    %dot_general3A_4249 = tpu.matmul %mul3A_4247, %convert_element_type3A_1, %dot_general3A_4248 {dimension_numbers = #tpu.dot_dimension_numbers<[1], [0], [0], [1], [0, 0, 1, 1], [], []>, transpose_lhs_hint = false} : vector<128x128xf32>, vector<128x128xf32>, vector<128x128xf32> -> vector<128x128xf32>
    %shift_right_arithmetic3A_4250 = arith.constant 8 : i32
    %shift_right_arithmetic3A_4251 = vector.broadcast %shift_right_arithmetic3A_4250 : i32 to vector<128x128xi32>
    %shift_right_arithmetic3A_4252 = arith.shrsi %add3A_4149, %shift_right_arithmetic3A_4251 : vector<128x128xi32>
    %and3A_4253 = arith.constant 255 : i32
    %and3A_4254 = vector.broadcast %and3A_4253 : i32 to vector<128x128xi32>
    %and3A_4255 = arith.andi %shift_right_arithmetic3A_4252, %and3A_4254 : vector<128x128xi32>
    %convert_element_type3A_4256 = arith.sitofp %and3A_4255 : vector<128x128xi32> to vector<128x128xf32>
    %mul3A_4257 = arith.constant 2.560000e+02 : f32
    %mul3A_4258 = vector.broadcast %mul3A_4257 : f32 to vector<128x128xf32>
    %mul3A_4259 = arith.mulf %mul3A_4258, %convert_element_type3A_4256 : vector<128x128xf32>
    %dot_general3A_4260 = arith.constant dense<0.000000e+00> : vector<128x128xf32>
    %dot_general3A_4261 = tpu.matmul %mul3A_4259, %convert_element_type3A_1, %dot_general3A_4260 {dimension_numbers = #tpu.dot_dimension_numbers<[1], [0], [0], [1], [0, 0, 1, 1], [], []>, transpose_lhs_hint = false} : vector<128x128xf32>, vector<128x128xf32>, vector<128x128xf32> -> vector<128x128xf32>
    %add3A_4262 = arith.addf %dot_general3A_4249, %dot_general3A_4261 : vector<128x128xf32>
    %and3A_4263 = arith.constant 255 : i32
    %and3A_4264 = vector.broadcast %and3A_4263 : i32 to vector<128x128xi32>
    %and3A_4265 = arith.andi %add3A_4149, %and3A_4264 : vector<128x128xi32>
    %convert_element_type3A_4266 = arith.sitofp %and3A_4265 : vector<128x128xi32> to vector<128x128xf32>
    %dot_general3A_4267 = arith.constant dense<0.000000e+00> : vector<128x128xf32>
    %dot_general3A_4268 = tpu.matmul %convert_element_type3A_4266, %convert_element_type3A_1, %dot_general3A_4267 {dimension_numbers = #tpu.dot_dimension_numbers<[1], [0], [0], [1], [0, 0, 1, 1], [], []>, transpose_lhs_hint = false} : vector<128x128xf32>, vector<128x128xf32>, vector<128x128xf32> -> vector<128x128xf32>
    %add3A_4269 = arith.addf %add3A_4262, %dot_general3A_4268 : vector<128x128xf32>
    %slice3A_4270 = vector.extract_strided_slice %add3A_4269 {offsets = [0, 127], sizes = [128, 1], strides = [1, 1]} : vector<128x128xf32> to vector<128x1xf32>
    %convert_element_type3A_4271 = arith.fptosi %slice3A_4270 : vector<128x1xf32> to vector<128x1xi32>
    %shift_right_arithmetic3A_4272 = arith.constant 16 : i32
    %shift_right_arithmetic3A_4273 = vector.broadcast %shift_right_arithmetic3A_4272 : i32 to vector<128x1xi32>
    %shift_right_arithmetic3A_4274 = arith.shrsi %convert_element_type3A_4271, %shift_right_arithmetic3A_4273 : vector<128x1xi32>
    %and3A_4275 = arith.constant 255 : i32
    %and3A_4276 = vector.broadcast %and3A_4275 : i32 to vector<128x1xi32>
    %and3A_4277 = arith.andi %shift_right_arithmetic3A_4274, %and3A_4276 : vector<128x1xi32>
    %convert_element_type3A_4278 = arith.sitofp %and3A_4277 : vector<128x1xi32> to vector<128x1xf32>
    %mul3A_4279 = arith.constant 6.553600e+04 : f32
    %mul3A_4280 = vector.broadcast %mul3A_4279 : f32 to vector<128x1xf32>
    %mul3A_4281 = arith.mulf %mul3A_4280, %convert_element_type3A_4278 : vector<128x1xf32>
    %dot_general3A_4282 = arith.constant dense<0.000000e+00> : vector<128x1xf32>
    %dot_general3A_4283 = tpu.matmul %convert_element_type3A_3, %mul3A_4281, %dot_general3A_4282 {dimension_numbers = #tpu.dot_dimension_numbers<[1], [0], [0], [1], [0, 0, 1, 1], [], []>, transpose_lhs_hint = false} : vector<128x128xf32>, vector<128x1xf32>, vector<128x1xf32> -> vector<128x1xf32>
    %shift_right_arithmetic3A_4284 = arith.constant 8 : i32
    %shift_right_arithmetic3A_4285 = vector.broadcast %shift_right_arithmetic3A_4284 : i32 to vector<128x1xi32>
    %shift_right_arithmetic3A_4286 = arith.shrsi %convert_element_type3A_4271, %shift_right_arithmetic3A_4285 : vector<128x1xi32>
    %and3A_4287 = arith.constant 255 : i32
    %and3A_4288 = vector.broadcast %and3A_4287 : i32 to vector<128x1xi32>
    %and3A_4289 = arith.andi %shift_right_arithmetic3A_4286, %and3A_4288 : vector<128x1xi32>
    %convert_element_type3A_4290 = arith.sitofp %and3A_4289 : vector<128x1xi32> to vector<128x1xf32>
    %mul3A_4291 = arith.constant 2.560000e+02 : f32
    %mul3A_4292 = vector.broadcast %mul3A_4291 : f32 to vector<128x1xf32>
    %mul3A_4293 = arith.mulf %mul3A_4292, %convert_element_type3A_4290 : vector<128x1xf32>
    %dot_general3A_4294 = arith.constant dense<0.000000e+00> : vector<128x1xf32>
    %dot_general3A_4295 = tpu.matmul %convert_element_type3A_3, %mul3A_4293, %dot_general3A_4294 {dimension_numbers = #tpu.dot_dimension_numbers<[1], [0], [0], [1], [0, 0, 1, 1], [], []>, transpose_lhs_hint = false} : vector<128x128xf32>, vector<128x1xf32>, vector<128x1xf32> -> vector<128x1xf32>
    %add3A_4296 = arith.addf %dot_general3A_4283, %dot_general3A_4295 : vector<128x1xf32>
    %and3A_4297 = arith.constant 255 : i32
    %and3A_4298 = vector.broadcast %and3A_4297 : i32 to vector<128x1xi32>
    %and3A_4299 = arith.andi %convert_element_type3A_4271, %and3A_4298 : vector<128x1xi32>
    %convert_element_type3A_4300 = arith.sitofp %and3A_4299 : vector<128x1xi32> to vector<128x1xf32>
    %dot_general3A_4301 = arith.constant dense<0.000000e+00> : vector<128x1xf32>
    %dot_general3A_4302 = tpu.matmul %convert_element_type3A_3, %convert_element_type3A_4300, %dot_general3A_4301 {dimension_numbers = #tpu.dot_dimension_numbers<[1], [0], [0], [1], [0, 0, 1, 1], [], []>, transpose_lhs_hint = false} : vector<128x128xf32>, vector<128x1xf32>, vector<128x1xf32> -> vector<128x1xf32>
    %add3A_4303 = arith.addf %add3A_4296, %dot_general3A_4302 : vector<128x1xf32>
    %add3A_4304 = vector.broadcast %add3A_4303 : vector<128x1xf32> to vector<128x128xf32>
    %add3A_4305 = arith.addf %add3A_4269, %add3A_4304 : vector<128x128xf32>
    %sub3A_4306 = vector.broadcast %reduce_sum3A_4169 : f32 to vector<128x128xf32>
    %sub3A_4307 = arith.subf %sub3A_4306, %add3A_4237 : vector<128x128xf32>
    %add3A_4308 = arith.addf %sub3A_4307, %convert_element_type3A_4159 : vector<128x128xf32>
    %sub3A_4309 = vector.broadcast %reduce_sum3A_4164 : f32 to vector<128x128xf32>
    %sub3A_4310 = arith.subf %sub3A_4309, %add3A_4305 : vector<128x128xf32>
    %add3A_4311 = arith.addf %sub3A_4310, %convert_element_type3A_4158 : vector<128x128xf32>
    %sub3A_4312 = arith.subf %add3A_4308, %convert_element_type3A_4159 : vector<128x128xf32>
    %sub3A_4313 = arith.subf %add3A_4311, %convert_element_type3A_4158 : vector<128x128xf32>
    %add3A_4314 = vector.broadcast %reduce_sum3A_4164 : f32 to vector<128x128xf32>
    %add3A_4315 = arith.addf %add3A_4314, %add3A_4308 : vector<128x128xf32>
    %sub3A_4316 = arith.subf %add3A_4315, %add3A_4311 : vector<128x128xf32>
    %max3A_4317 = arith.constant 1.000000e+00 : f32
    %max3A_4318 = vector.broadcast %max3A_4317 : f32 to vector<128x128xf32>
    %max3A_4319 = arith.maximumf %sub3A_4316, %max3A_4318 : vector<128x128xf32>
    %gt3A_4320 = arith.constant 0.000000e+00 : f32
    %gt3A_4321 = vector.broadcast %gt3A_4320 : f32 to vector<128x128xf32>
    %gt3A_4322 = arith.cmpf ogt, %add3A_4308, %gt3A_4321 : vector<128x128xf32>
    %sub3A_4323 = vector.broadcast %reduce_sum3A_4164 : f32 to vector<128x128xf32>
    %sub3A_4324 = arith.subf %sub3A_4323, %add3A_4311 : vector<128x128xf32>
    %div3A_4325 = arith.divf %sub3A_4324, %max3A_4319 : vector<128x128xf32>
    %sub3A_4326 = arith.constant 1.000000e+00 : f32
    %sub3A_4327 = vector.broadcast %sub3A_4326 : f32 to vector<128x128xf32>
    %sub3A_4328 = arith.subf %sub3A_4327, %div3A_4325 : vector<128x128xf32>
    %jit3A_4329 = arith.constant 0.000000e+00 : f32
    %broadcast_in_dim3A_4330 = vector.broadcast %jit3A_4329 : f32 to vector<128x128xf32>
    %select_n3A_4331 = arith.select %gt3A_4322, %sub3A_4328, %broadcast_in_dim3A_4330 : vector<128x128xi1>, vector<128x128xf32>
    %add3A_4332 = vector.broadcast %reduce_sum3A_4164 : f32 to vector<128x128xf32>
    %add3A_4333 = arith.addf %add3A_4332, %sub3A_4312 : vector<128x128xf32>
    %sub3A_4334 = arith.subf %add3A_4333, %sub3A_4313 : vector<128x128xf32>
    %max3A_4335 = arith.constant 1.000000e+00 : f32
    %max3A_4336 = vector.broadcast %max3A_4335 : f32 to vector<128x128xf32>
    %max3A_4337 = arith.maximumf %sub3A_4334, %max3A_4336 : vector<128x128xf32>
    %gt3A_4338 = arith.constant 0.000000e+00 : f32
    %gt3A_4339 = vector.broadcast %gt3A_4338 : f32 to vector<128x128xf32>
    %gt3A_4340 = arith.cmpf ogt, %sub3A_4312, %gt3A_4339 : vector<128x128xf32>
    %sub3A_4341 = vector.broadcast %reduce_sum3A_4164 : f32 to vector<128x128xf32>
    %sub3A_4342 = arith.subf %sub3A_4341, %sub3A_4313 : vector<128x128xf32>
    %div3A_4343 = arith.divf %sub3A_4342, %max3A_4337 : vector<128x128xf32>
    %sub3A_4344 = arith.constant 1.000000e+00 : f32
    %sub3A_4345 = vector.broadcast %sub3A_4344 : f32 to vector<128x128xf32>
    %sub3A_4346 = arith.subf %sub3A_4345, %div3A_4343 : vector<128x128xf32>
    %jit3A_4347 = arith.constant 0.000000e+00 : f32
    %broadcast_in_dim3A_4348 = vector.broadcast %jit3A_4347 : f32 to vector<128x128xf32>
    %select_n3A_4349 = arith.select %gt3A_4340, %sub3A_4346, %broadcast_in_dim3A_4348 : vector<128x128xi1>, vector<128x128xf32>
    %sub3A_4350 = arith.subf %select_n3A_4331, %select_n3A_4349 : vector<128x128xf32>
    %mul3A_4351 = arith.mulf %mul3A_12, %sub3A_4350 : vector<128x128xf32>
    %reduce_sum3A_4352 = vector.shape_cast %mul3A_4351 : vector<128x128xf32> to vector<1x128x128xf32>
    %reduce_sum3A_4353 = arith.constant dense<0.000000e+00> : vector<1xf32>
    %reduce_sum3A_4354 = vector.multi_reduction <add>, %reduce_sum3A_4352, %reduce_sum3A_4353 [1, 2] : vector<1x128x128xf32> to vector<1xf32>
    %reduce_sum3A_4355 = vector.shape_cast %reduce_sum3A_4354 : vector<1xf32> to vector<1x1x1xf32>
    %reduce_sum3A_4356 = vector.extract %reduce_sum3A_4355[0, 0, 0] : f32 from vector<1x1x1xf32>
    %gt3A_4357 = arith.constant 0.000000e+00 : f32
    %gt3A_4358 = arith.cmpf ogt, %reduce_sum3A_4164, %gt3A_4357 : f32
    %convert_element_type3A_4359 = arith.extui %gt3A_4358 : i1 to i32
    %convert_element_type3A_4360 = arith.sitofp %convert_element_type3A_4359 : i32 to f32
    %mul3A_4361 = arith.mulf %reduce_sum3A_4356, %convert_element_type3A_4360 : f32
    %add3A_4362 = arith.addf %add3A_4115, %mul3A_4361 : f32
    %add3A_4363 = arith.addf %add3A_4116, %convert_element_type3A_4360 : f32
    %get3A_4364 = arith.constant 30 : index
    %get3A_4365 = arith.constant 1 : index
    %get3A_4366 = arith.constant 0 : index
    %get3A_4367 = arith.constant 0 : index
    %get3A_4368 = vector.load %arg0[%get3A_4364, %get3A_4365, %get3A_4366, %get3A_4367] : memref<32x4x128x128xi32, #tpu.memory_space<vmem>>, vector<1x1x128x128xi32>
    %get3A_4369 = vector.shape_cast %get3A_4368 : vector<1x1x128x128xi32> to vector<128x128xi32>
    %get3A_4370 = arith.constant 30 : index
    %get3A_4371 = arith.constant 0 : index
    %get3A_4372 = arith.constant 0 : index
    %get3A_4373 = arith.constant 0 : index
    %get3A_4374 = vector.load %arg0[%get3A_4370, %get3A_4371, %get3A_4372, %get3A_4373] : memref<32x4x128x128xi32, #tpu.memory_space<vmem>>, vector<1x1x128x128xi32>
    %get3A_4375 = vector.shape_cast %get3A_4374 : vector<1x1x128x128xi32> to vector<128x128xi32>
    %get3A_4376 = arith.constant 31 : index
    %get3A_4377 = arith.constant 1 : index
    %get3A_4378 = arith.constant 0 : index
    %get3A_4379 = arith.constant 0 : index
    %get3A_4380 = vector.load %arg0[%get3A_4376, %get3A_4377, %get3A_4378, %get3A_4379] : memref<32x4x128x128xi32, #tpu.memory_space<vmem>>, vector<1x1x128x128xi32>
    %get3A_4381 = vector.shape_cast %get3A_4380 : vector<1x1x128x128xi32> to vector<128x128xi32>
    %add3A_4382 = arith.addi %get3A_4369, %get3A_4381 : vector<128x128xi32>
    %get3A_4383 = arith.constant 31 : index
    %get3A_4384 = arith.constant 0 : index
    %get3A_4385 = arith.constant 0 : index
    %get3A_4386 = arith.constant 0 : index
    %get3A_4387 = vector.load %arg0[%get3A_4383, %get3A_4384, %get3A_4385, %get3A_4386] : memref<32x4x128x128xi32, #tpu.memory_space<vmem>>, vector<1x1x128x128xi32>
    %get3A_4388 = vector.shape_cast %get3A_4387 : vector<1x1x128x128xi32> to vector<128x128xi32>
    %add3A_4389 = arith.addi %get3A_4375, %get3A_4388 : vector<128x128xi32>
    %add3A_4390 = arith.addi %add3A_4389, %add3A_4382 : vector<128x128xi32>
    %convert_element_type3A_4391 = arith.sitofp %add3A_4382 : vector<128x128xi32> to vector<128x128xf32>
    %convert_element_type3A_4392 = arith.sitofp %add3A_4390 : vector<128x128xi32> to vector<128x128xf32>
    %reduce_sum3A_4393 = vector.shape_cast %convert_element_type3A_4391 : vector<128x128xf32> to vector<1x128x128xf32>
    %reduce_sum3A_4394 = arith.constant dense<0.000000e+00> : vector<1xf32>
    %reduce_sum3A_4395 = vector.multi_reduction <add>, %reduce_sum3A_4393, %reduce_sum3A_4394 [1, 2] : vector<1x128x128xf32> to vector<1xf32>
    %reduce_sum3A_4396 = vector.shape_cast %reduce_sum3A_4395 : vector<1xf32> to vector<1x1x1xf32>
    %reduce_sum3A_4397 = vector.extract %reduce_sum3A_4396[0, 0, 0] : f32 from vector<1x1x1xf32>
    %reduce_sum3A_4398 = vector.shape_cast %convert_element_type3A_4392 : vector<128x128xf32> to vector<1x128x128xf32>
    %reduce_sum3A_4399 = arith.constant dense<0.000000e+00> : vector<1xf32>
    %reduce_sum3A_4400 = vector.multi_reduction <add>, %reduce_sum3A_4398, %reduce_sum3A_4399 [1, 2] : vector<1x128x128xf32> to vector<1xf32>
    %reduce_sum3A_4401 = vector.shape_cast %reduce_sum3A_4400 : vector<1xf32> to vector<1x1x1xf32>
    %reduce_sum3A_4402 = vector.extract %reduce_sum3A_4401[0, 0, 0] : f32 from vector<1x1x1xf32>
    %shift_right_arithmetic3A_4403 = arith.constant 16 : i32
    %shift_right_arithmetic3A_4404 = vector.broadcast %shift_right_arithmetic3A_4403 : i32 to vector<128x128xi32>
    %shift_right_arithmetic3A_4405 = arith.shrsi %add3A_4390, %shift_right_arithmetic3A_4404 : vector<128x128xi32>
    %and3A_4406 = arith.constant 255 : i32
    %and3A_4407 = vector.broadcast %and3A_4406 : i32 to vector<128x128xi32>
    %and3A_4408 = arith.andi %shift_right_arithmetic3A_4405, %and3A_4407 : vector<128x128xi32>
    %convert_element_type3A_4409 = arith.sitofp %and3A_4408 : vector<128x128xi32> to vector<128x128xf32>
    %mul3A_4410 = arith.constant 6.553600e+04 : f32
    %mul3A_4411 = vector.broadcast %mul3A_4410 : f32 to vector<128x128xf32>
    %mul3A_4412 = arith.mulf %mul3A_4411, %convert_element_type3A_4409 : vector<128x128xf32>
    %dot_general3A_4413 = arith.constant dense<0.000000e+00> : vector<128x128xf32>
    %dot_general3A_4414 = tpu.matmul %mul3A_4412, %convert_element_type3A_1, %dot_general3A_4413 {dimension_numbers = #tpu.dot_dimension_numbers<[1], [0], [0], [1], [0, 0, 1, 1], [], []>, transpose_lhs_hint = false} : vector<128x128xf32>, vector<128x128xf32>, vector<128x128xf32> -> vector<128x128xf32>
    %shift_right_arithmetic3A_4415 = arith.constant 8 : i32
    %shift_right_arithmetic3A_4416 = vector.broadcast %shift_right_arithmetic3A_4415 : i32 to vector<128x128xi32>
    %shift_right_arithmetic3A_4417 = arith.shrsi %add3A_4390, %shift_right_arithmetic3A_4416 : vector<128x128xi32>
    %and3A_4418 = arith.constant 255 : i32
    %and3A_4419 = vector.broadcast %and3A_4418 : i32 to vector<128x128xi32>
    %and3A_4420 = arith.andi %shift_right_arithmetic3A_4417, %and3A_4419 : vector<128x128xi32>
    %convert_element_type3A_4421 = arith.sitofp %and3A_4420 : vector<128x128xi32> to vector<128x128xf32>
    %mul3A_4422 = arith.constant 2.560000e+02 : f32
    %mul3A_4423 = vector.broadcast %mul3A_4422 : f32 to vector<128x128xf32>
    %mul3A_4424 = arith.mulf %mul3A_4423, %convert_element_type3A_4421 : vector<128x128xf32>
    %dot_general3A_4425 = arith.constant dense<0.000000e+00> : vector<128x128xf32>
    %dot_general3A_4426 = tpu.matmul %mul3A_4424, %convert_element_type3A_1, %dot_general3A_4425 {dimension_numbers = #tpu.dot_dimension_numbers<[1], [0], [0], [1], [0, 0, 1, 1], [], []>, transpose_lhs_hint = false} : vector<128x128xf32>, vector<128x128xf32>, vector<128x128xf32> -> vector<128x128xf32>
    %add3A_4427 = arith.addf %dot_general3A_4414, %dot_general3A_4426 : vector<128x128xf32>
    %and3A_4428 = arith.constant 255 : i32
    %and3A_4429 = vector.broadcast %and3A_4428 : i32 to vector<128x128xi32>
    %and3A_4430 = arith.andi %add3A_4390, %and3A_4429 : vector<128x128xi32>
    %convert_element_type3A_4431 = arith.sitofp %and3A_4430 : vector<128x128xi32> to vector<128x128xf32>
    %dot_general3A_4432 = arith.constant dense<0.000000e+00> : vector<128x128xf32>
    %dot_general3A_4433 = tpu.matmul %convert_element_type3A_4431, %convert_element_type3A_1, %dot_general3A_4432 {dimension_numbers = #tpu.dot_dimension_numbers<[1], [0], [0], [1], [0, 0, 1, 1], [], []>, transpose_lhs_hint = false} : vector<128x128xf32>, vector<128x128xf32>, vector<128x128xf32> -> vector<128x128xf32>
    %add3A_4434 = arith.addf %add3A_4427, %dot_general3A_4433 : vector<128x128xf32>
    %slice3A_4435 = vector.extract_strided_slice %add3A_4434 {offsets = [0, 127], sizes = [128, 1], strides = [1, 1]} : vector<128x128xf32> to vector<128x1xf32>
    %convert_element_type3A_4436 = arith.fptosi %slice3A_4435 : vector<128x1xf32> to vector<128x1xi32>
    %shift_right_arithmetic3A_4437 = arith.constant 16 : i32
    %shift_right_arithmetic3A_4438 = vector.broadcast %shift_right_arithmetic3A_4437 : i32 to vector<128x1xi32>
    %shift_right_arithmetic3A_4439 = arith.shrsi %convert_element_type3A_4436, %shift_right_arithmetic3A_4438 : vector<128x1xi32>
    %and3A_4440 = arith.constant 255 : i32
    %and3A_4441 = vector.broadcast %and3A_4440 : i32 to vector<128x1xi32>
    %and3A_4442 = arith.andi %shift_right_arithmetic3A_4439, %and3A_4441 : vector<128x1xi32>
    %convert_element_type3A_4443 = arith.sitofp %and3A_4442 : vector<128x1xi32> to vector<128x1xf32>
    %mul3A_4444 = arith.constant 6.553600e+04 : f32
    %mul3A_4445 = vector.broadcast %mul3A_4444 : f32 to vector<128x1xf32>
    %mul3A_4446 = arith.mulf %mul3A_4445, %convert_element_type3A_4443 : vector<128x1xf32>
    %dot_general3A_4447 = arith.constant dense<0.000000e+00> : vector<128x1xf32>
    %dot_general3A_4448 = tpu.matmul %convert_element_type3A_3, %mul3A_4446, %dot_general3A_4447 {dimension_numbers = #tpu.dot_dimension_numbers<[1], [0], [0], [1], [0, 0, 1, 1], [], []>, transpose_lhs_hint = false} : vector<128x128xf32>, vector<128x1xf32>, vector<128x1xf32> -> vector<128x1xf32>
    %shift_right_arithmetic3A_4449 = arith.constant 8 : i32
    %shift_right_arithmetic3A_4450 = vector.broadcast %shift_right_arithmetic3A_4449 : i32 to vector<128x1xi32>
    %shift_right_arithmetic3A_4451 = arith.shrsi %convert_element_type3A_4436, %shift_right_arithmetic3A_4450 : vector<128x1xi32>
    %and3A_4452 = arith.constant 255 : i32
    %and3A_4453 = vector.broadcast %and3A_4452 : i32 to vector<128x1xi32>
    %and3A_4454 = arith.andi %shift_right_arithmetic3A_4451, %and3A_4453 : vector<128x1xi32>
    %convert_element_type3A_4455 = arith.sitofp %and3A_4454 : vector<128x1xi32> to vector<128x1xf32>
    %mul3A_4456 = arith.constant 2.560000e+02 : f32
    %mul3A_4457 = vector.broadcast %mul3A_4456 : f32 to vector<128x1xf32>
    %mul3A_4458 = arith.mulf %mul3A_4457, %convert_element_type3A_4455 : vector<128x1xf32>
    %dot_general3A_4459 = arith.constant dense<0.000000e+00> : vector<128x1xf32>
    %dot_general3A_4460 = tpu.matmul %convert_element_type3A_3, %mul3A_4458, %dot_general3A_4459 {dimension_numbers = #tpu.dot_dimension_numbers<[1], [0], [0], [1], [0, 0, 1, 1], [], []>, transpose_lhs_hint = false} : vector<128x128xf32>, vector<128x1xf32>, vector<128x1xf32> -> vector<128x1xf32>
    %add3A_4461 = arith.addf %dot_general3A_4448, %dot_general3A_4460 : vector<128x1xf32>
    %and3A_4462 = arith.constant 255 : i32
    %and3A_4463 = vector.broadcast %and3A_4462 : i32 to vector<128x1xi32>
    %and3A_4464 = arith.andi %convert_element_type3A_4436, %and3A_4463 : vector<128x1xi32>
    %convert_element_type3A_4465 = arith.sitofp %and3A_4464 : vector<128x1xi32> to vector<128x1xf32>
    %dot_general3A_4466 = arith.constant dense<0.000000e+00> : vector<128x1xf32>
    %dot_general3A_4467 = tpu.matmul %convert_element_type3A_3, %convert_element_type3A_4465, %dot_general3A_4466 {dimension_numbers = #tpu.dot_dimension_numbers<[1], [0], [0], [1], [0, 0, 1, 1], [], []>, transpose_lhs_hint = false} : vector<128x128xf32>, vector<128x1xf32>, vector<128x1xf32> -> vector<128x1xf32>
    %add3A_4468 = arith.addf %add3A_4461, %dot_general3A_4467 : vector<128x1xf32>
    %add3A_4469 = vector.broadcast %add3A_4468 : vector<128x1xf32> to vector<128x128xf32>
    %add3A_4470 = arith.addf %add3A_4434, %add3A_4469 : vector<128x128xf32>
    %shift_right_arithmetic3A_4471 = arith.constant 16 : i32
    %shift_right_arithmetic3A_4472 = vector.broadcast %shift_right_arithmetic3A_4471 : i32 to vector<128x128xi32>
    %shift_right_arithmetic3A_4473 = arith.shrsi %add3A_4382, %shift_right_arithmetic3A_4472 : vector<128x128xi32>
    %and3A_4474 = arith.constant 255 : i32
    %and3A_4475 = vector.broadcast %and3A_4474 : i32 to vector<128x128xi32>
    %and3A_4476 = arith.andi %shift_right_arithmetic3A_4473, %and3A_4475 : vector<128x128xi32>
    %convert_element_type3A_4477 = arith.sitofp %and3A_4476 : vector<128x128xi32> to vector<128x128xf32>
    %mul3A_4478 = arith.constant 6.553600e+04 : f32
    %mul3A_4479 = vector.broadcast %mul3A_4478 : f32 to vector<128x128xf32>
    %mul3A_4480 = arith.mulf %mul3A_4479, %convert_element_type3A_4477 : vector<128x128xf32>
    %dot_general3A_4481 = arith.constant dense<0.000000e+00> : vector<128x128xf32>
    %dot_general3A_4482 = tpu.matmul %mul3A_4480, %convert_element_type3A_1, %dot_general3A_4481 {dimension_numbers = #tpu.dot_dimension_numbers<[1], [0], [0], [1], [0, 0, 1, 1], [], []>, transpose_lhs_hint = false} : vector<128x128xf32>, vector<128x128xf32>, vector<128x128xf32> -> vector<128x128xf32>
    %shift_right_arithmetic3A_4483 = arith.constant 8 : i32
    %shift_right_arithmetic3A_4484 = vector.broadcast %shift_right_arithmetic3A_4483 : i32 to vector<128x128xi32>
    %shift_right_arithmetic3A_4485 = arith.shrsi %add3A_4382, %shift_right_arithmetic3A_4484 : vector<128x128xi32>
    %and3A_4486 = arith.constant 255 : i32
    %and3A_4487 = vector.broadcast %and3A_4486 : i32 to vector<128x128xi32>
    %and3A_4488 = arith.andi %shift_right_arithmetic3A_4485, %and3A_4487 : vector<128x128xi32>
    %convert_element_type3A_4489 = arith.sitofp %and3A_4488 : vector<128x128xi32> to vector<128x128xf32>
    %mul3A_4490 = arith.constant 2.560000e+02 : f32
    %mul3A_4491 = vector.broadcast %mul3A_4490 : f32 to vector<128x128xf32>
    %mul3A_4492 = arith.mulf %mul3A_4491, %convert_element_type3A_4489 : vector<128x128xf32>
    %dot_general3A_4493 = arith.constant dense<0.000000e+00> : vector<128x128xf32>
    %dot_general3A_4494 = tpu.matmul %mul3A_4492, %convert_element_type3A_1, %dot_general3A_4493 {dimension_numbers = #tpu.dot_dimension_numbers<[1], [0], [0], [1], [0, 0, 1, 1], [], []>, transpose_lhs_hint = false} : vector<128x128xf32>, vector<128x128xf32>, vector<128x128xf32> -> vector<128x128xf32>
    %add3A_4495 = arith.addf %dot_general3A_4482, %dot_general3A_4494 : vector<128x128xf32>
    %and3A_4496 = arith.constant 255 : i32
    %and3A_4497 = vector.broadcast %and3A_4496 : i32 to vector<128x128xi32>
    %and3A_4498 = arith.andi %add3A_4382, %and3A_4497 : vector<128x128xi32>
    %convert_element_type3A_4499 = arith.sitofp %and3A_4498 : vector<128x128xi32> to vector<128x128xf32>
    %dot_general3A_4500 = arith.constant dense<0.000000e+00> : vector<128x128xf32>
    %dot_general3A_4501 = tpu.matmul %convert_element_type3A_4499, %convert_element_type3A_1, %dot_general3A_4500 {dimension_numbers = #tpu.dot_dimension_numbers<[1], [0], [0], [1], [0, 0, 1, 1], [], []>, transpose_lhs_hint = false} : vector<128x128xf32>, vector<128x128xf32>, vector<128x128xf32> -> vector<128x128xf32>
    %add3A_4502 = arith.addf %add3A_4495, %dot_general3A_4501 : vector<128x128xf32>
    %slice3A_4503 = vector.extract_strided_slice %add3A_4502 {offsets = [0, 127], sizes = [128, 1], strides = [1, 1]} : vector<128x128xf32> to vector<128x1xf32>
    %convert_element_type3A_4504 = arith.fptosi %slice3A_4503 : vector<128x1xf32> to vector<128x1xi32>
    %shift_right_arithmetic3A_4505 = arith.constant 16 : i32
    %shift_right_arithmetic3A_4506 = vector.broadcast %shift_right_arithmetic3A_4505 : i32 to vector<128x1xi32>
    %shift_right_arithmetic3A_4507 = arith.shrsi %convert_element_type3A_4504, %shift_right_arithmetic3A_4506 : vector<128x1xi32>
    %and3A_4508 = arith.constant 255 : i32
    %and3A_4509 = vector.broadcast %and3A_4508 : i32 to vector<128x1xi32>
    %and3A_4510 = arith.andi %shift_right_arithmetic3A_4507, %and3A_4509 : vector<128x1xi32>
    %convert_element_type3A_4511 = arith.sitofp %and3A_4510 : vector<128x1xi32> to vector<128x1xf32>
    %mul3A_4512 = arith.constant 6.553600e+04 : f32
    %mul3A_4513 = vector.broadcast %mul3A_4512 : f32 to vector<128x1xf32>
    %mul3A_4514 = arith.mulf %mul3A_4513, %convert_element_type3A_4511 : vector<128x1xf32>
    %dot_general3A_4515 = arith.constant dense<0.000000e+00> : vector<128x1xf32>
    %dot_general3A_4516 = tpu.matmul %convert_element_type3A_3, %mul3A_4514, %dot_general3A_4515 {dimension_numbers = #tpu.dot_dimension_numbers<[1], [0], [0], [1], [0, 0, 1, 1], [], []>, transpose_lhs_hint = false} : vector<128x128xf32>, vector<128x1xf32>, vector<128x1xf32> -> vector<128x1xf32>
    %shift_right_arithmetic3A_4517 = arith.constant 8 : i32
    %shift_right_arithmetic3A_4518 = vector.broadcast %shift_right_arithmetic3A_4517 : i32 to vector<128x1xi32>
    %shift_right_arithmetic3A_4519 = arith.shrsi %convert_element_type3A_4504, %shift_right_arithmetic3A_4518 : vector<128x1xi32>
    %and3A_4520 = arith.constant 255 : i32
    %and3A_4521 = vector.broadcast %and3A_4520 : i32 to vector<128x1xi32>
    %and3A_4522 = arith.andi %shift_right_arithmetic3A_4519, %and3A_4521 : vector<128x1xi32>
    %convert_element_type3A_4523 = arith.sitofp %and3A_4522 : vector<128x1xi32> to vector<128x1xf32>
    %mul3A_4524 = arith.constant 2.560000e+02 : f32
    %mul3A_4525 = vector.broadcast %mul3A_4524 : f32 to vector<128x1xf32>
    %mul3A_4526 = arith.mulf %mul3A_4525, %convert_element_type3A_4523 : vector<128x1xf32>
    %dot_general3A_4527 = arith.constant dense<0.000000e+00> : vector<128x1xf32>
    %dot_general3A_4528 = tpu.matmul %convert_element_type3A_3, %mul3A_4526, %dot_general3A_4527 {dimension_numbers = #tpu.dot_dimension_numbers<[1], [0], [0], [1], [0, 0, 1, 1], [], []>, transpose_lhs_hint = false} : vector<128x128xf32>, vector<128x1xf32>, vector<128x1xf32> -> vector<128x1xf32>
    %add3A_4529 = arith.addf %dot_general3A_4516, %dot_general3A_4528 : vector<128x1xf32>
    %and3A_4530 = arith.constant 255 : i32
    %and3A_4531 = vector.broadcast %and3A_4530 : i32 to vector<128x1xi32>
    %and3A_4532 = arith.andi %convert_element_type3A_4504, %and3A_4531 : vector<128x1xi32>
    %convert_element_type3A_4533 = arith.sitofp %and3A_4532 : vector<128x1xi32> to vector<128x1xf32>
    %dot_general3A_4534 = arith.constant dense<0.000000e+00> : vector<128x1xf32>
    %dot_general3A_4535 = tpu.matmul %convert_element_type3A_3, %convert_element_type3A_4533, %dot_general3A_4534 {dimension_numbers = #tpu.dot_dimension_numbers<[1], [0], [0], [1], [0, 0, 1, 1], [], []>, transpose_lhs_hint = false} : vector<128x128xf32>, vector<128x1xf32>, vector<128x1xf32> -> vector<128x1xf32>
    %add3A_4536 = arith.addf %add3A_4529, %dot_general3A_4535 : vector<128x1xf32>
    %add3A_4537 = vector.broadcast %add3A_4536 : vector<128x1xf32> to vector<128x128xf32>
    %add3A_4538 = arith.addf %add3A_4502, %add3A_4537 : vector<128x128xf32>
    %sub3A_4539 = vector.broadcast %reduce_sum3A_4402 : f32 to vector<128x128xf32>
    %sub3A_4540 = arith.subf %sub3A_4539, %add3A_4470 : vector<128x128xf32>
    %add3A_4541 = arith.addf %sub3A_4540, %convert_element_type3A_4392 : vector<128x128xf32>
    %sub3A_4542 = vector.broadcast %reduce_sum3A_4397 : f32 to vector<128x128xf32>
    %sub3A_4543 = arith.subf %sub3A_4542, %add3A_4538 : vector<128x128xf32>
    %add3A_4544 = arith.addf %sub3A_4543, %convert_element_type3A_4391 : vector<128x128xf32>
    %sub3A_4545 = arith.subf %add3A_4541, %convert_element_type3A_4392 : vector<128x128xf32>
    %sub3A_4546 = arith.subf %add3A_4544, %convert_element_type3A_4391 : vector<128x128xf32>
    %add3A_4547 = vector.broadcast %reduce_sum3A_4397 : f32 to vector<128x128xf32>
    %add3A_4548 = arith.addf %add3A_4547, %add3A_4541 : vector<128x128xf32>
    %sub3A_4549 = arith.subf %add3A_4548, %add3A_4544 : vector<128x128xf32>
    %max3A_4550 = arith.constant 1.000000e+00 : f32
    %max3A_4551 = vector.broadcast %max3A_4550 : f32 to vector<128x128xf32>
    %max3A_4552 = arith.maximumf %sub3A_4549, %max3A_4551 : vector<128x128xf32>
    %gt3A_4553 = arith.constant 0.000000e+00 : f32
    %gt3A_4554 = vector.broadcast %gt3A_4553 : f32 to vector<128x128xf32>
    %gt3A_4555 = arith.cmpf ogt, %add3A_4541, %gt3A_4554 : vector<128x128xf32>
    %sub3A_4556 = vector.broadcast %reduce_sum3A_4397 : f32 to vector<128x128xf32>
    %sub3A_4557 = arith.subf %sub3A_4556, %add3A_4544 : vector<128x128xf32>
    %div3A_4558 = arith.divf %sub3A_4557, %max3A_4552 : vector<128x128xf32>
    %sub3A_4559 = arith.constant 1.000000e+00 : f32
    %sub3A_4560 = vector.broadcast %sub3A_4559 : f32 to vector<128x128xf32>
    %sub3A_4561 = arith.subf %sub3A_4560, %div3A_4558 : vector<128x128xf32>
    %jit3A_4562 = arith.constant 0.000000e+00 : f32
    %broadcast_in_dim3A_4563 = vector.broadcast %jit3A_4562 : f32 to vector<128x128xf32>
    %select_n3A_4564 = arith.select %gt3A_4555, %sub3A_4561, %broadcast_in_dim3A_4563 : vector<128x128xi1>, vector<128x128xf32>
    %add3A_4565 = vector.broadcast %reduce_sum3A_4397 : f32 to vector<128x128xf32>
    %add3A_4566 = arith.addf %add3A_4565, %sub3A_4545 : vector<128x128xf32>
    %sub3A_4567 = arith.subf %add3A_4566, %sub3A_4546 : vector<128x128xf32>
    %max3A_4568 = arith.constant 1.000000e+00 : f32
    %max3A_4569 = vector.broadcast %max3A_4568 : f32 to vector<128x128xf32>
    %max3A_4570 = arith.maximumf %sub3A_4567, %max3A_4569 : vector<128x128xf32>
    %gt3A_4571 = arith.constant 0.000000e+00 : f32
    %gt3A_4572 = vector.broadcast %gt3A_4571 : f32 to vector<128x128xf32>
    %gt3A_4573 = arith.cmpf ogt, %sub3A_4545, %gt3A_4572 : vector<128x128xf32>
    %sub3A_4574 = vector.broadcast %reduce_sum3A_4397 : f32 to vector<128x128xf32>
    %sub3A_4575 = arith.subf %sub3A_4574, %sub3A_4546 : vector<128x128xf32>
    %div3A_4576 = arith.divf %sub3A_4575, %max3A_4570 : vector<128x128xf32>
    %sub3A_4577 = arith.constant 1.000000e+00 : f32
    %sub3A_4578 = vector.broadcast %sub3A_4577 : f32 to vector<128x128xf32>
    %sub3A_4579 = arith.subf %sub3A_4578, %div3A_4576 : vector<128x128xf32>
    %jit3A_4580 = arith.constant 0.000000e+00 : f32
    %broadcast_in_dim3A_4581 = vector.broadcast %jit3A_4580 : f32 to vector<128x128xf32>
    %select_n3A_4582 = arith.select %gt3A_4573, %sub3A_4579, %broadcast_in_dim3A_4581 : vector<128x128xi1>, vector<128x128xf32>
    %sub3A_4583 = arith.subf %select_n3A_4564, %select_n3A_4582 : vector<128x128xf32>
    %mul3A_4584 = arith.mulf %mul3A_12, %sub3A_4583 : vector<128x128xf32>
    %reduce_sum3A_4585 = vector.shape_cast %mul3A_4584 : vector<128x128xf32> to vector<1x128x128xf32>
    %reduce_sum3A_4586 = arith.constant dense<0.000000e+00> : vector<1xf32>
    %reduce_sum3A_4587 = vector.multi_reduction <add>, %reduce_sum3A_4585, %reduce_sum3A_4586 [1, 2] : vector<1x128x128xf32> to vector<1xf32>
    %reduce_sum3A_4588 = vector.shape_cast %reduce_sum3A_4587 : vector<1xf32> to vector<1x1x1xf32>
    %reduce_sum3A_4589 = vector.extract %reduce_sum3A_4588[0, 0, 0] : f32 from vector<1x1x1xf32>
    %gt3A_4590 = arith.constant 0.000000e+00 : f32
    %gt3A_4591 = arith.cmpf ogt, %reduce_sum3A_4397, %gt3A_4590 : f32
    %convert_element_type3A_4592 = arith.extui %gt3A_4591 : i1 to i32
    %convert_element_type3A_4593 = arith.sitofp %convert_element_type3A_4592 : i32 to f32
    %mul3A_4594 = arith.mulf %reduce_sum3A_4589, %convert_element_type3A_4593 : f32
    %add3A_4595 = arith.addf %add3A_4362, %mul3A_4594 : f32
    %add3A_4596 = arith.addf %add3A_4363, %convert_element_type3A_4593 : f32
    %max3A_4597 = arith.constant 1.000000e+00 : f32
    %max3A_4598 = arith.maximumf %add3A_4596, %max3A_4597 : f32
    %div3A_4599 = arith.divf %add3A_4595, %max3A_4598 : f32
    %broadcast_in_dim3A_4600 = vector.broadcast %div3A_4599 : f32 to vector<1x1xf32>
    %swap3A = arith.constant 0 : index
    %swap3A_4601 = arith.constant 0 : index
    %swap3A_4602 = vector.load %arg1[%swap3A, %swap3A_4601] : memref<1x1xf32, #tpu.memory_space<vmem>>, vector<1x1xf32>
    tpu.vector_store %arg1[%swap3A, %swap3A_4601], %broadcast_in_dim3A_4600 {strides = array<i32>} : memref<1x1xf32, #tpu.memory_space<vmem>>, vector<1x1xf32>,
    return
  }
}

</mosaic_0001>

<sc_bundles>
// kernel: kernel.5.cloned.1.call-start
scs
__scs_entry_jumppad:
0x0: {  	(pc) =	sbr.rel $0x88, $3  }
0x1: {  	(tag) =	ssettag $0x0;
	lr =	simm.s32 $0x1  }
0x2: {  	[smem:$0x3F9F] =	sst lr;
	_ =	strace $0xD0000000  }
0x3: {  	_ = 	snop  }
0x4: {  	_ = 	snop  }
0x5: {  	_ = 	snop  }
0x6: {  	_ = 	snop  }
0x7: {  	_ = 	snop  }
__scs_overlays_trampoline_lowered:
0x8: {  	[smem:$0x3FAE] =	sst s0  }
0x9: {  	[smem:$0x3FAF] =	sst s1  }
0xa: {  	[smem:$0x3FB0] =	sst s2  }
0xb: {  	[smem:$0x3FB1] =	sst s3  }
0xc: {  	[smem:$0x3FB2] =	sst s4  }
0xd: {  	[smem:$0x3FB3] =	sst s5  }
0xe: {  	[smem:$0x3FB4] =	sst s6  }
0xf: {  	[smem:$0x3FB5] =	sst s7  }
0x10: {  	[smem:$0x3FB6] =	sst s8  }
0x11: {  	[smem:$0x3FB7] =	sst s9;
	s0 =	simm.s32 @!p0 $0x0  }
0x12: {  	s1 =	sld [smem:$0x3F9D];
	s0 =	simm.s32 @p0 $0x1  }
0x13: {  	[smem:$0x3FB8] =	sst s0;
	s0 =	simm.s32 @!p1 $0x0  }
0x14: {  	s2 =	sld [smem:$0x3F9C];
	s0 =	simm.s32 @p1 $0x1  }
0x15: {  	[smem:$0x3FB9] =	sst s0;
	s0 =	simm.s32 @!p2 $0x0  }
0x16: {  	s3 =	sld [smem:$0x3FDB];
	s0 =	simm.s32 @p2 $0x1  }
0x17: {  	s4 =	simm.s32 $0x1BF5;
	[smem:$0x3FBB] =	sst s0  }
0x18: {  	s0 =	sld [smem:$0x3F9E];
	_ =	swait.ge [sflag:s4], $0x0  }
0x19: {  	s7 =	sld [smem:$0x3F9F]  }
0x1a: {  	s8 =	sadd.s32 $0xFFFFE003, lr  }
0x1b: {  	s9 =	sadd.s32 $0xFFFFFEF7, lr;
	s5 =	simm.s32 $0xFFFFFFFF;
	p2 =	slt.u32 s8, $0xFFFFF086  }
0x1c: {  	p1 =	slt.u32 s9, $0xF7A;
	s5 =	simm.s32 @!p2 $0x0  }
0x1d: {  	s5 =	simm.s32 @p1 $0x1;
	p0 =	seq.s32 s7, s2  }
0x1e: {  	s7 =	smul.u32 @!p0 $0xF7A, s2;
	p2 =	seq.s32 @!p0 s5, $0x0  }
0x1f: {  	s9 =	smul.u32 $0xF7A, s1;
	s8 =	simm.s32 @!p0 $0x1BF5;
	p2 =	por !p2, p0  }
0x20: {  	[sflag:s8] =	ssyncset.s32 @!p0 $0xFFFFF086;
	s6 =	sadd.s32 @!p0 s3, s7;
	s7 =	simm.s32 @!p0 $0x108  }
0x21: {  	s3 =	sadd.s32 s3, s9;
	s6 =	sadd.s32 @!p0 $0x88, s6;
	s7 =	simm.s32 @p2 $0x1082  }
0x22: {  	[simem:s7], [sflag:s8] =	dma.local @!p0 [hbm:s6], $0xF7A  }
0x23: {  	s9 =	sor.u32 $0xD0000000, s2;
	s6 =	simm.s32 $0x108;
	_ =	swait.ge @!p0 [sflag:s8], $0x0  }
0x24: {  	s3 =	sadd.s32 $0x88, s3;
	s6 =	simm.s32 @!p1 $0x1082;
	[sflag:s4] =	ssyncset.s32 $0xFFFFF086  }
0x25: {  	[simem:s6], [sflag:s4] =	dma.local [hbm:s3], $0xF7A  }
0x26: {  	[smem:$0x3F9F] =	sst s1;
	(tag) =	ssettag s2;
	_ =	strace s9  }
0x27: {  	s1 =	sld [smem:$0x3FAF]  }
0x28: {  	s2 =	sld [smem:$0x3FB0]  }
0x29: {  	s4 =	sld [smem:$0x3FB2]  }
0x2a: {  	p0 =	seq.s32 s5, $0x0;
	s5 =	sld [smem:$0x3FB3]  }
0x2b: {  	s6 =	sld [smem:$0x3FB4]  }
0x2c: {  	s7 =	sld [smem:$0x3FB5]  }
0x2d: {  	s3 =	simm.s32 $0x108;
	s8 =	sld [smem:$0x3FB6]  }
0x2e: {  	s3 =	simm.s32 @!p0 $0x1082;
	s9 =	sld [smem:$0x3FB7]  }
0x2f: {  	lr =	sadd.s32 s0, s3;
	s0 =	sld [smem:$0x3FAE]  }
0x30: {  	s3 =	sld [smem:$0x3FB1]  }
0x31: {  	[smem:$0x3FBA] =	sst s10  }
0x32: {  	s10 =	sld [smem:$0x3FB8];
	_ =	sdelay $0x3  }
0x33: {  	p0 =	seq.s32 s10, $0x1;
	s10 =	sld [smem:$0x3FBA];
	_ =	sdelay $0x3  }
0x34: {  	[smem:$0x3FBA] =	sst s10  }
0x35: {  	s10 =	sld [smem:$0x3FB9];
	_ =	sdelay $0x3  }
0x36: {  	p1 =	seq.s32 s10, $0x1;
	s10 =	sld [smem:$0x3FBA];
	_ =	sdelay $0x3  }
0x37: {  	[smem:$0x3FBA] =	sst s10  }
0x38: {  	s10 =	sld [smem:$0x3FBB]  }
0x39: {  	_ = 	snop;
	(pc) =	sbr.ind lr, $3  }
0x3a: {  	_ = 	snop  }
0x3b: {  	_ = 	snop  }
0x3c: {  	p2 =	seq.s32 s10, $0x1;
	s10 =	sld [smem:$0x3FBA]  }
0x3d: {  	_ =	shalt  }
0x3e: {  	_ =	shalt  }
0x3f: {  	_ =	shalt  }
0x40: {  	_ =	shalt  }
0x41: {  	_ =	shalt  }
0x42: {  	_ =	shalt  }
0x43: {  	_ =	shalt  }
0x44: {  	_ =	shalt  }
0x45: {  	_ =	shalt  }
0x46: {  	_ =	shalt  }
0x47: {  	_ =	shalt  }
0x48: {  	_ =	shalt  }
0x49: {  	_ =	shalt  }
0x4a: {  	_ =	shalt  }
0x4b: {  	_ =	shalt  }
0x4c: {  	_ =	shalt  }
0x4d: {  	_ =	shalt  }
0x4e: {  	_ =	shalt  }
0x4f: {  	_ =	shalt  }
0x50: {  	_ =	shalt  }
0x51: {  	_ =	shalt  }
0x52: {  	_ =	shalt  }
0x53: {  	_ =	shalt  }
0x54: {  	_ =	shalt  }
0x55: {  	_ =	shalt  }
0x56: {  	_ =	shalt  }
0x57: {  	_ =	shalt  }
0x58: {  	_ =	shalt  }
0x59: {  	_ =	shalt  }
0x5a: {  	_ =	shalt  }
0x5b: {  	_ =	shalt  }
0x5c: {  	_ =	shalt  }
0x5d: {  	_ =	shalt  }
0x5e: {  	_ =	shalt  }
0x5f: {  	_ =	shalt  }
0x60: {  	_ =	shalt  }
0x61: {  	_ =	shalt  }
0x62: {  	_ =	shalt  }
0x63: {  	_ =	shalt  }
0x64: {  	_ =	shalt  }
0x65: {  	_ =	shalt  }
0x66: {  	_ =	shalt  }
0x67: {  	_ =	shalt  }
0x68: {  	_ =	shalt  }
0x69: {  	_ =	shalt  }
0x6a: {  	_ =	shalt  }
0x6b: {  	_ =	shalt  }
0x6c: {  	_ =	shalt  }
0x6d: {  	_ =	shalt  }
0x6e: {  	_ =	shalt  }
0x6f: {  	_ =	shalt  }
0x70: {  	_ =	shalt  }
0x71: {  	_ =	shalt  }
0x72: {  	_ =	shalt  }
0x73: {  	_ =	shalt  }
0x74: {  	_ =	shalt  }
0x75: {  	_ =	shalt  }
0x76: {  	_ =	shalt  }
0x77: {  	_ =	shalt  }
0x78: {  	_ =	shalt  }
0x79: {  	_ =	shalt  }
0x7a: {  	_ =	shalt  }
0x7b: {  	_ =	shalt  }
0x7c: {  	_ =	shalt  }
0x7d: {  	_ =	shalt  }
0x7e: {  	_ =	shalt  }
0x7f: {  	_ =	shalt  }
0x80: {  	_ =	shalt  }
0x81: {  	_ =	shalt  }
0x82: {  	_ =	shalt  }
0x83: {  	_ =	shalt  }
0x84: {  	_ =	shalt  }
0x85: {  	_ =	shalt  }
0x86: {  	_ =	shalt  }
0x87: {  	_ =	shalt  }
.Lfunc_end0:
.L_simem_size_0:
called_computation.1_lowered:
.L_overlay_start_0:
0x88: {  	s2 =	sld [smem:$0x3FD9]  }
0x89: {  	s3 =	sld [smem:$0x3FFE];
	_ =	sdelay $0x1  }
0x8a: {  	s1 =	srdreg.scid  }
0x8b: {  	s0 =	sand.u32 $0x1, s1  }
0x8c: {  	s16 =	sshll.u32 s0, $0xA;
	s2 =	sadd.s32 s3, s2  }
0x8d: {  	s2 =	sadd.s32 s2, s16  }
0x8e: {  	[smem:$0x3FC6] =	sst s2  }
0x8f: {  	_ = 	snop  }
0x90: {  	(tm) =	ssettm $0x1  }
0x91: {  	s17 =	sld [smem:$0x3FFB];
	_ =	sdelay $0x3  }
0x92: {  	_ =	strace s17  }
0x93: {  	s2 =	sld [smem:$0x3FFC];
	_ =	sdelay $0x3  }
0x94: {  	_ =	strace s2  }
0x95: {  	s2 =	sld [smem:$0x3FFD];
	_ =	sdelay $0x3  }
0x96: {  	_ =	strace s2  }
0x97: {  	_ =	strace $0x8FFFFFFF  }
0x98: {  	s18 =	sld [smem:$0x3FDB];
	_ =	sdelay $0x1  }
0x99: {  	s19 =	simm.s32 $_scs_section_size  }
0x9a: {  	s4 =	simm.s32 $_size__tile_overlayer_lowered;
	s5 =	simm.s32 $_tile_overlayer_lowered  }
0x9b: {  	s22 =	simm.s32 $0x1BFF;
	s21 =	sshll.u32 s5, $0x1;
	s2 =	sadd.s32 s19, s18  }
0x9c: {  	s6 =	simm.s32 $0x0;
	s20 =	sshll.u32 s4, $0x1;
	s4 =	sadd.s32 s21, s2  }
0x9d: {  	[timem:s6], [sflag:s22] =	dma.local [hbm:s4], s20  }
0x9e: {  	_ =	swait.ge [sflag:s22], s20  }
0x9f: {  	s3 =	ssub.s32 $0x0, s20;
	[sflag:s22] =	ssyncset.done $0x0  }
0xa0: {  	[sflag:s22] =	ssyncadd.s32 s3;
	_ =	sdelay $0x1  }
0xa1: {  	s23 =	simm.s32 $0x1B8B  }
0xa2: {  	_ =	swait.ge [sflag:s23], $0x1  }
0xa3: {  	[sflag:s23] =	ssyncset.done $0x0  }
0xa4: {  	s25 =	simm.s32 $0x1B8E;
	s24 =	sld [smem:$0x3FFE];
	[sflag:s23] =	ssyncadd.s32 $0xFFFFFFFF  }
0xa5: {  	s26 =	simm.s32 $execute0_lowered;
	[smem:$0x3FD2] =	sst s25  }
0xa6: {  	s4 =	sshll.u32 s26, $0x1;
	_ =	strace $0x80000049;
	[dreg:$0x1] =	wrdreg $0xFFFFFFFF  }
0xa7: {  	s28 =	simm.s32 $_size_execute0_lowered;
	s2 =	sadd.s32 s2, s4;
	[dreg:$0x0] =	wrdreg $0x0  }
0xa8: {  	s4 =	sshll.u32 s28, $0x1;
	[dreg:$0x2] =	wrdreg s2  }
0xa9: {  	[dreg:$0x3] =	wrdreg s4  }
0xaa: {  	[dreg:$0x4] =	wrdreg $0xC0  }
0xab: {  	_ =	task [dreg:s6], $0x5FFFF  }
0xac: {  	[dreg:$0x1] =	wrdreg $0xFFFFFFFF  }
0xad: {  	[dreg:$0x0] =	wrdreg $0x60  }
0xae: {  	[dreg:$0x2] =	wrdreg s24  }
0xaf: {  	[dreg:$0x3] =	wrdreg $0x9  }
0xb0: {  	_ =	task.clear_ibuf [dreg:s6], $0x4FFFF;
	_ =	strace $0x90000049  }
0xb1: {  	s29 =	simm.s32 $0x9;
	_ =	strace $0x8000004B  }
0xb2: {  	_ =	swait.ge [sflag:s29], $0x1  }
0xb3: {  	[sflag:s29] =	ssyncadd.s32 $0xFFFFFFFF  }
0xb4: {  	_ =	strace $0x9000004B  }
0xb5: {  	_ =	sfence  }
0xb6: {  	s30 =	sld [smem:$0x0];
	_ =	sdelay $0x2  }
0xb7: {  	s31 =	sshll.u32 s1, $0xD;
	s1 =	sshrl.u32 s1, $0x2  }
0xb8: {  	s3 =	sand.u32 $0x4000, s31;
	s1 =	sadd.s32 s1, s30  }
0xb9: {  	s0 =	sor.u32 s3, s0;
	s1 =	sshll.u32 s1, $0x11  }
0xba: {  	s0 =	sor.u32 s1, s0  }
0xbb: {  	s0 =	sadd.s32 $0x8F2B, s0  }
0xbc: {  	[sflag:s0] =	ssyncadd.remote.s32 $0x1  }
0xbd: {  	_ =	sfence.sel $0xFFFF  }
0xbe: {  	[dreg:$0x0] =	wrdreg $0xFFFFFFFF;
	(pc) =	sbr.abs _section_cstart, $3  }
0xbf: {  	[dreg:$0x1] =	wrdreg $0xFFFFFFFF  }
0xc0: {  	_ =	task.clear_ibuf [dreg:s6], $0x2FFFF;
	_ =	strace $0x9FFFFFFF  }
0xc1: {  	(tm) =	ssettm $0x7FFFFFFF  }
tec
execute0_lowered:
.L_overlay_start_1:
0x0: {  	(tag) =	ssettag $0x1  }
0x1: {  	s5 =	rddreg [dreg:$0x0]  }
0x2: {  	s0 =	rddreg [dreg:$0x1]  }
0x3: {  	s1 =	stileid.u32;
	s3 =	srdreg.scid;
	s2 =	simm.s32 $0x0  }
0x4: {  	s12 =	simm.s32 $0x3;
	s13 =	simm.s32 $0x4000;
	s14 =	simm.s32 $0x1  }
0x5: {  	s15 =	simm.s32 $0x2;
	s16 =	simm.s32 $0x80;
	s17 =	simm.s32 $0x400  }
0x6: {  	s18 =	simm.s32 $0x0;
	s6 =	sand.u32 $0x1, s3;
	s30 =	sshll.u32 s1, $0x1  }
0x7: {  	[smem:$0x7FF] =	sst s2;
	s4 =	sshll.u32 s1, $0xE;
	s3 =	sadd.s32 $0x260A00, s5  }
0x8: {  	s7 =	sor.u32 s6, s30;
	_ =	strace $0x8000004A;
	s8 =	sand.u32 $0x30000, s4  }
0x9: {  	s4 =	sadd.s32 $0xA00, s5;
	s6 =	ssub.s32 $0x2, s6;
	s9 =	smul.u32 $0x98000, s7  }
.Ltmp0:
0xa: {  	s7 =	sshll.u32 s7, $0x4;
	s10 =	sshrl.u32 s6, $0x1;
	(pc) =	sbr.rel .LBB2_1-.Ltmp0, $4  }
0xb: {  	s8 =	sadd.s32 s8, s5;
	s7 =	sand.u32 $0x70, s7;
	s10 =	ssub.s32 s6, s10  }
0xc: {  	s31 =	sshrl.u32 s9, $0x3;
	s11 =	sadd.s32 s7, s8;
	s7 =	sadd.s32 $0x8000, s9  }
0xd: {  	s8 =	sadd.s32 $0xC000, s9;
	s10 =	smax.u32 s10, $0x1;
	s5 =	sadd.s32 s3, s31  }
0xe: {  	v0 =	vimm.s32 $0x1;
	s9 =	sadd.s32 $0x2A00, s11;
	s11 =	simm.s32 $0x8000;
	s6 =	sadd.s32 $0x800, s5  }
.LBB2_8:
0xf: {  	s18 =	sadd.s32 $0x1, s18  }
0x10: {  	p0 =	sne.s32 s18, s10  }
.Ltmp1:
0x11: {  	_ = 	snop;
	(pc) =	sbr.rel @!p0 .LBB2_9-.Ltmp1, $4  }
0x12: {  	[hbm4b:s9+s16] =	stream.strided.scatter [tilespmem:s11], [sflag:$0x3], $0x10000, s17, s16, $0x38;
	[tilespmem:$0x18000] =	vst v63  }
0x13: {  	_ =	swait.ge [sflag:s12], $0x10000  }
0x14: {  	[sflag:s12] =	ssyncset.done $0x0  }
0x15: {  	[sflag:s12] =	ssyncadd.s32 $0xFFFF0000  }
.LBB2_1:
0x16: {  	[tilespmem:s11], [sflag:$0x3] =	stream.linear.gather [hbm4b:s4+s2], $0x10000, $0x38;
	[tilespmem:$0x18000] =	vst v63  }
0x17: {  	_ =	swait.ge [sflag:s12], $0x10000  }
0x18: {  	[sflag:s12] =	ssyncset.done $0x0  }
0x19: {  	[sflag:s12] =	ssyncadd.s32 $0xFFFF0000  }
0x1a: {  	[tilespmem:s2], [sflag:$0x1] =	stream.linear.gather [hbm4b:s5+s2], $0x4000, $0x38;
	[tilespmem:$0x18000] =	vst v63  }
0x1b: {  	s19 =	simm.s32 $0x0  }
0x1c: {  	[tilespmem:s13], [sflag:$0x2] =	stream.linear.gather [hbm4b:s6+s2], $0x4000, $0x38;
	[tilespmem:$0x18000] =	vst v63  }
.LBB2_2:
0x1d: {  	_ =	swait.ge [sflag:s14], $0x4000  }
0x1e: {  	[sflag:s14] =	ssyncset.done $0x0  }
0x1f: {  	s20 =	simm.s32 $0xFFFFFFF0;
	s21 =	simm.s32 $0x80;
	[sflag:s14] =	ssyncadd.s32 $0xFFFFC000  }
.LBB2_3:
0x20: {  	v1 =	vld [tilespmem:s21+$0xFFFFFF80];
	_ =	sdelay $0x4  }
0x21: {  	v2 =	vand.u32 $0xFFFF, v1  }
0x22: {  	v1 =	vshrl.u32 v1, $0x10;
	_ =	sdelay $0x3  }
0x23: {  	[tilespmem:v2+s11+$0x0] =	vst.idx.add.s32.msk $0xffff, v0  }
0x24: {  	[tilespmem:v1+s11+$0x0] =	vst.idx.add.s32.msk $0xffff, v0  }
0x25: {  	v1 =	vld [tilespmem:s21+$0xFFFFFF90];
	_ =	sdelay $0x4  }
0x26: {  	v2 =	vand.u32 $0xFFFF, v1  }
0x27: {  	v1 =	vshrl.u32 v1, $0x10;
	_ =	sdelay $0x3  }
0x28: {  	[tilespmem:v2+s11+$0x0] =	vst.idx.add.s32.msk $0xffff, v0  }
0x29: {  	[tilespmem:v1+s11+$0x0] =	vst.idx.add.s32.msk $0xffff, v0  }
0x2a: {  	v1 =	vld [tilespmem:s21+$0xFFFFFFA0];
	_ =	sdelay $0x4  }
0x2b: {  	v2 =	vand.u32 $0xFFFF, v1  }
0x2c: {  	v1 =	vshrl.u32 v1, $0x10;
	_ =	sdelay $0x3  }
0x2d: {  	[tilespmem:v2+s11+$0x0] =	vst.idx.add.s32.msk $0xffff, v0  }
0x2e: {  	[tilespmem:v1+s11+$0x0] =	vst.idx.add.s32.msk $0xffff, v0  }
0x2f: {  	v1 =	vld [tilespmem:s21+$0xFFFFFFB0];
	_ =	sdelay $0x4  }
0x30: {  	v2 =	vand.u32 $0xFFFF, v1  }
0x31: {  	v1 =	vshrl.u32 v1, $0x10;
	_ =	sdelay $0x3  }
0x32: {  	[tilespmem:v2+s11+$0x0] =	vst.idx.add.s32.msk $0xffff, v0  }
0x33: {  	[tilespmem:v1+s11+$0x0] =	vst.idx.add.s32.msk $0xffff, v0  }
0x34: {  	v1 =	vld [tilespmem:s21+$0xFFFFFFC0];
	_ =	sdelay $0x4  }
0x35: {  	v2 =	vand.u32 $0xFFFF, v1  }
0x36: {  	v1 =	vshrl.u32 v1, $0x10;
	_ =	sdelay $0x3  }
0x37: {  	[tilespmem:v2+s11+$0x0] =	vst.idx.add.s32.msk $0xffff, v0  }
0x38: {  	[tilespmem:v1+s11+$0x0] =	vst.idx.add.s32.msk $0xffff, v0  }
0x39: {  	v1 =	vld [tilespmem:s21+$0xFFFFFFD0];
	_ =	sdelay $0x4  }
0x3a: {  	v2 =	vand.u32 $0xFFFF, v1  }
0x3b: {  	v1 =	vshrl.u32 v1, $0x10;
	_ =	sdelay $0x3  }
0x3c: {  	[tilespmem:v2+s11+$0x0] =	vst.idx.add.s32.msk $0xffff, v0  }
0x3d: {  	[tilespmem:v1+s11+$0x0] =	vst.idx.add.s32.msk $0xffff, v0  }
0x3e: {  	v1 =	vld [tilespmem:s21+$0xFFFFFFE0];
	_ =	sdelay $0x4  }
0x3f: {  	v2 =	vand.u32 $0xFFFF, v1  }
0x40: {  	v1 =	vshrl.u32 v1, $0x10;
	_ =	sdelay $0x3  }
0x41: {  	[tilespmem:v2+s11+$0x0] =	vst.idx.add.s32.msk $0xffff, v0  }
0x42: {  	[tilespmem:v1+s11+$0x0] =	vst.idx.add.s32.msk $0xffff, v0  }
0x43: {  	v1 =	vld [tilespmem:s21+$0xFFFFFFF0];
	_ =	sdelay $0x4  }
0x44: {  	v2 =	vand.u32 $0xFFFF, v1  }
0x45: {  	v1 =	vshrl.u32 v1, $0x10;
	_ =	sdelay $0x3  }
0x46: {  	[tilespmem:v2+s11+$0x0] =	vst.idx.add.s32.msk $0xffff, v0  }
0x47: {  	[tilespmem:v1+s11+$0x0] =	vst.idx.add.s32.msk $0xffff, v0  }
0x48: {  	v1 =	vld [tilespmem:s21+$0x0];
	_ =	sdelay $0x4  }
0x49: {  	v2 =	vand.u32 $0xFFFF, v1  }
0x4a: {  	v1 =	vshrl.u32 v1, $0x10;
	_ =	sdelay $0x3  }
0x4b: {  	[tilespmem:v2+s11+$0x0] =	vst.idx.add.s32.msk $0xffff, v0  }
0x4c: {  	[tilespmem:v1+s11+$0x0] =	vst.idx.add.s32.msk $0xffff, v0  }
0x4d: {  	v1 =	vld [tilespmem:s21+$0x10];
	_ =	sdelay $0x4  }
0x4e: {  	v2 =	vand.u32 $0xFFFF, v1  }
0x4f: {  	v1 =	vshrl.u32 v1, $0x10;
	_ =	sdelay $0x3  }
0x50: {  	[tilespmem:v2+s11+$0x0] =	vst.idx.add.s32.msk $0xffff, v0  }
0x51: {  	[tilespmem:v1+s11+$0x0] =	vst.idx.add.s32.msk $0xffff, v0  }
0x52: {  	v1 =	vld [tilespmem:s21+$0x20];
	_ =	sdelay $0x4  }
0x53: {  	v2 =	vand.u32 $0xFFFF, v1  }
0x54: {  	v1 =	vshrl.u32 v1, $0x10;
	_ =	sdelay $0x3  }
0x55: {  	[tilespmem:v2+s11+$0x0] =	vst.idx.add.s32.msk $0xffff, v0  }
0x56: {  	[tilespmem:v1+s11+$0x0] =	vst.idx.add.s32.msk $0xffff, v0  }
0x57: {  	v1 =	vld [tilespmem:s21+$0x30];
	_ =	sdelay $0x4  }
0x58: {  	v2 =	vand.u32 $0xFFFF, v1  }
0x59: {  	v1 =	vshrl.u32 v1, $0x10;
	_ =	sdelay $0x3  }
0x5a: {  	[tilespmem:v2+s11+$0x0] =	vst.idx.add.s32.msk $0xffff, v0  }
0x5b: {  	[tilespmem:v1+s11+$0x0] =	vst.idx.add.s32.msk $0xffff, v0  }
0x5c: {  	v1 =	vld [tilespmem:s21+$0x40];
	_ =	sdelay $0x4  }
0x5d: {  	v2 =	vand.u32 $0xFFFF, v1  }
0x5e: {  	v1 =	vshrl.u32 v1, $0x10;
	_ =	sdelay $0x3  }
0x5f: {  	[tilespmem:v2+s11+$0x0] =	vst.idx.add.s32.msk $0xffff, v0  }
0x60: {  	[tilespmem:v1+s11+$0x0] =	vst.idx.add.s32.msk $0xffff, v0  }
0x61: {  	v1 =	vld [tilespmem:s21+$0x50];
	_ =	sdelay $0x4  }
0x62: {  	v2 =	vand.u32 $0xFFFF, v1  }
0x63: {  	v1 =	vshrl.u32 v1, $0x10;
	_ =	sdelay $0x3  }
0x64: {  	[tilespmem:v2+s11+$0x0] =	vst.idx.add.s32.msk $0xffff, v0  }
0x65: {  	[tilespmem:v1+s11+$0x0] =	vst.idx.add.s32.msk $0xffff, v0  }
0x66: {  	v1 =	vld [tilespmem:s21+$0x60];
	_ =	sdelay $0x4  }
0x67: {  	v2 =	vand.u32 $0xFFFF, v1  }
0x68: {  	v1 =	vshrl.u32 v1, $0x10;
	_ =	sdelay $0x3  }
0x69: {  	[tilespmem:v2+s11+$0x0] =	vst.idx.add.s32.msk $0xffff, v0  }
0x6a: {  	[tilespmem:v1+s11+$0x0] =	vst.idx.add.s32.msk $0xffff, v0  }
0x6b: {  	v1 =	vld [tilespmem:s21+$0x70];
	_ =	sdelay $0x4  }
0x6c: {  	s20 =	sadd.s32 $0x10, s20;
	v2 =	vand.u32 $0xFFFF, v1  }
0x6d: {  	p0 =	slt.u32 s20, $0x3F0;
	v1 =	vshrl.u32 v1, $0x10  }
.Ltmp2:
0x6e: {  	_ = 	snop;
	(pc) =	sbr.rel @p0 .LBB2_3-.Ltmp2, $3  }
0x6f: {  	_ =	sdelay $0x1  }
0x70: {  	[tilespmem:v2+s11+$0x0] =	vst.idx.add.s32.msk $0xffff, v0  }
0x71: {  	s21 =	sadd.s32 $0x100, s21;
	[tilespmem:v1+s11+$0x0] =	vst.idx.add.s32.msk $0xffff, v0  }
0x72: {  	s20 =	sshll.u32 s19, $0xF;
	p0 =	seq.s32 s19, $0x12  }
0x73: {  	s21 =	sadd.s32 @!p0 s20, s7  }
0x74: {  	s21 =	sshrl.u32 @!p0 s21, $0x3  }
0x75: {  	s22 =	simm.s32 @!p0 $0x0;
	s21 =	sadd.s32 @!p0 s3, s21  }
0x76: {  	[tilespmem:s22], [sflag:$0x1] =	stream.linear.gather @!p0 [hbm4b:s21+s22], $0x4000, $0x38;
	[tilespmem:$0x18000] =	vst v63  }
0x77: {  	_ =	swait.ge [sflag:s15], $0x4000  }
0x78: {  	[sflag:s15] =	ssyncset.done $0x0  }
0x79: {  	s21 =	simm.s32 $0xFFFFFFF0;
	s22 =	simm.s32 $0x4080;
	[sflag:s15] =	ssyncadd.s32 $0xFFFFC000  }
.LBB2_5:
0x7a: {  	v1 =	vld [tilespmem:s22+$0xFFFFFF80];
	_ =	sdelay $0x4  }
0x7b: {  	v2 =	vand.u32 $0xFFFF, v1  }
0x7c: {  	v1 =	vshrl.u32 v1, $0x10;
	_ =	sdelay $0x3  }
0x7d: {  	[tilespmem:v2+s11+$0x0] =	vst.idx.add.s32.msk $0xffff, v0  }
0x7e: {  	[tilespmem:v1+s11+$0x0] =	vst.idx.add.s32.msk $0xffff, v0  }
0x7f: {  	v1 =	vld [tilespmem:s22+$0xFFFFFF90];
	_ =	sdelay $0x4  }
0x80: {  	v2 =	vand.u32 $0xFFFF, v1  }
0x81: {  	v1 =	vshrl.u32 v1, $0x10;
	_ =	sdelay $0x3  }
0x82: {  	[tilespmem:v2+s11+$0x0] =	vst.idx.add.s32.msk $0xffff, v0  }
0x83: {  	[tilespmem:v1+s11+$0x0] =	vst.idx.add.s32.msk $0xffff, v0  }
0x84: {  	v1 =	vld [tilespmem:s22+$0xFFFFFFA0];
	_ =	sdelay $0x4  }
0x85: {  	v2 =	vand.u32 $0xFFFF, v1  }
0x86: {  	v1 =	vshrl.u32 v1, $0x10;
	_ =	sdelay $0x3  }
0x87: {  	[tilespmem:v2+s11+$0x0] =	vst.idx.add.s32.msk $0xffff, v0  }
0x88: {  	[tilespmem:v1+s11+$0x0] =	vst.idx.add.s32.msk $0xffff, v0  }
0x89: {  	v1 =	vld [tilespmem:s22+$0xFFFFFFB0];
	_ =	sdelay $0x4  }
0x8a: {  	v2 =	vand.u32 $0xFFFF, v1  }
0x8b: {  	v1 =	vshrl.u32 v1, $0x10;
	_ =	sdelay $0x3  }
0x8c: {  	[tilespmem:v2+s11+$0x0] =	vst.idx.add.s32.msk $0xffff, v0  }
0x8d: {  	[tilespmem:v1+s11+$0x0] =	vst.idx.add.s32.msk $0xffff, v0  }
0x8e: {  	v1 =	vld [tilespmem:s22+$0xFFFFFFC0];
	_ =	sdelay $0x4  }
0x8f: {  	v2 =	vand.u32 $0xFFFF, v1  }
0x90: {  	v1 =	vshrl.u32 v1, $0x10;
	_ =	sdelay $0x3  }
0x91: {  	[tilespmem:v2+s11+$0x0] =	vst.idx.add.s32.msk $0xffff, v0  }
0x92: {  	[tilespmem:v1+s11+$0x0] =	vst.idx.add.s32.msk $0xffff, v0  }
0x93: {  	v1 =	vld [tilespmem:s22+$0xFFFFFFD0];
	_ =	sdelay $0x4  }
0x94: {  	v2 =	vand.u32 $0xFFFF, v1  }
0x95: {  	v1 =	vshrl.u32 v1, $0x10;
	_ =	sdelay $0x3  }
0x96: {  	[tilespmem:v2+s11+$0x0] =	vst.idx.add.s32.msk $0xffff, v0  }
0x97: {  	[tilespmem:v1+s11+$0x0] =	vst.idx.add.s32.msk $0xffff, v0  }
0x98: {  	v1 =	vld [tilespmem:s22+$0xFFFFFFE0];
	_ =	sdelay $0x4  }
0x99: {  	v2 =	vand.u32 $0xFFFF, v1  }
0x9a: {  	v1 =	vshrl.u32 v1, $0x10;
	_ =	sdelay $0x3  }
0x9b: {  	[tilespmem:v2+s11+$0x0] =	vst.idx.add.s32.msk $0xffff, v0  }
0x9c: {  	[tilespmem:v1+s11+$0x0] =	vst.idx.add.s32.msk $0xffff, v0  }
0x9d: {  	v1 =	vld [tilespmem:s22+$0xFFFFFFF0];
	_ =	sdelay $0x4  }
0x9e: {  	v2 =	vand.u32 $0xFFFF, v1  }
0x9f: {  	v1 =	vshrl.u32 v1, $0x10;
	_ =	sdelay $0x3  }
0xa0: {  	[tilespmem:v2+s11+$0x0] =	vst.idx.add.s32.msk $0xffff, v0  }
0xa1: {  	[tilespmem:v1+s11+$0x0] =	vst.idx.add.s32.msk $0xffff, v0  }
0xa2: {  	v1 =	vld [tilespmem:s22+$0x0];
	_ =	sdelay $0x4  }
0xa3: {  	v2 =	vand.u32 $0xFFFF, v1  }
0xa4: {  	v1 =	vshrl.u32 v1, $0x10;
	_ =	sdelay $0x3  }
0xa5: {  	[tilespmem:v2+s11+$0x0] =	vst.idx.add.s32.msk $0xffff, v0  }
0xa6: {  	[tilespmem:v1+s11+$0x0] =	vst.idx.add.s32.msk $0xffff, v0  }
0xa7: {  	v1 =	vld [tilespmem:s22+$0x10];
	_ =	sdelay $0x4  }
0xa8: {  	v2 =	vand.u32 $0xFFFF, v1  }
0xa9: {  	v1 =	vshrl.u32 v1, $0x10;
	_ =	sdelay $0x3  }
0xaa: {  	[tilespmem:v2+s11+$0x0] =	vst.idx.add.s32.msk $0xffff, v0  }
0xab: {  	[tilespmem:v1+s11+$0x0] =	vst.idx.add.s32.msk $0xffff, v0  }
0xac: {  	v1 =	vld [tilespmem:s22+$0x20];
	_ =	sdelay $0x4  }
0xad: {  	v2 =	vand.u32 $0xFFFF, v1  }
0xae: {  	v1 =	vshrl.u32 v1, $0x10;
	_ =	sdelay $0x3  }
0xaf: {  	[tilespmem:v2+s11+$0x0] =	vst.idx.add.s32.msk $0xffff, v0  }
0xb0: {  	[tilespmem:v1+s11+$0x0] =	vst.idx.add.s32.msk $0xffff, v0  }
0xb1: {  	v1 =	vld [tilespmem:s22+$0x30];
	_ =	sdelay $0x4  }
0xb2: {  	v2 =	vand.u32 $0xFFFF, v1  }
0xb3: {  	v1 =	vshrl.u32 v1, $0x10;
	_ =	sdelay $0x3  }
0xb4: {  	[tilespmem:v2+s11+$0x0] =	vst.idx.add.s32.msk $0xffff, v0  }
0xb5: {  	[tilespmem:v1+s11+$0x0] =	vst.idx.add.s32.msk $0xffff, v0  }
0xb6: {  	v1 =	vld [tilespmem:s22+$0x40];
	_ =	sdelay $0x4  }
0xb7: {  	v2 =	vand.u32 $0xFFFF, v1  }
0xb8: {  	v1 =	vshrl.u32 v1, $0x10;
	_ =	sdelay $0x3  }
0xb9: {  	[tilespmem:v2+s11+$0x0] =	vst.idx.add.s32.msk $0xffff, v0  }
0xba: {  	[tilespmem:v1+s11+$0x0] =	vst.idx.add.s32.msk $0xffff, v0  }
0xbb: {  	v1 =	vld [tilespmem:s22+$0x50];
	_ =	sdelay $0x4  }
0xbc: {  	v2 =	vand.u32 $0xFFFF, v1  }
0xbd: {  	v1 =	vshrl.u32 v1, $0x10;
	_ =	sdelay $0x3  }
0xbe: {  	[tilespmem:v2+s11+$0x0] =	vst.idx.add.s32.msk $0xffff, v0  }
0xbf: {  	[tilespmem:v1+s11+$0x0] =	vst.idx.add.s32.msk $0xffff, v0  }
0xc0: {  	v1 =	vld [tilespmem:s22+$0x60];
	_ =	sdelay $0x4  }
0xc1: {  	v2 =	vand.u32 $0xFFFF, v1  }
0xc2: {  	v1 =	vshrl.u32 v1, $0x10;
	_ =	sdelay $0x3  }
0xc3: {  	[tilespmem:v2+s11+$0x0] =	vst.idx.add.s32.msk $0xffff, v0  }
0xc4: {  	[tilespmem:v1+s11+$0x0] =	vst.idx.add.s32.msk $0xffff, v0  }
0xc5: {  	v1 =	vld [tilespmem:s22+$0x70];
	_ =	sdelay $0x4  }
0xc6: {  	s21 =	sadd.s32 $0x10, s21;
	v2 =	vand.u32 $0xFFFF, v1  }
0xc7: {  	p1 =	slt.u32 s21, $0x3F0;
	v1 =	vshrl.u32 v1, $0x10  }
.Ltmp3:
0xc8: {  	_ = 	snop;
	(pc) =	sbr.rel @p1 .LBB2_5-.Ltmp3, $3  }
0xc9: {  	_ =	sdelay $0x1  }
0xca: {  	[tilespmem:v2+s11+$0x0] =	vst.idx.add.s32.msk $0xffff, v0  }
0xcb: {  	s22 =	sadd.s32 $0x100, s22;
	[tilespmem:v1+s11+$0x0] =	vst.idx.add.s32.msk $0xffff, v0  }
.Ltmp4:
0xcc: {  	(pc) =	sbr.rel @p0 .LBB2_8-.Ltmp4, $1  }
0xcd: {  	_ =	sdelay $0x3  }
.Ltmp5:
0xce: {  	(pc) =	sbr.rel .LBB2_2-.Ltmp5, $4  }
0xcf: {  	s20 =	sadd.s32 s20, s8  }
0xd0: {  	s20 =	sshrl.u32 s20, $0x3  }
0xd1: {  	s19 =	sadd.s32 $0x1, s19;
	s20 =	sadd.s32 s3, s20  }
0xd2: {  	[tilespmem:s13], [sflag:$0x2] =	stream.linear.gather [hbm4b:s20+s2], $0x4000, $0x38;
	[tilespmem:$0x18000] =	vst v63  }
.LBB2_9:
0xd3: {  	_ =	sfence.sel $0x180000  }
0xd4: {  	[bflag:$0x0] =	sbarrier.arrive $0xFFFF  }
0xd5: {  	p0 =	sne.s32 s1, $0x0;
	_ =	strace $0x9000004A  }
0xd6: {  	s0 =	sadd.s32 @!p0 $0x100000, s0;
	[bflag:$0x2] =	sbarrier.arrive $0xFFFF  }
0xd7: {  	[sflag:s0] =	ssyncadd.tile.s32 @!p0 $0x1;
	_ =	shalt  }
.Lfunc_end2:
_tile_overlayer_lowered:
.L_overlay_start_2:
0xd8: {  	(tag) =	ssettag $0x2  }
0xd9: {  	s0 =	rddreg [dreg:$0x0];
	s2 =	stileid.u32  }
0xda: {  	s1 =	rddreg [dreg:$0x1];
	p0 =	sne.s32 s2, $0x0  }
0xdb: {  	s3 =	rddreg [dreg:$0x2];
	[bflag:$0x3] =	sbarrier.arrive $0xFFFF;
	s2 =	simm.s32 @!p0 $0x1C03  }
0xdc: {  	[timem:s3], [sflag:s2] =	dma.local @!p0 [hbm:s0], s1  }
0xdd: {  	s0 =	simm.s32 @!p0 $0x3  }
0xde: {  	_ =	swait.ge @!p0 [sflag:s0], s1  }
0xdf: {  	s1 =	ssub.s32 @!p0 $0x0, s1;
	[sflag:s0] =	ssyncset.done @!p0 $0x0  }
0xe0: {  	[sflag:s0] =	ssyncadd.s32 @!p0 s1  }
0xe1: {  	[bflag:$0x3] =	sbarrier.arrive $0xFFFF  }
0xe2: {  	_ =	shalt  }

// kernel: sparse-core-data-format-call.cloned.1.call-start
scs
called_computation_lowered:
.L_overlay_start_0:
0x0: {  	s1 =	sld [smem:$0x3FD9]  }
0x1: {  	s2 =	sld [smem:$0x3FFE];
	_ =	sdelay $0x1  }
0x2: {  	s3 =	srdreg.scid  }
0x3: {  	s0 =	sand.u32 $0x1, s3  }
0x4: {  	s17 =	sshll.u32 s0, $0xA;
	s1 =	sadd.s32 s2, s1  }
0x5: {  	s1 =	sadd.s32 s1, s17  }
0x6: {  	[smem:$0x3FC6] =	sst s1  }
0x7: {  	_ = 	snop  }
0x8: {  	(tm) =	ssettm $0x1  }
0x9: {  	s18 =	sld [smem:$0x3FFB];
	_ =	sdelay $0x3  }
0xa: {  	_ =	strace s18  }
0xb: {  	s1 =	sld [smem:$0x3FFC];
	_ =	sdelay $0x3  }
0xc: {  	_ =	strace s1  }
0xd: {  	s1 =	sld [smem:$0x3FFD];
	_ =	sdelay $0x3  }
0xe: {  	_ =	strace s1  }
0xf: {  	_ =	strace $0x8FFFFFFF  }
0x10: {  	s19 =	sld [smem:$0x3FDB];
	_ =	sdelay $0x1  }
0x11: {  	s20 =	simm.s32 $_scs_section_size  }
0x12: {  	s4 =	simm.s32 $_size__tile_overlayer_lowered;
	s5 =	simm.s32 $_tile_overlayer_lowered  }
0x13: {  	s23 =	simm.s32 $0x1BFF;
	s22 =	sshll.u32 s5, $0x1;
	s1 =	sadd.s32 s20, s19  }
0x14: {  	s6 =	simm.s32 $0x0;
	s21 =	sshll.u32 s4, $0x1;
	s4 =	sadd.s32 s22, s1  }
0x15: {  	[timem:s6], [sflag:s23] =	dma.local [hbm:s4], s21  }
0x16: {  	_ =	swait.ge [sflag:s23], s21  }
0x17: {  	s2 =	ssub.s32 $0x0, s21;
	[sflag:s23] =	ssyncset.done $0x0  }
0x18: {  	[sflag:s23] =	ssyncadd.s32 s2;
	_ =	sdelay $0x1  }
0x19: {  	s24 =	simm.s32 $0x1B8B  }
0x1a: {  	_ =	swait.ge [sflag:s24], $0x1  }
0x1b: {  	[sflag:s24] =	ssyncset.done $0x0  }
0x1c: {  	s26 =	simm.s32 $0x1B8E;
	s25 =	sld [smem:$0x3FFE];
	[sflag:s24] =	ssyncadd.s32 $0xFFFFFFFF  }
0x1d: {  	s27 =	simm.s32 $execute0_lowered;
	[smem:$0x3FD2] =	sst s26  }
0x1e: {  	s4 =	sshll.u32 s27, $0x1;
	_ =	strace $0x80000046;
	[dreg:$0x1] =	wrdreg $0xFFFFFFFF  }
0x1f: {  	s28 =	simm.s32 $_size_execute0_lowered;
	s1 =	sadd.s32 s1, s4;
	[dreg:$0x0] =	wrdreg $0x0  }
0x20: {  	s4 =	sshll.u32 s28, $0x1;
	[dreg:$0x2] =	wrdreg s1  }
0x21: {  	[dreg:$0x3] =	wrdreg s4  }
0x22: {  	[dreg:$0x4] =	wrdreg $0xC0  }
0x23: {  	_ =	task [dreg:s6], $0x5FFFF  }
0x24: {  	[dreg:$0x1] =	wrdreg $0xFFFFFFFF  }
0x25: {  	[dreg:$0x0] =	wrdreg $0x60  }
0x26: {  	[dreg:$0x2] =	wrdreg s25  }
0x27: {  	[dreg:$0x3] =	wrdreg $0x9  }
0x28: {  	_ =	task.clear_ibuf [dreg:s6], $0x4FFFF;
	_ =	strace $0x90000046  }
0x29: {  	s29 =	simm.s32 $0x9;
	_ =	strace $0x80000048  }
0x2a: {  	_ =	swait.ge [sflag:s29], $0x1  }
0x2b: {  	[sflag:s29] =	ssyncadd.s32 $0xFFFFFFFF  }
0x2c: {  	_ =	strace $0x90000048  }
0x2d: {  	_ =	sfence  }
0x2e: {  	s30 =	sld [smem:$0x0];
	_ =	sdelay $0x2  }
0x2f: {  	s31 =	sshll.u32 s3, $0xD;
	s3 =	sshrl.u32 s3, $0x2  }
0x30: {  	s2 =	sand.u32 $0x4000, s31;
	s1 =	sadd.s32 s3, s30  }
0x31: {  	s0 =	sor.u32 s2, s0;
	s1 =	sshll.u32 s1, $0x11  }
0x32: {  	s0 =	sor.u32 s1, s0  }
0x33: {  	s0 =	sadd.s32 $0x8F2B, s0  }
0x34: {  	[sflag:s0] =	ssyncadd.remote.s32 $0x1  }
0x35: {  	_ =	sfence.sel $0xFFFF  }
0x36: {  	[dreg:$0x0] =	wrdreg $0xFFFFFFFF;
	(pc) =	sbr.abs _section_cstart, $3  }
0x37: {  	[dreg:$0x1] =	wrdreg $0xFFFFFFFF  }
0x38: {  	_ =	task.clear_ibuf [dreg:s6], $0x2FFFF;
	_ =	strace $0x9FFFFFFF  }
0x39: {  	(tm) =	ssettm $0x7FFFFFFF  }
tec
execute0_lowered:
.L_overlay_start_1:
0x0: {  	(tag) =	ssettag $0x1  }
0x1: {  	s0 =	srdreg.scid  }
0x2: {  	s1 =	sshll.u32 s0, $0x4  }
0x3: {  	s4 =	rddreg [dreg:$0x0];
	s0 =	stileid.u32;
	s1 =	sand.u32 $0x10, s1  }
0x4: {  	s7 =	simm.s32 $0x1;
	s8 =	simm.s32 $0x2;
	s1 =	sor.u32 s0, s1  }
0x5: {  	s9 =	simm.s32 $0x0;
	s12 =	simm.s32 $0x0;
	s2 =	sshll.u32 s1, $0x2  }
0x6: {  	s11 =	simm.s32 $0x0;
	s3 =	sadd.s32 $0xA00, s4;
	s6 =	ssub.s32 $0x1300, s2  }
.Ltmp0:
0x7: {  	s4 =	sadd.s32 $0x260A00, s4;
	s5 =	sand.u32 $0x7C, s6;
	(pc) =	sbr.rel .LBB1_1-.Ltmp0, $4  }
0x8: {  	s1 =	rddreg [dreg:$0x1];
	_ =	strace $0x80000047;
	p0 =	sne.s32 s5, $0x0  }
0x9: {  	s6 =	sshrl.u32 s6, $0x7;
	s5 =	simm.s32 $0x1;
	s7 =	simm.s32 @!p0 $0x0  }
0xa: {  	s10 =	smov.u32 s2;
	[sflag:s5] =	ssyncpa.u1 $0x0;
	s6 =	sadd.s32 s7, s6  }
0xb: {  	[sflag:s8] =	ssyncpa.u1 $0x0;
	s8 =	simm.s32 $0x0;
	s7 =	sadd.s32 $0x1, s6  }
.LBB1_9:
0xc: {  	s14 =	sadd.s32 $0x80, s10  }
0xd: {  	p1 =	sgt.s32 s14, $0x12FF  }
0xe: {  	s14 =	smov.u32 @p1 s2;
	p1 =	sne.s32 s11, s7  }
.Ltmp1:
0xf: {  	p0 =	slt.u32 s11, $0x2;
	(pc) =	sbr.rel @!p1 .LBB1_10-.Ltmp1, $4  }
0x10: {  	s13 =	simm.s32 @!p0 $0x2  }
0x11: {  	s15 =	sadd.s32 $0x1, s11;
	_ =	swait.ge @!p0 [sflag:s13], $0x4000  }
0x12: {  	s12 =	smov.u32 s10;
	s9 =	sadd.s32 $0x4000, s9;
	[sflag:s13] =	ssyncset.done @!p0 $0x0  }
0x13: {  	s11 =	smov.u32 s15;
	s10 =	smov.u32 s14;
	[sflag:s13] =	ssyncadd.s32 @!p0 $0xFFFFC000  }
.LBB1_1:
0x14: {  	p0 =	sge.u32 s11, s6  }
0x15: {  	s13 =	sxor.u32 @!p0 $0xFFFFFFFF, s11  }
0x16: {  	s31 =	sadd.s32 $0xFFFFFFFF, s11;
	s14 =	sshll.u32 @!p0 s10, $0x9;
	s13 =	sshll.u32 @!p0 s13, $0xE  }
0x17: {  	s15 =	simm.s32 @!p0 $0x0;
	s14 =	sadd.s32 @!p0 s3, s14;
	s13 =	sand.u32 @!p0 $0x4000, s13  }
0x18: {  	[tilespmem:s13], [sflag:$0x1] =	stream.linear.gather @!p0 [hbm4b:s14+s15], $0x4000, $0x38;
	[tilespmem:$0x10000] =	vst v63  }
0x19: {  	p0 =	sge.u32 s31, s6  }
.Ltmp2:
0x1a: {  	_ = 	snop;
	(pc) =	sbr.rel @p0 .LBB1_9-.Ltmp2, $1  }
0x1b: {  	_ =	sdelay $0x3  }
0x1c: {  	s14 =	sand.u32 $0x4000, s9  }
0x1d: {  	_ =	swait.ge [sflag:s5], $0x4000;
	s15 =	sshll.u32 s11, $0xE;
	s16 =	simm.s32 $0x0  }
0x1e: {  	s13 =	sor.u32 $0x40, s14;
	[sflag:s5] =	ssyncset.done $0x0;
	s15 =	sand.u32 $0x4000, s15  }
0x1f: {  	s14 =	sor.u32 $0x8040, s14;
	[sflag:s5] =	ssyncadd.s32 $0xFFFFC000;
	s15 =	sor.u32 $0x8000, s15  }
.LBB1_3:
0x20: {  	s17 =	smov.u32 s14;
	s18 =	smov.u32 s13;
	s19 =	simm.s32 $0x0  }
.LBB1_4:
0x21: {  	v0 =	vmov s17;
	v2 =	vld [tilespmem:s18+$0x30]  }
0x22: {  	v4 =	vld [tilespmem:s18+$0xFFFFFFD0]  }
0x23: {  	v6 =	vld [tilespmem:s18+$0xFFFFFFE0]  }
0x24: {  	v7 =	vld [tilespmem:s18+$0xFFFFFFF0]  }
0x25: {  	s20 =	simm.s32 $0x0;
	v1 =	vld [tilespmem:s18+$0x0]  }
0x26: {  	v3 =	vld [tilespmem:s18+$0x10];
	[tilespmem:v0+s20+$0x30 ss:$0x1] =	vst.idx.msk $0xffff, v2  }
0x27: {  	v5 =	vld [tilespmem:s18+$0x20];
	[tilespmem:v0+s20+$0xFFFFFFD0 ss:$0x1] =	vst.idx.msk $0xffff, v4  }
0x28: {  	s21 =	sadd.s32 $0x80, s18;
	v2 =	vld [tilespmem:s18+$0xFFFFFFC0];
	[tilespmem:v0+s20+$0xFFFFFFE0 ss:$0x1] =	vst.idx.msk $0xffff, v6  }
0x29: {  	s22 =	simm.s32 $0x800;
	s23 =	simm.s32 $0x1000;
	v4 =	vld [tilespmem:s21+$0x30];
	[tilespmem:v0+s20+$0xFFFFFFF0 ss:$0x1] =	vst.idx.msk $0xffff, v7  }
.LBB1_5:
0x2a: {  	p0 =	sne.s32 s23, $0x3800;
	v6 =	vld [tilespmem:s21+$0xFFFFFFD0];
	[tilespmem:v0+s20+$0x0 ss:$0x1] =	vst.idx.msk $0xffff, v1  }
0x2b: {  	v7 =	vld [tilespmem:s21+$0xFFFFFFE0];
	[tilespmem:v0+s20+$0x10 ss:$0x1] =	vst.idx.msk $0xffff, v3  }
0x2c: {  	v8 =	vld [tilespmem:s21+$0xFFFFFFF0];
	[tilespmem:v0+s20+$0x20 ss:$0x1] =	vst.idx.msk $0xffff, v5  }
.Ltmp3:
0x2d: {  	v1 =	vld [tilespmem:s21+$0x0];
	[tilespmem:v0+s20+$0xFFFFFFC0 ss:$0x1] =	vst.idx.msk $0xffff, v2;
	s20 =	sshra.s32 s22, $0x2;
	s22 =	smov.u32 s23;
	(pc) =	sbr.rel @p0 .LBB1_5-.Ltmp3, $4  }
0x2e: {  	v3 =	vld [tilespmem:s21+$0x10];
	[tilespmem:v0+s20+$0x30 ss:$0x1] =	vst.idx.msk $0xffff, v4  }
0x2f: {  	[tilespmem:v0+s20+$0xFFFFFFD0 ss:$0x1] =	vst.idx.msk $0xffff, v6;
	v5 =	vld [tilespmem:s21+$0x20]  }
0x30: {  	v2 =	vld [tilespmem:s21+$0xFFFFFFC0];
	[tilespmem:v0+s20+$0xFFFFFFE0 ss:$0x1] =	vst.idx.msk $0xffff, v7;
	s21 =	sadd.s32 $0x80, s21  }
0x31: {  	s23 =	sadd.s32 $0x800, s23;
	v4 =	vld [tilespmem:s21+$0x30];
	[tilespmem:v0+s20+$0xFFFFFFF0 ss:$0x1] =	vst.idx.msk $0xffff, v8  }
0x32: {  	_ =	sdelay $0x3  }
0x33: {  	v6 =	vld [tilespmem:s21+$0xFFFFFFD0];
	[tilespmem:v0+s20+$0x0 ss:$0x1] =	vst.idx.msk $0xffff, v1  }
0x34: {  	v58 =	vld [tilespmem:s21+$0xFFFFFFE0];
	[tilespmem:v0+s20+$0x10 ss:$0x1] =	vst.idx.msk $0xffff, v3  }
0x35: {  	v59 =	vld [tilespmem:s21+$0xFFFFFFF0];
	[tilespmem:v0+s20+$0x20 ss:$0x1] =	vst.idx.msk $0xffff, v5  }
0x36: {  	s22 =	sshra.s32 s22, $0x2;
	v60 =	vld [tilespmem:s21+$0x0];
	[tilespmem:v0+s20+$0xFFFFFFC0 ss:$0x1] =	vst.idx.msk $0xffff, v2  }
0x37: {  	v61 =	vld [tilespmem:s21+$0x10];
	[tilespmem:v0+s22+$0x30 ss:$0x1] =	vst.idx.msk $0xffff, v4  }
0x38: {  	v62 =	vld [tilespmem:s21+$0x20];
	s19 =	sadd.s32 $0x1, s19;
	[tilespmem:v0+s22+$0xFFFFFFD0 ss:$0x1] =	vst.idx.msk $0xffff, v6  }
0x39: {  	v63 =	vld [tilespmem:s21+$0xFFFFFFC0];
	p0 =	sne.s32 s19, $0x4;
	[tilespmem:v0+s22+$0xFFFFFFE0 ss:$0x1] =	vst.idx.msk $0xffff, v58  }
.Ltmp4:
0x3a: {  	[tilespmem:v0+s22+$0xFFFFFFF0 ss:$0x1] =	vst.idx.msk $0xffff, v59;
	(pc) =	sbr.rel @p0 .LBB1_4-.Ltmp4, $4  }
0x3b: {  	[tilespmem:v0+s22+$0x0 ss:$0x1] =	vst.idx.msk $0xffff, v60  }
0x3c: {  	[tilespmem:v0+s22+$0x10 ss:$0x1] =	vst.idx.msk $0xffff, v61  }
0x3d: {  	[tilespmem:v0+s22+$0x20 ss:$0x1] =	vst.idx.msk $0xffff, v62  }
0x3e: {  	s18 =	sadd.s32 $0x400, s18;
	s17 =	sadd.s32 $0x80, s17;
	[tilespmem:v0+s22+$0xFFFFFFC0 ss:$0x1] =	vst.idx.msk $0xffff, v63  }
0x3f: {  	s16 =	sadd.s32 $0x1, s16  }
0x40: {  	p0 =	sne.s32 s16, $0x4  }
.Ltmp5:
0x41: {  	_ = 	snop;
	(pc) =	sbr.rel @p0 .LBB1_3-.Ltmp5, $2  }
0x42: {  	_ =	sdelay $0x2  }
0x43: {  	s13 =	sadd.s32 $0x1000, s13;
	s14 =	sadd.s32 $0x1000, s14  }
.Ltmp6:
0x44: {  	(pc) =	sbr.rel .LBB1_9-.Ltmp6, $4  }
0x45: {  	_ = 	snop  }
0x46: {  	s12 =	sshll.u32 s12, $0x9  }
0x47: {  	s12 =	sadd.s32 s4, s12  }
0x48: {  	[hbm4b:s12+s8] =	stream.linear.scatter [tilespmem:s15], [sflag:$0x2], $0x4000, $0x38;
	[tilespmem:$0x10000] =	vst v63  }
.LBB1_10:
0x49: {  	_ =	sfence.sel $0x180000  }
0x4a: {  	s2 =	simm.s32 $0x1;
	[bflag:$0x0] =	sbarrier.arrive $0xFFFF  }
0x4b: {  	s31 =	simm.s32 $0x2;
	[sflag:s2] =	ssyncpa.u1 $0x1  }
0x4c: {  	[sflag:s31] =	ssyncpa.u1 $0x1  }
0x4d: {  	p0 =	sne.s32 s0, $0x0;
	_ =	strace $0x90000047  }
0x4e: {  	s0 =	sadd.s32 @!p0 $0x100000, s1;
	[bflag:$0x2] =	sbarrier.arrive $0xFFFF  }
0x4f: {  	[sflag:s0] =	ssyncadd.tile.s32 @!p0 $0x1;
	_ =	shalt  }
.Lfunc_end1:
_tile_overlayer_lowered:
.L_overlay_start_2:
0x50: {  	(tag) =	ssettag $0x2  }
0x51: {  	s0 =	rddreg [dreg:$0x0];
	s2 =	stileid.u32  }
0x52: {  	s1 =	rddreg [dreg:$0x1];
	p0 =	sne.s32 s2, $0x0  }
0x53: {  	s3 =	rddreg [dreg:$0x2];
	[bflag:$0x3] =	sbarrier.arrive $0xFFFF;
	s2 =	simm.s32 @!p0 $0x1C01  }
0x54: {  	[timem:s3], [sflag:s2] =	dma.local @!p0 [hbm:s0], s1  }
0x55: {  	s0 =	simm.s32 @!p0 $0x1  }
0x56: {  	_ =	swait.ge @!p0 [sflag:s0], s1  }
0x57: {  	s1 =	ssub.s32 @!p0 $0x0, s1;
	[sflag:s0] =	ssyncset.done @!p0 $0x0  }
0x58: {  	[sflag:s0] =	ssyncadd.s32 @!p0 s1  }
0x59: {  	[bflag:$0x3] =	sbarrier.arrive $0xFFFF  }
0x5a: {  	_ =	shalt  }

</sc_bundles>
